<compile_context>
chip_gen: v7x
topology: tpu7x:2x2x1
jax: 0.10.2.dev20260603
libtpu: 0.0.44.dev20260713+nightly
codegen_flags: <defaults>
</compile_context>

<pallas_src>
import functools

import jax
import jax.numpy as jnp
from jax import lax
from jax.experimental import pallas as pl
from jax.experimental.pallas import tpu as pltpu
from jax.experimental.pallas import tpu_sc as plsc

N_NODES = 50000
N_EDGES = 25000
NNZ = 800000
C = 64

E_PAD = 25088
ROWS_PER_SUB = E_PAD // 16
NNZ_PAD = 802816
CHUNK = 128
N_CHUNK_ROWS = NNZ_PAD // CHUNK
CHUNKS_PER_SUB = N_CHUNK_ROWS // 16
IDX_BLOCK = 28


def _softmax_body(x_ref, y_ref, ox_ref, oy_ref):
    for r, o in ((x_ref, ox_ref), (y_ref, oy_ref)):
        x = r[...]
        e = jnp.exp(x - jnp.max(x, axis=1, keepdims=True))
        o[...] = e / jnp.sum(e, axis=1, keepdims=True)


def _softmax(pred_s, pred_t):
    blk = 2000
    grid = N_NODES // blk
    spec = pl.BlockSpec((blk, C), lambda i: (i, 0))
    return pl.pallas_call(
        _softmax_body,
        grid=(grid,),
        in_specs=[spec, spec],
        out_specs=[spec, spec],
        out_shape=[
            jax.ShapeDtypeStruct((N_NODES, C), jnp.float32),
            jax.ShapeDtypeStruct((N_NODES, C), jnp.float32),
        ],
    )(pred_s, pred_t)


def _agg_body(ts, tt, vidx, eidx, ss, st, cnt,
              s_sp, cnt_sp, vbuf, ebuf, rows, zb, zc, ones, sem):
    cid = lax.axis_index("c")
    sid = lax.axis_index("s")
    base = sid * ROWS_PER_SUB

    def _fill_zb(i, _):
        for c4 in range(4):
            zb[i, pl.ds(c4 * 16, 16)] = jnp.zeros((16,), jnp.float32)
        return 0
    lax.fori_loop(0, 98, _fill_zb, 0)

    def _fill_zc(i, _):
        zc[pl.ds(i * 16, 16)] = jnp.zeros((16,), jnp.float32)
        return 0
    lax.fori_loop(0, ROWS_PER_SUB // 16, _fill_zc, 0)

    def _fill_ones(i, _):
        ones[pl.ds(i * 16, 16)] = jnp.full((16,), 1.0, jnp.float32)
        return 0
    lax.fori_loop(0, CHUNK // 16, _fill_ones, 0)

    for b in range(16):
        pltpu.sync_copy(zb, s_sp.at[pl.ds(base + b * 98, 98)])

    @pl.when(cid == 0)
    def _():
        pltpu.sync_copy(zc, cnt_sp.at[pl.ds(base, ROWS_PER_SUB)])

    plsc.subcore_barrier()

    row0 = sid * CHUNKS_PER_SUB
    for blk in range(CHUNKS_PER_SUB // IDX_BLOCK):
        pltpu.sync_copy(vidx.at[pl.ds(row0 + blk * IDX_BLOCK, IDX_BLOCK)], vbuf)
        pltpu.sync_copy(eidx.at[pl.ds(row0 + blk * IDX_BLOCK, IDX_BLOCK)], ebuf)

        def _chunk(j, _):
            vrow = vbuf.at[j]
            erow = ebuf.at[j]

            @pl.when(cid == 0)
            def _():
                pltpu.async_copy(ts.at[vrow], rows, sem).wait()
                pltpu.sync_copy(rows, s_sp.at[erow], add=True)
                pltpu.sync_copy(ones, cnt_sp.at[erow], add=True)

            @pl.when(cid == 1)
            def _():
                pltpu.async_copy(tt.at[vrow], rows, sem).wait()
                pltpu.sync_copy(rows, s_sp.at[erow], add=True)

            return 0
        lax.fori_loop(0, IDX_BLOCK, _chunk, 0)

    plsc.subcore_barrier()

    @pl.when(cid == 0)
    def _():
        pltpu.sync_copy(s_sp.at[pl.ds(base, ROWS_PER_SUB)],
                        ss.at[pl.ds(base, ROWS_PER_SUB)])
        pltpu.sync_copy(cnt_sp.at[pl.ds(base, ROWS_PER_SUB)],
                        cnt.at[pl.ds(base, ROWS_PER_SUB)])

    @pl.when(cid == 1)
    def _():
        pltpu.sync_copy(s_sp.at[pl.ds(base, ROWS_PER_SUB)],
                        st.at[pl.ds(base, ROWS_PER_SUB)])


def _aggregate(ps, pt, vidx2d, eidx2d):
    mesh = plsc.VectorSubcoreMesh(core_axis_name="c", subcore_axis_name="s")
    k = pl.kernel(
        _agg_body,
        out_type=(
            jax.ShapeDtypeStruct((E_PAD, C), jnp.float32),
            jax.ShapeDtypeStruct((E_PAD, C), jnp.float32),
            jax.ShapeDtypeStruct((E_PAD,), jnp.float32),
        ),
        mesh=mesh,
        compiler_params=pltpu.CompilerParams(use_tc_tiling_on_sc=False),
        scratch_types=[
            pltpu.VMEM_SHARED((E_PAD, C), jnp.float32),
            pltpu.VMEM_SHARED((E_PAD,), jnp.float32),
            pltpu.VMEM((IDX_BLOCK, CHUNK), jnp.int32),
            pltpu.VMEM((IDX_BLOCK, CHUNK), jnp.int32),
            pltpu.VMEM((CHUNK, C), jnp.float32),
            pltpu.VMEM((98, C), jnp.float32),
            pltpu.VMEM((ROWS_PER_SUB,), jnp.float32),
            pltpu.VMEM((CHUNK,), jnp.float32),
            pltpu.SemaphoreType.DMA,
        ],
    )
    return k(ps, pt, vidx2d, eidx2d)


E_BLK = E_PAD // 16


def _loss_body(ss_ref, st_ref, cnt_ref, de_ref, u_ref, out_ref, acc):
    i = pl.program_id(0)

    @pl.when(i == 0)
    def _():
        acc[0] = 0.0
        acc[1] = 0.0

    c = jnp.maximum(cnt_ref[...], 1.0)
    ms = ss_ref[...] / c
    mt = st_ref[...] / c
    per = jnp.sum(jnp.exp(mt) * (mt - jnp.log(ms)), axis=1, keepdims=True)
    mask = u_ref[...] < de_ref[...]
    acc[0] += jnp.sum(jnp.where(mask, per, 0.0))
    acc[1] += jnp.sum(jnp.where(mask, 1.0, 0.0))

    @pl.when(i == pl.num_programs(0) - 1)
    def _():
        out_ref[0, 0] = acc[0] / jnp.maximum(acc[1], 1.0)


def _loss(ss, st, cnt, de, u):
    mat = pl.BlockSpec((E_BLK, C), lambda i: (i, 0))
    vec = pl.BlockSpec((E_BLK, 1), lambda i: (i, 0))
    return pl.pallas_call(
        _loss_body,
        grid=(E_PAD // E_BLK,),
        in_specs=[mat, mat, vec, vec, vec],
        out_specs=pl.BlockSpec((1, 1), lambda i: (0, 0), memory_space=pltpu.SMEM),
        out_shape=jax.ShapeDtypeStruct((1, 1), jnp.float32),
        scratch_shapes=[pltpu.SMEM((2,), jnp.float32)],
    )(ss, st, cnt, de, u)


def kernel(pred_s, pred_t, delta_e, vertex_idx, edge_idx):
    ps, pt = _softmax(pred_s, pred_t)

    pad = NNZ_PAD - NNZ
    vidx2d = jnp.concatenate(
        [vertex_idx, jnp.zeros((pad,), jnp.int32)]).reshape(N_CHUNK_ROWS, CHUNK)
    eidx2d = jnp.concatenate(
        [edge_idx, jnp.full((pad,), N_EDGES, jnp.int32)]).reshape(N_CHUNK_ROWS, CHUNK)

    ss, st, cnt = _aggregate(ps, pt, vidx2d, eidx2d)

    u = jax.random.uniform(jax.random.key(42), (N_EDGES,), jnp.float32)
    epad = E_PAD - N_EDGES
    u2 = jnp.concatenate([u, jnp.full((epad,), 2.0, jnp.float32)]).reshape(E_PAD, 1)
    de2 = jnp.concatenate([delta_e, jnp.zeros((epad,), jnp.float32)]).reshape(E_PAD, 1)

    loss = _loss(ss, st, cnt.reshape(E_PAD, 1), de2, u2)
    return loss.reshape(())

# --- scband reference (transcript-rebuilt; emitter-appended) ---
"""Pipeline reference for scband-high-order-constraint-5712306503912 (READ-ONLY COPY).

The authoritative reference and input builder live on the scoring server;
editing this copy changes nothing except your own understanding.
"""

import jax, jax.numpy as jnp
import numpy as np

N_NODES = 50000
N_EDGES = 25000
NNZ = 800000
N_CLASSES = 64
TAU = 1.0


def _v2e_mean(x, vertex_idx, edge_idx, num_edges):
    # DHG-style G.v2e(x, aggr='mean'): mean of member-vertex features per hyperedge
    gathered = jnp.take(x, vertex_idx, axis=0)  # [nnz, C]
    s = jax.ops.segment_sum(gathered, edge_idx, num_segments=num_edges)
    cnt = jax.ops.segment_sum(jnp.ones((vertex_idx.shape[0],), dtype=x.dtype), edge_idx, num_segments=num_edges)
    return s / jnp.maximum(cnt, 1.0)[:, None]


def setup_inputs(seed: int = 0):
    key = jax.random.key(seed)
    k1, k2, k3, k4, k5 = jax.random.split(key, 5)
    pred_s = jax.random.normal(k1, (N_NODES, N_CLASSES), dtype=jnp.float32)
    pred_t = jax.random.normal(k2, (N_NODES, N_CLASSES), dtype=jnp.float32)
    delta_e = jax.random.uniform(k5, (N_EDGES,), dtype=jnp.float32)  # buffer computed in __init__, in [0,1]
    vertex_idx = jax.random.randint(k3, (NNZ,), 0, N_NODES, dtype=jnp.int32)
    edge_idx = jnp.sort(jax.random.randint(k4, (NNZ,), 0, N_EDGES, dtype=jnp.int32))
    return {"pred_s": pred_s, "pred_t": pred_t, "delta_e": delta_e, "vertex_idx": vertex_idx, "edge_idx": edge_idx}


def reference(pred_s, pred_t, delta_e, vertex_idx, edge_idx):
    ps = jax.nn.softmax(pred_s, axis=1)
    pt = jax.nn.softmax(pred_t, axis=1)
    # e_mask = torch.bernoulli(self.delta_e_).bool() -- fixed key for determinism
    e_mask = jax.random.bernoulli(jax.random.key(42), delta_e).astype(jnp.float32)  # [E]
    mean_s = _v2e_mean(ps, vertex_idx, edge_idx, N_EDGES)  # [E, C]
    mean_t = _v2e_mean(pt, vertex_idx, edge_idx, N_EDGES)  # [E, C]
    # F.kl_div(log(pred_s_e/tau), pred_t_e/tau, reduction='batchmean', log_target=True)
    # = sum(exp(tgt) * (tgt - inp)) / n_selected_rows ; boolean-select expressed as mask weighting
    inp = jnp.log(mean_s / TAU)
    tgt = mean_t / TAU
    per_row = (jnp.exp(tgt) * (tgt - inp)).sum(axis=1)  # [E]
    n_sel = jnp.maximum(e_mask.sum(), 1.0)
    loss = (per_row * e_mask).sum() / n_sel
    return loss

if __name__ == "__main__":
    import jax
    _d = setup_inputs()
    print(jax.jit(kernel)(*tuple(_d.values())))

</pallas_src>

<mosaic_0001>
#map = affine_map<(d0, d1) -> (0, 0)>
#map1 = affine_map<(d0, d1) -> (0)>
module attributes {stable_mosaic.version = 14 : i64} {
  func.func @_agg_body(%arg0: i32, %arg1: i32, %arg2: memref<50000x64xf32, #tpu.memory_space<hbm>>, %arg3: memref<50000x64xf32, #tpu.memory_space<hbm>>, %arg4: memref<6272x128xi32, #tpu.memory_space<hbm>>, %arg5: memref<6272x128xi32, #tpu.memory_space<hbm>>, %arg6: memref<25088x64xf32, #tpu.memory_space<hbm>>, %arg7: memref<25088x64xf32, #tpu.memory_space<hbm>>, %arg8: memref<25088xf32, #tpu.memory_space<hbm>>, %arg9: memref<25088x64xf32, #tpu.memory_space<vmem_shared>>, %arg10: memref<25088xf32, #tpu.memory_space<vmem_shared>>, %arg11: memref<28x128xi32, #tpu.memory_space<vmem>>, %arg12: memref<28x128xi32, #tpu.memory_space<vmem>>, %arg13: memref<128x64xf32, #tpu.memory_space<vmem>>, %arg14: memref<98x64xf32, #tpu.memory_space<vmem>>, %arg15: memref<1568xf32, #tpu.memory_space<vmem>>, %arg16: memref<128xf32, #tpu.memory_space<vmem>>, %arg17: memref<!tpu.dma_semaphore, #tpu.memory_space<semaphore_mem>>) attributes {dimension_semantics = [#tpu.dimension_semantics<core_parallel>, #tpu.dimension_semantics<subcore_parallel>], iteration_bounds = array<i64: 2, 16>, scalar_prefetch = 0 : i64, scratch_operands = 9 : i64, tpu.core_type = #tpu.core_type<sc_vector_subcore>, window_params = [{transform_indices = #map}, {transform_indices = #map}, {transform_indices = #map}, {transform_indices = #map}, {transform_indices = #map}, {transform_indices = #map}, {transform_indices = #map1}]} {
    %mul3A = arith.constant 1568 : i32
    %mul3A_0 = arith.muli %arg1, %mul3A : i32
    %scan3A = arith.constant 0 : i32
    %scan3A_1 = arith.constant 0 : i32
    %scan3A_2 = arith.constant 98 : i32
    %scan3A_3 = arith.addi %scan3A_1, %scan3A_2 : i32
    %scan3A_4 = arith.constant 1 : i32
    %scan3A_5 = scf.for %scan3A_221 = %scan3A_1 to %scan3A_3 step %scan3A_4 iter_args(%scan3A_222 = %scan3A) -> (i32)  : i32 {
      %broadcast_in_dim3A = arith.constant 0.000000e+00 : f32
      %broadcast_in_dim3A_223 = vector.broadcast %broadcast_in_dim3A : f32 to vector<16xf32>
      %swap3A = arith.index_cast %scan3A_221 : i32 to index
      %swap3A_224 = arith.constant 0 : index
      %swap3A_225 = tpu.vector_load %arg14[%swap3A, %swap3A_224] {strides = array<i32>} : memref<98x64xf32, #tpu.memory_space<vmem>>, vector<1x16xf32>,
      %swap3A_226 = vector.shape_cast %swap3A_225 : vector<1x16xf32> to vector<16xf32>
      %swap3A_227 = vector.shape_cast %broadcast_in_dim3A_223 : vector<16xf32> to vector<1x16xf32>
      tpu.vector_store %arg14[%swap3A, %swap3A_224], %swap3A_227 {strides = array<i32>} : memref<98x64xf32, #tpu.memory_space<vmem>>, vector<1x16xf32>,
      %broadcast_in_dim3A_228 = arith.constant 0.000000e+00 : f32
      %broadcast_in_dim3A_229 = vector.broadcast %broadcast_in_dim3A_228 : f32 to vector<16xf32>
      %swap3A_230 = arith.index_cast %scan3A_221 : i32 to index
      %swap3A_231 = arith.constant 16 : index
      %swap3A_232 = tpu.vector_load %arg14[%swap3A_230, %swap3A_231] {strides = array<i32>} : memref<98x64xf32, #tpu.memory_space<vmem>>, vector<1x16xf32>,
      %swap3A_233 = vector.shape_cast %swap3A_232 : vector<1x16xf32> to vector<16xf32>
      %swap3A_234 = vector.shape_cast %broadcast_in_dim3A_229 : vector<16xf32> to vector<1x16xf32>
      tpu.vector_store %arg14[%swap3A_230, %swap3A_231], %swap3A_234 {strides = array<i32>} : memref<98x64xf32, #tpu.memory_space<vmem>>, vector<1x16xf32>,
      %broadcast_in_dim3A_235 = arith.constant 0.000000e+00 : f32
      %broadcast_in_dim3A_236 = vector.broadcast %broadcast_in_dim3A_235 : f32 to vector<16xf32>
      %swap3A_237 = arith.index_cast %scan3A_221 : i32 to index
      %swap3A_238 = arith.constant 32 : index
      %swap3A_239 = tpu.vector_load %arg14[%swap3A_237, %swap3A_238] {strides = array<i32>} : memref<98x64xf32, #tpu.memory_space<vmem>>, vector<1x16xf32>,
      %swap3A_240 = vector.shape_cast %swap3A_239 : vector<1x16xf32> to vector<16xf32>
      %swap3A_241 = vector.shape_cast %broadcast_in_dim3A_236 : vector<16xf32> to vector<1x16xf32>
      tpu.vector_store %arg14[%swap3A_237, %swap3A_238], %swap3A_241 {strides = array<i32>} : memref<98x64xf32, #tpu.memory_space<vmem>>, vector<1x16xf32>,
      %broadcast_in_dim3A_242 = arith.constant 0.000000e+00 : f32
      %broadcast_in_dim3A_243 = vector.broadcast %broadcast_in_dim3A_242 : f32 to vector<16xf32>
      %swap3A_244 = arith.index_cast %scan3A_221 : i32 to index
      %swap3A_245 = arith.constant 48 : index
      %swap3A_246 = tpu.vector_load %arg14[%swap3A_244, %swap3A_245] {strides = array<i32>} : memref<98x64xf32, #tpu.memory_space<vmem>>, vector<1x16xf32>,
      %swap3A_247 = vector.shape_cast %swap3A_246 : vector<1x16xf32> to vector<16xf32>
      %swap3A_248 = vector.shape_cast %broadcast_in_dim3A_243 : vector<16xf32> to vector<1x16xf32>
      tpu.vector_store %arg14[%swap3A_244, %swap3A_245], %swap3A_248 {strides = array<i32>} : memref<98x64xf32, #tpu.memory_space<vmem>>, vector<1x16xf32>,
      %scan3A_249 = arith.constant 0 : i32
      scf.yield %scan3A_249 : i32
    }
    %scan3A_6 = arith.constant 98 : i32
    %scan3A_7 = arith.constant 0 : i32
    %scan3A_8 = arith.constant 0 : i32
    %scan3A_9 = arith.constant 98 : i32
    %scan3A_10 = arith.addi %scan3A_8, %scan3A_9 : i32
    %scan3A_11 = arith.constant 1 : i32
    %scan3A_12 = scf.for %scan3A_221 = %scan3A_8 to %scan3A_10 step %scan3A_11 iter_args(%scan3A_222 = %scan3A_7) -> (i32)  : i32 {
      %broadcast_in_dim3A = arith.constant 0.000000e+00 : f32
      %broadcast_in_dim3A_223 = vector.broadcast %broadcast_in_dim3A : f32 to vector<16xf32>
      %mul3A_224 = arith.constant 16 : i32
      %mul3A_225 = arith.muli %scan3A_221, %mul3A_224 : i32
      %swap3A = arith.index_cast %mul3A_225 : i32 to index
      %swap3A_226 = tpu.vector_load %arg15[%swap3A] {strides = array<i32>} : memref<1568xf32, #tpu.memory_space<vmem>>, vector<16xf32>,
      %swap3A_227 = vector.shape_cast %swap3A_226 : vector<16xf32> to vector<16xf32>
      %swap3A_228 = vector.shape_cast %broadcast_in_dim3A_223 : vector<16xf32> to vector<16xf32>
      tpu.vector_store %arg15[%swap3A], %swap3A_228 {strides = array<i32>} : memref<1568xf32, #tpu.memory_space<vmem>>, vector<16xf32>,
      %scan3A_229 = arith.constant 0 : i32
      scf.yield %scan3A_229 : i32
    }
    %scan3A_13 = arith.constant 98 : i32
    %scan3A_14 = arith.constant 0 : i32
    %scan3A_15 = arith.constant 0 : i32
    %scan3A_16 = arith.constant 8 : i32
    %scan3A_17 = arith.addi %scan3A_15, %scan3A_16 : i32
    %scan3A_18 = arith.constant 1 : i32
    %scan3A_19 = scf.for %scan3A_221 = %scan3A_15 to %scan3A_17 step %scan3A_18 iter_args(%scan3A_222 = %scan3A_14) -> (i32)  : i32 {
      %broadcast_in_dim3A = arith.constant 1.000000e+00 : f32
      %broadcast_in_dim3A_223 = vector.broadcast %broadcast_in_dim3A : f32 to vector<16xf32>
      %mul3A_224 = arith.constant 16 : i32
      %mul3A_225 = arith.muli %scan3A_221, %mul3A_224 : i32
      %swap3A = arith.index_cast %mul3A_225 : i32 to index
      %swap3A_226 = tpu.vector_load %arg16[%swap3A] {strides = array<i32>} : memref<128xf32, #tpu.memory_space<vmem>>, vector<16xf32>,
      %swap3A_227 = vector.shape_cast %swap3A_226 : vector<16xf32> to vector<16xf32>
      %swap3A_228 = vector.shape_cast %broadcast_in_dim3A_223 : vector<16xf32> to vector<16xf32>
      tpu.vector_store %arg16[%swap3A], %swap3A_228 {strides = array<i32>} : memref<128xf32, #tpu.memory_space<vmem>>, vector<16xf32>,
      %scan3A_229 = arith.constant 0 : i32
      scf.yield %scan3A_229 : i32
    }
    %scan3A_20 = arith.constant 8 : i32
    %add3A = arith.constant 0 : i32
    %add3A_21 = arith.addi %mul3A_0, %add3A : i32
    "tpu.region"() ({
      %run_scoped3A = tpu.sem_alloc : memref<!tpu.dma_semaphore, #tpu.memory_space<semaphore_mem>>
      %dma_start3A = arith.constant 0 : i32
      %dma_start3A_221 = tpu.memref_slice %arg9[%add3A_21, %dma_start3A] : memref<25088x64xf32, #tpu.memory_space<vmem_shared>> -> memref<98x64xf32, #tpu.memory_space<vmem_shared>>
      %dma_start3A_222 = arith.constant 0 : i32
      %dma_start3A_223 = tpu.memref_slice %arg9[%add3A_21, %dma_start3A_222] : memref<25088x64xf32, #tpu.memory_space<vmem_shared>> -> memref<98x64xf32, #tpu.memory_space<vmem_shared>>
      tpu.enqueue_dma source(%arg14 : memref<98x64xf32, #tpu.memory_space<vmem>>) target(%dma_start3A_223 : memref<98x64xf32, #tpu.memory_space<vmem_shared>>) target_semaphore(%run_scoped3A : memref<!tpu.dma_semaphore, #tpu.memory_space<semaphore_mem>>)
      %dma_wait3A = arith.constant 0 : i32
      %dma_wait3A_224 = tpu.memref_slice %arg9[%add3A_21, %dma_wait3A] : memref<25088x64xf32, #tpu.memory_space<vmem_shared>> -> memref<98x64xf32, #tpu.memory_space<vmem_shared>>
      %dma_wait3A_225 = arith.constant 0 : i32
      %dma_wait3A_226 = tpu.memref_slice %arg9[%add3A_21, %dma_wait3A_225] : memref<25088x64xf32, #tpu.memory_space<vmem_shared>> -> memref<98x64xf32, #tpu.memory_space<vmem_shared>>
      tpu.wait_dma2 semaphore(%run_scoped3A : memref<!tpu.dma_semaphore, #tpu.memory_space<semaphore_mem>>) src(%arg14 : memref<98x64xf32, #tpu.memory_space<vmem>>) dst(%dma_wait3A_226 : memref<98x64xf32, #tpu.memory_space<vmem_shared>>)
      tpu.yield
    }) : () -> ()
    %add3A_22 = arith.constant 98 : i32
    %add3A_23 = arith.addi %mul3A_0, %add3A_22 : i32
    "tpu.region"() ({
      %run_scoped3A = tpu.sem_alloc : memref<!tpu.dma_semaphore, #tpu.memory_space<semaphore_mem>>
      %dma_start3A = arith.constant 0 : i32
      %dma_start3A_221 = tpu.memref_slice %arg9[%add3A_23, %dma_start3A] : memref<25088x64xf32, #tpu.memory_space<vmem_shared>> -> memref<98x64xf32, #tpu.memory_space<vmem_shared>>
      %dma_start3A_222 = arith.constant 0 : i32
      %dma_start3A_223 = tpu.memref_slice %arg9[%add3A_23, %dma_start3A_222] : memref<25088x64xf32, #tpu.memory_space<vmem_shared>> -> memref<98x64xf32, #tpu.memory_space<vmem_shared>>
      tpu.enqueue_dma source(%arg14 : memref<98x64xf32, #tpu.memory_space<vmem>>) target(%dma_start3A_223 : memref<98x64xf32, #tpu.memory_space<vmem_shared>>) target_semaphore(%run_scoped3A : memref<!tpu.dma_semaphore, #tpu.memory_space<semaphore_mem>>)
      %dma_wait3A = arith.constant 0 : i32
      %dma_wait3A_224 = tpu.memref_slice %arg9[%add3A_23, %dma_wait3A] : memref<25088x64xf32, #tpu.memory_space<vmem_shared>> -> memref<98x64xf32, #tpu.memory_space<vmem_shared>>
      %dma_wait3A_225 = arith.constant 0 : i32
      %dma_wait3A_226 = tpu.memref_slice %arg9[%add3A_23, %dma_wait3A_225] : memref<25088x64xf32, #tpu.memory_space<vmem_shared>> -> memref<98x64xf32, #tpu.memory_space<vmem_shared>>
      tpu.wait_dma2 semaphore(%run_scoped3A : memref<!tpu.dma_semaphore, #tpu.memory_space<semaphore_mem>>) src(%arg14 : memref<98x64xf32, #tpu.memory_space<vmem>>) dst(%dma_wait3A_226 : memref<98x64xf32, #tpu.memory_space<vmem_shared>>)
      tpu.yield
    }) : () -> ()
    %add3A_24 = arith.constant 196 : i32
    %add3A_25 = arith.addi %mul3A_0, %add3A_24 : i32
    "tpu.region"() ({
      %run_scoped3A = tpu.sem_alloc : memref<!tpu.dma_semaphore, #tpu.memory_space<semaphore_mem>>
      %dma_start3A = arith.constant 0 : i32
      %dma_start3A_221 = tpu.memref_slice %arg9[%add3A_25, %dma_start3A] : memref<25088x64xf32, #tpu.memory_space<vmem_shared>> -> memref<98x64xf32, #tpu.memory_space<vmem_shared>>
      %dma_start3A_222 = arith.constant 0 : i32
      %dma_start3A_223 = tpu.memref_slice %arg9[%add3A_25, %dma_start3A_222] : memref<25088x64xf32, #tpu.memory_space<vmem_shared>> -> memref<98x64xf32, #tpu.memory_space<vmem_shared>>
      tpu.enqueue_dma source(%arg14 : memref<98x64xf32, #tpu.memory_space<vmem>>) target(%dma_start3A_223 : memref<98x64xf32, #tpu.memory_space<vmem_shared>>) target_semaphore(%run_scoped3A : memref<!tpu.dma_semaphore, #tpu.memory_space<semaphore_mem>>)
      %dma_wait3A = arith.constant 0 : i32
      %dma_wait3A_224 = tpu.memref_slice %arg9[%add3A_25, %dma_wait3A] : memref<25088x64xf32, #tpu.memory_space<vmem_shared>> -> memref<98x64xf32, #tpu.memory_space<vmem_shared>>
      %dma_wait3A_225 = arith.constant 0 : i32
      %dma_wait3A_226 = tpu.memref_slice %arg9[%add3A_25, %dma_wait3A_225] : memref<25088x64xf32, #tpu.memory_space<vmem_shared>> -> memref<98x64xf32, #tpu.memory_space<vmem_shared>>
      tpu.wait_dma2 semaphore(%run_scoped3A : memref<!tpu.dma_semaphore, #tpu.memory_space<semaphore_mem>>) src(%arg14 : memref<98x64xf32, #tpu.memory_space<vmem>>) dst(%dma_wait3A_226 : memref<98x64xf32, #tpu.memory_space<vmem_shared>>)
      tpu.yield
    }) : () -> ()
    %add3A_26 = arith.constant 294 : i32
    %add3A_27 = arith.addi %mul3A_0, %add3A_26 : i32
    "tpu.region"() ({
      %run_scoped3A = tpu.sem_alloc : memref<!tpu.dma_semaphore, #tpu.memory_space<semaphore_mem>>
      %dma_start3A = arith.constant 0 : i32
      %dma_start3A_221 = tpu.memref_slice %arg9[%add3A_27, %dma_start3A] : memref<25088x64xf32, #tpu.memory_space<vmem_shared>> -> memref<98x64xf32, #tpu.memory_space<vmem_shared>>
      %dma_start3A_222 = arith.constant 0 : i32
      %dma_start3A_223 = tpu.memref_slice %arg9[%add3A_27, %dma_start3A_222] : memref<25088x64xf32, #tpu.memory_space<vmem_shared>> -> memref<98x64xf32, #tpu.memory_space<vmem_shared>>
      tpu.enqueue_dma source(%arg14 : memref<98x64xf32, #tpu.memory_space<vmem>>) target(%dma_start3A_223 : memref<98x64xf32, #tpu.memory_space<vmem_shared>>) target_semaphore(%run_scoped3A : memref<!tpu.dma_semaphore, #tpu.memory_space<semaphore_mem>>)
      %dma_wait3A = arith.constant 0 : i32
      %dma_wait3A_224 = tpu.memref_slice %arg9[%add3A_27, %dma_wait3A] : memref<25088x64xf32, #tpu.memory_space<vmem_shared>> -> memref<98x64xf32, #tpu.memory_space<vmem_shared>>
      %dma_wait3A_225 = arith.constant 0 : i32
      %dma_wait3A_226 = tpu.memref_slice %arg9[%add3A_27, %dma_wait3A_225] : memref<25088x64xf32, #tpu.memory_space<vmem_shared>> -> memref<98x64xf32, #tpu.memory_space<vmem_shared>>
      tpu.wait_dma2 semaphore(%run_scoped3A : memref<!tpu.dma_semaphore, #tpu.memory_space<semaphore_mem>>) src(%arg14 : memref<98x64xf32, #tpu.memory_space<vmem>>) dst(%dma_wait3A_226 : memref<98x64xf32, #tpu.memory_space<vmem_shared>>)
      tpu.yield
    }) : () -> ()
    %add3A_28 = arith.constant 392 : i32
    %add3A_29 = arith.addi %mul3A_0, %add3A_28 : i32
    "tpu.region"() ({
      %run_scoped3A = tpu.sem_alloc : memref<!tpu.dma_semaphore, #tpu.memory_space<semaphore_mem>>
      %dma_start3A = arith.constant 0 : i32
      %dma_start3A_221 = tpu.memref_slice %arg9[%add3A_29, %dma_start3A] : memref<25088x64xf32, #tpu.memory_space<vmem_shared>> -> memref<98x64xf32, #tpu.memory_space<vmem_shared>>
      %dma_start3A_222 = arith.constant 0 : i32
      %dma_start3A_223 = tpu.memref_slice %arg9[%add3A_29, %dma_start3A_222] : memref<25088x64xf32, #tpu.memory_space<vmem_shared>> -> memref<98x64xf32, #tpu.memory_space<vmem_shared>>
      tpu.enqueue_dma source(%arg14 : memref<98x64xf32, #tpu.memory_space<vmem>>) target(%dma_start3A_223 : memref<98x64xf32, #tpu.memory_space<vmem_shared>>) target_semaphore(%run_scoped3A : memref<!tpu.dma_semaphore, #tpu.memory_space<semaphore_mem>>)
      %dma_wait3A = arith.constant 0 : i32
      %dma_wait3A_224 = tpu.memref_slice %arg9[%add3A_29, %dma_wait3A] : memref<25088x64xf32, #tpu.memory_space<vmem_shared>> -> memref<98x64xf32, #tpu.memory_space<vmem_shared>>
      %dma_wait3A_225 = arith.constant 0 : i32
      %dma_wait3A_226 = tpu.memref_slice %arg9[%add3A_29, %dma_wait3A_225] : memref<25088x64xf32, #tpu.memory_space<vmem_shared>> -> memref<98x64xf32, #tpu.memory_space<vmem_shared>>
      tpu.wait_dma2 semaphore(%run_scoped3A : memref<!tpu.dma_semaphore, #tpu.memory_space<semaphore_mem>>) src(%arg14 : memref<98x64xf32, #tpu.memory_space<vmem>>) dst(%dma_wait3A_226 : memref<98x64xf32, #tpu.memory_space<vmem_shared>>)
      tpu.yield
    }) : () -> ()
    %add3A_30 = arith.constant 490 : i32
    %add3A_31 = arith.addi %mul3A_0, %add3A_30 : i32
    "tpu.region"() ({
      %run_scoped3A = tpu.sem_alloc : memref<!tpu.dma_semaphore, #tpu.memory_space<semaphore_mem>>
      %dma_start3A = arith.constant 0 : i32
      %dma_start3A_221 = tpu.memref_slice %arg9[%add3A_31, %dma_start3A] : memref<25088x64xf32, #tpu.memory_space<vmem_shared>> -> memref<98x64xf32, #tpu.memory_space<vmem_shared>>
      %dma_start3A_222 = arith.constant 0 : i32
      %dma_start3A_223 = tpu.memref_slice %arg9[%add3A_31, %dma_start3A_222] : memref<25088x64xf32, #tpu.memory_space<vmem_shared>> -> memref<98x64xf32, #tpu.memory_space<vmem_shared>>
      tpu.enqueue_dma source(%arg14 : memref<98x64xf32, #tpu.memory_space<vmem>>) target(%dma_start3A_223 : memref<98x64xf32, #tpu.memory_space<vmem_shared>>) target_semaphore(%run_scoped3A : memref<!tpu.dma_semaphore, #tpu.memory_space<semaphore_mem>>)
      %dma_wait3A = arith.constant 0 : i32
      %dma_wait3A_224 = tpu.memref_slice %arg9[%add3A_31, %dma_wait3A] : memref<25088x64xf32, #tpu.memory_space<vmem_shared>> -> memref<98x64xf32, #tpu.memory_space<vmem_shared>>
      %dma_wait3A_225 = arith.constant 0 : i32
      %dma_wait3A_226 = tpu.memref_slice %arg9[%add3A_31, %dma_wait3A_225] : memref<25088x64xf32, #tpu.memory_space<vmem_shared>> -> memref<98x64xf32, #tpu.memory_space<vmem_shared>>
      tpu.wait_dma2 semaphore(%run_scoped3A : memref<!tpu.dma_semaphore, #tpu.memory_space<semaphore_mem>>) src(%arg14 : memref<98x64xf32, #tpu.memory_space<vmem>>) dst(%dma_wait3A_226 : memref<98x64xf32, #tpu.memory_space<vmem_shared>>)
      tpu.yield
    }) : () -> ()
    %add3A_32 = arith.constant 588 : i32
    %add3A_33 = arith.addi %mul3A_0, %add3A_32 : i32
    "tpu.region"() ({
      %run_scoped3A = tpu.sem_alloc : memref<!tpu.dma_semaphore, #tpu.memory_space<semaphore_mem>>
      %dma_start3A = arith.constant 0 : i32
      %dma_start3A_221 = tpu.memref_slice %arg9[%add3A_33, %dma_start3A] : memref<25088x64xf32, #tpu.memory_space<vmem_shared>> -> memref<98x64xf32, #tpu.memory_space<vmem_shared>>
      %dma_start3A_222 = arith.constant 0 : i32
      %dma_start3A_223 = tpu.memref_slice %arg9[%add3A_33, %dma_start3A_222] : memref<25088x64xf32, #tpu.memory_space<vmem_shared>> -> memref<98x64xf32, #tpu.memory_space<vmem_shared>>
      tpu.enqueue_dma source(%arg14 : memref<98x64xf32, #tpu.memory_space<vmem>>) target(%dma_start3A_223 : memref<98x64xf32, #tpu.memory_space<vmem_shared>>) target_semaphore(%run_scoped3A : memref<!tpu.dma_semaphore, #tpu.memory_space<semaphore_mem>>)
      %dma_wait3A = arith.constant 0 : i32
      %dma_wait3A_224 = tpu.memref_slice %arg9[%add3A_33, %dma_wait3A] : memref<25088x64xf32, #tpu.memory_space<vmem_shared>> -> memref<98x64xf32, #tpu.memory_space<vmem_shared>>
      %dma_wait3A_225 = arith.constant 0 : i32
      %dma_wait3A_226 = tpu.memref_slice %arg9[%add3A_33, %dma_wait3A_225] : memref<25088x64xf32, #tpu.memory_space<vmem_shared>> -> memref<98x64xf32, #tpu.memory_space<vmem_shared>>
      tpu.wait_dma2 semaphore(%run_scoped3A : memref<!tpu.dma_semaphore, #tpu.memory_space<semaphore_mem>>) src(%arg14 : memref<98x64xf32, #tpu.memory_space<vmem>>) dst(%dma_wait3A_226 : memref<98x64xf32, #tpu.memory_space<vmem_shared>>)
      tpu.yield
    }) : () -> ()
    %add3A_34 = arith.constant 686 : i32
    %add3A_35 = arith.addi %mul3A_0, %add3A_34 : i32
    "tpu.region"() ({
      %run_scoped3A = tpu.sem_alloc : memref<!tpu.dma_semaphore, #tpu.memory_space<semaphore_mem>>
      %dma_start3A = arith.constant 0 : i32
      %dma_start3A_221 = tpu.memref_slice %arg9[%add3A_35, %dma_start3A] : memref<25088x64xf32, #tpu.memory_space<vmem_shared>> -> memref<98x64xf32, #tpu.memory_space<vmem_shared>>
      %dma_start3A_222 = arith.constant 0 : i32
      %dma_start3A_223 = tpu.memref_slice %arg9[%add3A_35, %dma_start3A_222] : memref<25088x64xf32, #tpu.memory_space<vmem_shared>> -> memref<98x64xf32, #tpu.memory_space<vmem_shared>>
      tpu.enqueue_dma source(%arg14 : memref<98x64xf32, #tpu.memory_space<vmem>>) target(%dma_start3A_223 : memref<98x64xf32, #tpu.memory_space<vmem_shared>>) target_semaphore(%run_scoped3A : memref<!tpu.dma_semaphore, #tpu.memory_space<semaphore_mem>>)
      %dma_wait3A = arith.constant 0 : i32
      %dma_wait3A_224 = tpu.memref_slice %arg9[%add3A_35, %dma_wait3A] : memref<25088x64xf32, #tpu.memory_space<vmem_shared>> -> memref<98x64xf32, #tpu.memory_space<vmem_shared>>
      %dma_wait3A_225 = arith.constant 0 : i32
      %dma_wait3A_226 = tpu.memref_slice %arg9[%add3A_35, %dma_wait3A_225] : memref<25088x64xf32, #tpu.memory_space<vmem_shared>> -> memref<98x64xf32, #tpu.memory_space<vmem_shared>>
      tpu.wait_dma2 semaphore(%run_scoped3A : memref<!tpu.dma_semaphore, #tpu.memory_space<semaphore_mem>>) src(%arg14 : memref<98x64xf32, #tpu.memory_space<vmem>>) dst(%dma_wait3A_226 : memref<98x64xf32, #tpu.memory_space<vmem_shared>>)
      tpu.yield
    }) : () -> ()
    %add3A_36 = arith.constant 784 : i32
    %add3A_37 = arith.addi %mul3A_0, %add3A_36 : i32
    "tpu.region"() ({
      %run_scoped3A = tpu.sem_alloc : memref<!tpu.dma_semaphore, #tpu.memory_space<semaphore_mem>>
      %dma_start3A = arith.constant 0 : i32
      %dma_start3A_221 = tpu.memref_slice %arg9[%add3A_37, %dma_start3A] : memref<25088x64xf32, #tpu.memory_space<vmem_shared>> -> memref<98x64xf32, #tpu.memory_space<vmem_shared>>
      %dma_start3A_222 = arith.constant 0 : i32
      %dma_start3A_223 = tpu.memref_slice %arg9[%add3A_37, %dma_start3A_222] : memref<25088x64xf32, #tpu.memory_space<vmem_shared>> -> memref<98x64xf32, #tpu.memory_space<vmem_shared>>
      tpu.enqueue_dma source(%arg14 : memref<98x64xf32, #tpu.memory_space<vmem>>) target(%dma_start3A_223 : memref<98x64xf32, #tpu.memory_space<vmem_shared>>) target_semaphore(%run_scoped3A : memref<!tpu.dma_semaphore, #tpu.memory_space<semaphore_mem>>)
      %dma_wait3A = arith.constant 0 : i32
      %dma_wait3A_224 = tpu.memref_slice %arg9[%add3A_37, %dma_wait3A] : memref<25088x64xf32, #tpu.memory_space<vmem_shared>> -> memref<98x64xf32, #tpu.memory_space<vmem_shared>>
      %dma_wait3A_225 = arith.constant 0 : i32
      %dma_wait3A_226 = tpu.memref_slice %arg9[%add3A_37, %dma_wait3A_225] : memref<25088x64xf32, #tpu.memory_space<vmem_shared>> -> memref<98x64xf32, #tpu.memory_space<vmem_shared>>
      tpu.wait_dma2 semaphore(%run_scoped3A : memref<!tpu.dma_semaphore, #tpu.memory_space<semaphore_mem>>) src(%arg14 : memref<98x64xf32, #tpu.memory_space<vmem>>) dst(%dma_wait3A_226 : memref<98x64xf32, #tpu.memory_space<vmem_shared>>)
      tpu.yield
    }) : () -> ()
    %add3A_38 = arith.constant 882 : i32
    %add3A_39 = arith.addi %mul3A_0, %add3A_38 : i32
    "tpu.region"() ({
      %run_scoped3A = tpu.sem_alloc : memref<!tpu.dma_semaphore, #tpu.memory_space<semaphore_mem>>
      %dma_start3A = arith.constant 0 : i32
      %dma_start3A_221 = tpu.memref_slice %arg9[%add3A_39, %dma_start3A] : memref<25088x64xf32, #tpu.memory_space<vmem_shared>> -> memref<98x64xf32, #tpu.memory_space<vmem_shared>>
      %dma_start3A_222 = arith.constant 0 : i32
      %dma_start3A_223 = tpu.memref_slice %arg9[%add3A_39, %dma_start3A_222] : memref<25088x64xf32, #tpu.memory_space<vmem_shared>> -> memref<98x64xf32, #tpu.memory_space<vmem_shared>>
      tpu.enqueue_dma source(%arg14 : memref<98x64xf32, #tpu.memory_space<vmem>>) target(%dma_start3A_223 : memref<98x64xf32, #tpu.memory_space<vmem_shared>>) target_semaphore(%run_scoped3A : memref<!tpu.dma_semaphore, #tpu.memory_space<semaphore_mem>>)
      %dma_wait3A = arith.constant 0 : i32
      %dma_wait3A_224 = tpu.memref_slice %arg9[%add3A_39, %dma_wait3A] : memref<25088x64xf32, #tpu.memory_space<vmem_shared>> -> memref<98x64xf32, #tpu.memory_space<vmem_shared>>
      %dma_wait3A_225 = arith.constant 0 : i32
      %dma_wait3A_226 = tpu.memref_slice %arg9[%add3A_39, %dma_wait3A_225] : memref<25088x64xf32, #tpu.memory_space<vmem_shared>> -> memref<98x64xf32, #tpu.memory_space<vmem_shared>>
      tpu.wait_dma2 semaphore(%run_scoped3A : memref<!tpu.dma_semaphore, #tpu.memory_space<semaphore_mem>>) src(%arg14 : memref<98x64xf32, #tpu.memory_space<vmem>>) dst(%dma_wait3A_226 : memref<98x64xf32, #tpu.memory_space<vmem_shared>>)
      tpu.yield
    }) : () -> ()
    %add3A_40 = arith.constant 980 : i32
    %add3A_41 = arith.addi %mul3A_0, %add3A_40 : i32
    "tpu.region"() ({
      %run_scoped3A = tpu.sem_alloc : memref<!tpu.dma_semaphore, #tpu.memory_space<semaphore_mem>>
      %dma_start3A = arith.constant 0 : i32
      %dma_start3A_221 = tpu.memref_slice %arg9[%add3A_41, %dma_start3A] : memref<25088x64xf32, #tpu.memory_space<vmem_shared>> -> memref<98x64xf32, #tpu.memory_space<vmem_shared>>
      %dma_start3A_222 = arith.constant 0 : i32
      %dma_start3A_223 = tpu.memref_slice %arg9[%add3A_41, %dma_start3A_222] : memref<25088x64xf32, #tpu.memory_space<vmem_shared>> -> memref<98x64xf32, #tpu.memory_space<vmem_shared>>
      tpu.enqueue_dma source(%arg14 : memref<98x64xf32, #tpu.memory_space<vmem>>) target(%dma_start3A_223 : memref<98x64xf32, #tpu.memory_space<vmem_shared>>) target_semaphore(%run_scoped3A : memref<!tpu.dma_semaphore, #tpu.memory_space<semaphore_mem>>)
      %dma_wait3A = arith.constant 0 : i32
      %dma_wait3A_224 = tpu.memref_slice %arg9[%add3A_41, %dma_wait3A] : memref<25088x64xf32, #tpu.memory_space<vmem_shared>> -> memref<98x64xf32, #tpu.memory_space<vmem_shared>>
      %dma_wait3A_225 = arith.constant 0 : i32
      %dma_wait3A_226 = tpu.memref_slice %arg9[%add3A_41, %dma_wait3A_225] : memref<25088x64xf32, #tpu.memory_space<vmem_shared>> -> memref<98x64xf32, #tpu.memory_space<vmem_shared>>
      tpu.wait_dma2 semaphore(%run_scoped3A : memref<!tpu.dma_semaphore, #tpu.memory_space<semaphore_mem>>) src(%arg14 : memref<98x64xf32, #tpu.memory_space<vmem>>) dst(%dma_wait3A_226 : memref<98x64xf32, #tpu.memory_space<vmem_shared>>)
      tpu.yield
    }) : () -> ()
    %add3A_42 = arith.constant 1078 : i32
    %add3A_43 = arith.addi %mul3A_0, %add3A_42 : i32
    "tpu.region"() ({
      %run_scoped3A = tpu.sem_alloc : memref<!tpu.dma_semaphore, #tpu.memory_space<semaphore_mem>>
      %dma_start3A = arith.constant 0 : i32
      %dma_start3A_221 = tpu.memref_slice %arg9[%add3A_43, %dma_start3A] : memref<25088x64xf32, #tpu.memory_space<vmem_shared>> -> memref<98x64xf32, #tpu.memory_space<vmem_shared>>
      %dma_start3A_222 = arith.constant 0 : i32
      %dma_start3A_223 = tpu.memref_slice %arg9[%add3A_43, %dma_start3A_222] : memref<25088x64xf32, #tpu.memory_space<vmem_shared>> -> memref<98x64xf32, #tpu.memory_space<vmem_shared>>
      tpu.enqueue_dma source(%arg14 : memref<98x64xf32, #tpu.memory_space<vmem>>) target(%dma_start3A_223 : memref<98x64xf32, #tpu.memory_space<vmem_shared>>) target_semaphore(%run_scoped3A : memref<!tpu.dma_semaphore, #tpu.memory_space<semaphore_mem>>)
      %dma_wait3A = arith.constant 0 : i32
      %dma_wait3A_224 = tpu.memref_slice %arg9[%add3A_43, %dma_wait3A] : memref<25088x64xf32, #tpu.memory_space<vmem_shared>> -> memref<98x64xf32, #tpu.memory_space<vmem_shared>>
      %dma_wait3A_225 = arith.constant 0 : i32
      %dma_wait3A_226 = tpu.memref_slice %arg9[%add3A_43, %dma_wait3A_225] : memref<25088x64xf32, #tpu.memory_space<vmem_shared>> -> memref<98x64xf32, #tpu.memory_space<vmem_shared>>
      tpu.wait_dma2 semaphore(%run_scoped3A : memref<!tpu.dma_semaphore, #tpu.memory_space<semaphore_mem>>) src(%arg14 : memref<98x64xf32, #tpu.memory_space<vmem>>) dst(%dma_wait3A_226 : memref<98x64xf32, #tpu.memory_space<vmem_shared>>)
      tpu.yield
    }) : () -> ()
    %add3A_44 = arith.constant 1176 : i32
    %add3A_45 = arith.addi %mul3A_0, %add3A_44 : i32
    "tpu.region"() ({
      %run_scoped3A = tpu.sem_alloc : memref<!tpu.dma_semaphore, #tpu.memory_space<semaphore_mem>>
      %dma_start3A = arith.constant 0 : i32
      %dma_start3A_221 = tpu.memref_slice %arg9[%add3A_45, %dma_start3A] : memref<25088x64xf32, #tpu.memory_space<vmem_shared>> -> memref<98x64xf32, #tpu.memory_space<vmem_shared>>
      %dma_start3A_222 = arith.constant 0 : i32
      %dma_start3A_223 = tpu.memref_slice %arg9[%add3A_45, %dma_start3A_222] : memref<25088x64xf32, #tpu.memory_space<vmem_shared>> -> memref<98x64xf32, #tpu.memory_space<vmem_shared>>
      tpu.enqueue_dma source(%arg14 : memref<98x64xf32, #tpu.memory_space<vmem>>) target(%dma_start3A_223 : memref<98x64xf32, #tpu.memory_space<vmem_shared>>) target_semaphore(%run_scoped3A : memref<!tpu.dma_semaphore, #tpu.memory_space<semaphore_mem>>)
      %dma_wait3A = arith.constant 0 : i32
      %dma_wait3A_224 = tpu.memref_slice %arg9[%add3A_45, %dma_wait3A] : memref<25088x64xf32, #tpu.memory_space<vmem_shared>> -> memref<98x64xf32, #tpu.memory_space<vmem_shared>>
      %dma_wait3A_225 = arith.constant 0 : i32
      %dma_wait3A_226 = tpu.memref_slice %arg9[%add3A_45, %dma_wait3A_225] : memref<25088x64xf32, #tpu.memory_space<vmem_shared>> -> memref<98x64xf32, #tpu.memory_space<vmem_shared>>
      tpu.wait_dma2 semaphore(%run_scoped3A : memref<!tpu.dma_semaphore, #tpu.memory_space<semaphore_mem>>) src(%arg14 : memref<98x64xf32, #tpu.memory_space<vmem>>) dst(%dma_wait3A_226 : memref<98x64xf32, #tpu.memory_space<vmem_shared>>)
      tpu.yield
    }) : () -> ()
    %add3A_46 = arith.constant 1274 : i32
    %add3A_47 = arith.addi %mul3A_0, %add3A_46 : i32
    "tpu.region"() ({
      %run_scoped3A = tpu.sem_alloc : memref<!tpu.dma_semaphore, #tpu.memory_space<semaphore_mem>>
      %dma_start3A = arith.constant 0 : i32
      %dma_start3A_221 = tpu.memref_slice %arg9[%add3A_47, %dma_start3A] : memref<25088x64xf32, #tpu.memory_space<vmem_shared>> -> memref<98x64xf32, #tpu.memory_space<vmem_shared>>
      %dma_start3A_222 = arith.constant 0 : i32
      %dma_start3A_223 = tpu.memref_slice %arg9[%add3A_47, %dma_start3A_222] : memref<25088x64xf32, #tpu.memory_space<vmem_shared>> -> memref<98x64xf32, #tpu.memory_space<vmem_shared>>
      tpu.enqueue_dma source(%arg14 : memref<98x64xf32, #tpu.memory_space<vmem>>) target(%dma_start3A_223 : memref<98x64xf32, #tpu.memory_space<vmem_shared>>) target_semaphore(%run_scoped3A : memref<!tpu.dma_semaphore, #tpu.memory_space<semaphore_mem>>)
      %dma_wait3A = arith.constant 0 : i32
      %dma_wait3A_224 = tpu.memref_slice %arg9[%add3A_47, %dma_wait3A] : memref<25088x64xf32, #tpu.memory_space<vmem_shared>> -> memref<98x64xf32, #tpu.memory_space<vmem_shared>>
      %dma_wait3A_225 = arith.constant 0 : i32
      %dma_wait3A_226 = tpu.memref_slice %arg9[%add3A_47, %dma_wait3A_225] : memref<25088x64xf32, #tpu.memory_space<vmem_shared>> -> memref<98x64xf32, #tpu.memory_space<vmem_shared>>
      tpu.wait_dma2 semaphore(%run_scoped3A : memref<!tpu.dma_semaphore, #tpu.memory_space<semaphore_mem>>) src(%arg14 : memref<98x64xf32, #tpu.memory_space<vmem>>) dst(%dma_wait3A_226 : memref<98x64xf32, #tpu.memory_space<vmem_shared>>)
      tpu.yield
    }) : () -> ()
    %add3A_48 = arith.constant 1372 : i32
    %add3A_49 = arith.addi %mul3A_0, %add3A_48 : i32
    "tpu.region"() ({
      %run_scoped3A = tpu.sem_alloc : memref<!tpu.dma_semaphore, #tpu.memory_space<semaphore_mem>>
      %dma_start3A = arith.constant 0 : i32
      %dma_start3A_221 = tpu.memref_slice %arg9[%add3A_49, %dma_start3A] : memref<25088x64xf32, #tpu.memory_space<vmem_shared>> -> memref<98x64xf32, #tpu.memory_space<vmem_shared>>
      %dma_start3A_222 = arith.constant 0 : i32
      %dma_start3A_223 = tpu.memref_slice %arg9[%add3A_49, %dma_start3A_222] : memref<25088x64xf32, #tpu.memory_space<vmem_shared>> -> memref<98x64xf32, #tpu.memory_space<vmem_shared>>
      tpu.enqueue_dma source(%arg14 : memref<98x64xf32, #tpu.memory_space<vmem>>) target(%dma_start3A_223 : memref<98x64xf32, #tpu.memory_space<vmem_shared>>) target_semaphore(%run_scoped3A : memref<!tpu.dma_semaphore, #tpu.memory_space<semaphore_mem>>)
      %dma_wait3A = arith.constant 0 : i32
      %dma_wait3A_224 = tpu.memref_slice %arg9[%add3A_49, %dma_wait3A] : memref<25088x64xf32, #tpu.memory_space<vmem_shared>> -> memref<98x64xf32, #tpu.memory_space<vmem_shared>>
      %dma_wait3A_225 = arith.constant 0 : i32
      %dma_wait3A_226 = tpu.memref_slice %arg9[%add3A_49, %dma_wait3A_225] : memref<25088x64xf32, #tpu.memory_space<vmem_shared>> -> memref<98x64xf32, #tpu.memory_space<vmem_shared>>
      tpu.wait_dma2 semaphore(%run_scoped3A : memref<!tpu.dma_semaphore, #tpu.memory_space<semaphore_mem>>) src(%arg14 : memref<98x64xf32, #tpu.memory_space<vmem>>) dst(%dma_wait3A_226 : memref<98x64xf32, #tpu.memory_space<vmem_shared>>)
      tpu.yield
    }) : () -> ()
    %add3A_50 = arith.constant 1470 : i32
    %add3A_51 = arith.addi %mul3A_0, %add3A_50 : i32
    "tpu.region"() ({
      %run_scoped3A = tpu.sem_alloc : memref<!tpu.dma_semaphore, #tpu.memory_space<semaphore_mem>>
      %dma_start3A = arith.constant 0 : i32
      %dma_start3A_221 = tpu.memref_slice %arg9[%add3A_51, %dma_start3A] : memref<25088x64xf32, #tpu.memory_space<vmem_shared>> -> memref<98x64xf32, #tpu.memory_space<vmem_shared>>
      %dma_start3A_222 = arith.constant 0 : i32
      %dma_start3A_223 = tpu.memref_slice %arg9[%add3A_51, %dma_start3A_222] : memref<25088x64xf32, #tpu.memory_space<vmem_shared>> -> memref<98x64xf32, #tpu.memory_space<vmem_shared>>
      tpu.enqueue_dma source(%arg14 : memref<98x64xf32, #tpu.memory_space<vmem>>) target(%dma_start3A_223 : memref<98x64xf32, #tpu.memory_space<vmem_shared>>) target_semaphore(%run_scoped3A : memref<!tpu.dma_semaphore, #tpu.memory_space<semaphore_mem>>)
      %dma_wait3A = arith.constant 0 : i32
      %dma_wait3A_224 = tpu.memref_slice %arg9[%add3A_51, %dma_wait3A] : memref<25088x64xf32, #tpu.memory_space<vmem_shared>> -> memref<98x64xf32, #tpu.memory_space<vmem_shared>>
      %dma_wait3A_225 = arith.constant 0 : i32
      %dma_wait3A_226 = tpu.memref_slice %arg9[%add3A_51, %dma_wait3A_225] : memref<25088x64xf32, #tpu.memory_space<vmem_shared>> -> memref<98x64xf32, #tpu.memory_space<vmem_shared>>
      tpu.wait_dma2 semaphore(%run_scoped3A : memref<!tpu.dma_semaphore, #tpu.memory_space<semaphore_mem>>) src(%arg14 : memref<98x64xf32, #tpu.memory_space<vmem>>) dst(%dma_wait3A_226 : memref<98x64xf32, #tpu.memory_space<vmem_shared>>)
      tpu.yield
    }) : () -> ()
    %eq3A = arith.constant 0 : i32
    %eq3A_52 = arith.cmpi eq, %arg0, %eq3A : i32
    %convert_element_type3A = arith.extui %eq3A_52 : i1 to i32
    %cond3A = arith.constant 0 : i32
    %cond3A_53 = arith.cmpi ne, %convert_element_type3A, %cond3A : i32
    scf.if %cond3A_53 {
      "tpu.region"() ({
        %run_scoped3A = tpu.sem_alloc : memref<!tpu.dma_semaphore, #tpu.memory_space<semaphore_mem>>
        %dma_start3A = tpu.memref_slice %arg10[%mul3A_0] : memref<25088xf32, #tpu.memory_space<vmem_shared>> -> memref<1568xf32, #tpu.memory_space<vmem_shared>>
        %dma_start3A_221 = tpu.memref_slice %arg10[%mul3A_0] : memref<25088xf32, #tpu.memory_space<vmem_shared>> -> memref<1568xf32, #tpu.memory_space<vmem_shared>>
        tpu.enqueue_dma source(%arg15 : memref<1568xf32, #tpu.memory_space<vmem>>) target(%dma_start3A_221 : memref<1568xf32, #tpu.memory_space<vmem_shared>>) target_semaphore(%run_scoped3A : memref<!tpu.dma_semaphore, #tpu.memory_space<semaphore_mem>>)
        %dma_wait3A = tpu.memref_slice %arg10[%mul3A_0] : memref<25088xf32, #tpu.memory_space<vmem_shared>> -> memref<1568xf32, #tpu.memory_space<vmem_shared>>
        %dma_wait3A_222 = tpu.memref_slice %arg10[%mul3A_0] : memref<25088xf32, #tpu.memory_space<vmem_shared>> -> memref<1568xf32, #tpu.memory_space<vmem_shared>>
        tpu.wait_dma2 semaphore(%run_scoped3A : memref<!tpu.dma_semaphore, #tpu.memory_space<semaphore_mem>>) src(%arg15 : memref<1568xf32, #tpu.memory_space<vmem>>) dst(%dma_wait3A_222 : memref<1568xf32, #tpu.memory_space<vmem_shared>>)
        tpu.yield
      }) : () -> ()
    } else {
    }
    %barrier3A = arith.constant 0 : index
    tpu.barrier barrier_id(%barrier3A)
    %mul3A_54 = arith.constant 392 : i32
    %mul3A_55 = arith.muli %arg1, %mul3A_54 : i32
    %add3A_56 = arith.constant 0 : i32
    %add3A_57 = arith.addi %mul3A_55, %add3A_56 : i32
    "tpu.region"() ({
      %run_scoped3A = tpu.sem_alloc : memref<!tpu.dma_semaphore, #tpu.memory_space<semaphore_mem>>
      %dma_start3A = arith.constant 0 : i32
      %dma_start3A_221 = tpu.memref_slice %arg4[%add3A_57, %dma_start3A] : memref<6272x128xi32, #tpu.memory_space<hbm>> -> memref<28x128xi32, #tpu.memory_space<hbm>>
      %dma_start3A_222 = arith.constant 0 : i32
      %dma_start3A_223 = tpu.memref_slice %arg4[%add3A_57, %dma_start3A_222] : memref<6272x128xi32, #tpu.memory_space<hbm>> -> memref<28x128xi32, #tpu.memory_space<hbm>>
      tpu.enqueue_dma source(%dma_start3A_223 : memref<28x128xi32, #tpu.memory_space<hbm>>) target(%arg11 : memref<28x128xi32, #tpu.memory_space<vmem>>) target_semaphore(%run_scoped3A : memref<!tpu.dma_semaphore, #tpu.memory_space<semaphore_mem>>)
      %dma_wait3A = arith.constant 0 : i32
      %dma_wait3A_224 = tpu.memref_slice %arg4[%add3A_57, %dma_wait3A] : memref<6272x128xi32, #tpu.memory_space<hbm>> -> memref<28x128xi32, #tpu.memory_space<hbm>>
      %dma_wait3A_225 = arith.constant 0 : i32
      %dma_wait3A_226 = tpu.memref_slice %arg4[%add3A_57, %dma_wait3A_225] : memref<6272x128xi32, #tpu.memory_space<hbm>> -> memref<28x128xi32, #tpu.memory_space<hbm>>
      tpu.wait_dma2 semaphore(%run_scoped3A : memref<!tpu.dma_semaphore, #tpu.memory_space<semaphore_mem>>) src(%dma_wait3A_226 : memref<28x128xi32, #tpu.memory_space<hbm>>) dst(%arg11 : memref<28x128xi32, #tpu.memory_space<vmem>>)
      tpu.yield
    }) : () -> ()
    %add3A_58 = arith.constant 0 : i32
    %add3A_59 = arith.addi %mul3A_55, %add3A_58 : i32
    "tpu.region"() ({
      %run_scoped3A = tpu.sem_alloc : memref<!tpu.dma_semaphore, #tpu.memory_space<semaphore_mem>>
      %dma_start3A = arith.constant 0 : i32
      %dma_start3A_221 = tpu.memref_slice %arg5[%add3A_59, %dma_start3A] : memref<6272x128xi32, #tpu.memory_space<hbm>> -> memref<28x128xi32, #tpu.memory_space<hbm>>
      %dma_start3A_222 = arith.constant 0 : i32
      %dma_start3A_223 = tpu.memref_slice %arg5[%add3A_59, %dma_start3A_222] : memref<6272x128xi32, #tpu.memory_space<hbm>> -> memref<28x128xi32, #tpu.memory_space<hbm>>
      tpu.enqueue_dma source(%dma_start3A_223 : memref<28x128xi32, #tpu.memory_space<hbm>>) target(%arg12 : memref<28x128xi32, #tpu.memory_space<vmem>>) target_semaphore(%run_scoped3A : memref<!tpu.dma_semaphore, #tpu.memory_space<semaphore_mem>>)
      %dma_wait3A = arith.constant 0 : i32
      %dma_wait3A_224 = tpu.memref_slice %arg5[%add3A_59, %dma_wait3A] : memref<6272x128xi32, #tpu.memory_space<hbm>> -> memref<28x128xi32, #tpu.memory_space<hbm>>
      %dma_wait3A_225 = arith.constant 0 : i32
      %dma_wait3A_226 = tpu.memref_slice %arg5[%add3A_59, %dma_wait3A_225] : memref<6272x128xi32, #tpu.memory_space<hbm>> -> memref<28x128xi32, #tpu.memory_space<hbm>>
      tpu.wait_dma2 semaphore(%run_scoped3A : memref<!tpu.dma_semaphore, #tpu.memory_space<semaphore_mem>>) src(%dma_wait3A_226 : memref<28x128xi32, #tpu.memory_space<hbm>>) dst(%arg12 : memref<28x128xi32, #tpu.memory_space<vmem>>)
      tpu.yield
    }) : () -> ()
    %scan3A_60 = arith.constant 0 : i32
    %scan3A_61 = arith.constant 0 : i32
    %scan3A_62 = arith.constant 28 : i32
    %scan3A_63 = arith.addi %scan3A_61, %scan3A_62 : i32
    %scan3A_64 = arith.constant 1 : i32
    %scan3A_65 = scf.for %scan3A_221 = %scan3A_61 to %scan3A_63 step %scan3A_64 iter_args(%scan3A_222 = %scan3A_60) -> (i32)  : i32 {
      %eq3A_223 = arith.constant 0 : i32
      %eq3A_224 = arith.cmpi eq, %arg0, %eq3A_223 : i32
      %convert_element_type3A_225 = arith.extui %eq3A_224 : i1 to i32
      %cond3A_226 = arith.constant 0 : i32
      %cond3A_227 = arith.cmpi ne, %convert_element_type3A_225, %cond3A_226 : i32
      scf.if %cond3A_227 {
        %dma_start3A = arith.constant 0 : i32
        %dma_start3A_234 = tpu.memref_slice %arg11[%scan3A_221, %dma_start3A] : memref<28x128xi32, #tpu.memory_space<vmem>> -> memref<1x128xi32, #tpu.memory_space<vmem>>
        %dma_start3A_235 = tpu.memref_squeeze %dma_start3A_234 : memref<1x128xi32, #tpu.memory_space<vmem>> -> memref<128xi32, #tpu.memory_space<vmem>>
        %dma_start3A_236 = arith.constant 0 : i32
        %dma_start3A_237 = arith.constant 0 : i32
        %dma_start3A_238 = tpu.memref_slice %arg2[%dma_start3A_236, %dma_start3A_237] : memref<50000x64xf32, #tpu.memory_space<hbm>> -> memref<50000x64xf32, #tpu.memory_space<hbm>>
        tpu.enqueue_indirect_dma source(%dma_start3A_238 : memref<50000x64xf32, #tpu.memory_space<hbm>>) target(%arg13 : memref<128x64xf32, #tpu.memory_space<vmem>>) offsets(%dma_start3A_235 : memref<128xi32, #tpu.memory_space<vmem>>) semaphore(%arg17 : memref<!tpu.dma_semaphore, #tpu.memory_space<semaphore_mem>>)
        %dma_wait3A = arith.constant 0 : i32
        %dma_wait3A_239 = tpu.memref_slice %arg11[%scan3A_221, %dma_wait3A] : memref<28x128xi32, #tpu.memory_space<vmem>> -> memref<1x128xi32, #tpu.memory_space<vmem>>
        %dma_wait3A_240 = tpu.memref_squeeze %dma_wait3A_239 : memref<1x128xi32, #tpu.memory_space<vmem>> -> memref<128xi32, #tpu.memory_space<vmem>>
        %dma_wait3A_241 = arith.constant 0 : i32
        %dma_wait3A_242 = arith.constant 0 : i32
        %dma_wait3A_243 = tpu.memref_slice %arg2[%dma_wait3A_241, %dma_wait3A_242] : memref<50000x64xf32, #tpu.memory_space<hbm>> -> memref<50000x64xf32, #tpu.memory_space<hbm>>
        tpu.wait_indirect_dma semaphore(%arg17 : memref<!tpu.dma_semaphore, #tpu.memory_space<semaphore_mem>>) src(%dma_wait3A_243 : memref<50000x64xf32, #tpu.memory_space<hbm>>) dst(%arg13 : memref<128x64xf32, #tpu.memory_space<vmem>>)
        "tpu.region"() ({
          %run_scoped3A = tpu.sem_alloc : memref<!tpu.dma_semaphore, #tpu.memory_space<semaphore_mem>>
          %dma_start3A_244 = arith.constant 0 : i32
          %dma_start3A_245 = tpu.memref_slice %arg12[%scan3A_221, %dma_start3A_244] : memref<28x128xi32, #tpu.memory_space<vmem>> -> memref<1x128xi32, #tpu.memory_space<vmem>>
          %dma_start3A_246 = tpu.memref_squeeze %dma_start3A_245 : memref<1x128xi32, #tpu.memory_space<vmem>> -> memref<128xi32, #tpu.memory_space<vmem>>
          %dma_start3A_247 = arith.constant 0 : i32
          %dma_start3A_248 = arith.constant 0 : i32
          %dma_start3A_249 = tpu.memref_slice %arg9[%dma_start3A_247, %dma_start3A_248] : memref<25088x64xf32, #tpu.memory_space<vmem_shared>> -> memref<25088x64xf32, #tpu.memory_space<vmem_shared>>
          tpu.enqueue_indirect_dma source(%arg13 : memref<128x64xf32, #tpu.memory_space<vmem>>) target(%dma_start3A_249 : memref<25088x64xf32, #tpu.memory_space<vmem_shared>>) offsets(%dma_start3A_246 : memref<128xi32, #tpu.memory_space<vmem>>) semaphore(%run_scoped3A : memref<!tpu.dma_semaphore, #tpu.memory_space<semaphore_mem>>) {add = true}
          %dma_wait3A_250 = arith.constant 0 : i32
          %dma_wait3A_251 = tpu.memref_slice %arg12[%scan3A_221, %dma_wait3A_250] : memref<28x128xi32, #tpu.memory_space<vmem>> -> memref<1x128xi32, #tpu.memory_space<vmem>>
          %dma_wait3A_252 = tpu.memref_squeeze %dma_wait3A_251 : memref<1x128xi32, #tpu.memory_space<vmem>> -> memref<128xi32, #tpu.memory_space<vmem>>
          %dma_wait3A_253 = arith.constant 0 : i32
          %dma_wait3A_254 = arith.constant 0 : i32
          %dma_wait3A_255 = tpu.memref_slice %arg9[%dma_wait3A_253, %dma_wait3A_254] : memref<25088x64xf32, #tpu.memory_space<vmem_shared>> -> memref<25088x64xf32, #tpu.memory_space<vmem_shared>>
          tpu.wait_indirect_dma semaphore(%run_scoped3A : memref<!tpu.dma_semaphore, #tpu.memory_space<semaphore_mem>>) src(%arg13 : memref<128x64xf32, #tpu.memory_space<vmem>>) dst(%dma_wait3A_255 : memref<25088x64xf32, #tpu.memory_space<vmem_shared>>)
          tpu.yield
        }) : () -> ()
        "tpu.region"() ({
          %run_scoped3A = tpu.sem_alloc : memref<!tpu.dma_semaphore, #tpu.memory_space<semaphore_mem>>
          %dma_start3A_244 = arith.constant 0 : i32
          %dma_start3A_245 = tpu.memref_slice %arg12[%scan3A_221, %dma_start3A_244] : memref<28x128xi32, #tpu.memory_space<vmem>> -> memref<1x128xi32, #tpu.memory_space<vmem>>
          %dma_start3A_246 = tpu.memref_squeeze %dma_start3A_245 : memref<1x128xi32, #tpu.memory_space<vmem>> -> memref<128xi32, #tpu.memory_space<vmem>>
          %dma_start3A_247 = arith.constant 0 : i32
          %dma_start3A_248 = tpu.memref_slice %arg10[%dma_start3A_247] : memref<25088xf32, #tpu.memory_space<vmem_shared>> -> memref<25088xf32, #tpu.memory_space<vmem_shared>>
          tpu.enqueue_indirect_dma source(%arg16 : memref<128xf32, #tpu.memory_space<vmem>>) target(%dma_start3A_248 : memref<25088xf32, #tpu.memory_space<vmem_shared>>) offsets(%dma_start3A_246 : memref<128xi32, #tpu.memory_space<vmem>>) semaphore(%run_scoped3A : memref<!tpu.dma_semaphore, #tpu.memory_space<semaphore_mem>>) {add = true}
          %dma_wait3A_249 = arith.constant 0 : i32
          %dma_wait3A_250 = tpu.memref_slice %arg12[%scan3A_221, %dma_wait3A_249] : memref<28x128xi32, #tpu.memory_space<vmem>> -> memref<1x128xi32, #tpu.memory_space<vmem>>
          %dma_wait3A_251 = tpu.memref_squeeze %dma_wait3A_250 : memref<1x128xi32, #tpu.memory_space<vmem>> -> memref<128xi32, #tpu.memory_space<vmem>>
          %dma_wait3A_252 = arith.constant 0 : i32
          %dma_wait3A_253 = tpu.memref_slice %arg10[%dma_wait3A_252] : memref<25088xf32, #tpu.memory_space<vmem_shared>> -> memref<25088xf32, #tpu.memory_space<vmem_shared>>
          tpu.wait_indirect_dma semaphore(%run_scoped3A : memref<!tpu.dma_semaphore, #tpu.memory_space<semaphore_mem>>) src(%arg16 : memref<128xf32, #tpu.memory_space<vmem>>) dst(%dma_wait3A_253 : memref<25088xf32, #tpu.memory_space<vmem_shared>>)
          tpu.yield
        }) : () -> ()
      } else {
      }
      %eq3A_228 = arith.constant 1 : i32
      %eq3A_229 = arith.cmpi eq, %arg0, %eq3A_228 : i32
      %convert_element_type3A_230 = arith.extui %eq3A_229 : i1 to i32
      %cond3A_231 = arith.constant 0 : i32
      %cond3A_232 = arith.cmpi ne, %convert_element_type3A_230, %cond3A_231 : i32
      scf.if %cond3A_232 {
        %dma_start3A = arith.constant 0 : i32
        %dma_start3A_234 = tpu.memref_slice %arg11[%scan3A_221, %dma_start3A] : memref<28x128xi32, #tpu.memory_space<vmem>> -> memref<1x128xi32, #tpu.memory_space<vmem>>
        %dma_start3A_235 = tpu.memref_squeeze %dma_start3A_234 : memref<1x128xi32, #tpu.memory_space<vmem>> -> memref<128xi32, #tpu.memory_space<vmem>>
        %dma_start3A_236 = arith.constant 0 : i32
        %dma_start3A_237 = arith.constant 0 : i32
        %dma_start3A_238 = tpu.memref_slice %arg3[%dma_start3A_236, %dma_start3A_237] : memref<50000x64xf32, #tpu.memory_space<hbm>> -> memref<50000x64xf32, #tpu.memory_space<hbm>>
        tpu.enqueue_indirect_dma source(%dma_start3A_238 : memref<50000x64xf32, #tpu.memory_space<hbm>>) target(%arg13 : memref<128x64xf32, #tpu.memory_space<vmem>>) offsets(%dma_start3A_235 : memref<128xi32, #tpu.memory_space<vmem>>) semaphore(%arg17 : memref<!tpu.dma_semaphore, #tpu.memory_space<semaphore_mem>>)
        %dma_wait3A = arith.constant 0 : i32
        %dma_wait3A_239 = tpu.memref_slice %arg11[%scan3A_221, %dma_wait3A] : memref<28x128xi32, #tpu.memory_space<vmem>> -> memref<1x128xi32, #tpu.memory_space<vmem>>
        %dma_wait3A_240 = tpu.memref_squeeze %dma_wait3A_239 : memref<1x128xi32, #tpu.memory_space<vmem>> -> memref<128xi32, #tpu.memory_space<vmem>>
        %dma_wait3A_241 = arith.constant 0 : i32
        %dma_wait3A_242 = arith.constant 0 : i32
        %dma_wait3A_243 = tpu.memref_slice %arg3[%dma_wait3A_241, %dma_wait3A_242] : memref<50000x64xf32, #tpu.memory_space<hbm>> -> memref<50000x64xf32, #tpu.memory_space<hbm>>
        tpu.wait_indirect_dma semaphore(%arg17 : memref<!tpu.dma_semaphore, #tpu.memory_space<semaphore_mem>>) src(%dma_wait3A_243 : memref<50000x64xf32, #tpu.memory_space<hbm>>) dst(%arg13 : memref<128x64xf32, #tpu.memory_space<vmem>>)
        "tpu.region"() ({
          %run_scoped3A = tpu.sem_alloc : memref<!tpu.dma_semaphore, #tpu.memory_space<semaphore_mem>>
          %dma_start3A_244 = arith.constant 0 : i32
          %dma_start3A_245 = tpu.memref_slice %arg12[%scan3A_221, %dma_start3A_244] : memref<28x128xi32, #tpu.memory_space<vmem>> -> memref<1x128xi32, #tpu.memory_space<vmem>>
          %dma_start3A_246 = tpu.memref_squeeze %dma_start3A_245 : memref<1x128xi32, #tpu.memory_space<vmem>> -> memref<128xi32, #tpu.memory_space<vmem>>
          %dma_start3A_247 = arith.constant 0 : i32
          %dma_start3A_248 = arith.constant 0 : i32
          %dma_start3A_249 = tpu.memref_slice %arg9[%dma_start3A_247, %dma_start3A_248] : memref<25088x64xf32, #tpu.memory_space<vmem_shared>> -> memref<25088x64xf32, #tpu.memory_space<vmem_shared>>
          tpu.enqueue_indirect_dma source(%arg13 : memref<128x64xf32, #tpu.memory_space<vmem>>) target(%dma_start3A_249 : memref<25088x64xf32, #tpu.memory_space<vmem_shared>>) offsets(%dma_start3A_246 : memref<128xi32, #tpu.memory_space<vmem>>) semaphore(%run_scoped3A : memref<!tpu.dma_semaphore, #tpu.memory_space<semaphore_mem>>) {add = true}
          %dma_wait3A_250 = arith.constant 0 : i32
          %dma_wait3A_251 = tpu.memref_slice %arg12[%scan3A_221, %dma_wait3A_250] : memref<28x128xi32, #tpu.memory_space<vmem>> -> memref<1x128xi32, #tpu.memory_space<vmem>>
          %dma_wait3A_252 = tpu.memref_squeeze %dma_wait3A_251 : memref<1x128xi32, #tpu.memory_space<vmem>> -> memref<128xi32, #tpu.memory_space<vmem>>
          %dma_wait3A_253 = arith.constant 0 : i32
          %dma_wait3A_254 = arith.constant 0 : i32
          %dma_wait3A_255 = tpu.memref_slice %arg9[%dma_wait3A_253, %dma_wait3A_254] : memref<25088x64xf32, #tpu.memory_space<vmem_shared>> -> memref<25088x64xf32, #tpu.memory_space<vmem_shared>>
          tpu.wait_indirect_dma semaphore(%run_scoped3A : memref<!tpu.dma_semaphore, #tpu.memory_space<semaphore_mem>>) src(%arg13 : memref<128x64xf32, #tpu.memory_space<vmem>>) dst(%dma_wait3A_255 : memref<25088x64xf32, #tpu.memory_space<vmem_shared>>)
          tpu.yield
        }) : () -> ()
      } else {
      }
      %scan3A_233 = arith.constant 0 : i32
      scf.yield %scan3A_233 : i32
    }
    %scan3A_66 = arith.constant 28 : i32
    %add3A_67 = arith.constant 28 : i32
    %add3A_68 = arith.addi %mul3A_55, %add3A_67 : i32
    "tpu.region"() ({
      %run_scoped3A = tpu.sem_alloc : memref<!tpu.dma_semaphore, #tpu.memory_space<semaphore_mem>>
      %dma_start3A = arith.constant 0 : i32
      %dma_start3A_221 = tpu.memref_slice %arg4[%add3A_68, %dma_start3A] : memref<6272x128xi32, #tpu.memory_space<hbm>> -> memref<28x128xi32, #tpu.memory_space<hbm>>
      %dma_start3A_222 = arith.constant 0 : i32
      %dma_start3A_223 = tpu.memref_slice %arg4[%add3A_68, %dma_start3A_222] : memref<6272x128xi32, #tpu.memory_space<hbm>> -> memref<28x128xi32, #tpu.memory_space<hbm>>
      tpu.enqueue_dma source(%dma_start3A_223 : memref<28x128xi32, #tpu.memory_space<hbm>>) target(%arg11 : memref<28x128xi32, #tpu.memory_space<vmem>>) target_semaphore(%run_scoped3A : memref<!tpu.dma_semaphore, #tpu.memory_space<semaphore_mem>>)
      %dma_wait3A = arith.constant 0 : i32
      %dma_wait3A_224 = tpu.memref_slice %arg4[%add3A_68, %dma_wait3A] : memref<6272x128xi32, #tpu.memory_space<hbm>> -> memref<28x128xi32, #tpu.memory_space<hbm>>
      %dma_wait3A_225 = arith.constant 0 : i32
      %dma_wait3A_226 = tpu.memref_slice %arg4[%add3A_68, %dma_wait3A_225] : memref<6272x128xi32, #tpu.memory_space<hbm>> -> memref<28x128xi32, #tpu.memory_space<hbm>>
      tpu.wait_dma2 semaphore(%run_scoped3A : memref<!tpu.dma_semaphore, #tpu.memory_space<semaphore_mem>>) src(%dma_wait3A_226 : memref<28x128xi32, #tpu.memory_space<hbm>>) dst(%arg11 : memref<28x128xi32, #tpu.memory_space<vmem>>)
      tpu.yield
    }) : () -> ()
    %add3A_69 = arith.constant 28 : i32
    %add3A_70 = arith.addi %mul3A_55, %add3A_69 : i32
    "tpu.region"() ({
      %run_scoped3A = tpu.sem_alloc : memref<!tpu.dma_semaphore, #tpu.memory_space<semaphore_mem>>
      %dma_start3A = arith.constant 0 : i32
      %dma_start3A_221 = tpu.memref_slice %arg5[%add3A_70, %dma_start3A] : memref<6272x128xi32, #tpu.memory_space<hbm>> -> memref<28x128xi32, #tpu.memory_space<hbm>>
      %dma_start3A_222 = arith.constant 0 : i32
      %dma_start3A_223 = tpu.memref_slice %arg5[%add3A_70, %dma_start3A_222] : memref<6272x128xi32, #tpu.memory_space<hbm>> -> memref<28x128xi32, #tpu.memory_space<hbm>>
      tpu.enqueue_dma source(%dma_start3A_223 : memref<28x128xi32, #tpu.memory_space<hbm>>) target(%arg12 : memref<28x128xi32, #tpu.memory_space<vmem>>) target_semaphore(%run_scoped3A : memref<!tpu.dma_semaphore, #tpu.memory_space<semaphore_mem>>)
      %dma_wait3A = arith.constant 0 : i32
      %dma_wait3A_224 = tpu.memref_slice %arg5[%add3A_70, %dma_wait3A] : memref<6272x128xi32, #tpu.memory_space<hbm>> -> memref<28x128xi32, #tpu.memory_space<hbm>>
      %dma_wait3A_225 = arith.constant 0 : i32
      %dma_wait3A_226 = tpu.memref_slice %arg5[%add3A_70, %dma_wait3A_225] : memref<6272x128xi32, #tpu.memory_space<hbm>> -> memref<28x128xi32, #tpu.memory_space<hbm>>
      tpu.wait_dma2 semaphore(%run_scoped3A : memref<!tpu.dma_semaphore, #tpu.memory_space<semaphore_mem>>) src(%dma_wait3A_226 : memref<28x128xi32, #tpu.memory_space<hbm>>) dst(%arg12 : memref<28x128xi32, #tpu.memory_space<vmem>>)
      tpu.yield
    }) : () -> ()
    %scan3A_71 = arith.constant 0 : i32
    %scan3A_72 = arith.constant 0 : i32
    %scan3A_73 = arith.constant 28 : i32
    %scan3A_74 = arith.addi %scan3A_72, %scan3A_73 : i32
    %scan3A_75 = arith.constant 1 : i32
    %scan3A_76 = scf.for %scan3A_221 = %scan3A_72 to %scan3A_74 step %scan3A_75 iter_args(%scan3A_222 = %scan3A_71) -> (i32)  : i32 {
      %eq3A_223 = arith.constant 0 : i32
      %eq3A_224 = arith.cmpi eq, %arg0, %eq3A_223 : i32
      %convert_element_type3A_225 = arith.extui %eq3A_224 : i1 to i32
      %cond3A_226 = arith.constant 0 : i32
      %cond3A_227 = arith.cmpi ne, %convert_element_type3A_225, %cond3A_226 : i32
      scf.if %cond3A_227 {
        %dma_start3A = arith.constant 0 : i32
        %dma_start3A_234 = tpu.memref_slice %arg11[%scan3A_221, %dma_start3A] : memref<28x128xi32, #tpu.memory_space<vmem>> -> memref<1x128xi32, #tpu.memory_space<vmem>>
        %dma_start3A_235 = tpu.memref_squeeze %dma_start3A_234 : memref<1x128xi32, #tpu.memory_space<vmem>> -> memref<128xi32, #tpu.memory_space<vmem>>
        %dma_start3A_236 = arith.constant 0 : i32
        %dma_start3A_237 = arith.constant 0 : i32
        %dma_start3A_238 = tpu.memref_slice %arg2[%dma_start3A_236, %dma_start3A_237] : memref<50000x64xf32, #tpu.memory_space<hbm>> -> memref<50000x64xf32, #tpu.memory_space<hbm>>
        tpu.enqueue_indirect_dma source(%dma_start3A_238 : memref<50000x64xf32, #tpu.memory_space<hbm>>) target(%arg13 : memref<128x64xf32, #tpu.memory_space<vmem>>) offsets(%dma_start3A_235 : memref<128xi32, #tpu.memory_space<vmem>>) semaphore(%arg17 : memref<!tpu.dma_semaphore, #tpu.memory_space<semaphore_mem>>)
        %dma_wait3A = arith.constant 0 : i32
        %dma_wait3A_239 = tpu.memref_slice %arg11[%scan3A_221, %dma_wait3A] : memref<28x128xi32, #tpu.memory_space<vmem>> -> memref<1x128xi32, #tpu.memory_space<vmem>>
        %dma_wait3A_240 = tpu.memref_squeeze %dma_wait3A_239 : memref<1x128xi32, #tpu.memory_space<vmem>> -> memref<128xi32, #tpu.memory_space<vmem>>
        %dma_wait3A_241 = arith.constant 0 : i32
        %dma_wait3A_242 = arith.constant 0 : i32
        %dma_wait3A_243 = tpu.memref_slice %arg2[%dma_wait3A_241, %dma_wait3A_242] : memref<50000x64xf32, #tpu.memory_space<hbm>> -> memref<50000x64xf32, #tpu.memory_space<hbm>>
        tpu.wait_indirect_dma semaphore(%arg17 : memref<!tpu.dma_semaphore, #tpu.memory_space<semaphore_mem>>) src(%dma_wait3A_243 : memref<50000x64xf32, #tpu.memory_space<hbm>>) dst(%arg13 : memref<128x64xf32, #tpu.memory_space<vmem>>)
        "tpu.region"() ({
          %run_scoped3A = tpu.sem_alloc : memref<!tpu.dma_semaphore, #tpu.memory_space<semaphore_mem>>
          %dma_start3A_244 = arith.constant 0 : i32
          %dma_start3A_245 = tpu.memref_slice %arg12[%scan3A_221, %dma_start3A_244] : memref<28x128xi32, #tpu.memory_space<vmem>> -> memref<1x128xi32, #tpu.memory_space<vmem>>
          %dma_start3A_246 = tpu.memref_squeeze %dma_start3A_245 : memref<1x128xi32, #tpu.memory_space<vmem>> -> memref<128xi32, #tpu.memory_space<vmem>>
          %dma_start3A_247 = arith.constant 0 : i32
          %dma_start3A_248 = arith.constant 0 : i32
          %dma_start3A_249 = tpu.memref_slice %arg9[%dma_start3A_247, %dma_start3A_248] : memref<25088x64xf32, #tpu.memory_space<vmem_shared>> -> memref<25088x64xf32, #tpu.memory_space<vmem_shared>>
          tpu.enqueue_indirect_dma source(%arg13 : memref<128x64xf32, #tpu.memory_space<vmem>>) target(%dma_start3A_249 : memref<25088x64xf32, #tpu.memory_space<vmem_shared>>) offsets(%dma_start3A_246 : memref<128xi32, #tpu.memory_space<vmem>>) semaphore(%run_scoped3A : memref<!tpu.dma_semaphore, #tpu.memory_space<semaphore_mem>>) {add = true}
          %dma_wait3A_250 = arith.constant 0 : i32
          %dma_wait3A_251 = tpu.memref_slice %arg12[%scan3A_221, %dma_wait3A_250] : memref<28x128xi32, #tpu.memory_space<vmem>> -> memref<1x128xi32, #tpu.memory_space<vmem>>
          %dma_wait3A_252 = tpu.memref_squeeze %dma_wait3A_251 : memref<1x128xi32, #tpu.memory_space<vmem>> -> memref<128xi32, #tpu.memory_space<vmem>>
          %dma_wait3A_253 = arith.constant 0 : i32
          %dma_wait3A_254 = arith.constant 0 : i32
          %dma_wait3A_255 = tpu.memref_slice %arg9[%dma_wait3A_253, %dma_wait3A_254] : memref<25088x64xf32, #tpu.memory_space<vmem_shared>> -> memref<25088x64xf32, #tpu.memory_space<vmem_shared>>
          tpu.wait_indirect_dma semaphore(%run_scoped3A : memref<!tpu.dma_semaphore, #tpu.memory_space<semaphore_mem>>) src(%arg13 : memref<128x64xf32, #tpu.memory_space<vmem>>) dst(%dma_wait3A_255 : memref<25088x64xf32, #tpu.memory_space<vmem_shared>>)
          tpu.yield
        }) : () -> ()
        "tpu.region"() ({
          %run_scoped3A = tpu.sem_alloc : memref<!tpu.dma_semaphore, #tpu.memory_space<semaphore_mem>>
          %dma_start3A_244 = arith.constant 0 : i32
          %dma_start3A_245 = tpu.memref_slice %arg12[%scan3A_221, %dma_start3A_244] : memref<28x128xi32, #tpu.memory_space<vmem>> -> memref<1x128xi32, #tpu.memory_space<vmem>>
          %dma_start3A_246 = tpu.memref_squeeze %dma_start3A_245 : memref<1x128xi32, #tpu.memory_space<vmem>> -> memref<128xi32, #tpu.memory_space<vmem>>
          %dma_start3A_247 = arith.constant 0 : i32
          %dma_start3A_248 = tpu.memref_slice %arg10[%dma_start3A_247] : memref<25088xf32, #tpu.memory_space<vmem_shared>> -> memref<25088xf32, #tpu.memory_space<vmem_shared>>
          tpu.enqueue_indirect_dma source(%arg16 : memref<128xf32, #tpu.memory_space<vmem>>) target(%dma_start3A_248 : memref<25088xf32, #tpu.memory_space<vmem_shared>>) offsets(%dma_start3A_246 : memref<128xi32, #tpu.memory_space<vmem>>) semaphore(%run_scoped3A : memref<!tpu.dma_semaphore, #tpu.memory_space<semaphore_mem>>) {add = true}
          %dma_wait3A_249 = arith.constant 0 : i32
          %dma_wait3A_250 = tpu.memref_slice %arg12[%scan3A_221, %dma_wait3A_249] : memref<28x128xi32, #tpu.memory_space<vmem>> -> memref<1x128xi32, #tpu.memory_space<vmem>>
          %dma_wait3A_251 = tpu.memref_squeeze %dma_wait3A_250 : memref<1x128xi32, #tpu.memory_space<vmem>> -> memref<128xi32, #tpu.memory_space<vmem>>
          %dma_wait3A_252 = arith.constant 0 : i32
          %dma_wait3A_253 = tpu.memref_slice %arg10[%dma_wait3A_252] : memref<25088xf32, #tpu.memory_space<vmem_shared>> -> memref<25088xf32, #tpu.memory_space<vmem_shared>>
          tpu.wait_indirect_dma semaphore(%run_scoped3A : memref<!tpu.dma_semaphore, #tpu.memory_space<semaphore_mem>>) src(%arg16 : memref<128xf32, #tpu.memory_space<vmem>>) dst(%dma_wait3A_253 : memref<25088xf32, #tpu.memory_space<vmem_shared>>)
          tpu.yield
        }) : () -> ()
      } else {
      }
      %eq3A_228 = arith.constant 1 : i32
      %eq3A_229 = arith.cmpi eq, %arg0, %eq3A_228 : i32
      %convert_element_type3A_230 = arith.extui %eq3A_229 : i1 to i32
      %cond3A_231 = arith.constant 0 : i32
      %cond3A_232 = arith.cmpi ne, %convert_element_type3A_230, %cond3A_231 : i32
      scf.if %cond3A_232 {
        %dma_start3A = arith.constant 0 : i32
        %dma_start3A_234 = tpu.memref_slice %arg11[%scan3A_221, %dma_start3A] : memref<28x128xi32, #tpu.memory_space<vmem>> -> memref<1x128xi32, #tpu.memory_space<vmem>>
        %dma_start3A_235 = tpu.memref_squeeze %dma_start3A_234 : memref<1x128xi32, #tpu.memory_space<vmem>> -> memref<128xi32, #tpu.memory_space<vmem>>
        %dma_start3A_236 = arith.constant 0 : i32
        %dma_start3A_237 = arith.constant 0 : i32
        %dma_start3A_238 = tpu.memref_slice %arg3[%dma_start3A_236, %dma_start3A_237] : memref<50000x64xf32, #tpu.memory_space<hbm>> -> memref<50000x64xf32, #tpu.memory_space<hbm>>
        tpu.enqueue_indirect_dma source(%dma_start3A_238 : memref<50000x64xf32, #tpu.memory_space<hbm>>) target(%arg13 : memref<128x64xf32, #tpu.memory_space<vmem>>) offsets(%dma_start3A_235 : memref<128xi32, #tpu.memory_space<vmem>>) semaphore(%arg17 : memref<!tpu.dma_semaphore, #tpu.memory_space<semaphore_mem>>)
        %dma_wait3A = arith.constant 0 : i32
        %dma_wait3A_239 = tpu.memref_slice %arg11[%scan3A_221, %dma_wait3A] : memref<28x128xi32, #tpu.memory_space<vmem>> -> memref<1x128xi32, #tpu.memory_space<vmem>>
        %dma_wait3A_240 = tpu.memref_squeeze %dma_wait3A_239 : memref<1x128xi32, #tpu.memory_space<vmem>> -> memref<128xi32, #tpu.memory_space<vmem>>
        %dma_wait3A_241 = arith.constant 0 : i32
        %dma_wait3A_242 = arith.constant 0 : i32
        %dma_wait3A_243 = tpu.memref_slice %arg3[%dma_wait3A_241, %dma_wait3A_242] : memref<50000x64xf32, #tpu.memory_space<hbm>> -> memref<50000x64xf32, #tpu.memory_space<hbm>>
        tpu.wait_indirect_dma semaphore(%arg17 : memref<!tpu.dma_semaphore, #tpu.memory_space<semaphore_mem>>) src(%dma_wait3A_243 : memref<50000x64xf32, #tpu.memory_space<hbm>>) dst(%arg13 : memref<128x64xf32, #tpu.memory_space<vmem>>)
        "tpu.region"() ({
          %run_scoped3A = tpu.sem_alloc : memref<!tpu.dma_semaphore, #tpu.memory_space<semaphore_mem>>
          %dma_start3A_244 = arith.constant 0 : i32
          %dma_start3A_245 = tpu.memref_slice %arg12[%scan3A_221, %dma_start3A_244] : memref<28x128xi32, #tpu.memory_space<vmem>> -> memref<1x128xi32, #tpu.memory_space<vmem>>
          %dma_start3A_246 = tpu.memref_squeeze %dma_start3A_245 : memref<1x128xi32, #tpu.memory_space<vmem>> -> memref<128xi32, #tpu.memory_space<vmem>>
          %dma_start3A_247 = arith.constant 0 : i32
          %dma_start3A_248 = arith.constant 0 : i32
          %dma_start3A_249 = tpu.memref_slice %arg9[%dma_start3A_247, %dma_start3A_248] : memref<25088x64xf32, #tpu.memory_space<vmem_shared>> -> memref<25088x64xf32, #tpu.memory_space<vmem_shared>>
          tpu.enqueue_indirect_dma source(%arg13 : memref<128x64xf32, #tpu.memory_space<vmem>>) target(%dma_start3A_249 : memref<25088x64xf32, #tpu.memory_space<vmem_shared>>) offsets(%dma_start3A_246 : memref<128xi32, #tpu.memory_space<vmem>>) semaphore(%run_scoped3A : memref<!tpu.dma_semaphore, #tpu.memory_space<semaphore_mem>>) {add = true}
          %dma_wait3A_250 = arith.constant 0 : i32
          %dma_wait3A_251 = tpu.memref_slice %arg12[%scan3A_221, %dma_wait3A_250] : memref<28x128xi32, #tpu.memory_space<vmem>> -> memref<1x128xi32, #tpu.memory_space<vmem>>
          %dma_wait3A_252 = tpu.memref_squeeze %dma_wait3A_251 : memref<1x128xi32, #tpu.memory_space<vmem>> -> memref<128xi32, #tpu.memory_space<vmem>>
          %dma_wait3A_253 = arith.constant 0 : i32
          %dma_wait3A_254 = arith.constant 0 : i32
          %dma_wait3A_255 = tpu.memref_slice %arg9[%dma_wait3A_253, %dma_wait3A_254] : memref<25088x64xf32, #tpu.memory_space<vmem_shared>> -> memref<25088x64xf32, #tpu.memory_space<vmem_shared>>
          tpu.wait_indirect_dma semaphore(%run_scoped3A : memref<!tpu.dma_semaphore, #tpu.memory_space<semaphore_mem>>) src(%arg13 : memref<128x64xf32, #tpu.memory_space<vmem>>) dst(%dma_wait3A_255 : memref<25088x64xf32, #tpu.memory_space<vmem_shared>>)
          tpu.yield
        }) : () -> ()
      } else {
      }
      %scan3A_233 = arith.constant 0 : i32
      scf.yield %scan3A_233 : i32
    }
    %scan3A_77 = arith.constant 28 : i32
    %add3A_78 = arith.constant 56 : i32
    %add3A_79 = arith.addi %mul3A_55, %add3A_78 : i32
    "tpu.region"() ({
      %run_scoped3A = tpu.sem_alloc : memref<!tpu.dma_semaphore, #tpu.memory_space<semaphore_mem>>
      %dma_start3A = arith.constant 0 : i32
      %dma_start3A_221 = tpu.memref_slice %arg4[%add3A_79, %dma_start3A] : memref<6272x128xi32, #tpu.memory_space<hbm>> -> memref<28x128xi32, #tpu.memory_space<hbm>>
      %dma_start3A_222 = arith.constant 0 : i32
      %dma_start3A_223 = tpu.memref_slice %arg4[%add3A_79, %dma_start3A_222] : memref<6272x128xi32, #tpu.memory_space<hbm>> -> memref<28x128xi32, #tpu.memory_space<hbm>>
      tpu.enqueue_dma source(%dma_start3A_223 : memref<28x128xi32, #tpu.memory_space<hbm>>) target(%arg11 : memref<28x128xi32, #tpu.memory_space<vmem>>) target_semaphore(%run_scoped3A : memref<!tpu.dma_semaphore, #tpu.memory_space<semaphore_mem>>)
      %dma_wait3A = arith.constant 0 : i32
      %dma_wait3A_224 = tpu.memref_slice %arg4[%add3A_79, %dma_wait3A] : memref<6272x128xi32, #tpu.memory_space<hbm>> -> memref<28x128xi32, #tpu.memory_space<hbm>>
      %dma_wait3A_225 = arith.constant 0 : i32
      %dma_wait3A_226 = tpu.memref_slice %arg4[%add3A_79, %dma_wait3A_225] : memref<6272x128xi32, #tpu.memory_space<hbm>> -> memref<28x128xi32, #tpu.memory_space<hbm>>
      tpu.wait_dma2 semaphore(%run_scoped3A : memref<!tpu.dma_semaphore, #tpu.memory_space<semaphore_mem>>) src(%dma_wait3A_226 : memref<28x128xi32, #tpu.memory_space<hbm>>) dst(%arg11 : memref<28x128xi32, #tpu.memory_space<vmem>>)
      tpu.yield
    }) : () -> ()
    %add3A_80 = arith.constant 56 : i32
    %add3A_81 = arith.addi %mul3A_55, %add3A_80 : i32
    "tpu.region"() ({
      %run_scoped3A = tpu.sem_alloc : memref<!tpu.dma_semaphore, #tpu.memory_space<semaphore_mem>>
      %dma_start3A = arith.constant 0 : i32
      %dma_start3A_221 = tpu.memref_slice %arg5[%add3A_81, %dma_start3A] : memref<6272x128xi32, #tpu.memory_space<hbm>> -> memref<28x128xi32, #tpu.memory_space<hbm>>
      %dma_start3A_222 = arith.constant 0 : i32
      %dma_start3A_223 = tpu.memref_slice %arg5[%add3A_81, %dma_start3A_222] : memref<6272x128xi32, #tpu.memory_space<hbm>> -> memref<28x128xi32, #tpu.memory_space<hbm>>
      tpu.enqueue_dma source(%dma_start3A_223 : memref<28x128xi32, #tpu.memory_space<hbm>>) target(%arg12 : memref<28x128xi32, #tpu.memory_space<vmem>>) target_semaphore(%run_scoped3A : memref<!tpu.dma_semaphore, #tpu.memory_space<semaphore_mem>>)
      %dma_wait3A = arith.constant 0 : i32
      %dma_wait3A_224 = tpu.memref_slice %arg5[%add3A_81, %dma_wait3A] : memref<6272x128xi32, #tpu.memory_space<hbm>> -> memref<28x128xi32, #tpu.memory_space<hbm>>
      %dma_wait3A_225 = arith.constant 0 : i32
      %dma_wait3A_226 = tpu.memref_slice %arg5[%add3A_81, %dma_wait3A_225] : memref<6272x128xi32, #tpu.memory_space<hbm>> -> memref<28x128xi32, #tpu.memory_space<hbm>>
      tpu.wait_dma2 semaphore(%run_scoped3A : memref<!tpu.dma_semaphore, #tpu.memory_space<semaphore_mem>>) src(%dma_wait3A_226 : memref<28x128xi32, #tpu.memory_space<hbm>>) dst(%arg12 : memref<28x128xi32, #tpu.memory_space<vmem>>)
      tpu.yield
    }) : () -> ()
    %scan3A_82 = arith.constant 0 : i32
    %scan3A_83 = arith.constant 0 : i32
    %scan3A_84 = arith.constant 28 : i32
    %scan3A_85 = arith.addi %scan3A_83, %scan3A_84 : i32
    %scan3A_86 = arith.constant 1 : i32
    %scan3A_87 = scf.for %scan3A_221 = %scan3A_83 to %scan3A_85 step %scan3A_86 iter_args(%scan3A_222 = %scan3A_82) -> (i32)  : i32 {
      %eq3A_223 = arith.constant 0 : i32
      %eq3A_224 = arith.cmpi eq, %arg0, %eq3A_223 : i32
      %convert_element_type3A_225 = arith.extui %eq3A_224 : i1 to i32
      %cond3A_226 = arith.constant 0 : i32
      %cond3A_227 = arith.cmpi ne, %convert_element_type3A_225, %cond3A_226 : i32
      scf.if %cond3A_227 {
        %dma_start3A = arith.constant 0 : i32
        %dma_start3A_234 = tpu.memref_slice %arg11[%scan3A_221, %dma_start3A] : memref<28x128xi32, #tpu.memory_space<vmem>> -> memref<1x128xi32, #tpu.memory_space<vmem>>
        %dma_start3A_235 = tpu.memref_squeeze %dma_start3A_234 : memref<1x128xi32, #tpu.memory_space<vmem>> -> memref<128xi32, #tpu.memory_space<vmem>>
        %dma_start3A_236 = arith.constant 0 : i32
        %dma_start3A_237 = arith.constant 0 : i32
        %dma_start3A_238 = tpu.memref_slice %arg2[%dma_start3A_236, %dma_start3A_237] : memref<50000x64xf32, #tpu.memory_space<hbm>> -> memref<50000x64xf32, #tpu.memory_space<hbm>>
        tpu.enqueue_indirect_dma source(%dma_start3A_238 : memref<50000x64xf32, #tpu.memory_space<hbm>>) target(%arg13 : memref<128x64xf32, #tpu.memory_space<vmem>>) offsets(%dma_start3A_235 : memref<128xi32, #tpu.memory_space<vmem>>) semaphore(%arg17 : memref<!tpu.dma_semaphore, #tpu.memory_space<semaphore_mem>>)
        %dma_wait3A = arith.constant 0 : i32
        %dma_wait3A_239 = tpu.memref_slice %arg11[%scan3A_221, %dma_wait3A] : memref<28x128xi32, #tpu.memory_space<vmem>> -> memref<1x128xi32, #tpu.memory_space<vmem>>
        %dma_wait3A_240 = tpu.memref_squeeze %dma_wait3A_239 : memref<1x128xi32, #tpu.memory_space<vmem>> -> memref<128xi32, #tpu.memory_space<vmem>>
        %dma_wait3A_241 = arith.constant 0 : i32
        %dma_wait3A_242 = arith.constant 0 : i32
        %dma_wait3A_243 = tpu.memref_slice %arg2[%dma_wait3A_241, %dma_wait3A_242] : memref<50000x64xf32, #tpu.memory_space<hbm>> -> memref<50000x64xf32, #tpu.memory_space<hbm>>
        tpu.wait_indirect_dma semaphore(%arg17 : memref<!tpu.dma_semaphore, #tpu.memory_space<semaphore_mem>>) src(%dma_wait3A_243 : memref<50000x64xf32, #tpu.memory_space<hbm>>) dst(%arg13 : memref<128x64xf32, #tpu.memory_space<vmem>>)
        "tpu.region"() ({
          %run_scoped3A = tpu.sem_alloc : memref<!tpu.dma_semaphore, #tpu.memory_space<semaphore_mem>>
          %dma_start3A_244 = arith.constant 0 : i32
          %dma_start3A_245 = tpu.memref_slice %arg12[%scan3A_221, %dma_start3A_244] : memref<28x128xi32, #tpu.memory_space<vmem>> -> memref<1x128xi32, #tpu.memory_space<vmem>>
          %dma_start3A_246 = tpu.memref_squeeze %dma_start3A_245 : memref<1x128xi32, #tpu.memory_space<vmem>> -> memref<128xi32, #tpu.memory_space<vmem>>
          %dma_start3A_247 = arith.constant 0 : i32
          %dma_start3A_248 = arith.constant 0 : i32
          %dma_start3A_249 = tpu.memref_slice %arg9[%dma_start3A_247, %dma_start3A_248] : memref<25088x64xf32, #tpu.memory_space<vmem_shared>> -> memref<25088x64xf32, #tpu.memory_space<vmem_shared>>
          tpu.enqueue_indirect_dma source(%arg13 : memref<128x64xf32, #tpu.memory_space<vmem>>) target(%dma_start3A_249 : memref<25088x64xf32, #tpu.memory_space<vmem_shared>>) offsets(%dma_start3A_246 : memref<128xi32, #tpu.memory_space<vmem>>) semaphore(%run_scoped3A : memref<!tpu.dma_semaphore, #tpu.memory_space<semaphore_mem>>) {add = true}
          %dma_wait3A_250 = arith.constant 0 : i32
          %dma_wait3A_251 = tpu.memref_slice %arg12[%scan3A_221, %dma_wait3A_250] : memref<28x128xi32, #tpu.memory_space<vmem>> -> memref<1x128xi32, #tpu.memory_space<vmem>>
          %dma_wait3A_252 = tpu.memref_squeeze %dma_wait3A_251 : memref<1x128xi32, #tpu.memory_space<vmem>> -> memref<128xi32, #tpu.memory_space<vmem>>
          %dma_wait3A_253 = arith.constant 0 : i32
          %dma_wait3A_254 = arith.constant 0 : i32
          %dma_wait3A_255 = tpu.memref_slice %arg9[%dma_wait3A_253, %dma_wait3A_254] : memref<25088x64xf32, #tpu.memory_space<vmem_shared>> -> memref<25088x64xf32, #tpu.memory_space<vmem_shared>>
          tpu.wait_indirect_dma semaphore(%run_scoped3A : memref<!tpu.dma_semaphore, #tpu.memory_space<semaphore_mem>>) src(%arg13 : memref<128x64xf32, #tpu.memory_space<vmem>>) dst(%dma_wait3A_255 : memref<25088x64xf32, #tpu.memory_space<vmem_shared>>)
          tpu.yield
        }) : () -> ()
        "tpu.region"() ({
          %run_scoped3A = tpu.sem_alloc : memref<!tpu.dma_semaphore, #tpu.memory_space<semaphore_mem>>
          %dma_start3A_244 = arith.constant 0 : i32
          %dma_start3A_245 = tpu.memref_slice %arg12[%scan3A_221, %dma_start3A_244] : memref<28x128xi32, #tpu.memory_space<vmem>> -> memref<1x128xi32, #tpu.memory_space<vmem>>
          %dma_start3A_246 = tpu.memref_squeeze %dma_start3A_245 : memref<1x128xi32, #tpu.memory_space<vmem>> -> memref<128xi32, #tpu.memory_space<vmem>>
          %dma_start3A_247 = arith.constant 0 : i32
          %dma_start3A_248 = tpu.memref_slice %arg10[%dma_start3A_247] : memref<25088xf32, #tpu.memory_space<vmem_shared>> -> memref<25088xf32, #tpu.memory_space<vmem_shared>>
          tpu.enqueue_indirect_dma source(%arg16 : memref<128xf32, #tpu.memory_space<vmem>>) target(%dma_start3A_248 : memref<25088xf32, #tpu.memory_space<vmem_shared>>) offsets(%dma_start3A_246 : memref<128xi32, #tpu.memory_space<vmem>>) semaphore(%run_scoped3A : memref<!tpu.dma_semaphore, #tpu.memory_space<semaphore_mem>>) {add = true}
          %dma_wait3A_249 = arith.constant 0 : i32
          %dma_wait3A_250 = tpu.memref_slice %arg12[%scan3A_221, %dma_wait3A_249] : memref<28x128xi32, #tpu.memory_space<vmem>> -> memref<1x128xi32, #tpu.memory_space<vmem>>
          %dma_wait3A_251 = tpu.memref_squeeze %dma_wait3A_250 : memref<1x128xi32, #tpu.memory_space<vmem>> -> memref<128xi32, #tpu.memory_space<vmem>>
          %dma_wait3A_252 = arith.constant 0 : i32
          %dma_wait3A_253 = tpu.memref_slice %arg10[%dma_wait3A_252] : memref<25088xf32, #tpu.memory_space<vmem_shared>> -> memref<25088xf32, #tpu.memory_space<vmem_shared>>
          tpu.wait_indirect_dma semaphore(%run_scoped3A : memref<!tpu.dma_semaphore, #tpu.memory_space<semaphore_mem>>) src(%arg16 : memref<128xf32, #tpu.memory_space<vmem>>) dst(%dma_wait3A_253 : memref<25088xf32, #tpu.memory_space<vmem_shared>>)
          tpu.yield
        }) : () -> ()
      } else {
      }
      %eq3A_228 = arith.constant 1 : i32
      %eq3A_229 = arith.cmpi eq, %arg0, %eq3A_228 : i32
      %convert_element_type3A_230 = arith.extui %eq3A_229 : i1 to i32
      %cond3A_231 = arith.constant 0 : i32
      %cond3A_232 = arith.cmpi ne, %convert_element_type3A_230, %cond3A_231 : i32
      scf.if %cond3A_232 {
        %dma_start3A = arith.constant 0 : i32
        %dma_start3A_234 = tpu.memref_slice %arg11[%scan3A_221, %dma_start3A] : memref<28x128xi32, #tpu.memory_space<vmem>> -> memref<1x128xi32, #tpu.memory_space<vmem>>
        %dma_start3A_235 = tpu.memref_squeeze %dma_start3A_234 : memref<1x128xi32, #tpu.memory_space<vmem>> -> memref<128xi32, #tpu.memory_space<vmem>>
        %dma_start3A_236 = arith.constant 0 : i32
        %dma_start3A_237 = arith.constant 0 : i32
        %dma_start3A_238 = tpu.memref_slice %arg3[%dma_start3A_236, %dma_start3A_237] : memref<50000x64xf32, #tpu.memory_space<hbm>> -> memref<50000x64xf32, #tpu.memory_space<hbm>>
        tpu.enqueue_indirect_dma source(%dma_start3A_238 : memref<50000x64xf32, #tpu.memory_space<hbm>>) target(%arg13 : memref<128x64xf32, #tpu.memory_space<vmem>>) offsets(%dma_start3A_235 : memref<128xi32, #tpu.memory_space<vmem>>) semaphore(%arg17 : memref<!tpu.dma_semaphore, #tpu.memory_space<semaphore_mem>>)
        %dma_wait3A = arith.constant 0 : i32
        %dma_wait3A_239 = tpu.memref_slice %arg11[%scan3A_221, %dma_wait3A] : memref<28x128xi32, #tpu.memory_space<vmem>> -> memref<1x128xi32, #tpu.memory_space<vmem>>
        %dma_wait3A_240 = tpu.memref_squeeze %dma_wait3A_239 : memref<1x128xi32, #tpu.memory_space<vmem>> -> memref<128xi32, #tpu.memory_space<vmem>>
        %dma_wait3A_241 = arith.constant 0 : i32
        %dma_wait3A_242 = arith.constant 0 : i32
        %dma_wait3A_243 = tpu.memref_slice %arg3[%dma_wait3A_241, %dma_wait3A_242] : memref<50000x64xf32, #tpu.memory_space<hbm>> -> memref<50000x64xf32, #tpu.memory_space<hbm>>
        tpu.wait_indirect_dma semaphore(%arg17 : memref<!tpu.dma_semaphore, #tpu.memory_space<semaphore_mem>>) src(%dma_wait3A_243 : memref<50000x64xf32, #tpu.memory_space<hbm>>) dst(%arg13 : memref<128x64xf32, #tpu.memory_space<vmem>>)
        "tpu.region"() ({
          %run_scoped3A = tpu.sem_alloc : memref<!tpu.dma_semaphore, #tpu.memory_space<semaphore_mem>>
          %dma_start3A_244 = arith.constant 0 : i32
          %dma_start3A_245 = tpu.memref_slice %arg12[%scan3A_221, %dma_start3A_244] : memref<28x128xi32, #tpu.memory_space<vmem>> -> memref<1x128xi32, #tpu.memory_space<vmem>>
          %dma_start3A_246 = tpu.memref_squeeze %dma_start3A_245 : memref<1x128xi32, #tpu.memory_space<vmem>> -> memref<128xi32, #tpu.memory_space<vmem>>
          %dma_start3A_247 = arith.constant 0 : i32
          %dma_start3A_248 = arith.constant 0 : i32
          %dma_start3A_249 = tpu.memref_slice %arg9[%dma_start3A_247, %dma_start3A_248] : memref<25088x64xf32, #tpu.memory_space<vmem_shared>> -> memref<25088x64xf32, #tpu.memory_space<vmem_shared>>
          tpu.enqueue_indirect_dma source(%arg13 : memref<128x64xf32, #tpu.memory_space<vmem>>) target(%dma_start3A_249 : memref<25088x64xf32, #tpu.memory_space<vmem_shared>>) offsets(%dma_start3A_246 : memref<128xi32, #tpu.memory_space<vmem>>) semaphore(%run_scoped3A : memref<!tpu.dma_semaphore, #tpu.memory_space<semaphore_mem>>) {add = true}
          %dma_wait3A_250 = arith.constant 0 : i32
          %dma_wait3A_251 = tpu.memref_slice %arg12[%scan3A_221, %dma_wait3A_250] : memref<28x128xi32, #tpu.memory_space<vmem>> -> memref<1x128xi32, #tpu.memory_space<vmem>>
          %dma_wait3A_252 = tpu.memref_squeeze %dma_wait3A_251 : memref<1x128xi32, #tpu.memory_space<vmem>> -> memref<128xi32, #tpu.memory_space<vmem>>
          %dma_wait3A_253 = arith.constant 0 : i32
          %dma_wait3A_254 = arith.constant 0 : i32
          %dma_wait3A_255 = tpu.memref_slice %arg9[%dma_wait3A_253, %dma_wait3A_254] : memref<25088x64xf32, #tpu.memory_space<vmem_shared>> -> memref<25088x64xf32, #tpu.memory_space<vmem_shared>>
          tpu.wait_indirect_dma semaphore(%run_scoped3A : memref<!tpu.dma_semaphore, #tpu.memory_space<semaphore_mem>>) src(%arg13 : memref<128x64xf32, #tpu.memory_space<vmem>>) dst(%dma_wait3A_255 : memref<25088x64xf32, #tpu.memory_space<vmem_shared>>)
          tpu.yield
        }) : () -> ()
      } else {
      }
      %scan3A_233 = arith.constant 0 : i32
      scf.yield %scan3A_233 : i32
    }
    %scan3A_88 = arith.constant 28 : i32
    %add3A_89 = arith.constant 84 : i32
    %add3A_90 = arith.addi %mul3A_55, %add3A_89 : i32
    "tpu.region"() ({
      %run_scoped3A = tpu.sem_alloc : memref<!tpu.dma_semaphore, #tpu.memory_space<semaphore_mem>>
      %dma_start3A = arith.constant 0 : i32
      %dma_start3A_221 = tpu.memref_slice %arg4[%add3A_90, %dma_start3A] : memref<6272x128xi32, #tpu.memory_space<hbm>> -> memref<28x128xi32, #tpu.memory_space<hbm>>
      %dma_start3A_222 = arith.constant 0 : i32
      %dma_start3A_223 = tpu.memref_slice %arg4[%add3A_90, %dma_start3A_222] : memref<6272x128xi32, #tpu.memory_space<hbm>> -> memref<28x128xi32, #tpu.memory_space<hbm>>
      tpu.enqueue_dma source(%dma_start3A_223 : memref<28x128xi32, #tpu.memory_space<hbm>>) target(%arg11 : memref<28x128xi32, #tpu.memory_space<vmem>>) target_semaphore(%run_scoped3A : memref<!tpu.dma_semaphore, #tpu.memory_space<semaphore_mem>>)
      %dma_wait3A = arith.constant 0 : i32
      %dma_wait3A_224 = tpu.memref_slice %arg4[%add3A_90, %dma_wait3A] : memref<6272x128xi32, #tpu.memory_space<hbm>> -> memref<28x128xi32, #tpu.memory_space<hbm>>
      %dma_wait3A_225 = arith.constant 0 : i32
      %dma_wait3A_226 = tpu.memref_slice %arg4[%add3A_90, %dma_wait3A_225] : memref<6272x128xi32, #tpu.memory_space<hbm>> -> memref<28x128xi32, #tpu.memory_space<hbm>>
      tpu.wait_dma2 semaphore(%run_scoped3A : memref<!tpu.dma_semaphore, #tpu.memory_space<semaphore_mem>>) src(%dma_wait3A_226 : memref<28x128xi32, #tpu.memory_space<hbm>>) dst(%arg11 : memref<28x128xi32, #tpu.memory_space<vmem>>)
      tpu.yield
    }) : () -> ()
    %add3A_91 = arith.constant 84 : i32
    %add3A_92 = arith.addi %mul3A_55, %add3A_91 : i32
    "tpu.region"() ({
      %run_scoped3A = tpu.sem_alloc : memref<!tpu.dma_semaphore, #tpu.memory_space<semaphore_mem>>
      %dma_start3A = arith.constant 0 : i32
      %dma_start3A_221 = tpu.memref_slice %arg5[%add3A_92, %dma_start3A] : memref<6272x128xi32, #tpu.memory_space<hbm>> -> memref<28x128xi32, #tpu.memory_space<hbm>>
      %dma_start3A_222 = arith.constant 0 : i32
      %dma_start3A_223 = tpu.memref_slice %arg5[%add3A_92, %dma_start3A_222] : memref<6272x128xi32, #tpu.memory_space<hbm>> -> memref<28x128xi32, #tpu.memory_space<hbm>>
      tpu.enqueue_dma source(%dma_start3A_223 : memref<28x128xi32, #tpu.memory_space<hbm>>) target(%arg12 : memref<28x128xi32, #tpu.memory_space<vmem>>) target_semaphore(%run_scoped3A : memref<!tpu.dma_semaphore, #tpu.memory_space<semaphore_mem>>)
      %dma_wait3A = arith.constant 0 : i32
      %dma_wait3A_224 = tpu.memref_slice %arg5[%add3A_92, %dma_wait3A] : memref<6272x128xi32, #tpu.memory_space<hbm>> -> memref<28x128xi32, #tpu.memory_space<hbm>>
      %dma_wait3A_225 = arith.constant 0 : i32
      %dma_wait3A_226 = tpu.memref_slice %arg5[%add3A_92, %dma_wait3A_225] : memref<6272x128xi32, #tpu.memory_space<hbm>> -> memref<28x128xi32, #tpu.memory_space<hbm>>
      tpu.wait_dma2 semaphore(%run_scoped3A : memref<!tpu.dma_semaphore, #tpu.memory_space<semaphore_mem>>) src(%dma_wait3A_226 : memref<28x128xi32, #tpu.memory_space<hbm>>) dst(%arg12 : memref<28x128xi32, #tpu.memory_space<vmem>>)
      tpu.yield
    }) : () -> ()
    %scan3A_93 = arith.constant 0 : i32
    %scan3A_94 = arith.constant 0 : i32
    %scan3A_95 = arith.constant 28 : i32
    %scan3A_96 = arith.addi %scan3A_94, %scan3A_95 : i32
    %scan3A_97 = arith.constant 1 : i32
    %scan3A_98 = scf.for %scan3A_221 = %scan3A_94 to %scan3A_96 step %scan3A_97 iter_args(%scan3A_222 = %scan3A_93) -> (i32)  : i32 {
      %eq3A_223 = arith.constant 0 : i32
      %eq3A_224 = arith.cmpi eq, %arg0, %eq3A_223 : i32
      %convert_element_type3A_225 = arith.extui %eq3A_224 : i1 to i32
      %cond3A_226 = arith.constant 0 : i32
      %cond3A_227 = arith.cmpi ne, %convert_element_type3A_225, %cond3A_226 : i32
      scf.if %cond3A_227 {
        %dma_start3A = arith.constant 0 : i32
        %dma_start3A_234 = tpu.memref_slice %arg11[%scan3A_221, %dma_start3A] : memref<28x128xi32, #tpu.memory_space<vmem>> -> memref<1x128xi32, #tpu.memory_space<vmem>>
        %dma_start3A_235 = tpu.memref_squeeze %dma_start3A_234 : memref<1x128xi32, #tpu.memory_space<vmem>> -> memref<128xi32, #tpu.memory_space<vmem>>
        %dma_start3A_236 = arith.constant 0 : i32
        %dma_start3A_237 = arith.constant 0 : i32
        %dma_start3A_238 = tpu.memref_slice %arg2[%dma_start3A_236, %dma_start3A_237] : memref<50000x64xf32, #tpu.memory_space<hbm>> -> memref<50000x64xf32, #tpu.memory_space<hbm>>
        tpu.enqueue_indirect_dma source(%dma_start3A_238 : memref<50000x64xf32, #tpu.memory_space<hbm>>) target(%arg13 : memref<128x64xf32, #tpu.memory_space<vmem>>) offsets(%dma_start3A_235 : memref<128xi32, #tpu.memory_space<vmem>>) semaphore(%arg17 : memref<!tpu.dma_semaphore, #tpu.memory_space<semaphore_mem>>)
        %dma_wait3A = arith.constant 0 : i32
        %dma_wait3A_239 = tpu.memref_slice %arg11[%scan3A_221, %dma_wait3A] : memref<28x128xi32, #tpu.memory_space<vmem>> -> memref<1x128xi32, #tpu.memory_space<vmem>>
        %dma_wait3A_240 = tpu.memref_squeeze %dma_wait3A_239 : memref<1x128xi32, #tpu.memory_space<vmem>> -> memref<128xi32, #tpu.memory_space<vmem>>
        %dma_wait3A_241 = arith.constant 0 : i32
        %dma_wait3A_242 = arith.constant 0 : i32
        %dma_wait3A_243 = tpu.memref_slice %arg2[%dma_wait3A_241, %dma_wait3A_242] : memref<50000x64xf32, #tpu.memory_space<hbm>> -> memref<50000x64xf32, #tpu.memory_space<hbm>>
        tpu.wait_indirect_dma semaphore(%arg17 : memref<!tpu.dma_semaphore, #tpu.memory_space<semaphore_mem>>) src(%dma_wait3A_243 : memref<50000x64xf32, #tpu.memory_space<hbm>>) dst(%arg13 : memref<128x64xf32, #tpu.memory_space<vmem>>)
        "tpu.region"() ({
          %run_scoped3A = tpu.sem_alloc : memref<!tpu.dma_semaphore, #tpu.memory_space<semaphore_mem>>
          %dma_start3A_244 = arith.constant 0 : i32
          %dma_start3A_245 = tpu.memref_slice %arg12[%scan3A_221, %dma_start3A_244] : memref<28x128xi32, #tpu.memory_space<vmem>> -> memref<1x128xi32, #tpu.memory_space<vmem>>
          %dma_start3A_246 = tpu.memref_squeeze %dma_start3A_245 : memref<1x128xi32, #tpu.memory_space<vmem>> -> memref<128xi32, #tpu.memory_space<vmem>>
          %dma_start3A_247 = arith.constant 0 : i32
          %dma_start3A_248 = arith.constant 0 : i32
          %dma_start3A_249 = tpu.memref_slice %arg9[%dma_start3A_247, %dma_start3A_248] : memref<25088x64xf32, #tpu.memory_space<vmem_shared>> -> memref<25088x64xf32, #tpu.memory_space<vmem_shared>>
          tpu.enqueue_indirect_dma source(%arg13 : memref<128x64xf32, #tpu.memory_space<vmem>>) target(%dma_start3A_249 : memref<25088x64xf32, #tpu.memory_space<vmem_shared>>) offsets(%dma_start3A_246 : memref<128xi32, #tpu.memory_space<vmem>>) semaphore(%run_scoped3A : memref<!tpu.dma_semaphore, #tpu.memory_space<semaphore_mem>>) {add = true}
          %dma_wait3A_250 = arith.constant 0 : i32
          %dma_wait3A_251 = tpu.memref_slice %arg12[%scan3A_221, %dma_wait3A_250] : memref<28x128xi32, #tpu.memory_space<vmem>> -> memref<1x128xi32, #tpu.memory_space<vmem>>
          %dma_wait3A_252 = tpu.memref_squeeze %dma_wait3A_251 : memref<1x128xi32, #tpu.memory_space<vmem>> -> memref<128xi32, #tpu.memory_space<vmem>>
          %dma_wait3A_253 = arith.constant 0 : i32
          %dma_wait3A_254 = arith.constant 0 : i32
          %dma_wait3A_255 = tpu.memref_slice %arg9[%dma_wait3A_253, %dma_wait3A_254] : memref<25088x64xf32, #tpu.memory_space<vmem_shared>> -> memref<25088x64xf32, #tpu.memory_space<vmem_shared>>
          tpu.wait_indirect_dma semaphore(%run_scoped3A : memref<!tpu.dma_semaphore, #tpu.memory_space<semaphore_mem>>) src(%arg13 : memref<128x64xf32, #tpu.memory_space<vmem>>) dst(%dma_wait3A_255 : memref<25088x64xf32, #tpu.memory_space<vmem_shared>>)
          tpu.yield
        }) : () -> ()
        "tpu.region"() ({
          %run_scoped3A = tpu.sem_alloc : memref<!tpu.dma_semaphore, #tpu.memory_space<semaphore_mem>>
          %dma_start3A_244 = arith.constant 0 : i32
          %dma_start3A_245 = tpu.memref_slice %arg12[%scan3A_221, %dma_start3A_244] : memref<28x128xi32, #tpu.memory_space<vmem>> -> memref<1x128xi32, #tpu.memory_space<vmem>>
          %dma_start3A_246 = tpu.memref_squeeze %dma_start3A_245 : memref<1x128xi32, #tpu.memory_space<vmem>> -> memref<128xi32, #tpu.memory_space<vmem>>
          %dma_start3A_247 = arith.constant 0 : i32
          %dma_start3A_248 = tpu.memref_slice %arg10[%dma_start3A_247] : memref<25088xf32, #tpu.memory_space<vmem_shared>> -> memref<25088xf32, #tpu.memory_space<vmem_shared>>
          tpu.enqueue_indirect_dma source(%arg16 : memref<128xf32, #tpu.memory_space<vmem>>) target(%dma_start3A_248 : memref<25088xf32, #tpu.memory_space<vmem_shared>>) offsets(%dma_start3A_246 : memref<128xi32, #tpu.memory_space<vmem>>) semaphore(%run_scoped3A : memref<!tpu.dma_semaphore, #tpu.memory_space<semaphore_mem>>) {add = true}
          %dma_wait3A_249 = arith.constant 0 : i32
          %dma_wait3A_250 = tpu.memref_slice %arg12[%scan3A_221, %dma_wait3A_249] : memref<28x128xi32, #tpu.memory_space<vmem>> -> memref<1x128xi32, #tpu.memory_space<vmem>>
          %dma_wait3A_251 = tpu.memref_squeeze %dma_wait3A_250 : memref<1x128xi32, #tpu.memory_space<vmem>> -> memref<128xi32, #tpu.memory_space<vmem>>
          %dma_wait3A_252 = arith.constant 0 : i32
          %dma_wait3A_253 = tpu.memref_slice %arg10[%dma_wait3A_252] : memref<25088xf32, #tpu.memory_space<vmem_shared>> -> memref<25088xf32, #tpu.memory_space<vmem_shared>>
          tpu.wait_indirect_dma semaphore(%run_scoped3A : memref<!tpu.dma_semaphore, #tpu.memory_space<semaphore_mem>>) src(%arg16 : memref<128xf32, #tpu.memory_space<vmem>>) dst(%dma_wait3A_253 : memref<25088xf32, #tpu.memory_space<vmem_shared>>)
          tpu.yield
        }) : () -> ()
      } else {
      }
      %eq3A_228 = arith.constant 1 : i32
      %eq3A_229 = arith.cmpi eq, %arg0, %eq3A_228 : i32
      %convert_element_type3A_230 = arith.extui %eq3A_229 : i1 to i32
      %cond3A_231 = arith.constant 0 : i32
      %cond3A_232 = arith.cmpi ne, %convert_element_type3A_230, %cond3A_231 : i32
      scf.if %cond3A_232 {
        %dma_start3A = arith.constant 0 : i32
        %dma_start3A_234 = tpu.memref_slice %arg11[%scan3A_221, %dma_start3A] : memref<28x128xi32, #tpu.memory_space<vmem>> -> memref<1x128xi32, #tpu.memory_space<vmem>>
        %dma_start3A_235 = tpu.memref_squeeze %dma_start3A_234 : memref<1x128xi32, #tpu.memory_space<vmem>> -> memref<128xi32, #tpu.memory_space<vmem>>
        %dma_start3A_236 = arith.constant 0 : i32
        %dma_start3A_237 = arith.constant 0 : i32
        %dma_start3A_238 = tpu.memref_slice %arg3[%dma_start3A_236, %dma_start3A_237] : memref<50000x64xf32, #tpu.memory_space<hbm>> -> memref<50000x64xf32, #tpu.memory_space<hbm>>
        tpu.enqueue_indirect_dma source(%dma_start3A_238 : memref<50000x64xf32, #tpu.memory_space<hbm>>) target(%arg13 : memref<128x64xf32, #tpu.memory_space<vmem>>) offsets(%dma_start3A_235 : memref<128xi32, #tpu.memory_space<vmem>>) semaphore(%arg17 : memref<!tpu.dma_semaphore, #tpu.memory_space<semaphore_mem>>)
        %dma_wait3A = arith.constant 0 : i32
        %dma_wait3A_239 = tpu.memref_slice %arg11[%scan3A_221, %dma_wait3A] : memref<28x128xi32, #tpu.memory_space<vmem>> -> memref<1x128xi32, #tpu.memory_space<vmem>>
        %dma_wait3A_240 = tpu.memref_squeeze %dma_wait3A_239 : memref<1x128xi32, #tpu.memory_space<vmem>> -> memref<128xi32, #tpu.memory_space<vmem>>
        %dma_wait3A_241 = arith.constant 0 : i32
        %dma_wait3A_242 = arith.constant 0 : i32
        %dma_wait3A_243 = tpu.memref_slice %arg3[%dma_wait3A_241, %dma_wait3A_242] : memref<50000x64xf32, #tpu.memory_space<hbm>> -> memref<50000x64xf32, #tpu.memory_space<hbm>>
        tpu.wait_indirect_dma semaphore(%arg17 : memref<!tpu.dma_semaphore, #tpu.memory_space<semaphore_mem>>) src(%dma_wait3A_243 : memref<50000x64xf32, #tpu.memory_space<hbm>>) dst(%arg13 : memref<128x64xf32, #tpu.memory_space<vmem>>)
        "tpu.region"() ({
          %run_scoped3A = tpu.sem_alloc : memref<!tpu.dma_semaphore, #tpu.memory_space<semaphore_mem>>
          %dma_start3A_244 = arith.constant 0 : i32
          %dma_start3A_245 = tpu.memref_slice %arg12[%scan3A_221, %dma_start3A_244] : memref<28x128xi32, #tpu.memory_space<vmem>> -> memref<1x128xi32, #tpu.memory_space<vmem>>
          %dma_start3A_246 = tpu.memref_squeeze %dma_start3A_245 : memref<1x128xi32, #tpu.memory_space<vmem>> -> memref<128xi32, #tpu.memory_space<vmem>>
          %dma_start3A_247 = arith.constant 0 : i32
          %dma_start3A_248 = arith.constant 0 : i32
          %dma_start3A_249 = tpu.memref_slice %arg9[%dma_start3A_247, %dma_start3A_248] : memref<25088x64xf32, #tpu.memory_space<vmem_shared>> -> memref<25088x64xf32, #tpu.memory_space<vmem_shared>>
          tpu.enqueue_indirect_dma source(%arg13 : memref<128x64xf32, #tpu.memory_space<vmem>>) target(%dma_start3A_249 : memref<25088x64xf32, #tpu.memory_space<vmem_shared>>) offsets(%dma_start3A_246 : memref<128xi32, #tpu.memory_space<vmem>>) semaphore(%run_scoped3A : memref<!tpu.dma_semaphore, #tpu.memory_space<semaphore_mem>>) {add = true}
          %dma_wait3A_250 = arith.constant 0 : i32
          %dma_wait3A_251 = tpu.memref_slice %arg12[%scan3A_221, %dma_wait3A_250] : memref<28x128xi32, #tpu.memory_space<vmem>> -> memref<1x128xi32, #tpu.memory_space<vmem>>
          %dma_wait3A_252 = tpu.memref_squeeze %dma_wait3A_251 : memref<1x128xi32, #tpu.memory_space<vmem>> -> memref<128xi32, #tpu.memory_space<vmem>>
          %dma_wait3A_253 = arith.constant 0 : i32
          %dma_wait3A_254 = arith.constant 0 : i32
          %dma_wait3A_255 = tpu.memref_slice %arg9[%dma_wait3A_253, %dma_wait3A_254] : memref<25088x64xf32, #tpu.memory_space<vmem_shared>> -> memref<25088x64xf32, #tpu.memory_space<vmem_shared>>
          tpu.wait_indirect_dma semaphore(%run_scoped3A : memref<!tpu.dma_semaphore, #tpu.memory_space<semaphore_mem>>) src(%arg13 : memref<128x64xf32, #tpu.memory_space<vmem>>) dst(%dma_wait3A_255 : memref<25088x64xf32, #tpu.memory_space<vmem_shared>>)
          tpu.yield
        }) : () -> ()
      } else {
      }
      %scan3A_233 = arith.constant 0 : i32
      scf.yield %scan3A_233 : i32
    }
    %scan3A_99 = arith.constant 28 : i32
    %add3A_100 = arith.constant 112 : i32
    %add3A_101 = arith.addi %mul3A_55, %add3A_100 : i32
    "tpu.region"() ({
      %run_scoped3A = tpu.sem_alloc : memref<!tpu.dma_semaphore, #tpu.memory_space<semaphore_mem>>
      %dma_start3A = arith.constant 0 : i32
      %dma_start3A_221 = tpu.memref_slice %arg4[%add3A_101, %dma_start3A] : memref<6272x128xi32, #tpu.memory_space<hbm>> -> memref<28x128xi32, #tpu.memory_space<hbm>>
      %dma_start3A_222 = arith.constant 0 : i32
      %dma_start3A_223 = tpu.memref_slice %arg4[%add3A_101, %dma_start3A_222] : memref<6272x128xi32, #tpu.memory_space<hbm>> -> memref<28x128xi32, #tpu.memory_space<hbm>>
      tpu.enqueue_dma source(%dma_start3A_223 : memref<28x128xi32, #tpu.memory_space<hbm>>) target(%arg11 : memref<28x128xi32, #tpu.memory_space<vmem>>) target_semaphore(%run_scoped3A : memref<!tpu.dma_semaphore, #tpu.memory_space<semaphore_mem>>)
      %dma_wait3A = arith.constant 0 : i32
      %dma_wait3A_224 = tpu.memref_slice %arg4[%add3A_101, %dma_wait3A] : memref<6272x128xi32, #tpu.memory_space<hbm>> -> memref<28x128xi32, #tpu.memory_space<hbm>>
      %dma_wait3A_225 = arith.constant 0 : i32
      %dma_wait3A_226 = tpu.memref_slice %arg4[%add3A_101, %dma_wait3A_225] : memref<6272x128xi32, #tpu.memory_space<hbm>> -> memref<28x128xi32, #tpu.memory_space<hbm>>
      tpu.wait_dma2 semaphore(%run_scoped3A : memref<!tpu.dma_semaphore, #tpu.memory_space<semaphore_mem>>) src(%dma_wait3A_226 : memref<28x128xi32, #tpu.memory_space<hbm>>) dst(%arg11 : memref<28x128xi32, #tpu.memory_space<vmem>>)
      tpu.yield
    }) : () -> ()
    %add3A_102 = arith.constant 112 : i32
    %add3A_103 = arith.addi %mul3A_55, %add3A_102 : i32
    "tpu.region"() ({
      %run_scoped3A = tpu.sem_alloc : memref<!tpu.dma_semaphore, #tpu.memory_space<semaphore_mem>>
      %dma_start3A = arith.constant 0 : i32
      %dma_start3A_221 = tpu.memref_slice %arg5[%add3A_103, %dma_start3A] : memref<6272x128xi32, #tpu.memory_space<hbm>> -> memref<28x128xi32, #tpu.memory_space<hbm>>
      %dma_start3A_222 = arith.constant 0 : i32
      %dma_start3A_223 = tpu.memref_slice %arg5[%add3A_103, %dma_start3A_222] : memref<6272x128xi32, #tpu.memory_space<hbm>> -> memref<28x128xi32, #tpu.memory_space<hbm>>
      tpu.enqueue_dma source(%dma_start3A_223 : memref<28x128xi32, #tpu.memory_space<hbm>>) target(%arg12 : memref<28x128xi32, #tpu.memory_space<vmem>>) target_semaphore(%run_scoped3A : memref<!tpu.dma_semaphore, #tpu.memory_space<semaphore_mem>>)
      %dma_wait3A = arith.constant 0 : i32
      %dma_wait3A_224 = tpu.memref_slice %arg5[%add3A_103, %dma_wait3A] : memref<6272x128xi32, #tpu.memory_space<hbm>> -> memref<28x128xi32, #tpu.memory_space<hbm>>
      %dma_wait3A_225 = arith.constant 0 : i32
      %dma_wait3A_226 = tpu.memref_slice %arg5[%add3A_103, %dma_wait3A_225] : memref<6272x128xi32, #tpu.memory_space<hbm>> -> memref<28x128xi32, #tpu.memory_space<hbm>>
      tpu.wait_dma2 semaphore(%run_scoped3A : memref<!tpu.dma_semaphore, #tpu.memory_space<semaphore_mem>>) src(%dma_wait3A_226 : memref<28x128xi32, #tpu.memory_space<hbm>>) dst(%arg12 : memref<28x128xi32, #tpu.memory_space<vmem>>)
      tpu.yield
    }) : () -> ()
    %scan3A_104 = arith.constant 0 : i32
    %scan3A_105 = arith.constant 0 : i32
    %scan3A_106 = arith.constant 28 : i32
    %scan3A_107 = arith.addi %scan3A_105, %scan3A_106 : i32
    %scan3A_108 = arith.constant 1 : i32
    %scan3A_109 = scf.for %scan3A_221 = %scan3A_105 to %scan3A_107 step %scan3A_108 iter_args(%scan3A_222 = %scan3A_104) -> (i32)  : i32 {
      %eq3A_223 = arith.constant 0 : i32
      %eq3A_224 = arith.cmpi eq, %arg0, %eq3A_223 : i32
      %convert_element_type3A_225 = arith.extui %eq3A_224 : i1 to i32
      %cond3A_226 = arith.constant 0 : i32
      %cond3A_227 = arith.cmpi ne, %convert_element_type3A_225, %cond3A_226 : i32
      scf.if %cond3A_227 {
        %dma_start3A = arith.constant 0 : i32
        %dma_start3A_234 = tpu.memref_slice %arg11[%scan3A_221, %dma_start3A] : memref<28x128xi32, #tpu.memory_space<vmem>> -> memref<1x128xi32, #tpu.memory_space<vmem>>
        %dma_start3A_235 = tpu.memref_squeeze %dma_start3A_234 : memref<1x128xi32, #tpu.memory_space<vmem>> -> memref<128xi32, #tpu.memory_space<vmem>>
        %dma_start3A_236 = arith.constant 0 : i32
        %dma_start3A_237 = arith.constant 0 : i32
        %dma_start3A_238 = tpu.memref_slice %arg2[%dma_start3A_236, %dma_start3A_237] : memref<50000x64xf32, #tpu.memory_space<hbm>> -> memref<50000x64xf32, #tpu.memory_space<hbm>>
        tpu.enqueue_indirect_dma source(%dma_start3A_238 : memref<50000x64xf32, #tpu.memory_space<hbm>>) target(%arg13 : memref<128x64xf32, #tpu.memory_space<vmem>>) offsets(%dma_start3A_235 : memref<128xi32, #tpu.memory_space<vmem>>) semaphore(%arg17 : memref<!tpu.dma_semaphore, #tpu.memory_space<semaphore_mem>>)
        %dma_wait3A = arith.constant 0 : i32
        %dma_wait3A_239 = tpu.memref_slice %arg11[%scan3A_221, %dma_wait3A] : memref<28x128xi32, #tpu.memory_space<vmem>> -> memref<1x128xi32, #tpu.memory_space<vmem>>
        %dma_wait3A_240 = tpu.memref_squeeze %dma_wait3A_239 : memref<1x128xi32, #tpu.memory_space<vmem>> -> memref<128xi32, #tpu.memory_space<vmem>>
        %dma_wait3A_241 = arith.constant 0 : i32
        %dma_wait3A_242 = arith.constant 0 : i32
        %dma_wait3A_243 = tpu.memref_slice %arg2[%dma_wait3A_241, %dma_wait3A_242] : memref<50000x64xf32, #tpu.memory_space<hbm>> -> memref<50000x64xf32, #tpu.memory_space<hbm>>
        tpu.wait_indirect_dma semaphore(%arg17 : memref<!tpu.dma_semaphore, #tpu.memory_space<semaphore_mem>>) src(%dma_wait3A_243 : memref<50000x64xf32, #tpu.memory_space<hbm>>) dst(%arg13 : memref<128x64xf32, #tpu.memory_space<vmem>>)
        "tpu.region"() ({
          %run_scoped3A = tpu.sem_alloc : memref<!tpu.dma_semaphore, #tpu.memory_space<semaphore_mem>>
          %dma_start3A_244 = arith.constant 0 : i32
          %dma_start3A_245 = tpu.memref_slice %arg12[%scan3A_221, %dma_start3A_244] : memref<28x128xi32, #tpu.memory_space<vmem>> -> memref<1x128xi32, #tpu.memory_space<vmem>>
          %dma_start3A_246 = tpu.memref_squeeze %dma_start3A_245 : memref<1x128xi32, #tpu.memory_space<vmem>> -> memref<128xi32, #tpu.memory_space<vmem>>
          %dma_start3A_247 = arith.constant 0 : i32
          %dma_start3A_248 = arith.constant 0 : i32
          %dma_start3A_249 = tpu.memref_slice %arg9[%dma_start3A_247, %dma_start3A_248] : memref<25088x64xf32, #tpu.memory_space<vmem_shared>> -> memref<25088x64xf32, #tpu.memory_space<vmem_shared>>
          tpu.enqueue_indirect_dma source(%arg13 : memref<128x64xf32, #tpu.memory_space<vmem>>) target(%dma_start3A_249 : memref<25088x64xf32, #tpu.memory_space<vmem_shared>>) offsets(%dma_start3A_246 : memref<128xi32, #tpu.memory_space<vmem>>) semaphore(%run_scoped3A : memref<!tpu.dma_semaphore, #tpu.memory_space<semaphore_mem>>) {add = true}
          %dma_wait3A_250 = arith.constant 0 : i32
          %dma_wait3A_251 = tpu.memref_slice %arg12[%scan3A_221, %dma_wait3A_250] : memref<28x128xi32, #tpu.memory_space<vmem>> -> memref<1x128xi32, #tpu.memory_space<vmem>>
          %dma_wait3A_252 = tpu.memref_squeeze %dma_wait3A_251 : memref<1x128xi32, #tpu.memory_space<vmem>> -> memref<128xi32, #tpu.memory_space<vmem>>
          %dma_wait3A_253 = arith.constant 0 : i32
          %dma_wait3A_254 = arith.constant 0 : i32
          %dma_wait3A_255 = tpu.memref_slice %arg9[%dma_wait3A_253, %dma_wait3A_254] : memref<25088x64xf32, #tpu.memory_space<vmem_shared>> -> memref<25088x64xf32, #tpu.memory_space<vmem_shared>>
          tpu.wait_indirect_dma semaphore(%run_scoped3A : memref<!tpu.dma_semaphore, #tpu.memory_space<semaphore_mem>>) src(%arg13 : memref<128x64xf32, #tpu.memory_space<vmem>>) dst(%dma_wait3A_255 : memref<25088x64xf32, #tpu.memory_space<vmem_shared>>)
          tpu.yield
        }) : () -> ()
        "tpu.region"() ({
          %run_scoped3A = tpu.sem_alloc : memref<!tpu.dma_semaphore, #tpu.memory_space<semaphore_mem>>
          %dma_start3A_244 = arith.constant 0 : i32
          %dma_start3A_245 = tpu.memref_slice %arg12[%scan3A_221, %dma_start3A_244] : memref<28x128xi32, #tpu.memory_space<vmem>> -> memref<1x128xi32, #tpu.memory_space<vmem>>
          %dma_start3A_246 = tpu.memref_squeeze %dma_start3A_245 : memref<1x128xi32, #tpu.memory_space<vmem>> -> memref<128xi32, #tpu.memory_space<vmem>>
          %dma_start3A_247 = arith.constant 0 : i32
          %dma_start3A_248 = tpu.memref_slice %arg10[%dma_start3A_247] : memref<25088xf32, #tpu.memory_space<vmem_shared>> -> memref<25088xf32, #tpu.memory_space<vmem_shared>>
          tpu.enqueue_indirect_dma source(%arg16 : memref<128xf32, #tpu.memory_space<vmem>>) target(%dma_start3A_248 : memref<25088xf32, #tpu.memory_space<vmem_shared>>) offsets(%dma_start3A_246 : memref<128xi32, #tpu.memory_space<vmem>>) semaphore(%run_scoped3A : memref<!tpu.dma_semaphore, #tpu.memory_space<semaphore_mem>>) {add = true}
          %dma_wait3A_249 = arith.constant 0 : i32
          %dma_wait3A_250 = tpu.memref_slice %arg12[%scan3A_221, %dma_wait3A_249] : memref<28x128xi32, #tpu.memory_space<vmem>> -> memref<1x128xi32, #tpu.memory_space<vmem>>
          %dma_wait3A_251 = tpu.memref_squeeze %dma_wait3A_250 : memref<1x128xi32, #tpu.memory_space<vmem>> -> memref<128xi32, #tpu.memory_space<vmem>>
          %dma_wait3A_252 = arith.constant 0 : i32
          %dma_wait3A_253 = tpu.memref_slice %arg10[%dma_wait3A_252] : memref<25088xf32, #tpu.memory_space<vmem_shared>> -> memref<25088xf32, #tpu.memory_space<vmem_shared>>
          tpu.wait_indirect_dma semaphore(%run_scoped3A : memref<!tpu.dma_semaphore, #tpu.memory_space<semaphore_mem>>) src(%arg16 : memref<128xf32, #tpu.memory_space<vmem>>) dst(%dma_wait3A_253 : memref<25088xf32, #tpu.memory_space<vmem_shared>>)
          tpu.yield
        }) : () -> ()
      } else {
      }
      %eq3A_228 = arith.constant 1 : i32
      %eq3A_229 = arith.cmpi eq, %arg0, %eq3A_228 : i32
      %convert_element_type3A_230 = arith.extui %eq3A_229 : i1 to i32
      %cond3A_231 = arith.constant 0 : i32
      %cond3A_232 = arith.cmpi ne, %convert_element_type3A_230, %cond3A_231 : i32
      scf.if %cond3A_232 {
        %dma_start3A = arith.constant 0 : i32
        %dma_start3A_234 = tpu.memref_slice %arg11[%scan3A_221, %dma_start3A] : memref<28x128xi32, #tpu.memory_space<vmem>> -> memref<1x128xi32, #tpu.memory_space<vmem>>
        %dma_start3A_235 = tpu.memref_squeeze %dma_start3A_234 : memref<1x128xi32, #tpu.memory_space<vmem>> -> memref<128xi32, #tpu.memory_space<vmem>>
        %dma_start3A_236 = arith.constant 0 : i32
        %dma_start3A_237 = arith.constant 0 : i32
        %dma_start3A_238 = tpu.memref_slice %arg3[%dma_start3A_236, %dma_start3A_237] : memref<50000x64xf32, #tpu.memory_space<hbm>> -> memref<50000x64xf32, #tpu.memory_space<hbm>>
        tpu.enqueue_indirect_dma source(%dma_start3A_238 : memref<50000x64xf32, #tpu.memory_space<hbm>>) target(%arg13 : memref<128x64xf32, #tpu.memory_space<vmem>>) offsets(%dma_start3A_235 : memref<128xi32, #tpu.memory_space<vmem>>) semaphore(%arg17 : memref<!tpu.dma_semaphore, #tpu.memory_space<semaphore_mem>>)
        %dma_wait3A = arith.constant 0 : i32
        %dma_wait3A_239 = tpu.memref_slice %arg11[%scan3A_221, %dma_wait3A] : memref<28x128xi32, #tpu.memory_space<vmem>> -> memref<1x128xi32, #tpu.memory_space<vmem>>
        %dma_wait3A_240 = tpu.memref_squeeze %dma_wait3A_239 : memref<1x128xi32, #tpu.memory_space<vmem>> -> memref<128xi32, #tpu.memory_space<vmem>>
        %dma_wait3A_241 = arith.constant 0 : i32
        %dma_wait3A_242 = arith.constant 0 : i32
        %dma_wait3A_243 = tpu.memref_slice %arg3[%dma_wait3A_241, %dma_wait3A_242] : memref<50000x64xf32, #tpu.memory_space<hbm>> -> memref<50000x64xf32, #tpu.memory_space<hbm>>
        tpu.wait_indirect_dma semaphore(%arg17 : memref<!tpu.dma_semaphore, #tpu.memory_space<semaphore_mem>>) src(%dma_wait3A_243 : memref<50000x64xf32, #tpu.memory_space<hbm>>) dst(%arg13 : memref<128x64xf32, #tpu.memory_space<vmem>>)
        "tpu.region"() ({
          %run_scoped3A = tpu.sem_alloc : memref<!tpu.dma_semaphore, #tpu.memory_space<semaphore_mem>>
          %dma_start3A_244 = arith.constant 0 : i32
          %dma_start3A_245 = tpu.memref_slice %arg12[%scan3A_221, %dma_start3A_244] : memref<28x128xi32, #tpu.memory_space<vmem>> -> memref<1x128xi32, #tpu.memory_space<vmem>>
          %dma_start3A_246 = tpu.memref_squeeze %dma_start3A_245 : memref<1x128xi32, #tpu.memory_space<vmem>> -> memref<128xi32, #tpu.memory_space<vmem>>
          %dma_start3A_247 = arith.constant 0 : i32
          %dma_start3A_248 = arith.constant 0 : i32
          %dma_start3A_249 = tpu.memref_slice %arg9[%dma_start3A_247, %dma_start3A_248] : memref<25088x64xf32, #tpu.memory_space<vmem_shared>> -> memref<25088x64xf32, #tpu.memory_space<vmem_shared>>
          tpu.enqueue_indirect_dma source(%arg13 : memref<128x64xf32, #tpu.memory_space<vmem>>) target(%dma_start3A_249 : memref<25088x64xf32, #tpu.memory_space<vmem_shared>>) offsets(%dma_start3A_246 : memref<128xi32, #tpu.memory_space<vmem>>) semaphore(%run_scoped3A : memref<!tpu.dma_semaphore, #tpu.memory_space<semaphore_mem>>) {add = true}
          %dma_wait3A_250 = arith.constant 0 : i32
          %dma_wait3A_251 = tpu.memref_slice %arg12[%scan3A_221, %dma_wait3A_250] : memref<28x128xi32, #tpu.memory_space<vmem>> -> memref<1x128xi32, #tpu.memory_space<vmem>>
          %dma_wait3A_252 = tpu.memref_squeeze %dma_wait3A_251 : memref<1x128xi32, #tpu.memory_space<vmem>> -> memref<128xi32, #tpu.memory_space<vmem>>
          %dma_wait3A_253 = arith.constant 0 : i32
          %dma_wait3A_254 = arith.constant 0 : i32
          %dma_wait3A_255 = tpu.memref_slice %arg9[%dma_wait3A_253, %dma_wait3A_254] : memref<25088x64xf32, #tpu.memory_space<vmem_shared>> -> memref<25088x64xf32, #tpu.memory_space<vmem_shared>>
          tpu.wait_indirect_dma semaphore(%run_scoped3A : memref<!tpu.dma_semaphore, #tpu.memory_space<semaphore_mem>>) src(%arg13 : memref<128x64xf32, #tpu.memory_space<vmem>>) dst(%dma_wait3A_255 : memref<25088x64xf32, #tpu.memory_space<vmem_shared>>)
          tpu.yield
        }) : () -> ()
      } else {
      }
      %scan3A_233 = arith.constant 0 : i32
      scf.yield %scan3A_233 : i32
    }
    %scan3A_110 = arith.constant 28 : i32
    %add3A_111 = arith.constant 140 : i32
    %add3A_112 = arith.addi %mul3A_55, %add3A_111 : i32
    "tpu.region"() ({
      %run_scoped3A = tpu.sem_alloc : memref<!tpu.dma_semaphore, #tpu.memory_space<semaphore_mem>>
      %dma_start3A = arith.constant 0 : i32
      %dma_start3A_221 = tpu.memref_slice %arg4[%add3A_112, %dma_start3A] : memref<6272x128xi32, #tpu.memory_space<hbm>> -> memref<28x128xi32, #tpu.memory_space<hbm>>
      %dma_start3A_222 = arith.constant 0 : i32
      %dma_start3A_223 = tpu.memref_slice %arg4[%add3A_112, %dma_start3A_222] : memref<6272x128xi32, #tpu.memory_space<hbm>> -> memref<28x128xi32, #tpu.memory_space<hbm>>
      tpu.enqueue_dma source(%dma_start3A_223 : memref<28x128xi32, #tpu.memory_space<hbm>>) target(%arg11 : memref<28x128xi32, #tpu.memory_space<vmem>>) target_semaphore(%run_scoped3A : memref<!tpu.dma_semaphore, #tpu.memory_space<semaphore_mem>>)
      %dma_wait3A = arith.constant 0 : i32
      %dma_wait3A_224 = tpu.memref_slice %arg4[%add3A_112, %dma_wait3A] : memref<6272x128xi32, #tpu.memory_space<hbm>> -> memref<28x128xi32, #tpu.memory_space<hbm>>
      %dma_wait3A_225 = arith.constant 0 : i32
      %dma_wait3A_226 = tpu.memref_slice %arg4[%add3A_112, %dma_wait3A_225] : memref<6272x128xi32, #tpu.memory_space<hbm>> -> memref<28x128xi32, #tpu.memory_space<hbm>>
      tpu.wait_dma2 semaphore(%run_scoped3A : memref<!tpu.dma_semaphore, #tpu.memory_space<semaphore_mem>>) src(%dma_wait3A_226 : memref<28x128xi32, #tpu.memory_space<hbm>>) dst(%arg11 : memref<28x128xi32, #tpu.memory_space<vmem>>)
      tpu.yield
    }) : () -> ()
    %add3A_113 = arith.constant 140 : i32
    %add3A_114 = arith.addi %mul3A_55, %add3A_113 : i32
    "tpu.region"() ({
      %run_scoped3A = tpu.sem_alloc : memref<!tpu.dma_semaphore, #tpu.memory_space<semaphore_mem>>
      %dma_start3A = arith.constant 0 : i32
      %dma_start3A_221 = tpu.memref_slice %arg5[%add3A_114, %dma_start3A] : memref<6272x128xi32, #tpu.memory_space<hbm>> -> memref<28x128xi32, #tpu.memory_space<hbm>>
      %dma_start3A_222 = arith.constant 0 : i32
      %dma_start3A_223 = tpu.memref_slice %arg5[%add3A_114, %dma_start3A_222] : memref<6272x128xi32, #tpu.memory_space<hbm>> -> memref<28x128xi32, #tpu.memory_space<hbm>>
      tpu.enqueue_dma source(%dma_start3A_223 : memref<28x128xi32, #tpu.memory_space<hbm>>) target(%arg12 : memref<28x128xi32, #tpu.memory_space<vmem>>) target_semaphore(%run_scoped3A : memref<!tpu.dma_semaphore, #tpu.memory_space<semaphore_mem>>)
      %dma_wait3A = arith.constant 0 : i32
      %dma_wait3A_224 = tpu.memref_slice %arg5[%add3A_114, %dma_wait3A] : memref<6272x128xi32, #tpu.memory_space<hbm>> -> memref<28x128xi32, #tpu.memory_space<hbm>>
      %dma_wait3A_225 = arith.constant 0 : i32
      %dma_wait3A_226 = tpu.memref_slice %arg5[%add3A_114, %dma_wait3A_225] : memref<6272x128xi32, #tpu.memory_space<hbm>> -> memref<28x128xi32, #tpu.memory_space<hbm>>
      tpu.wait_dma2 semaphore(%run_scoped3A : memref<!tpu.dma_semaphore, #tpu.memory_space<semaphore_mem>>) src(%dma_wait3A_226 : memref<28x128xi32, #tpu.memory_space<hbm>>) dst(%arg12 : memref<28x128xi32, #tpu.memory_space<vmem>>)
      tpu.yield
    }) : () -> ()
    %scan3A_115 = arith.constant 0 : i32
    %scan3A_116 = arith.constant 0 : i32
    %scan3A_117 = arith.constant 28 : i32
    %scan3A_118 = arith.addi %scan3A_116, %scan3A_117 : i32
    %scan3A_119 = arith.constant 1 : i32
    %scan3A_120 = scf.for %scan3A_221 = %scan3A_116 to %scan3A_118 step %scan3A_119 iter_args(%scan3A_222 = %scan3A_115) -> (i32)  : i32 {
      %eq3A_223 = arith.constant 0 : i32
      %eq3A_224 = arith.cmpi eq, %arg0, %eq3A_223 : i32
      %convert_element_type3A_225 = arith.extui %eq3A_224 : i1 to i32
      %cond3A_226 = arith.constant 0 : i32
      %cond3A_227 = arith.cmpi ne, %convert_element_type3A_225, %cond3A_226 : i32
      scf.if %cond3A_227 {
        %dma_start3A = arith.constant 0 : i32
        %dma_start3A_234 = tpu.memref_slice %arg11[%scan3A_221, %dma_start3A] : memref<28x128xi32, #tpu.memory_space<vmem>> -> memref<1x128xi32, #tpu.memory_space<vmem>>
        %dma_start3A_235 = tpu.memref_squeeze %dma_start3A_234 : memref<1x128xi32, #tpu.memory_space<vmem>> -> memref<128xi32, #tpu.memory_space<vmem>>
        %dma_start3A_236 = arith.constant 0 : i32
        %dma_start3A_237 = arith.constant 0 : i32
        %dma_start3A_238 = tpu.memref_slice %arg2[%dma_start3A_236, %dma_start3A_237] : memref<50000x64xf32, #tpu.memory_space<hbm>> -> memref<50000x64xf32, #tpu.memory_space<hbm>>
        tpu.enqueue_indirect_dma source(%dma_start3A_238 : memref<50000x64xf32, #tpu.memory_space<hbm>>) target(%arg13 : memref<128x64xf32, #tpu.memory_space<vmem>>) offsets(%dma_start3A_235 : memref<128xi32, #tpu.memory_space<vmem>>) semaphore(%arg17 : memref<!tpu.dma_semaphore, #tpu.memory_space<semaphore_mem>>)
        %dma_wait3A = arith.constant 0 : i32
        %dma_wait3A_239 = tpu.memref_slice %arg11[%scan3A_221, %dma_wait3A] : memref<28x128xi32, #tpu.memory_space<vmem>> -> memref<1x128xi32, #tpu.memory_space<vmem>>
        %dma_wait3A_240 = tpu.memref_squeeze %dma_wait3A_239 : memref<1x128xi32, #tpu.memory_space<vmem>> -> memref<128xi32, #tpu.memory_space<vmem>>
        %dma_wait3A_241 = arith.constant 0 : i32
        %dma_wait3A_242 = arith.constant 0 : i32
        %dma_wait3A_243 = tpu.memref_slice %arg2[%dma_wait3A_241, %dma_wait3A_242] : memref<50000x64xf32, #tpu.memory_space<hbm>> -> memref<50000x64xf32, #tpu.memory_space<hbm>>
        tpu.wait_indirect_dma semaphore(%arg17 : memref<!tpu.dma_semaphore, #tpu.memory_space<semaphore_mem>>) src(%dma_wait3A_243 : memref<50000x64xf32, #tpu.memory_space<hbm>>) dst(%arg13 : memref<128x64xf32, #tpu.memory_space<vmem>>)
        "tpu.region"() ({
          %run_scoped3A = tpu.sem_alloc : memref<!tpu.dma_semaphore, #tpu.memory_space<semaphore_mem>>
          %dma_start3A_244 = arith.constant 0 : i32
          %dma_start3A_245 = tpu.memref_slice %arg12[%scan3A_221, %dma_start3A_244] : memref<28x128xi32, #tpu.memory_space<vmem>> -> memref<1x128xi32, #tpu.memory_space<vmem>>
          %dma_start3A_246 = tpu.memref_squeeze %dma_start3A_245 : memref<1x128xi32, #tpu.memory_space<vmem>> -> memref<128xi32, #tpu.memory_space<vmem>>
          %dma_start3A_247 = arith.constant 0 : i32
          %dma_start3A_248 = arith.constant 0 : i32
          %dma_start3A_249 = tpu.memref_slice %arg9[%dma_start3A_247, %dma_start3A_248] : memref<25088x64xf32, #tpu.memory_space<vmem_shared>> -> memref<25088x64xf32, #tpu.memory_space<vmem_shared>>
          tpu.enqueue_indirect_dma source(%arg13 : memref<128x64xf32, #tpu.memory_space<vmem>>) target(%dma_start3A_249 : memref<25088x64xf32, #tpu.memory_space<vmem_shared>>) offsets(%dma_start3A_246 : memref<128xi32, #tpu.memory_space<vmem>>) semaphore(%run_scoped3A : memref<!tpu.dma_semaphore, #tpu.memory_space<semaphore_mem>>) {add = true}
          %dma_wait3A_250 = arith.constant 0 : i32
          %dma_wait3A_251 = tpu.memref_slice %arg12[%scan3A_221, %dma_wait3A_250] : memref<28x128xi32, #tpu.memory_space<vmem>> -> memref<1x128xi32, #tpu.memory_space<vmem>>
          %dma_wait3A_252 = tpu.memref_squeeze %dma_wait3A_251 : memref<1x128xi32, #tpu.memory_space<vmem>> -> memref<128xi32, #tpu.memory_space<vmem>>
          %dma_wait3A_253 = arith.constant 0 : i32
          %dma_wait3A_254 = arith.constant 0 : i32
          %dma_wait3A_255 = tpu.memref_slice %arg9[%dma_wait3A_253, %dma_wait3A_254] : memref<25088x64xf32, #tpu.memory_space<vmem_shared>> -> memref<25088x64xf32, #tpu.memory_space<vmem_shared>>
          tpu.wait_indirect_dma semaphore(%run_scoped3A : memref<!tpu.dma_semaphore, #tpu.memory_space<semaphore_mem>>) src(%arg13 : memref<128x64xf32, #tpu.memory_space<vmem>>) dst(%dma_wait3A_255 : memref<25088x64xf32, #tpu.memory_space<vmem_shared>>)
          tpu.yield
        }) : () -> ()
        "tpu.region"() ({
          %run_scoped3A = tpu.sem_alloc : memref<!tpu.dma_semaphore, #tpu.memory_space<semaphore_mem>>
          %dma_start3A_244 = arith.constant 0 : i32
          %dma_start3A_245 = tpu.memref_slice %arg12[%scan3A_221, %dma_start3A_244] : memref<28x128xi32, #tpu.memory_space<vmem>> -> memref<1x128xi32, #tpu.memory_space<vmem>>
          %dma_start3A_246 = tpu.memref_squeeze %dma_start3A_245 : memref<1x128xi32, #tpu.memory_space<vmem>> -> memref<128xi32, #tpu.memory_space<vmem>>
          %dma_start3A_247 = arith.constant 0 : i32
          %dma_start3A_248 = tpu.memref_slice %arg10[%dma_start3A_247] : memref<25088xf32, #tpu.memory_space<vmem_shared>> -> memref<25088xf32, #tpu.memory_space<vmem_shared>>
          tpu.enqueue_indirect_dma source(%arg16 : memref<128xf32, #tpu.memory_space<vmem>>) target(%dma_start3A_248 : memref<25088xf32, #tpu.memory_space<vmem_shared>>) offsets(%dma_start3A_246 : memref<128xi32, #tpu.memory_space<vmem>>) semaphore(%run_scoped3A : memref<!tpu.dma_semaphore, #tpu.memory_space<semaphore_mem>>) {add = true}
          %dma_wait3A_249 = arith.constant 0 : i32
          %dma_wait3A_250 = tpu.memref_slice %arg12[%scan3A_221, %dma_wait3A_249] : memref<28x128xi32, #tpu.memory_space<vmem>> -> memref<1x128xi32, #tpu.memory_space<vmem>>
          %dma_wait3A_251 = tpu.memref_squeeze %dma_wait3A_250 : memref<1x128xi32, #tpu.memory_space<vmem>> -> memref<128xi32, #tpu.memory_space<vmem>>
          %dma_wait3A_252 = arith.constant 0 : i32
          %dma_wait3A_253 = tpu.memref_slice %arg10[%dma_wait3A_252] : memref<25088xf32, #tpu.memory_space<vmem_shared>> -> memref<25088xf32, #tpu.memory_space<vmem_shared>>
          tpu.wait_indirect_dma semaphore(%run_scoped3A : memref<!tpu.dma_semaphore, #tpu.memory_space<semaphore_mem>>) src(%arg16 : memref<128xf32, #tpu.memory_space<vmem>>) dst(%dma_wait3A_253 : memref<25088xf32, #tpu.memory_space<vmem_shared>>)
          tpu.yield
        }) : () -> ()
      } else {
      }
      %eq3A_228 = arith.constant 1 : i32
      %eq3A_229 = arith.cmpi eq, %arg0, %eq3A_228 : i32
      %convert_element_type3A_230 = arith.extui %eq3A_229 : i1 to i32
      %cond3A_231 = arith.constant 0 : i32
      %cond3A_232 = arith.cmpi ne, %convert_element_type3A_230, %cond3A_231 : i32
      scf.if %cond3A_232 {
        %dma_start3A = arith.constant 0 : i32
        %dma_start3A_234 = tpu.memref_slice %arg11[%scan3A_221, %dma_start3A] : memref<28x128xi32, #tpu.memory_space<vmem>> -> memref<1x128xi32, #tpu.memory_space<vmem>>
        %dma_start3A_235 = tpu.memref_squeeze %dma_start3A_234 : memref<1x128xi32, #tpu.memory_space<vmem>> -> memref<128xi32, #tpu.memory_space<vmem>>
        %dma_start3A_236 = arith.constant 0 : i32
        %dma_start3A_237 = arith.constant 0 : i32
        %dma_start3A_238 = tpu.memref_slice %arg3[%dma_start3A_236, %dma_start3A_237] : memref<50000x64xf32, #tpu.memory_space<hbm>> -> memref<50000x64xf32, #tpu.memory_space<hbm>>
        tpu.enqueue_indirect_dma source(%dma_start3A_238 : memref<50000x64xf32, #tpu.memory_space<hbm>>) target(%arg13 : memref<128x64xf32, #tpu.memory_space<vmem>>) offsets(%dma_start3A_235 : memref<128xi32, #tpu.memory_space<vmem>>) semaphore(%arg17 : memref<!tpu.dma_semaphore, #tpu.memory_space<semaphore_mem>>)
        %dma_wait3A = arith.constant 0 : i32
        %dma_wait3A_239 = tpu.memref_slice %arg11[%scan3A_221, %dma_wait3A] : memref<28x128xi32, #tpu.memory_space<vmem>> -> memref<1x128xi32, #tpu.memory_space<vmem>>
        %dma_wait3A_240 = tpu.memref_squeeze %dma_wait3A_239 : memref<1x128xi32, #tpu.memory_space<vmem>> -> memref<128xi32, #tpu.memory_space<vmem>>
        %dma_wait3A_241 = arith.constant 0 : i32
        %dma_wait3A_242 = arith.constant 0 : i32
        %dma_wait3A_243 = tpu.memref_slice %arg3[%dma_wait3A_241, %dma_wait3A_242] : memref<50000x64xf32, #tpu.memory_space<hbm>> -> memref<50000x64xf32, #tpu.memory_space<hbm>>
        tpu.wait_indirect_dma semaphore(%arg17 : memref<!tpu.dma_semaphore, #tpu.memory_space<semaphore_mem>>) src(%dma_wait3A_243 : memref<50000x64xf32, #tpu.memory_space<hbm>>) dst(%arg13 : memref<128x64xf32, #tpu.memory_space<vmem>>)
        "tpu.region"() ({
          %run_scoped3A = tpu.sem_alloc : memref<!tpu.dma_semaphore, #tpu.memory_space<semaphore_mem>>
          %dma_start3A_244 = arith.constant 0 : i32
          %dma_start3A_245 = tpu.memref_slice %arg12[%scan3A_221, %dma_start3A_244] : memref<28x128xi32, #tpu.memory_space<vmem>> -> memref<1x128xi32, #tpu.memory_space<vmem>>
          %dma_start3A_246 = tpu.memref_squeeze %dma_start3A_245 : memref<1x128xi32, #tpu.memory_space<vmem>> -> memref<128xi32, #tpu.memory_space<vmem>>
          %dma_start3A_247 = arith.constant 0 : i32
          %dma_start3A_248 = arith.constant 0 : i32
          %dma_start3A_249 = tpu.memref_slice %arg9[%dma_start3A_247, %dma_start3A_248] : memref<25088x64xf32, #tpu.memory_space<vmem_shared>> -> memref<25088x64xf32, #tpu.memory_space<vmem_shared>>
          tpu.enqueue_indirect_dma source(%arg13 : memref<128x64xf32, #tpu.memory_space<vmem>>) target(%dma_start3A_249 : memref<25088x64xf32, #tpu.memory_space<vmem_shared>>) offsets(%dma_start3A_246 : memref<128xi32, #tpu.memory_space<vmem>>) semaphore(%run_scoped3A : memref<!tpu.dma_semaphore, #tpu.memory_space<semaphore_mem>>) {add = true}
          %dma_wait3A_250 = arith.constant 0 : i32
          %dma_wait3A_251 = tpu.memref_slice %arg12[%scan3A_221, %dma_wait3A_250] : memref<28x128xi32, #tpu.memory_space<vmem>> -> memref<1x128xi32, #tpu.memory_space<vmem>>
          %dma_wait3A_252 = tpu.memref_squeeze %dma_wait3A_251 : memref<1x128xi32, #tpu.memory_space<vmem>> -> memref<128xi32, #tpu.memory_space<vmem>>
          %dma_wait3A_253 = arith.constant 0 : i32
          %dma_wait3A_254 = arith.constant 0 : i32
          %dma_wait3A_255 = tpu.memref_slice %arg9[%dma_wait3A_253, %dma_wait3A_254] : memref<25088x64xf32, #tpu.memory_space<vmem_shared>> -> memref<25088x64xf32, #tpu.memory_space<vmem_shared>>
          tpu.wait_indirect_dma semaphore(%run_scoped3A : memref<!tpu.dma_semaphore, #tpu.memory_space<semaphore_mem>>) src(%arg13 : memref<128x64xf32, #tpu.memory_space<vmem>>) dst(%dma_wait3A_255 : memref<25088x64xf32, #tpu.memory_space<vmem_shared>>)
          tpu.yield
        }) : () -> ()
      } else {
      }
      %scan3A_233 = arith.constant 0 : i32
      scf.yield %scan3A_233 : i32
    }
    %scan3A_121 = arith.constant 28 : i32
    %add3A_122 = arith.constant 168 : i32
    %add3A_123 = arith.addi %mul3A_55, %add3A_122 : i32
    "tpu.region"() ({
      %run_scoped3A = tpu.sem_alloc : memref<!tpu.dma_semaphore, #tpu.memory_space<semaphore_mem>>
      %dma_start3A = arith.constant 0 : i32
      %dma_start3A_221 = tpu.memref_slice %arg4[%add3A_123, %dma_start3A] : memref<6272x128xi32, #tpu.memory_space<hbm>> -> memref<28x128xi32, #tpu.memory_space<hbm>>
      %dma_start3A_222 = arith.constant 0 : i32
      %dma_start3A_223 = tpu.memref_slice %arg4[%add3A_123, %dma_start3A_222] : memref<6272x128xi32, #tpu.memory_space<hbm>> -> memref<28x128xi32, #tpu.memory_space<hbm>>
      tpu.enqueue_dma source(%dma_start3A_223 : memref<28x128xi32, #tpu.memory_space<hbm>>) target(%arg11 : memref<28x128xi32, #tpu.memory_space<vmem>>) target_semaphore(%run_scoped3A : memref<!tpu.dma_semaphore, #tpu.memory_space<semaphore_mem>>)
      %dma_wait3A = arith.constant 0 : i32
      %dma_wait3A_224 = tpu.memref_slice %arg4[%add3A_123, %dma_wait3A] : memref<6272x128xi32, #tpu.memory_space<hbm>> -> memref<28x128xi32, #tpu.memory_space<hbm>>
      %dma_wait3A_225 = arith.constant 0 : i32
      %dma_wait3A_226 = tpu.memref_slice %arg4[%add3A_123, %dma_wait3A_225] : memref<6272x128xi32, #tpu.memory_space<hbm>> -> memref<28x128xi32, #tpu.memory_space<hbm>>
      tpu.wait_dma2 semaphore(%run_scoped3A : memref<!tpu.dma_semaphore, #tpu.memory_space<semaphore_mem>>) src(%dma_wait3A_226 : memref<28x128xi32, #tpu.memory_space<hbm>>) dst(%arg11 : memref<28x128xi32, #tpu.memory_space<vmem>>)
      tpu.yield
    }) : () -> ()
    %add3A_124 = arith.constant 168 : i32
    %add3A_125 = arith.addi %mul3A_55, %add3A_124 : i32
    "tpu.region"() ({
      %run_scoped3A = tpu.sem_alloc : memref<!tpu.dma_semaphore, #tpu.memory_space<semaphore_mem>>
      %dma_start3A = arith.constant 0 : i32
      %dma_start3A_221 = tpu.memref_slice %arg5[%add3A_125, %dma_start3A] : memref<6272x128xi32, #tpu.memory_space<hbm>> -> memref<28x128xi32, #tpu.memory_space<hbm>>
      %dma_start3A_222 = arith.constant 0 : i32
      %dma_start3A_223 = tpu.memref_slice %arg5[%add3A_125, %dma_start3A_222] : memref<6272x128xi32, #tpu.memory_space<hbm>> -> memref<28x128xi32, #tpu.memory_space<hbm>>
      tpu.enqueue_dma source(%dma_start3A_223 : memref<28x128xi32, #tpu.memory_space<hbm>>) target(%arg12 : memref<28x128xi32, #tpu.memory_space<vmem>>) target_semaphore(%run_scoped3A : memref<!tpu.dma_semaphore, #tpu.memory_space<semaphore_mem>>)
      %dma_wait3A = arith.constant 0 : i32
      %dma_wait3A_224 = tpu.memref_slice %arg5[%add3A_125, %dma_wait3A] : memref<6272x128xi32, #tpu.memory_space<hbm>> -> memref<28x128xi32, #tpu.memory_space<hbm>>
      %dma_wait3A_225 = arith.constant 0 : i32
      %dma_wait3A_226 = tpu.memref_slice %arg5[%add3A_125, %dma_wait3A_225] : memref<6272x128xi32, #tpu.memory_space<hbm>> -> memref<28x128xi32, #tpu.memory_space<hbm>>
      tpu.wait_dma2 semaphore(%run_scoped3A : memref<!tpu.dma_semaphore, #tpu.memory_space<semaphore_mem>>) src(%dma_wait3A_226 : memref<28x128xi32, #tpu.memory_space<hbm>>) dst(%arg12 : memref<28x128xi32, #tpu.memory_space<vmem>>)
      tpu.yield
    }) : () -> ()
    %scan3A_126 = arith.constant 0 : i32
    %scan3A_127 = arith.constant 0 : i32
    %scan3A_128 = arith.constant 28 : i32
    %scan3A_129 = arith.addi %scan3A_127, %scan3A_128 : i32
    %scan3A_130 = arith.constant 1 : i32
    %scan3A_131 = scf.for %scan3A_221 = %scan3A_127 to %scan3A_129 step %scan3A_130 iter_args(%scan3A_222 = %scan3A_126) -> (i32)  : i32 {
      %eq3A_223 = arith.constant 0 : i32
      %eq3A_224 = arith.cmpi eq, %arg0, %eq3A_223 : i32
      %convert_element_type3A_225 = arith.extui %eq3A_224 : i1 to i32
      %cond3A_226 = arith.constant 0 : i32
      %cond3A_227 = arith.cmpi ne, %convert_element_type3A_225, %cond3A_226 : i32
      scf.if %cond3A_227 {
        %dma_start3A = arith.constant 0 : i32
        %dma_start3A_234 = tpu.memref_slice %arg11[%scan3A_221, %dma_start3A] : memref<28x128xi32, #tpu.memory_space<vmem>> -> memref<1x128xi32, #tpu.memory_space<vmem>>
        %dma_start3A_235 = tpu.memref_squeeze %dma_start3A_234 : memref<1x128xi32, #tpu.memory_space<vmem>> -> memref<128xi32, #tpu.memory_space<vmem>>
        %dma_start3A_236 = arith.constant 0 : i32
        %dma_start3A_237 = arith.constant 0 : i32
        %dma_start3A_238 = tpu.memref_slice %arg2[%dma_start3A_236, %dma_start3A_237] : memref<50000x64xf32, #tpu.memory_space<hbm>> -> memref<50000x64xf32, #tpu.memory_space<hbm>>
        tpu.enqueue_indirect_dma source(%dma_start3A_238 : memref<50000x64xf32, #tpu.memory_space<hbm>>) target(%arg13 : memref<128x64xf32, #tpu.memory_space<vmem>>) offsets(%dma_start3A_235 : memref<128xi32, #tpu.memory_space<vmem>>) semaphore(%arg17 : memref<!tpu.dma_semaphore, #tpu.memory_space<semaphore_mem>>)
        %dma_wait3A = arith.constant 0 : i32
        %dma_wait3A_239 = tpu.memref_slice %arg11[%scan3A_221, %dma_wait3A] : memref<28x128xi32, #tpu.memory_space<vmem>> -> memref<1x128xi32, #tpu.memory_space<vmem>>
        %dma_wait3A_240 = tpu.memref_squeeze %dma_wait3A_239 : memref<1x128xi32, #tpu.memory_space<vmem>> -> memref<128xi32, #tpu.memory_space<vmem>>
        %dma_wait3A_241 = arith.constant 0 : i32
        %dma_wait3A_242 = arith.constant 0 : i32
        %dma_wait3A_243 = tpu.memref_slice %arg2[%dma_wait3A_241, %dma_wait3A_242] : memref<50000x64xf32, #tpu.memory_space<hbm>> -> memref<50000x64xf32, #tpu.memory_space<hbm>>
        tpu.wait_indirect_dma semaphore(%arg17 : memref<!tpu.dma_semaphore, #tpu.memory_space<semaphore_mem>>) src(%dma_wait3A_243 : memref<50000x64xf32, #tpu.memory_space<hbm>>) dst(%arg13 : memref<128x64xf32, #tpu.memory_space<vmem>>)
        "tpu.region"() ({
          %run_scoped3A = tpu.sem_alloc : memref<!tpu.dma_semaphore, #tpu.memory_space<semaphore_mem>>
          %dma_start3A_244 = arith.constant 0 : i32
          %dma_start3A_245 = tpu.memref_slice %arg12[%scan3A_221, %dma_start3A_244] : memref<28x128xi32, #tpu.memory_space<vmem>> -> memref<1x128xi32, #tpu.memory_space<vmem>>
          %dma_start3A_246 = tpu.memref_squeeze %dma_start3A_245 : memref<1x128xi32, #tpu.memory_space<vmem>> -> memref<128xi32, #tpu.memory_space<vmem>>
          %dma_start3A_247 = arith.constant 0 : i32
          %dma_start3A_248 = arith.constant 0 : i32
          %dma_start3A_249 = tpu.memref_slice %arg9[%dma_start3A_247, %dma_start3A_248] : memref<25088x64xf32, #tpu.memory_space<vmem_shared>> -> memref<25088x64xf32, #tpu.memory_space<vmem_shared>>
          tpu.enqueue_indirect_dma source(%arg13 : memref<128x64xf32, #tpu.memory_space<vmem>>) target(%dma_start3A_249 : memref<25088x64xf32, #tpu.memory_space<vmem_shared>>) offsets(%dma_start3A_246 : memref<128xi32, #tpu.memory_space<vmem>>) semaphore(%run_scoped3A : memref<!tpu.dma_semaphore, #tpu.memory_space<semaphore_mem>>) {add = true}
          %dma_wait3A_250 = arith.constant 0 : i32
          %dma_wait3A_251 = tpu.memref_slice %arg12[%scan3A_221, %dma_wait3A_250] : memref<28x128xi32, #tpu.memory_space<vmem>> -> memref<1x128xi32, #tpu.memory_space<vmem>>
          %dma_wait3A_252 = tpu.memref_squeeze %dma_wait3A_251 : memref<1x128xi32, #tpu.memory_space<vmem>> -> memref<128xi32, #tpu.memory_space<vmem>>
          %dma_wait3A_253 = arith.constant 0 : i32
          %dma_wait3A_254 = arith.constant 0 : i32
          %dma_wait3A_255 = tpu.memref_slice %arg9[%dma_wait3A_253, %dma_wait3A_254] : memref<25088x64xf32, #tpu.memory_space<vmem_shared>> -> memref<25088x64xf32, #tpu.memory_space<vmem_shared>>
          tpu.wait_indirect_dma semaphore(%run_scoped3A : memref<!tpu.dma_semaphore, #tpu.memory_space<semaphore_mem>>) src(%arg13 : memref<128x64xf32, #tpu.memory_space<vmem>>) dst(%dma_wait3A_255 : memref<25088x64xf32, #tpu.memory_space<vmem_shared>>)
          tpu.yield
        }) : () -> ()
        "tpu.region"() ({
          %run_scoped3A = tpu.sem_alloc : memref<!tpu.dma_semaphore, #tpu.memory_space<semaphore_mem>>
          %dma_start3A_244 = arith.constant 0 : i32
          %dma_start3A_245 = tpu.memref_slice %arg12[%scan3A_221, %dma_start3A_244] : memref<28x128xi32, #tpu.memory_space<vmem>> -> memref<1x128xi32, #tpu.memory_space<vmem>>
          %dma_start3A_246 = tpu.memref_squeeze %dma_start3A_245 : memref<1x128xi32, #tpu.memory_space<vmem>> -> memref<128xi32, #tpu.memory_space<vmem>>
          %dma_start3A_247 = arith.constant 0 : i32
          %dma_start3A_248 = tpu.memref_slice %arg10[%dma_start3A_247] : memref<25088xf32, #tpu.memory_space<vmem_shared>> -> memref<25088xf32, #tpu.memory_space<vmem_shared>>
          tpu.enqueue_indirect_dma source(%arg16 : memref<128xf32, #tpu.memory_space<vmem>>) target(%dma_start3A_248 : memref<25088xf32, #tpu.memory_space<vmem_shared>>) offsets(%dma_start3A_246 : memref<128xi32, #tpu.memory_space<vmem>>) semaphore(%run_scoped3A : memref<!tpu.dma_semaphore, #tpu.memory_space<semaphore_mem>>) {add = true}
          %dma_wait3A_249 = arith.constant 0 : i32
          %dma_wait3A_250 = tpu.memref_slice %arg12[%scan3A_221, %dma_wait3A_249] : memref<28x128xi32, #tpu.memory_space<vmem>> -> memref<1x128xi32, #tpu.memory_space<vmem>>
          %dma_wait3A_251 = tpu.memref_squeeze %dma_wait3A_250 : memref<1x128xi32, #tpu.memory_space<vmem>> -> memref<128xi32, #tpu.memory_space<vmem>>
          %dma_wait3A_252 = arith.constant 0 : i32
          %dma_wait3A_253 = tpu.memref_slice %arg10[%dma_wait3A_252] : memref<25088xf32, #tpu.memory_space<vmem_shared>> -> memref<25088xf32, #tpu.memory_space<vmem_shared>>
          tpu.wait_indirect_dma semaphore(%run_scoped3A : memref<!tpu.dma_semaphore, #tpu.memory_space<semaphore_mem>>) src(%arg16 : memref<128xf32, #tpu.memory_space<vmem>>) dst(%dma_wait3A_253 : memref<25088xf32, #tpu.memory_space<vmem_shared>>)
          tpu.yield
        }) : () -> ()
      } else {
      }
      %eq3A_228 = arith.constant 1 : i32
      %eq3A_229 = arith.cmpi eq, %arg0, %eq3A_228 : i32
      %convert_element_type3A_230 = arith.extui %eq3A_229 : i1 to i32
      %cond3A_231 = arith.constant 0 : i32
      %cond3A_232 = arith.cmpi ne, %convert_element_type3A_230, %cond3A_231 : i32
      scf.if %cond3A_232 {
        %dma_start3A = arith.constant 0 : i32
        %dma_start3A_234 = tpu.memref_slice %arg11[%scan3A_221, %dma_start3A] : memref<28x128xi32, #tpu.memory_space<vmem>> -> memref<1x128xi32, #tpu.memory_space<vmem>>
        %dma_start3A_235 = tpu.memref_squeeze %dma_start3A_234 : memref<1x128xi32, #tpu.memory_space<vmem>> -> memref<128xi32, #tpu.memory_space<vmem>>
        %dma_start3A_236 = arith.constant 0 : i32
        %dma_start3A_237 = arith.constant 0 : i32
        %dma_start3A_238 = tpu.memref_slice %arg3[%dma_start3A_236, %dma_start3A_237] : memref<50000x64xf32, #tpu.memory_space<hbm>> -> memref<50000x64xf32, #tpu.memory_space<hbm>>
        tpu.enqueue_indirect_dma source(%dma_start3A_238 : memref<50000x64xf32, #tpu.memory_space<hbm>>) target(%arg13 : memref<128x64xf32, #tpu.memory_space<vmem>>) offsets(%dma_start3A_235 : memref<128xi32, #tpu.memory_space<vmem>>) semaphore(%arg17 : memref<!tpu.dma_semaphore, #tpu.memory_space<semaphore_mem>>)
        %dma_wait3A = arith.constant 0 : i32
        %dma_wait3A_239 = tpu.memref_slice %arg11[%scan3A_221, %dma_wait3A] : memref<28x128xi32, #tpu.memory_space<vmem>> -> memref<1x128xi32, #tpu.memory_space<vmem>>
        %dma_wait3A_240 = tpu.memref_squeeze %dma_wait3A_239 : memref<1x128xi32, #tpu.memory_space<vmem>> -> memref<128xi32, #tpu.memory_space<vmem>>
        %dma_wait3A_241 = arith.constant 0 : i32
        %dma_wait3A_242 = arith.constant 0 : i32
        %dma_wait3A_243 = tpu.memref_slice %arg3[%dma_wait3A_241, %dma_wait3A_242] : memref<50000x64xf32, #tpu.memory_space<hbm>> -> memref<50000x64xf32, #tpu.memory_space<hbm>>
        tpu.wait_indirect_dma semaphore(%arg17 : memref<!tpu.dma_semaphore, #tpu.memory_space<semaphore_mem>>) src(%dma_wait3A_243 : memref<50000x64xf32, #tpu.memory_space<hbm>>) dst(%arg13 : memref<128x64xf32, #tpu.memory_space<vmem>>)
        "tpu.region"() ({
          %run_scoped3A = tpu.sem_alloc : memref<!tpu.dma_semaphore, #tpu.memory_space<semaphore_mem>>
          %dma_start3A_244 = arith.constant 0 : i32
          %dma_start3A_245 = tpu.memref_slice %arg12[%scan3A_221, %dma_start3A_244] : memref<28x128xi32, #tpu.memory_space<vmem>> -> memref<1x128xi32, #tpu.memory_space<vmem>>
          %dma_start3A_246 = tpu.memref_squeeze %dma_start3A_245 : memref<1x128xi32, #tpu.memory_space<vmem>> -> memref<128xi32, #tpu.memory_space<vmem>>
          %dma_start3A_247 = arith.constant 0 : i32
          %dma_start3A_248 = arith.constant 0 : i32
          %dma_start3A_249 = tpu.memref_slice %arg9[%dma_start3A_247, %dma_start3A_248] : memref<25088x64xf32, #tpu.memory_space<vmem_shared>> -> memref<25088x64xf32, #tpu.memory_space<vmem_shared>>
          tpu.enqueue_indirect_dma source(%arg13 : memref<128x64xf32, #tpu.memory_space<vmem>>) target(%dma_start3A_249 : memref<25088x64xf32, #tpu.memory_space<vmem_shared>>) offsets(%dma_start3A_246 : memref<128xi32, #tpu.memory_space<vmem>>) semaphore(%run_scoped3A : memref<!tpu.dma_semaphore, #tpu.memory_space<semaphore_mem>>) {add = true}
          %dma_wait3A_250 = arith.constant 0 : i32
          %dma_wait3A_251 = tpu.memref_slice %arg12[%scan3A_221, %dma_wait3A_250] : memref<28x128xi32, #tpu.memory_space<vmem>> -> memref<1x128xi32, #tpu.memory_space<vmem>>
          %dma_wait3A_252 = tpu.memref_squeeze %dma_wait3A_251 : memref<1x128xi32, #tpu.memory_space<vmem>> -> memref<128xi32, #tpu.memory_space<vmem>>
          %dma_wait3A_253 = arith.constant 0 : i32
          %dma_wait3A_254 = arith.constant 0 : i32
          %dma_wait3A_255 = tpu.memref_slice %arg9[%dma_wait3A_253, %dma_wait3A_254] : memref<25088x64xf32, #tpu.memory_space<vmem_shared>> -> memref<25088x64xf32, #tpu.memory_space<vmem_shared>>
          tpu.wait_indirect_dma semaphore(%run_scoped3A : memref<!tpu.dma_semaphore, #tpu.memory_space<semaphore_mem>>) src(%arg13 : memref<128x64xf32, #tpu.memory_space<vmem>>) dst(%dma_wait3A_255 : memref<25088x64xf32, #tpu.memory_space<vmem_shared>>)
          tpu.yield
        }) : () -> ()
      } else {
      }
      %scan3A_233 = arith.constant 0 : i32
      scf.yield %scan3A_233 : i32
    }
    %scan3A_132 = arith.constant 28 : i32
    %add3A_133 = arith.constant 196 : i32
    %add3A_134 = arith.addi %mul3A_55, %add3A_133 : i32
    "tpu.region"() ({
      %run_scoped3A = tpu.sem_alloc : memref<!tpu.dma_semaphore, #tpu.memory_space<semaphore_mem>>
      %dma_start3A = arith.constant 0 : i32
      %dma_start3A_221 = tpu.memref_slice %arg4[%add3A_134, %dma_start3A] : memref<6272x128xi32, #tpu.memory_space<hbm>> -> memref<28x128xi32, #tpu.memory_space<hbm>>
      %dma_start3A_222 = arith.constant 0 : i32
      %dma_start3A_223 = tpu.memref_slice %arg4[%add3A_134, %dma_start3A_222] : memref<6272x128xi32, #tpu.memory_space<hbm>> -> memref<28x128xi32, #tpu.memory_space<hbm>>
      tpu.enqueue_dma source(%dma_start3A_223 : memref<28x128xi32, #tpu.memory_space<hbm>>) target(%arg11 : memref<28x128xi32, #tpu.memory_space<vmem>>) target_semaphore(%run_scoped3A : memref<!tpu.dma_semaphore, #tpu.memory_space<semaphore_mem>>)
      %dma_wait3A = arith.constant 0 : i32
      %dma_wait3A_224 = tpu.memref_slice %arg4[%add3A_134, %dma_wait3A] : memref<6272x128xi32, #tpu.memory_space<hbm>> -> memref<28x128xi32, #tpu.memory_space<hbm>>
      %dma_wait3A_225 = arith.constant 0 : i32
      %dma_wait3A_226 = tpu.memref_slice %arg4[%add3A_134, %dma_wait3A_225] : memref<6272x128xi32, #tpu.memory_space<hbm>> -> memref<28x128xi32, #tpu.memory_space<hbm>>
      tpu.wait_dma2 semaphore(%run_scoped3A : memref<!tpu.dma_semaphore, #tpu.memory_space<semaphore_mem>>) src(%dma_wait3A_226 : memref<28x128xi32, #tpu.memory_space<hbm>>) dst(%arg11 : memref<28x128xi32, #tpu.memory_space<vmem>>)
      tpu.yield
    }) : () -> ()
    %add3A_135 = arith.constant 196 : i32
    %add3A_136 = arith.addi %mul3A_55, %add3A_135 : i32
    "tpu.region"() ({
      %run_scoped3A = tpu.sem_alloc : memref<!tpu.dma_semaphore, #tpu.memory_space<semaphore_mem>>
      %dma_start3A = arith.constant 0 : i32
      %dma_start3A_221 = tpu.memref_slice %arg5[%add3A_136, %dma_start3A] : memref<6272x128xi32, #tpu.memory_space<hbm>> -> memref<28x128xi32, #tpu.memory_space<hbm>>
      %dma_start3A_222 = arith.constant 0 : i32
      %dma_start3A_223 = tpu.memref_slice %arg5[%add3A_136, %dma_start3A_222] : memref<6272x128xi32, #tpu.memory_space<hbm>> -> memref<28x128xi32, #tpu.memory_space<hbm>>
      tpu.enqueue_dma source(%dma_start3A_223 : memref<28x128xi32, #tpu.memory_space<hbm>>) target(%arg12 : memref<28x128xi32, #tpu.memory_space<vmem>>) target_semaphore(%run_scoped3A : memref<!tpu.dma_semaphore, #tpu.memory_space<semaphore_mem>>)
      %dma_wait3A = arith.constant 0 : i32
      %dma_wait3A_224 = tpu.memref_slice %arg5[%add3A_136, %dma_wait3A] : memref<6272x128xi32, #tpu.memory_space<hbm>> -> memref<28x128xi32, #tpu.memory_space<hbm>>
      %dma_wait3A_225 = arith.constant 0 : i32
      %dma_wait3A_226 = tpu.memref_slice %arg5[%add3A_136, %dma_wait3A_225] : memref<6272x128xi32, #tpu.memory_space<hbm>> -> memref<28x128xi32, #tpu.memory_space<hbm>>
      tpu.wait_dma2 semaphore(%run_scoped3A : memref<!tpu.dma_semaphore, #tpu.memory_space<semaphore_mem>>) src(%dma_wait3A_226 : memref<28x128xi32, #tpu.memory_space<hbm>>) dst(%arg12 : memref<28x128xi32, #tpu.memory_space<vmem>>)
      tpu.yield
    }) : () -> ()
    %scan3A_137 = arith.constant 0 : i32
    %scan3A_138 = arith.constant 0 : i32
    %scan3A_139 = arith.constant 28 : i32
    %scan3A_140 = arith.addi %scan3A_138, %scan3A_139 : i32
    %scan3A_141 = arith.constant 1 : i32
    %scan3A_142 = scf.for %scan3A_221 = %scan3A_138 to %scan3A_140 step %scan3A_141 iter_args(%scan3A_222 = %scan3A_137) -> (i32)  : i32 {
      %eq3A_223 = arith.constant 0 : i32
      %eq3A_224 = arith.cmpi eq, %arg0, %eq3A_223 : i32
      %convert_element_type3A_225 = arith.extui %eq3A_224 : i1 to i32
      %cond3A_226 = arith.constant 0 : i32
      %cond3A_227 = arith.cmpi ne, %convert_element_type3A_225, %cond3A_226 : i32
      scf.if %cond3A_227 {
        %dma_start3A = arith.constant 0 : i32
        %dma_start3A_234 = tpu.memref_slice %arg11[%scan3A_221, %dma_start3A] : memref<28x128xi32, #tpu.memory_space<vmem>> -> memref<1x128xi32, #tpu.memory_space<vmem>>
        %dma_start3A_235 = tpu.memref_squeeze %dma_start3A_234 : memref<1x128xi32, #tpu.memory_space<vmem>> -> memref<128xi32, #tpu.memory_space<vmem>>
        %dma_start3A_236 = arith.constant 0 : i32
        %dma_start3A_237 = arith.constant 0 : i32
        %dma_start3A_238 = tpu.memref_slice %arg2[%dma_start3A_236, %dma_start3A_237] : memref<50000x64xf32, #tpu.memory_space<hbm>> -> memref<50000x64xf32, #tpu.memory_space<hbm>>
        tpu.enqueue_indirect_dma source(%dma_start3A_238 : memref<50000x64xf32, #tpu.memory_space<hbm>>) target(%arg13 : memref<128x64xf32, #tpu.memory_space<vmem>>) offsets(%dma_start3A_235 : memref<128xi32, #tpu.memory_space<vmem>>) semaphore(%arg17 : memref<!tpu.dma_semaphore, #tpu.memory_space<semaphore_mem>>)
        %dma_wait3A = arith.constant 0 : i32
        %dma_wait3A_239 = tpu.memref_slice %arg11[%scan3A_221, %dma_wait3A] : memref<28x128xi32, #tpu.memory_space<vmem>> -> memref<1x128xi32, #tpu.memory_space<vmem>>
        %dma_wait3A_240 = tpu.memref_squeeze %dma_wait3A_239 : memref<1x128xi32, #tpu.memory_space<vmem>> -> memref<128xi32, #tpu.memory_space<vmem>>
        %dma_wait3A_241 = arith.constant 0 : i32
        %dma_wait3A_242 = arith.constant 0 : i32
        %dma_wait3A_243 = tpu.memref_slice %arg2[%dma_wait3A_241, %dma_wait3A_242] : memref<50000x64xf32, #tpu.memory_space<hbm>> -> memref<50000x64xf32, #tpu.memory_space<hbm>>
        tpu.wait_indirect_dma semaphore(%arg17 : memref<!tpu.dma_semaphore, #tpu.memory_space<semaphore_mem>>) src(%dma_wait3A_243 : memref<50000x64xf32, #tpu.memory_space<hbm>>) dst(%arg13 : memref<128x64xf32, #tpu.memory_space<vmem>>)
        "tpu.region"() ({
          %run_scoped3A = tpu.sem_alloc : memref<!tpu.dma_semaphore, #tpu.memory_space<semaphore_mem>>
          %dma_start3A_244 = arith.constant 0 : i32
          %dma_start3A_245 = tpu.memref_slice %arg12[%scan3A_221, %dma_start3A_244] : memref<28x128xi32, #tpu.memory_space<vmem>> -> memref<1x128xi32, #tpu.memory_space<vmem>>
          %dma_start3A_246 = tpu.memref_squeeze %dma_start3A_245 : memref<1x128xi32, #tpu.memory_space<vmem>> -> memref<128xi32, #tpu.memory_space<vmem>>
          %dma_start3A_247 = arith.constant 0 : i32
          %dma_start3A_248 = arith.constant 0 : i32
          %dma_start3A_249 = tpu.memref_slice %arg9[%dma_start3A_247, %dma_start3A_248] : memref<25088x64xf32, #tpu.memory_space<vmem_shared>> -> memref<25088x64xf32, #tpu.memory_space<vmem_shared>>
          tpu.enqueue_indirect_dma source(%arg13 : memref<128x64xf32, #tpu.memory_space<vmem>>) target(%dma_start3A_249 : memref<25088x64xf32, #tpu.memory_space<vmem_shared>>) offsets(%dma_start3A_246 : memref<128xi32, #tpu.memory_space<vmem>>) semaphore(%run_scoped3A : memref<!tpu.dma_semaphore, #tpu.memory_space<semaphore_mem>>) {add = true}
          %dma_wait3A_250 = arith.constant 0 : i32
          %dma_wait3A_251 = tpu.memref_slice %arg12[%scan3A_221, %dma_wait3A_250] : memref<28x128xi32, #tpu.memory_space<vmem>> -> memref<1x128xi32, #tpu.memory_space<vmem>>
          %dma_wait3A_252 = tpu.memref_squeeze %dma_wait3A_251 : memref<1x128xi32, #tpu.memory_space<vmem>> -> memref<128xi32, #tpu.memory_space<vmem>>
          %dma_wait3A_253 = arith.constant 0 : i32
          %dma_wait3A_254 = arith.constant 0 : i32
          %dma_wait3A_255 = tpu.memref_slice %arg9[%dma_wait3A_253, %dma_wait3A_254] : memref<25088x64xf32, #tpu.memory_space<vmem_shared>> -> memref<25088x64xf32, #tpu.memory_space<vmem_shared>>
          tpu.wait_indirect_dma semaphore(%run_scoped3A : memref<!tpu.dma_semaphore, #tpu.memory_space<semaphore_mem>>) src(%arg13 : memref<128x64xf32, #tpu.memory_space<vmem>>) dst(%dma_wait3A_255 : memref<25088x64xf32, #tpu.memory_space<vmem_shared>>)
          tpu.yield
        }) : () -> ()
        "tpu.region"() ({
          %run_scoped3A = tpu.sem_alloc : memref<!tpu.dma_semaphore, #tpu.memory_space<semaphore_mem>>
          %dma_start3A_244 = arith.constant 0 : i32
          %dma_start3A_245 = tpu.memref_slice %arg12[%scan3A_221, %dma_start3A_244] : memref<28x128xi32, #tpu.memory_space<vmem>> -> memref<1x128xi32, #tpu.memory_space<vmem>>
          %dma_start3A_246 = tpu.memref_squeeze %dma_start3A_245 : memref<1x128xi32, #tpu.memory_space<vmem>> -> memref<128xi32, #tpu.memory_space<vmem>>
          %dma_start3A_247 = arith.constant 0 : i32
          %dma_start3A_248 = tpu.memref_slice %arg10[%dma_start3A_247] : memref<25088xf32, #tpu.memory_space<vmem_shared>> -> memref<25088xf32, #tpu.memory_space<vmem_shared>>
          tpu.enqueue_indirect_dma source(%arg16 : memref<128xf32, #tpu.memory_space<vmem>>) target(%dma_start3A_248 : memref<25088xf32, #tpu.memory_space<vmem_shared>>) offsets(%dma_start3A_246 : memref<128xi32, #tpu.memory_space<vmem>>) semaphore(%run_scoped3A : memref<!tpu.dma_semaphore, #tpu.memory_space<semaphore_mem>>) {add = true}
          %dma_wait3A_249 = arith.constant 0 : i32
          %dma_wait3A_250 = tpu.memref_slice %arg12[%scan3A_221, %dma_wait3A_249] : memref<28x128xi32, #tpu.memory_space<vmem>> -> memref<1x128xi32, #tpu.memory_space<vmem>>
          %dma_wait3A_251 = tpu.memref_squeeze %dma_wait3A_250 : memref<1x128xi32, #tpu.memory_space<vmem>> -> memref<128xi32, #tpu.memory_space<vmem>>
          %dma_wait3A_252 = arith.constant 0 : i32
          %dma_wait3A_253 = tpu.memref_slice %arg10[%dma_wait3A_252] : memref<25088xf32, #tpu.memory_space<vmem_shared>> -> memref<25088xf32, #tpu.memory_space<vmem_shared>>
          tpu.wait_indirect_dma semaphore(%run_scoped3A : memref<!tpu.dma_semaphore, #tpu.memory_space<semaphore_mem>>) src(%arg16 : memref<128xf32, #tpu.memory_space<vmem>>) dst(%dma_wait3A_253 : memref<25088xf32, #tpu.memory_space<vmem_shared>>)
          tpu.yield
        }) : () -> ()
      } else {
      }
      %eq3A_228 = arith.constant 1 : i32
      %eq3A_229 = arith.cmpi eq, %arg0, %eq3A_228 : i32
      %convert_element_type3A_230 = arith.extui %eq3A_229 : i1 to i32
      %cond3A_231 = arith.constant 0 : i32
      %cond3A_232 = arith.cmpi ne, %convert_element_type3A_230, %cond3A_231 : i32
      scf.if %cond3A_232 {
        %dma_start3A = arith.constant 0 : i32
        %dma_start3A_234 = tpu.memref_slice %arg11[%scan3A_221, %dma_start3A] : memref<28x128xi32, #tpu.memory_space<vmem>> -> memref<1x128xi32, #tpu.memory_space<vmem>>
        %dma_start3A_235 = tpu.memref_squeeze %dma_start3A_234 : memref<1x128xi32, #tpu.memory_space<vmem>> -> memref<128xi32, #tpu.memory_space<vmem>>
        %dma_start3A_236 = arith.constant 0 : i32
        %dma_start3A_237 = arith.constant 0 : i32
        %dma_start3A_238 = tpu.memref_slice %arg3[%dma_start3A_236, %dma_start3A_237] : memref<50000x64xf32, #tpu.memory_space<hbm>> -> memref<50000x64xf32, #tpu.memory_space<hbm>>
        tpu.enqueue_indirect_dma source(%dma_start3A_238 : memref<50000x64xf32, #tpu.memory_space<hbm>>) target(%arg13 : memref<128x64xf32, #tpu.memory_space<vmem>>) offsets(%dma_start3A_235 : memref<128xi32, #tpu.memory_space<vmem>>) semaphore(%arg17 : memref<!tpu.dma_semaphore, #tpu.memory_space<semaphore_mem>>)
        %dma_wait3A = arith.constant 0 : i32
        %dma_wait3A_239 = tpu.memref_slice %arg11[%scan3A_221, %dma_wait3A] : memref<28x128xi32, #tpu.memory_space<vmem>> -> memref<1x128xi32, #tpu.memory_space<vmem>>
        %dma_wait3A_240 = tpu.memref_squeeze %dma_wait3A_239 : memref<1x128xi32, #tpu.memory_space<vmem>> -> memref<128xi32, #tpu.memory_space<vmem>>
        %dma_wait3A_241 = arith.constant 0 : i32
        %dma_wait3A_242 = arith.constant 0 : i32
        %dma_wait3A_243 = tpu.memref_slice %arg3[%dma_wait3A_241, %dma_wait3A_242] : memref<50000x64xf32, #tpu.memory_space<hbm>> -> memref<50000x64xf32, #tpu.memory_space<hbm>>
        tpu.wait_indirect_dma semaphore(%arg17 : memref<!tpu.dma_semaphore, #tpu.memory_space<semaphore_mem>>) src(%dma_wait3A_243 : memref<50000x64xf32, #tpu.memory_space<hbm>>) dst(%arg13 : memref<128x64xf32, #tpu.memory_space<vmem>>)
        "tpu.region"() ({
          %run_scoped3A = tpu.sem_alloc : memref<!tpu.dma_semaphore, #tpu.memory_space<semaphore_mem>>
          %dma_start3A_244 = arith.constant 0 : i32
          %dma_start3A_245 = tpu.memref_slice %arg12[%scan3A_221, %dma_start3A_244] : memref<28x128xi32, #tpu.memory_space<vmem>> -> memref<1x128xi32, #tpu.memory_space<vmem>>
          %dma_start3A_246 = tpu.memref_squeeze %dma_start3A_245 : memref<1x128xi32, #tpu.memory_space<vmem>> -> memref<128xi32, #tpu.memory_space<vmem>>
          %dma_start3A_247 = arith.constant 0 : i32
          %dma_start3A_248 = arith.constant 0 : i32
          %dma_start3A_249 = tpu.memref_slice %arg9[%dma_start3A_247, %dma_start3A_248] : memref<25088x64xf32, #tpu.memory_space<vmem_shared>> -> memref<25088x64xf32, #tpu.memory_space<vmem_shared>>
          tpu.enqueue_indirect_dma source(%arg13 : memref<128x64xf32, #tpu.memory_space<vmem>>) target(%dma_start3A_249 : memref<25088x64xf32, #tpu.memory_space<vmem_shared>>) offsets(%dma_start3A_246 : memref<128xi32, #tpu.memory_space<vmem>>) semaphore(%run_scoped3A : memref<!tpu.dma_semaphore, #tpu.memory_space<semaphore_mem>>) {add = true}
          %dma_wait3A_250 = arith.constant 0 : i32
          %dma_wait3A_251 = tpu.memref_slice %arg12[%scan3A_221, %dma_wait3A_250] : memref<28x128xi32, #tpu.memory_space<vmem>> -> memref<1x128xi32, #tpu.memory_space<vmem>>
          %dma_wait3A_252 = tpu.memref_squeeze %dma_wait3A_251 : memref<1x128xi32, #tpu.memory_space<vmem>> -> memref<128xi32, #tpu.memory_space<vmem>>
          %dma_wait3A_253 = arith.constant 0 : i32
          %dma_wait3A_254 = arith.constant 0 : i32
          %dma_wait3A_255 = tpu.memref_slice %arg9[%dma_wait3A_253, %dma_wait3A_254] : memref<25088x64xf32, #tpu.memory_space<vmem_shared>> -> memref<25088x64xf32, #tpu.memory_space<vmem_shared>>
          tpu.wait_indirect_dma semaphore(%run_scoped3A : memref<!tpu.dma_semaphore, #tpu.memory_space<semaphore_mem>>) src(%arg13 : memref<128x64xf32, #tpu.memory_space<vmem>>) dst(%dma_wait3A_255 : memref<25088x64xf32, #tpu.memory_space<vmem_shared>>)
          tpu.yield
        }) : () -> ()
      } else {
      }
      %scan3A_233 = arith.constant 0 : i32
      scf.yield %scan3A_233 : i32
    }
    %scan3A_143 = arith.constant 28 : i32
    %add3A_144 = arith.constant 224 : i32
    %add3A_145 = arith.addi %mul3A_55, %add3A_144 : i32
    "tpu.region"() ({
      %run_scoped3A = tpu.sem_alloc : memref<!tpu.dma_semaphore, #tpu.memory_space<semaphore_mem>>
      %dma_start3A = arith.constant 0 : i32
      %dma_start3A_221 = tpu.memref_slice %arg4[%add3A_145, %dma_start3A] : memref<6272x128xi32, #tpu.memory_space<hbm>> -> memref<28x128xi32, #tpu.memory_space<hbm>>
      %dma_start3A_222 = arith.constant 0 : i32
      %dma_start3A_223 = tpu.memref_slice %arg4[%add3A_145, %dma_start3A_222] : memref<6272x128xi32, #tpu.memory_space<hbm>> -> memref<28x128xi32, #tpu.memory_space<hbm>>
      tpu.enqueue_dma source(%dma_start3A_223 : memref<28x128xi32, #tpu.memory_space<hbm>>) target(%arg11 : memref<28x128xi32, #tpu.memory_space<vmem>>) target_semaphore(%run_scoped3A : memref<!tpu.dma_semaphore, #tpu.memory_space<semaphore_mem>>)
      %dma_wait3A = arith.constant 0 : i32
      %dma_wait3A_224 = tpu.memref_slice %arg4[%add3A_145, %dma_wait3A] : memref<6272x128xi32, #tpu.memory_space<hbm>> -> memref<28x128xi32, #tpu.memory_space<hbm>>
      %dma_wait3A_225 = arith.constant 0 : i32
      %dma_wait3A_226 = tpu.memref_slice %arg4[%add3A_145, %dma_wait3A_225] : memref<6272x128xi32, #tpu.memory_space<hbm>> -> memref<28x128xi32, #tpu.memory_space<hbm>>
      tpu.wait_dma2 semaphore(%run_scoped3A : memref<!tpu.dma_semaphore, #tpu.memory_space<semaphore_mem>>) src(%dma_wait3A_226 : memref<28x128xi32, #tpu.memory_space<hbm>>) dst(%arg11 : memref<28x128xi32, #tpu.memory_space<vmem>>)
      tpu.yield
    }) : () -> ()
    %add3A_146 = arith.constant 224 : i32
    %add3A_147 = arith.addi %mul3A_55, %add3A_146 : i32
    "tpu.region"() ({
      %run_scoped3A = tpu.sem_alloc : memref<!tpu.dma_semaphore, #tpu.memory_space<semaphore_mem>>
      %dma_start3A = arith.constant 0 : i32
      %dma_start3A_221 = tpu.memref_slice %arg5[%add3A_147, %dma_start3A] : memref<6272x128xi32, #tpu.memory_space<hbm>> -> memref<28x128xi32, #tpu.memory_space<hbm>>
      %dma_start3A_222 = arith.constant 0 : i32
      %dma_start3A_223 = tpu.memref_slice %arg5[%add3A_147, %dma_start3A_222] : memref<6272x128xi32, #tpu.memory_space<hbm>> -> memref<28x128xi32, #tpu.memory_space<hbm>>
      tpu.enqueue_dma source(%dma_start3A_223 : memref<28x128xi32, #tpu.memory_space<hbm>>) target(%arg12 : memref<28x128xi32, #tpu.memory_space<vmem>>) target_semaphore(%run_scoped3A : memref<!tpu.dma_semaphore, #tpu.memory_space<semaphore_mem>>)
      %dma_wait3A = arith.constant 0 : i32
      %dma_wait3A_224 = tpu.memref_slice %arg5[%add3A_147, %dma_wait3A] : memref<6272x128xi32, #tpu.memory_space<hbm>> -> memref<28x128xi32, #tpu.memory_space<hbm>>
      %dma_wait3A_225 = arith.constant 0 : i32
      %dma_wait3A_226 = tpu.memref_slice %arg5[%add3A_147, %dma_wait3A_225] : memref<6272x128xi32, #tpu.memory_space<hbm>> -> memref<28x128xi32, #tpu.memory_space<hbm>>
      tpu.wait_dma2 semaphore(%run_scoped3A : memref<!tpu.dma_semaphore, #tpu.memory_space<semaphore_mem>>) src(%dma_wait3A_226 : memref<28x128xi32, #tpu.memory_space<hbm>>) dst(%arg12 : memref<28x128xi32, #tpu.memory_space<vmem>>)
      tpu.yield
    }) : () -> ()
    %scan3A_148 = arith.constant 0 : i32
    %scan3A_149 = arith.constant 0 : i32
    %scan3A_150 = arith.constant 28 : i32
    %scan3A_151 = arith.addi %scan3A_149, %scan3A_150 : i32
    %scan3A_152 = arith.constant 1 : i32
    %scan3A_153 = scf.for %scan3A_221 = %scan3A_149 to %scan3A_151 step %scan3A_152 iter_args(%scan3A_222 = %scan3A_148) -> (i32)  : i32 {
      %eq3A_223 = arith.constant 0 : i32
      %eq3A_224 = arith.cmpi eq, %arg0, %eq3A_223 : i32
      %convert_element_type3A_225 = arith.extui %eq3A_224 : i1 to i32
      %cond3A_226 = arith.constant 0 : i32
      %cond3A_227 = arith.cmpi ne, %convert_element_type3A_225, %cond3A_226 : i32
      scf.if %cond3A_227 {
        %dma_start3A = arith.constant 0 : i32
        %dma_start3A_234 = tpu.memref_slice %arg11[%scan3A_221, %dma_start3A] : memref<28x128xi32, #tpu.memory_space<vmem>> -> memref<1x128xi32, #tpu.memory_space<vmem>>
        %dma_start3A_235 = tpu.memref_squeeze %dma_start3A_234 : memref<1x128xi32, #tpu.memory_space<vmem>> -> memref<128xi32, #tpu.memory_space<vmem>>
        %dma_start3A_236 = arith.constant 0 : i32
        %dma_start3A_237 = arith.constant 0 : i32
        %dma_start3A_238 = tpu.memref_slice %arg2[%dma_start3A_236, %dma_start3A_237] : memref<50000x64xf32, #tpu.memory_space<hbm>> -> memref<50000x64xf32, #tpu.memory_space<hbm>>
        tpu.enqueue_indirect_dma source(%dma_start3A_238 : memref<50000x64xf32, #tpu.memory_space<hbm>>) target(%arg13 : memref<128x64xf32, #tpu.memory_space<vmem>>) offsets(%dma_start3A_235 : memref<128xi32, #tpu.memory_space<vmem>>) semaphore(%arg17 : memref<!tpu.dma_semaphore, #tpu.memory_space<semaphore_mem>>)
        %dma_wait3A = arith.constant 0 : i32
        %dma_wait3A_239 = tpu.memref_slice %arg11[%scan3A_221, %dma_wait3A] : memref<28x128xi32, #tpu.memory_space<vmem>> -> memref<1x128xi32, #tpu.memory_space<vmem>>
        %dma_wait3A_240 = tpu.memref_squeeze %dma_wait3A_239 : memref<1x128xi32, #tpu.memory_space<vmem>> -> memref<128xi32, #tpu.memory_space<vmem>>
        %dma_wait3A_241 = arith.constant 0 : i32
        %dma_wait3A_242 = arith.constant 0 : i32
        %dma_wait3A_243 = tpu.memref_slice %arg2[%dma_wait3A_241, %dma_wait3A_242] : memref<50000x64xf32, #tpu.memory_space<hbm>> -> memref<50000x64xf32, #tpu.memory_space<hbm>>
        tpu.wait_indirect_dma semaphore(%arg17 : memref<!tpu.dma_semaphore, #tpu.memory_space<semaphore_mem>>) src(%dma_wait3A_243 : memref<50000x64xf32, #tpu.memory_space<hbm>>) dst(%arg13 : memref<128x64xf32, #tpu.memory_space<vmem>>)
        "tpu.region"() ({
          %run_scoped3A = tpu.sem_alloc : memref<!tpu.dma_semaphore, #tpu.memory_space<semaphore_mem>>
          %dma_start3A_244 = arith.constant 0 : i32
          %dma_start3A_245 = tpu.memref_slice %arg12[%scan3A_221, %dma_start3A_244] : memref<28x128xi32, #tpu.memory_space<vmem>> -> memref<1x128xi32, #tpu.memory_space<vmem>>
          %dma_start3A_246 = tpu.memref_squeeze %dma_start3A_245 : memref<1x128xi32, #tpu.memory_space<vmem>> -> memref<128xi32, #tpu.memory_space<vmem>>
          %dma_start3A_247 = arith.constant 0 : i32
          %dma_start3A_248 = arith.constant 0 : i32
          %dma_start3A_249 = tpu.memref_slice %arg9[%dma_start3A_247, %dma_start3A_248] : memref<25088x64xf32, #tpu.memory_space<vmem_shared>> -> memref<25088x64xf32, #tpu.memory_space<vmem_shared>>
          tpu.enqueue_indirect_dma source(%arg13 : memref<128x64xf32, #tpu.memory_space<vmem>>) target(%dma_start3A_249 : memref<25088x64xf32, #tpu.memory_space<vmem_shared>>) offsets(%dma_start3A_246 : memref<128xi32, #tpu.memory_space<vmem>>) semaphore(%run_scoped3A : memref<!tpu.dma_semaphore, #tpu.memory_space<semaphore_mem>>) {add = true}
          %dma_wait3A_250 = arith.constant 0 : i32
          %dma_wait3A_251 = tpu.memref_slice %arg12[%scan3A_221, %dma_wait3A_250] : memref<28x128xi32, #tpu.memory_space<vmem>> -> memref<1x128xi32, #tpu.memory_space<vmem>>
          %dma_wait3A_252 = tpu.memref_squeeze %dma_wait3A_251 : memref<1x128xi32, #tpu.memory_space<vmem>> -> memref<128xi32, #tpu.memory_space<vmem>>
          %dma_wait3A_253 = arith.constant 0 : i32
          %dma_wait3A_254 = arith.constant 0 : i32
          %dma_wait3A_255 = tpu.memref_slice %arg9[%dma_wait3A_253, %dma_wait3A_254] : memref<25088x64xf32, #tpu.memory_space<vmem_shared>> -> memref<25088x64xf32, #tpu.memory_space<vmem_shared>>
          tpu.wait_indirect_dma semaphore(%run_scoped3A : memref<!tpu.dma_semaphore, #tpu.memory_space<semaphore_mem>>) src(%arg13 : memref<128x64xf32, #tpu.memory_space<vmem>>) dst(%dma_wait3A_255 : memref<25088x64xf32, #tpu.memory_space<vmem_shared>>)
          tpu.yield
        }) : () -> ()
        "tpu.region"() ({
          %run_scoped3A = tpu.sem_alloc : memref<!tpu.dma_semaphore, #tpu.memory_space<semaphore_mem>>
          %dma_start3A_244 = arith.constant 0 : i32
          %dma_start3A_245 = tpu.memref_slice %arg12[%scan3A_221, %dma_start3A_244] : memref<28x128xi32, #tpu.memory_space<vmem>> -> memref<1x128xi32, #tpu.memory_space<vmem>>
          %dma_start3A_246 = tpu.memref_squeeze %dma_start3A_245 : memref<1x128xi32, #tpu.memory_space<vmem>> -> memref<128xi32, #tpu.memory_space<vmem>>
          %dma_start3A_247 = arith.constant 0 : i32
          %dma_start3A_248 = tpu.memref_slice %arg10[%dma_start3A_247] : memref<25088xf32, #tpu.memory_space<vmem_shared>> -> memref<25088xf32, #tpu.memory_space<vmem_shared>>
          tpu.enqueue_indirect_dma source(%arg16 : memref<128xf32, #tpu.memory_space<vmem>>) target(%dma_start3A_248 : memref<25088xf32, #tpu.memory_space<vmem_shared>>) offsets(%dma_start3A_246 : memref<128xi32, #tpu.memory_space<vmem>>) semaphore(%run_scoped3A : memref<!tpu.dma_semaphore, #tpu.memory_space<semaphore_mem>>) {add = true}
          %dma_wait3A_249 = arith.constant 0 : i32
          %dma_wait3A_250 = tpu.memref_slice %arg12[%scan3A_221, %dma_wait3A_249] : memref<28x128xi32, #tpu.memory_space<vmem>> -> memref<1x128xi32, #tpu.memory_space<vmem>>
          %dma_wait3A_251 = tpu.memref_squeeze %dma_wait3A_250 : memref<1x128xi32, #tpu.memory_space<vmem>> -> memref<128xi32, #tpu.memory_space<vmem>>
          %dma_wait3A_252 = arith.constant 0 : i32
          %dma_wait3A_253 = tpu.memref_slice %arg10[%dma_wait3A_252] : memref<25088xf32, #tpu.memory_space<vmem_shared>> -> memref<25088xf32, #tpu.memory_space<vmem_shared>>
          tpu.wait_indirect_dma semaphore(%run_scoped3A : memref<!tpu.dma_semaphore, #tpu.memory_space<semaphore_mem>>) src(%arg16 : memref<128xf32, #tpu.memory_space<vmem>>) dst(%dma_wait3A_253 : memref<25088xf32, #tpu.memory_space<vmem_shared>>)
          tpu.yield
        }) : () -> ()
      } else {
      }
      %eq3A_228 = arith.constant 1 : i32
      %eq3A_229 = arith.cmpi eq, %arg0, %eq3A_228 : i32
      %convert_element_type3A_230 = arith.extui %eq3A_229 : i1 to i32
      %cond3A_231 = arith.constant 0 : i32
      %cond3A_232 = arith.cmpi ne, %convert_element_type3A_230, %cond3A_231 : i32
      scf.if %cond3A_232 {
        %dma_start3A = arith.constant 0 : i32
        %dma_start3A_234 = tpu.memref_slice %arg11[%scan3A_221, %dma_start3A] : memref<28x128xi32, #tpu.memory_space<vmem>> -> memref<1x128xi32, #tpu.memory_space<vmem>>
        %dma_start3A_235 = tpu.memref_squeeze %dma_start3A_234 : memref<1x128xi32, #tpu.memory_space<vmem>> -> memref<128xi32, #tpu.memory_space<vmem>>
        %dma_start3A_236 = arith.constant 0 : i32
        %dma_start3A_237 = arith.constant 0 : i32
        %dma_start3A_238 = tpu.memref_slice %arg3[%dma_start3A_236, %dma_start3A_237] : memref<50000x64xf32, #tpu.memory_space<hbm>> -> memref<50000x64xf32, #tpu.memory_space<hbm>>
        tpu.enqueue_indirect_dma source(%dma_start3A_238 : memref<50000x64xf32, #tpu.memory_space<hbm>>) target(%arg13 : memref<128x64xf32, #tpu.memory_space<vmem>>) offsets(%dma_start3A_235 : memref<128xi32, #tpu.memory_space<vmem>>) semaphore(%arg17 : memref<!tpu.dma_semaphore, #tpu.memory_space<semaphore_mem>>)
        %dma_wait3A = arith.constant 0 : i32
        %dma_wait3A_239 = tpu.memref_slice %arg11[%scan3A_221, %dma_wait3A] : memref<28x128xi32, #tpu.memory_space<vmem>> -> memref<1x128xi32, #tpu.memory_space<vmem>>
        %dma_wait3A_240 = tpu.memref_squeeze %dma_wait3A_239 : memref<1x128xi32, #tpu.memory_space<vmem>> -> memref<128xi32, #tpu.memory_space<vmem>>
        %dma_wait3A_241 = arith.constant 0 : i32
        %dma_wait3A_242 = arith.constant 0 : i32
        %dma_wait3A_243 = tpu.memref_slice %arg3[%dma_wait3A_241, %dma_wait3A_242] : memref<50000x64xf32, #tpu.memory_space<hbm>> -> memref<50000x64xf32, #tpu.memory_space<hbm>>
        tpu.wait_indirect_dma semaphore(%arg17 : memref<!tpu.dma_semaphore, #tpu.memory_space<semaphore_mem>>) src(%dma_wait3A_243 : memref<50000x64xf32, #tpu.memory_space<hbm>>) dst(%arg13 : memref<128x64xf32, #tpu.memory_space<vmem>>)
        "tpu.region"() ({
          %run_scoped3A = tpu.sem_alloc : memref<!tpu.dma_semaphore, #tpu.memory_space<semaphore_mem>>
          %dma_start3A_244 = arith.constant 0 : i32
          %dma_start3A_245 = tpu.memref_slice %arg12[%scan3A_221, %dma_start3A_244] : memref<28x128xi32, #tpu.memory_space<vmem>> -> memref<1x128xi32, #tpu.memory_space<vmem>>
          %dma_start3A_246 = tpu.memref_squeeze %dma_start3A_245 : memref<1x128xi32, #tpu.memory_space<vmem>> -> memref<128xi32, #tpu.memory_space<vmem>>
          %dma_start3A_247 = arith.constant 0 : i32
          %dma_start3A_248 = arith.constant 0 : i32
          %dma_start3A_249 = tpu.memref_slice %arg9[%dma_start3A_247, %dma_start3A_248] : memref<25088x64xf32, #tpu.memory_space<vmem_shared>> -> memref<25088x64xf32, #tpu.memory_space<vmem_shared>>
          tpu.enqueue_indirect_dma source(%arg13 : memref<128x64xf32, #tpu.memory_space<vmem>>) target(%dma_start3A_249 : memref<25088x64xf32, #tpu.memory_space<vmem_shared>>) offsets(%dma_start3A_246 : memref<128xi32, #tpu.memory_space<vmem>>) semaphore(%run_scoped3A : memref<!tpu.dma_semaphore, #tpu.memory_space<semaphore_mem>>) {add = true}
          %dma_wait3A_250 = arith.constant 0 : i32
          %dma_wait3A_251 = tpu.memref_slice %arg12[%scan3A_221, %dma_wait3A_250] : memref<28x128xi32, #tpu.memory_space<vmem>> -> memref<1x128xi32, #tpu.memory_space<vmem>>
          %dma_wait3A_252 = tpu.memref_squeeze %dma_wait3A_251 : memref<1x128xi32, #tpu.memory_space<vmem>> -> memref<128xi32, #tpu.memory_space<vmem>>
          %dma_wait3A_253 = arith.constant 0 : i32
          %dma_wait3A_254 = arith.constant 0 : i32
          %dma_wait3A_255 = tpu.memref_slice %arg9[%dma_wait3A_253, %dma_wait3A_254] : memref<25088x64xf32, #tpu.memory_space<vmem_shared>> -> memref<25088x64xf32, #tpu.memory_space<vmem_shared>>
          tpu.wait_indirect_dma semaphore(%run_scoped3A : memref<!tpu.dma_semaphore, #tpu.memory_space<semaphore_mem>>) src(%arg13 : memref<128x64xf32, #tpu.memory_space<vmem>>) dst(%dma_wait3A_255 : memref<25088x64xf32, #tpu.memory_space<vmem_shared>>)
          tpu.yield
        }) : () -> ()
      } else {
      }
      %scan3A_233 = arith.constant 0 : i32
      scf.yield %scan3A_233 : i32
    }
    %scan3A_154 = arith.constant 28 : i32
    %add3A_155 = arith.constant 252 : i32
    %add3A_156 = arith.addi %mul3A_55, %add3A_155 : i32
    "tpu.region"() ({
      %run_scoped3A = tpu.sem_alloc : memref<!tpu.dma_semaphore, #tpu.memory_space<semaphore_mem>>
      %dma_start3A = arith.constant 0 : i32
      %dma_start3A_221 = tpu.memref_slice %arg4[%add3A_156, %dma_start3A] : memref<6272x128xi32, #tpu.memory_space<hbm>> -> memref<28x128xi32, #tpu.memory_space<hbm>>
      %dma_start3A_222 = arith.constant 0 : i32
      %dma_start3A_223 = tpu.memref_slice %arg4[%add3A_156, %dma_start3A_222] : memref<6272x128xi32, #tpu.memory_space<hbm>> -> memref<28x128xi32, #tpu.memory_space<hbm>>
      tpu.enqueue_dma source(%dma_start3A_223 : memref<28x128xi32, #tpu.memory_space<hbm>>) target(%arg11 : memref<28x128xi32, #tpu.memory_space<vmem>>) target_semaphore(%run_scoped3A : memref<!tpu.dma_semaphore, #tpu.memory_space<semaphore_mem>>)
      %dma_wait3A = arith.constant 0 : i32
      %dma_wait3A_224 = tpu.memref_slice %arg4[%add3A_156, %dma_wait3A] : memref<6272x128xi32, #tpu.memory_space<hbm>> -> memref<28x128xi32, #tpu.memory_space<hbm>>
      %dma_wait3A_225 = arith.constant 0 : i32
      %dma_wait3A_226 = tpu.memref_slice %arg4[%add3A_156, %dma_wait3A_225] : memref<6272x128xi32, #tpu.memory_space<hbm>> -> memref<28x128xi32, #tpu.memory_space<hbm>>
      tpu.wait_dma2 semaphore(%run_scoped3A : memref<!tpu.dma_semaphore, #tpu.memory_space<semaphore_mem>>) src(%dma_wait3A_226 : memref<28x128xi32, #tpu.memory_space<hbm>>) dst(%arg11 : memref<28x128xi32, #tpu.memory_space<vmem>>)
      tpu.yield
    }) : () -> ()
    %add3A_157 = arith.constant 252 : i32
    %add3A_158 = arith.addi %mul3A_55, %add3A_157 : i32
    "tpu.region"() ({
      %run_scoped3A = tpu.sem_alloc : memref<!tpu.dma_semaphore, #tpu.memory_space<semaphore_mem>>
      %dma_start3A = arith.constant 0 : i32
      %dma_start3A_221 = tpu.memref_slice %arg5[%add3A_158, %dma_start3A] : memref<6272x128xi32, #tpu.memory_space<hbm>> -> memref<28x128xi32, #tpu.memory_space<hbm>>
      %dma_start3A_222 = arith.constant 0 : i32
      %dma_start3A_223 = tpu.memref_slice %arg5[%add3A_158, %dma_start3A_222] : memref<6272x128xi32, #tpu.memory_space<hbm>> -> memref<28x128xi32, #tpu.memory_space<hbm>>
      tpu.enqueue_dma source(%dma_start3A_223 : memref<28x128xi32, #tpu.memory_space<hbm>>) target(%arg12 : memref<28x128xi32, #tpu.memory_space<vmem>>) target_semaphore(%run_scoped3A : memref<!tpu.dma_semaphore, #tpu.memory_space<semaphore_mem>>)
      %dma_wait3A = arith.constant 0 : i32
      %dma_wait3A_224 = tpu.memref_slice %arg5[%add3A_158, %dma_wait3A] : memref<6272x128xi32, #tpu.memory_space<hbm>> -> memref<28x128xi32, #tpu.memory_space<hbm>>
      %dma_wait3A_225 = arith.constant 0 : i32
      %dma_wait3A_226 = tpu.memref_slice %arg5[%add3A_158, %dma_wait3A_225] : memref<6272x128xi32, #tpu.memory_space<hbm>> -> memref<28x128xi32, #tpu.memory_space<hbm>>
      tpu.wait_dma2 semaphore(%run_scoped3A : memref<!tpu.dma_semaphore, #tpu.memory_space<semaphore_mem>>) src(%dma_wait3A_226 : memref<28x128xi32, #tpu.memory_space<hbm>>) dst(%arg12 : memref<28x128xi32, #tpu.memory_space<vmem>>)
      tpu.yield
    }) : () -> ()
    %scan3A_159 = arith.constant 0 : i32
    %scan3A_160 = arith.constant 0 : i32
    %scan3A_161 = arith.constant 28 : i32
    %scan3A_162 = arith.addi %scan3A_160, %scan3A_161 : i32
    %scan3A_163 = arith.constant 1 : i32
    %scan3A_164 = scf.for %scan3A_221 = %scan3A_160 to %scan3A_162 step %scan3A_163 iter_args(%scan3A_222 = %scan3A_159) -> (i32)  : i32 {
      %eq3A_223 = arith.constant 0 : i32
      %eq3A_224 = arith.cmpi eq, %arg0, %eq3A_223 : i32
      %convert_element_type3A_225 = arith.extui %eq3A_224 : i1 to i32
      %cond3A_226 = arith.constant 0 : i32
      %cond3A_227 = arith.cmpi ne, %convert_element_type3A_225, %cond3A_226 : i32
      scf.if %cond3A_227 {
        %dma_start3A = arith.constant 0 : i32
        %dma_start3A_234 = tpu.memref_slice %arg11[%scan3A_221, %dma_start3A] : memref<28x128xi32, #tpu.memory_space<vmem>> -> memref<1x128xi32, #tpu.memory_space<vmem>>
        %dma_start3A_235 = tpu.memref_squeeze %dma_start3A_234 : memref<1x128xi32, #tpu.memory_space<vmem>> -> memref<128xi32, #tpu.memory_space<vmem>>
        %dma_start3A_236 = arith.constant 0 : i32
        %dma_start3A_237 = arith.constant 0 : i32
        %dma_start3A_238 = tpu.memref_slice %arg2[%dma_start3A_236, %dma_start3A_237] : memref<50000x64xf32, #tpu.memory_space<hbm>> -> memref<50000x64xf32, #tpu.memory_space<hbm>>
        tpu.enqueue_indirect_dma source(%dma_start3A_238 : memref<50000x64xf32, #tpu.memory_space<hbm>>) target(%arg13 : memref<128x64xf32, #tpu.memory_space<vmem>>) offsets(%dma_start3A_235 : memref<128xi32, #tpu.memory_space<vmem>>) semaphore(%arg17 : memref<!tpu.dma_semaphore, #tpu.memory_space<semaphore_mem>>)
        %dma_wait3A = arith.constant 0 : i32
        %dma_wait3A_239 = tpu.memref_slice %arg11[%scan3A_221, %dma_wait3A] : memref<28x128xi32, #tpu.memory_space<vmem>> -> memref<1x128xi32, #tpu.memory_space<vmem>>
        %dma_wait3A_240 = tpu.memref_squeeze %dma_wait3A_239 : memref<1x128xi32, #tpu.memory_space<vmem>> -> memref<128xi32, #tpu.memory_space<vmem>>
        %dma_wait3A_241 = arith.constant 0 : i32
        %dma_wait3A_242 = arith.constant 0 : i32
        %dma_wait3A_243 = tpu.memref_slice %arg2[%dma_wait3A_241, %dma_wait3A_242] : memref<50000x64xf32, #tpu.memory_space<hbm>> -> memref<50000x64xf32, #tpu.memory_space<hbm>>
        tpu.wait_indirect_dma semaphore(%arg17 : memref<!tpu.dma_semaphore, #tpu.memory_space<semaphore_mem>>) src(%dma_wait3A_243 : memref<50000x64xf32, #tpu.memory_space<hbm>>) dst(%arg13 : memref<128x64xf32, #tpu.memory_space<vmem>>)
        "tpu.region"() ({
          %run_scoped3A = tpu.sem_alloc : memref<!tpu.dma_semaphore, #tpu.memory_space<semaphore_mem>>
          %dma_start3A_244 = arith.constant 0 : i32
          %dma_start3A_245 = tpu.memref_slice %arg12[%scan3A_221, %dma_start3A_244] : memref<28x128xi32, #tpu.memory_space<vmem>> -> memref<1x128xi32, #tpu.memory_space<vmem>>
          %dma_start3A_246 = tpu.memref_squeeze %dma_start3A_245 : memref<1x128xi32, #tpu.memory_space<vmem>> -> memref<128xi32, #tpu.memory_space<vmem>>
          %dma_start3A_247 = arith.constant 0 : i32
          %dma_start3A_248 = arith.constant 0 : i32
          %dma_start3A_249 = tpu.memref_slice %arg9[%dma_start3A_247, %dma_start3A_248] : memref<25088x64xf32, #tpu.memory_space<vmem_shared>> -> memref<25088x64xf32, #tpu.memory_space<vmem_shared>>
          tpu.enqueue_indirect_dma source(%arg13 : memref<128x64xf32, #tpu.memory_space<vmem>>) target(%dma_start3A_249 : memref<25088x64xf32, #tpu.memory_space<vmem_shared>>) offsets(%dma_start3A_246 : memref<128xi32, #tpu.memory_space<vmem>>) semaphore(%run_scoped3A : memref<!tpu.dma_semaphore, #tpu.memory_space<semaphore_mem>>) {add = true}
          %dma_wait3A_250 = arith.constant 0 : i32
          %dma_wait3A_251 = tpu.memref_slice %arg12[%scan3A_221, %dma_wait3A_250] : memref<28x128xi32, #tpu.memory_space<vmem>> -> memref<1x128xi32, #tpu.memory_space<vmem>>
          %dma_wait3A_252 = tpu.memref_squeeze %dma_wait3A_251 : memref<1x128xi32, #tpu.memory_space<vmem>> -> memref<128xi32, #tpu.memory_space<vmem>>
          %dma_wait3A_253 = arith.constant 0 : i32
          %dma_wait3A_254 = arith.constant 0 : i32
          %dma_wait3A_255 = tpu.memref_slice %arg9[%dma_wait3A_253, %dma_wait3A_254] : memref<25088x64xf32, #tpu.memory_space<vmem_shared>> -> memref<25088x64xf32, #tpu.memory_space<vmem_shared>>
          tpu.wait_indirect_dma semaphore(%run_scoped3A : memref<!tpu.dma_semaphore, #tpu.memory_space<semaphore_mem>>) src(%arg13 : memref<128x64xf32, #tpu.memory_space<vmem>>) dst(%dma_wait3A_255 : memref<25088x64xf32, #tpu.memory_space<vmem_shared>>)
          tpu.yield
        }) : () -> ()
        "tpu.region"() ({
          %run_scoped3A = tpu.sem_alloc : memref<!tpu.dma_semaphore, #tpu.memory_space<semaphore_mem>>
          %dma_start3A_244 = arith.constant 0 : i32
          %dma_start3A_245 = tpu.memref_slice %arg12[%scan3A_221, %dma_start3A_244] : memref<28x128xi32, #tpu.memory_space<vmem>> -> memref<1x128xi32, #tpu.memory_space<vmem>>
          %dma_start3A_246 = tpu.memref_squeeze %dma_start3A_245 : memref<1x128xi32, #tpu.memory_space<vmem>> -> memref<128xi32, #tpu.memory_space<vmem>>
          %dma_start3A_247 = arith.constant 0 : i32
          %dma_start3A_248 = tpu.memref_slice %arg10[%dma_start3A_247] : memref<25088xf32, #tpu.memory_space<vmem_shared>> -> memref<25088xf32, #tpu.memory_space<vmem_shared>>
          tpu.enqueue_indirect_dma source(%arg16 : memref<128xf32, #tpu.memory_space<vmem>>) target(%dma_start3A_248 : memref<25088xf32, #tpu.memory_space<vmem_shared>>) offsets(%dma_start3A_246 : memref<128xi32, #tpu.memory_space<vmem>>) semaphore(%run_scoped3A : memref<!tpu.dma_semaphore, #tpu.memory_space<semaphore_mem>>) {add = true}
          %dma_wait3A_249 = arith.constant 0 : i32
          %dma_wait3A_250 = tpu.memref_slice %arg12[%scan3A_221, %dma_wait3A_249] : memref<28x128xi32, #tpu.memory_space<vmem>> -> memref<1x128xi32, #tpu.memory_space<vmem>>
          %dma_wait3A_251 = tpu.memref_squeeze %dma_wait3A_250 : memref<1x128xi32, #tpu.memory_space<vmem>> -> memref<128xi32, #tpu.memory_space<vmem>>
          %dma_wait3A_252 = arith.constant 0 : i32
          %dma_wait3A_253 = tpu.memref_slice %arg10[%dma_wait3A_252] : memref<25088xf32, #tpu.memory_space<vmem_shared>> -> memref<25088xf32, #tpu.memory_space<vmem_shared>>
          tpu.wait_indirect_dma semaphore(%run_scoped3A : memref<!tpu.dma_semaphore, #tpu.memory_space<semaphore_mem>>) src(%arg16 : memref<128xf32, #tpu.memory_space<vmem>>) dst(%dma_wait3A_253 : memref<25088xf32, #tpu.memory_space<vmem_shared>>)
          tpu.yield
        }) : () -> ()
      } else {
      }
      %eq3A_228 = arith.constant 1 : i32
      %eq3A_229 = arith.cmpi eq, %arg0, %eq3A_228 : i32
      %convert_element_type3A_230 = arith.extui %eq3A_229 : i1 to i32
      %cond3A_231 = arith.constant 0 : i32
      %cond3A_232 = arith.cmpi ne, %convert_element_type3A_230, %cond3A_231 : i32
      scf.if %cond3A_232 {
        %dma_start3A = arith.constant 0 : i32
        %dma_start3A_234 = tpu.memref_slice %arg11[%scan3A_221, %dma_start3A] : memref<28x128xi32, #tpu.memory_space<vmem>> -> memref<1x128xi32, #tpu.memory_space<vmem>>
        %dma_start3A_235 = tpu.memref_squeeze %dma_start3A_234 : memref<1x128xi32, #tpu.memory_space<vmem>> -> memref<128xi32, #tpu.memory_space<vmem>>
        %dma_start3A_236 = arith.constant 0 : i32
        %dma_start3A_237 = arith.constant 0 : i32
        %dma_start3A_238 = tpu.memref_slice %arg3[%dma_start3A_236, %dma_start3A_237] : memref<50000x64xf32, #tpu.memory_space<hbm>> -> memref<50000x64xf32, #tpu.memory_space<hbm>>
        tpu.enqueue_indirect_dma source(%dma_start3A_238 : memref<50000x64xf32, #tpu.memory_space<hbm>>) target(%arg13 : memref<128x64xf32, #tpu.memory_space<vmem>>) offsets(%dma_start3A_235 : memref<128xi32, #tpu.memory_space<vmem>>) semaphore(%arg17 : memref<!tpu.dma_semaphore, #tpu.memory_space<semaphore_mem>>)
        %dma_wait3A = arith.constant 0 : i32
        %dma_wait3A_239 = tpu.memref_slice %arg11[%scan3A_221, %dma_wait3A] : memref<28x128xi32, #tpu.memory_space<vmem>> -> memref<1x128xi32, #tpu.memory_space<vmem>>
        %dma_wait3A_240 = tpu.memref_squeeze %dma_wait3A_239 : memref<1x128xi32, #tpu.memory_space<vmem>> -> memref<128xi32, #tpu.memory_space<vmem>>
        %dma_wait3A_241 = arith.constant 0 : i32
        %dma_wait3A_242 = arith.constant 0 : i32
        %dma_wait3A_243 = tpu.memref_slice %arg3[%dma_wait3A_241, %dma_wait3A_242] : memref<50000x64xf32, #tpu.memory_space<hbm>> -> memref<50000x64xf32, #tpu.memory_space<hbm>>
        tpu.wait_indirect_dma semaphore(%arg17 : memref<!tpu.dma_semaphore, #tpu.memory_space<semaphore_mem>>) src(%dma_wait3A_243 : memref<50000x64xf32, #tpu.memory_space<hbm>>) dst(%arg13 : memref<128x64xf32, #tpu.memory_space<vmem>>)
        "tpu.region"() ({
          %run_scoped3A = tpu.sem_alloc : memref<!tpu.dma_semaphore, #tpu.memory_space<semaphore_mem>>
          %dma_start3A_244 = arith.constant 0 : i32
          %dma_start3A_245 = tpu.memref_slice %arg12[%scan3A_221, %dma_start3A_244] : memref<28x128xi32, #tpu.memory_space<vmem>> -> memref<1x128xi32, #tpu.memory_space<vmem>>
          %dma_start3A_246 = tpu.memref_squeeze %dma_start3A_245 : memref<1x128xi32, #tpu.memory_space<vmem>> -> memref<128xi32, #tpu.memory_space<vmem>>
          %dma_start3A_247 = arith.constant 0 : i32
          %dma_start3A_248 = arith.constant 0 : i32
          %dma_start3A_249 = tpu.memref_slice %arg9[%dma_start3A_247, %dma_start3A_248] : memref<25088x64xf32, #tpu.memory_space<vmem_shared>> -> memref<25088x64xf32, #tpu.memory_space<vmem_shared>>
          tpu.enqueue_indirect_dma source(%arg13 : memref<128x64xf32, #tpu.memory_space<vmem>>) target(%dma_start3A_249 : memref<25088x64xf32, #tpu.memory_space<vmem_shared>>) offsets(%dma_start3A_246 : memref<128xi32, #tpu.memory_space<vmem>>) semaphore(%run_scoped3A : memref<!tpu.dma_semaphore, #tpu.memory_space<semaphore_mem>>) {add = true}
          %dma_wait3A_250 = arith.constant 0 : i32
          %dma_wait3A_251 = tpu.memref_slice %arg12[%scan3A_221, %dma_wait3A_250] : memref<28x128xi32, #tpu.memory_space<vmem>> -> memref<1x128xi32, #tpu.memory_space<vmem>>
          %dma_wait3A_252 = tpu.memref_squeeze %dma_wait3A_251 : memref<1x128xi32, #tpu.memory_space<vmem>> -> memref<128xi32, #tpu.memory_space<vmem>>
          %dma_wait3A_253 = arith.constant 0 : i32
          %dma_wait3A_254 = arith.constant 0 : i32
          %dma_wait3A_255 = tpu.memref_slice %arg9[%dma_wait3A_253, %dma_wait3A_254] : memref<25088x64xf32, #tpu.memory_space<vmem_shared>> -> memref<25088x64xf32, #tpu.memory_space<vmem_shared>>
          tpu.wait_indirect_dma semaphore(%run_scoped3A : memref<!tpu.dma_semaphore, #tpu.memory_space<semaphore_mem>>) src(%arg13 : memref<128x64xf32, #tpu.memory_space<vmem>>) dst(%dma_wait3A_255 : memref<25088x64xf32, #tpu.memory_space<vmem_shared>>)
          tpu.yield
        }) : () -> ()
      } else {
      }
      %scan3A_233 = arith.constant 0 : i32
      scf.yield %scan3A_233 : i32
    }
    %scan3A_165 = arith.constant 28 : i32
    %add3A_166 = arith.constant 280 : i32
    %add3A_167 = arith.addi %mul3A_55, %add3A_166 : i32
    "tpu.region"() ({
      %run_scoped3A = tpu.sem_alloc : memref<!tpu.dma_semaphore, #tpu.memory_space<semaphore_mem>>
      %dma_start3A = arith.constant 0 : i32
      %dma_start3A_221 = tpu.memref_slice %arg4[%add3A_167, %dma_start3A] : memref<6272x128xi32, #tpu.memory_space<hbm>> -> memref<28x128xi32, #tpu.memory_space<hbm>>
      %dma_start3A_222 = arith.constant 0 : i32
      %dma_start3A_223 = tpu.memref_slice %arg4[%add3A_167, %dma_start3A_222] : memref<6272x128xi32, #tpu.memory_space<hbm>> -> memref<28x128xi32, #tpu.memory_space<hbm>>
      tpu.enqueue_dma source(%dma_start3A_223 : memref<28x128xi32, #tpu.memory_space<hbm>>) target(%arg11 : memref<28x128xi32, #tpu.memory_space<vmem>>) target_semaphore(%run_scoped3A : memref<!tpu.dma_semaphore, #tpu.memory_space<semaphore_mem>>)
      %dma_wait3A = arith.constant 0 : i32
      %dma_wait3A_224 = tpu.memref_slice %arg4[%add3A_167, %dma_wait3A] : memref<6272x128xi32, #tpu.memory_space<hbm>> -> memref<28x128xi32, #tpu.memory_space<hbm>>
      %dma_wait3A_225 = arith.constant 0 : i32
      %dma_wait3A_226 = tpu.memref_slice %arg4[%add3A_167, %dma_wait3A_225] : memref<6272x128xi32, #tpu.memory_space<hbm>> -> memref<28x128xi32, #tpu.memory_space<hbm>>
      tpu.wait_dma2 semaphore(%run_scoped3A : memref<!tpu.dma_semaphore, #tpu.memory_space<semaphore_mem>>) src(%dma_wait3A_226 : memref<28x128xi32, #tpu.memory_space<hbm>>) dst(%arg11 : memref<28x128xi32, #tpu.memory_space<vmem>>)
      tpu.yield
    }) : () -> ()
    %add3A_168 = arith.constant 280 : i32
    %add3A_169 = arith.addi %mul3A_55, %add3A_168 : i32
    "tpu.region"() ({
      %run_scoped3A = tpu.sem_alloc : memref<!tpu.dma_semaphore, #tpu.memory_space<semaphore_mem>>
      %dma_start3A = arith.constant 0 : i32
      %dma_start3A_221 = tpu.memref_slice %arg5[%add3A_169, %dma_start3A] : memref<6272x128xi32, #tpu.memory_space<hbm>> -> memref<28x128xi32, #tpu.memory_space<hbm>>
      %dma_start3A_222 = arith.constant 0 : i32
      %dma_start3A_223 = tpu.memref_slice %arg5[%add3A_169, %dma_start3A_222] : memref<6272x128xi32, #tpu.memory_space<hbm>> -> memref<28x128xi32, #tpu.memory_space<hbm>>
      tpu.enqueue_dma source(%dma_start3A_223 : memref<28x128xi32, #tpu.memory_space<hbm>>) target(%arg12 : memref<28x128xi32, #tpu.memory_space<vmem>>) target_semaphore(%run_scoped3A : memref<!tpu.dma_semaphore, #tpu.memory_space<semaphore_mem>>)
      %dma_wait3A = arith.constant 0 : i32
      %dma_wait3A_224 = tpu.memref_slice %arg5[%add3A_169, %dma_wait3A] : memref<6272x128xi32, #tpu.memory_space<hbm>> -> memref<28x128xi32, #tpu.memory_space<hbm>>
      %dma_wait3A_225 = arith.constant 0 : i32
      %dma_wait3A_226 = tpu.memref_slice %arg5[%add3A_169, %dma_wait3A_225] : memref<6272x128xi32, #tpu.memory_space<hbm>> -> memref<28x128xi32, #tpu.memory_space<hbm>>
      tpu.wait_dma2 semaphore(%run_scoped3A : memref<!tpu.dma_semaphore, #tpu.memory_space<semaphore_mem>>) src(%dma_wait3A_226 : memref<28x128xi32, #tpu.memory_space<hbm>>) dst(%arg12 : memref<28x128xi32, #tpu.memory_space<vmem>>)
      tpu.yield
    }) : () -> ()
    %scan3A_170 = arith.constant 0 : i32
    %scan3A_171 = arith.constant 0 : i32
    %scan3A_172 = arith.constant 28 : i32
    %scan3A_173 = arith.addi %scan3A_171, %scan3A_172 : i32
    %scan3A_174 = arith.constant 1 : i32
    %scan3A_175 = scf.for %scan3A_221 = %scan3A_171 to %scan3A_173 step %scan3A_174 iter_args(%scan3A_222 = %scan3A_170) -> (i32)  : i32 {
      %eq3A_223 = arith.constant 0 : i32
      %eq3A_224 = arith.cmpi eq, %arg0, %eq3A_223 : i32
      %convert_element_type3A_225 = arith.extui %eq3A_224 : i1 to i32
      %cond3A_226 = arith.constant 0 : i32
      %cond3A_227 = arith.cmpi ne, %convert_element_type3A_225, %cond3A_226 : i32
      scf.if %cond3A_227 {
        %dma_start3A = arith.constant 0 : i32
        %dma_start3A_234 = tpu.memref_slice %arg11[%scan3A_221, %dma_start3A] : memref<28x128xi32, #tpu.memory_space<vmem>> -> memref<1x128xi32, #tpu.memory_space<vmem>>
        %dma_start3A_235 = tpu.memref_squeeze %dma_start3A_234 : memref<1x128xi32, #tpu.memory_space<vmem>> -> memref<128xi32, #tpu.memory_space<vmem>>
        %dma_start3A_236 = arith.constant 0 : i32
        %dma_start3A_237 = arith.constant 0 : i32
        %dma_start3A_238 = tpu.memref_slice %arg2[%dma_start3A_236, %dma_start3A_237] : memref<50000x64xf32, #tpu.memory_space<hbm>> -> memref<50000x64xf32, #tpu.memory_space<hbm>>
        tpu.enqueue_indirect_dma source(%dma_start3A_238 : memref<50000x64xf32, #tpu.memory_space<hbm>>) target(%arg13 : memref<128x64xf32, #tpu.memory_space<vmem>>) offsets(%dma_start3A_235 : memref<128xi32, #tpu.memory_space<vmem>>) semaphore(%arg17 : memref<!tpu.dma_semaphore, #tpu.memory_space<semaphore_mem>>)
        %dma_wait3A = arith.constant 0 : i32
        %dma_wait3A_239 = tpu.memref_slice %arg11[%scan3A_221, %dma_wait3A] : memref<28x128xi32, #tpu.memory_space<vmem>> -> memref<1x128xi32, #tpu.memory_space<vmem>>
        %dma_wait3A_240 = tpu.memref_squeeze %dma_wait3A_239 : memref<1x128xi32, #tpu.memory_space<vmem>> -> memref<128xi32, #tpu.memory_space<vmem>>
        %dma_wait3A_241 = arith.constant 0 : i32
        %dma_wait3A_242 = arith.constant 0 : i32
        %dma_wait3A_243 = tpu.memref_slice %arg2[%dma_wait3A_241, %dma_wait3A_242] : memref<50000x64xf32, #tpu.memory_space<hbm>> -> memref<50000x64xf32, #tpu.memory_space<hbm>>
        tpu.wait_indirect_dma semaphore(%arg17 : memref<!tpu.dma_semaphore, #tpu.memory_space<semaphore_mem>>) src(%dma_wait3A_243 : memref<50000x64xf32, #tpu.memory_space<hbm>>) dst(%arg13 : memref<128x64xf32, #tpu.memory_space<vmem>>)
        "tpu.region"() ({
          %run_scoped3A = tpu.sem_alloc : memref<!tpu.dma_semaphore, #tpu.memory_space<semaphore_mem>>
          %dma_start3A_244 = arith.constant 0 : i32
          %dma_start3A_245 = tpu.memref_slice %arg12[%scan3A_221, %dma_start3A_244] : memref<28x128xi32, #tpu.memory_space<vmem>> -> memref<1x128xi32, #tpu.memory_space<vmem>>
          %dma_start3A_246 = tpu.memref_squeeze %dma_start3A_245 : memref<1x128xi32, #tpu.memory_space<vmem>> -> memref<128xi32, #tpu.memory_space<vmem>>
          %dma_start3A_247 = arith.constant 0 : i32
          %dma_start3A_248 = arith.constant 0 : i32
          %dma_start3A_249 = tpu.memref_slice %arg9[%dma_start3A_247, %dma_start3A_248] : memref<25088x64xf32, #tpu.memory_space<vmem_shared>> -> memref<25088x64xf32, #tpu.memory_space<vmem_shared>>
          tpu.enqueue_indirect_dma source(%arg13 : memref<128x64xf32, #tpu.memory_space<vmem>>) target(%dma_start3A_249 : memref<25088x64xf32, #tpu.memory_space<vmem_shared>>) offsets(%dma_start3A_246 : memref<128xi32, #tpu.memory_space<vmem>>) semaphore(%run_scoped3A : memref<!tpu.dma_semaphore, #tpu.memory_space<semaphore_mem>>) {add = true}
          %dma_wait3A_250 = arith.constant 0 : i32
          %dma_wait3A_251 = tpu.memref_slice %arg12[%scan3A_221, %dma_wait3A_250] : memref<28x128xi32, #tpu.memory_space<vmem>> -> memref<1x128xi32, #tpu.memory_space<vmem>>
          %dma_wait3A_252 = tpu.memref_squeeze %dma_wait3A_251 : memref<1x128xi32, #tpu.memory_space<vmem>> -> memref<128xi32, #tpu.memory_space<vmem>>
          %dma_wait3A_253 = arith.constant 0 : i32
          %dma_wait3A_254 = arith.constant 0 : i32
          %dma_wait3A_255 = tpu.memref_slice %arg9[%dma_wait3A_253, %dma_wait3A_254] : memref<25088x64xf32, #tpu.memory_space<vmem_shared>> -> memref<25088x64xf32, #tpu.memory_space<vmem_shared>>
          tpu.wait_indirect_dma semaphore(%run_scoped3A : memref<!tpu.dma_semaphore, #tpu.memory_space<semaphore_mem>>) src(%arg13 : memref<128x64xf32, #tpu.memory_space<vmem>>) dst(%dma_wait3A_255 : memref<25088x64xf32, #tpu.memory_space<vmem_shared>>)
          tpu.yield
        }) : () -> ()
        "tpu.region"() ({
          %run_scoped3A = tpu.sem_alloc : memref<!tpu.dma_semaphore, #tpu.memory_space<semaphore_mem>>
          %dma_start3A_244 = arith.constant 0 : i32
          %dma_start3A_245 = tpu.memref_slice %arg12[%scan3A_221, %dma_start3A_244] : memref<28x128xi32, #tpu.memory_space<vmem>> -> memref<1x128xi32, #tpu.memory_space<vmem>>
          %dma_start3A_246 = tpu.memref_squeeze %dma_start3A_245 : memref<1x128xi32, #tpu.memory_space<vmem>> -> memref<128xi32, #tpu.memory_space<vmem>>
          %dma_start3A_247 = arith.constant 0 : i32
          %dma_start3A_248 = tpu.memref_slice %arg10[%dma_start3A_247] : memref<25088xf32, #tpu.memory_space<vmem_shared>> -> memref<25088xf32, #tpu.memory_space<vmem_shared>>
          tpu.enqueue_indirect_dma source(%arg16 : memref<128xf32, #tpu.memory_space<vmem>>) target(%dma_start3A_248 : memref<25088xf32, #tpu.memory_space<vmem_shared>>) offsets(%dma_start3A_246 : memref<128xi32, #tpu.memory_space<vmem>>) semaphore(%run_scoped3A : memref<!tpu.dma_semaphore, #tpu.memory_space<semaphore_mem>>) {add = true}
          %dma_wait3A_249 = arith.constant 0 : i32
          %dma_wait3A_250 = tpu.memref_slice %arg12[%scan3A_221, %dma_wait3A_249] : memref<28x128xi32, #tpu.memory_space<vmem>> -> memref<1x128xi32, #tpu.memory_space<vmem>>
          %dma_wait3A_251 = tpu.memref_squeeze %dma_wait3A_250 : memref<1x128xi32, #tpu.memory_space<vmem>> -> memref<128xi32, #tpu.memory_space<vmem>>
          %dma_wait3A_252 = arith.constant 0 : i32
          %dma_wait3A_253 = tpu.memref_slice %arg10[%dma_wait3A_252] : memref<25088xf32, #tpu.memory_space<vmem_shared>> -> memref<25088xf32, #tpu.memory_space<vmem_shared>>
          tpu.wait_indirect_dma semaphore(%run_scoped3A : memref<!tpu.dma_semaphore, #tpu.memory_space<semaphore_mem>>) src(%arg16 : memref<128xf32, #tpu.memory_space<vmem>>) dst(%dma_wait3A_253 : memref<25088xf32, #tpu.memory_space<vmem_shared>>)
          tpu.yield
        }) : () -> ()
      } else {
      }
      %eq3A_228 = arith.constant 1 : i32
      %eq3A_229 = arith.cmpi eq, %arg0, %eq3A_228 : i32
      %convert_element_type3A_230 = arith.extui %eq3A_229 : i1 to i32
      %cond3A_231 = arith.constant 0 : i32
      %cond3A_232 = arith.cmpi ne, %convert_element_type3A_230, %cond3A_231 : i32
      scf.if %cond3A_232 {
        %dma_start3A = arith.constant 0 : i32
        %dma_start3A_234 = tpu.memref_slice %arg11[%scan3A_221, %dma_start3A] : memref<28x128xi32, #tpu.memory_space<vmem>> -> memref<1x128xi32, #tpu.memory_space<vmem>>
        %dma_start3A_235 = tpu.memref_squeeze %dma_start3A_234 : memref<1x128xi32, #tpu.memory_space<vmem>> -> memref<128xi32, #tpu.memory_space<vmem>>
        %dma_start3A_236 = arith.constant 0 : i32
        %dma_start3A_237 = arith.constant 0 : i32
        %dma_start3A_238 = tpu.memref_slice %arg3[%dma_start3A_236, %dma_start3A_237] : memref<50000x64xf32, #tpu.memory_space<hbm>> -> memref<50000x64xf32, #tpu.memory_space<hbm>>
        tpu.enqueue_indirect_dma source(%dma_start3A_238 : memref<50000x64xf32, #tpu.memory_space<hbm>>) target(%arg13 : memref<128x64xf32, #tpu.memory_space<vmem>>) offsets(%dma_start3A_235 : memref<128xi32, #tpu.memory_space<vmem>>) semaphore(%arg17 : memref<!tpu.dma_semaphore, #tpu.memory_space<semaphore_mem>>)
        %dma_wait3A = arith.constant 0 : i32
        %dma_wait3A_239 = tpu.memref_slice %arg11[%scan3A_221, %dma_wait3A] : memref<28x128xi32, #tpu.memory_space<vmem>> -> memref<1x128xi32, #tpu.memory_space<vmem>>
        %dma_wait3A_240 = tpu.memref_squeeze %dma_wait3A_239 : memref<1x128xi32, #tpu.memory_space<vmem>> -> memref<128xi32, #tpu.memory_space<vmem>>
        %dma_wait3A_241 = arith.constant 0 : i32
        %dma_wait3A_242 = arith.constant 0 : i32
        %dma_wait3A_243 = tpu.memref_slice %arg3[%dma_wait3A_241, %dma_wait3A_242] : memref<50000x64xf32, #tpu.memory_space<hbm>> -> memref<50000x64xf32, #tpu.memory_space<hbm>>
        tpu.wait_indirect_dma semaphore(%arg17 : memref<!tpu.dma_semaphore, #tpu.memory_space<semaphore_mem>>) src(%dma_wait3A_243 : memref<50000x64xf32, #tpu.memory_space<hbm>>) dst(%arg13 : memref<128x64xf32, #tpu.memory_space<vmem>>)
        "tpu.region"() ({
          %run_scoped3A = tpu.sem_alloc : memref<!tpu.dma_semaphore, #tpu.memory_space<semaphore_mem>>
          %dma_start3A_244 = arith.constant 0 : i32
          %dma_start3A_245 = tpu.memref_slice %arg12[%scan3A_221, %dma_start3A_244] : memref<28x128xi32, #tpu.memory_space<vmem>> -> memref<1x128xi32, #tpu.memory_space<vmem>>
          %dma_start3A_246 = tpu.memref_squeeze %dma_start3A_245 : memref<1x128xi32, #tpu.memory_space<vmem>> -> memref<128xi32, #tpu.memory_space<vmem>>
          %dma_start3A_247 = arith.constant 0 : i32
          %dma_start3A_248 = arith.constant 0 : i32
          %dma_start3A_249 = tpu.memref_slice %arg9[%dma_start3A_247, %dma_start3A_248] : memref<25088x64xf32, #tpu.memory_space<vmem_shared>> -> memref<25088x64xf32, #tpu.memory_space<vmem_shared>>
          tpu.enqueue_indirect_dma source(%arg13 : memref<128x64xf32, #tpu.memory_space<vmem>>) target(%dma_start3A_249 : memref<25088x64xf32, #tpu.memory_space<vmem_shared>>) offsets(%dma_start3A_246 : memref<128xi32, #tpu.memory_space<vmem>>) semaphore(%run_scoped3A : memref<!tpu.dma_semaphore, #tpu.memory_space<semaphore_mem>>) {add = true}
          %dma_wait3A_250 = arith.constant 0 : i32
          %dma_wait3A_251 = tpu.memref_slice %arg12[%scan3A_221, %dma_wait3A_250] : memref<28x128xi32, #tpu.memory_space<vmem>> -> memref<1x128xi32, #tpu.memory_space<vmem>>
          %dma_wait3A_252 = tpu.memref_squeeze %dma_wait3A_251 : memref<1x128xi32, #tpu.memory_space<vmem>> -> memref<128xi32, #tpu.memory_space<vmem>>
          %dma_wait3A_253 = arith.constant 0 : i32
          %dma_wait3A_254 = arith.constant 0 : i32
          %dma_wait3A_255 = tpu.memref_slice %arg9[%dma_wait3A_253, %dma_wait3A_254] : memref<25088x64xf32, #tpu.memory_space<vmem_shared>> -> memref<25088x64xf32, #tpu.memory_space<vmem_shared>>
          tpu.wait_indirect_dma semaphore(%run_scoped3A : memref<!tpu.dma_semaphore, #tpu.memory_space<semaphore_mem>>) src(%arg13 : memref<128x64xf32, #tpu.memory_space<vmem>>) dst(%dma_wait3A_255 : memref<25088x64xf32, #tpu.memory_space<vmem_shared>>)
          tpu.yield
        }) : () -> ()
      } else {
      }
      %scan3A_233 = arith.constant 0 : i32
      scf.yield %scan3A_233 : i32
    }
    %scan3A_176 = arith.constant 28 : i32
    %add3A_177 = arith.constant 308 : i32
    %add3A_178 = arith.addi %mul3A_55, %add3A_177 : i32
    "tpu.region"() ({
      %run_scoped3A = tpu.sem_alloc : memref<!tpu.dma_semaphore, #tpu.memory_space<semaphore_mem>>
      %dma_start3A = arith.constant 0 : i32
      %dma_start3A_221 = tpu.memref_slice %arg4[%add3A_178, %dma_start3A] : memref<6272x128xi32, #tpu.memory_space<hbm>> -> memref<28x128xi32, #tpu.memory_space<hbm>>
      %dma_start3A_222 = arith.constant 0 : i32
      %dma_start3A_223 = tpu.memref_slice %arg4[%add3A_178, %dma_start3A_222] : memref<6272x128xi32, #tpu.memory_space<hbm>> -> memref<28x128xi32, #tpu.memory_space<hbm>>
      tpu.enqueue_dma source(%dma_start3A_223 : memref<28x128xi32, #tpu.memory_space<hbm>>) target(%arg11 : memref<28x128xi32, #tpu.memory_space<vmem>>) target_semaphore(%run_scoped3A : memref<!tpu.dma_semaphore, #tpu.memory_space<semaphore_mem>>)
      %dma_wait3A = arith.constant 0 : i32
      %dma_wait3A_224 = tpu.memref_slice %arg4[%add3A_178, %dma_wait3A] : memref<6272x128xi32, #tpu.memory_space<hbm>> -> memref<28x128xi32, #tpu.memory_space<hbm>>
      %dma_wait3A_225 = arith.constant 0 : i32
      %dma_wait3A_226 = tpu.memref_slice %arg4[%add3A_178, %dma_wait3A_225] : memref<6272x128xi32, #tpu.memory_space<hbm>> -> memref<28x128xi32, #tpu.memory_space<hbm>>
      tpu.wait_dma2 semaphore(%run_scoped3A : memref<!tpu.dma_semaphore, #tpu.memory_space<semaphore_mem>>) src(%dma_wait3A_226 : memref<28x128xi32, #tpu.memory_space<hbm>>) dst(%arg11 : memref<28x128xi32, #tpu.memory_space<vmem>>)
      tpu.yield
    }) : () -> ()
    %add3A_179 = arith.constant 308 : i32
    %add3A_180 = arith.addi %mul3A_55, %add3A_179 : i32
    "tpu.region"() ({
      %run_scoped3A = tpu.sem_alloc : memref<!tpu.dma_semaphore, #tpu.memory_space<semaphore_mem>>
      %dma_start3A = arith.constant 0 : i32
      %dma_start3A_221 = tpu.memref_slice %arg5[%add3A_180, %dma_start3A] : memref<6272x128xi32, #tpu.memory_space<hbm>> -> memref<28x128xi32, #tpu.memory_space<hbm>>
      %dma_start3A_222 = arith.constant 0 : i32
      %dma_start3A_223 = tpu.memref_slice %arg5[%add3A_180, %dma_start3A_222] : memref<6272x128xi32, #tpu.memory_space<hbm>> -> memref<28x128xi32, #tpu.memory_space<hbm>>
      tpu.enqueue_dma source(%dma_start3A_223 : memref<28x128xi32, #tpu.memory_space<hbm>>) target(%arg12 : memref<28x128xi32, #tpu.memory_space<vmem>>) target_semaphore(%run_scoped3A : memref<!tpu.dma_semaphore, #tpu.memory_space<semaphore_mem>>)
      %dma_wait3A = arith.constant 0 : i32
      %dma_wait3A_224 = tpu.memref_slice %arg5[%add3A_180, %dma_wait3A] : memref<6272x128xi32, #tpu.memory_space<hbm>> -> memref<28x128xi32, #tpu.memory_space<hbm>>
      %dma_wait3A_225 = arith.constant 0 : i32
      %dma_wait3A_226 = tpu.memref_slice %arg5[%add3A_180, %dma_wait3A_225] : memref<6272x128xi32, #tpu.memory_space<hbm>> -> memref<28x128xi32, #tpu.memory_space<hbm>>
      tpu.wait_dma2 semaphore(%run_scoped3A : memref<!tpu.dma_semaphore, #tpu.memory_space<semaphore_mem>>) src(%dma_wait3A_226 : memref<28x128xi32, #tpu.memory_space<hbm>>) dst(%arg12 : memref<28x128xi32, #tpu.memory_space<vmem>>)
      tpu.yield
    }) : () -> ()
    %scan3A_181 = arith.constant 0 : i32
    %scan3A_182 = arith.constant 0 : i32
    %scan3A_183 = arith.constant 28 : i32
    %scan3A_184 = arith.addi %scan3A_182, %scan3A_183 : i32
    %scan3A_185 = arith.constant 1 : i32
    %scan3A_186 = scf.for %scan3A_221 = %scan3A_182 to %scan3A_184 step %scan3A_185 iter_args(%scan3A_222 = %scan3A_181) -> (i32)  : i32 {
      %eq3A_223 = arith.constant 0 : i32
      %eq3A_224 = arith.cmpi eq, %arg0, %eq3A_223 : i32
      %convert_element_type3A_225 = arith.extui %eq3A_224 : i1 to i32
      %cond3A_226 = arith.constant 0 : i32
      %cond3A_227 = arith.cmpi ne, %convert_element_type3A_225, %cond3A_226 : i32
      scf.if %cond3A_227 {
        %dma_start3A = arith.constant 0 : i32
        %dma_start3A_234 = tpu.memref_slice %arg11[%scan3A_221, %dma_start3A] : memref<28x128xi32, #tpu.memory_space<vmem>> -> memref<1x128xi32, #tpu.memory_space<vmem>>
        %dma_start3A_235 = tpu.memref_squeeze %dma_start3A_234 : memref<1x128xi32, #tpu.memory_space<vmem>> -> memref<128xi32, #tpu.memory_space<vmem>>
        %dma_start3A_236 = arith.constant 0 : i32
        %dma_start3A_237 = arith.constant 0 : i32
        %dma_start3A_238 = tpu.memref_slice %arg2[%dma_start3A_236, %dma_start3A_237] : memref<50000x64xf32, #tpu.memory_space<hbm>> -> memref<50000x64xf32, #tpu.memory_space<hbm>>
        tpu.enqueue_indirect_dma source(%dma_start3A_238 : memref<50000x64xf32, #tpu.memory_space<hbm>>) target(%arg13 : memref<128x64xf32, #tpu.memory_space<vmem>>) offsets(%dma_start3A_235 : memref<128xi32, #tpu.memory_space<vmem>>) semaphore(%arg17 : memref<!tpu.dma_semaphore, #tpu.memory_space<semaphore_mem>>)
        %dma_wait3A = arith.constant 0 : i32
        %dma_wait3A_239 = tpu.memref_slice %arg11[%scan3A_221, %dma_wait3A] : memref<28x128xi32, #tpu.memory_space<vmem>> -> memref<1x128xi32, #tpu.memory_space<vmem>>
        %dma_wait3A_240 = tpu.memref_squeeze %dma_wait3A_239 : memref<1x128xi32, #tpu.memory_space<vmem>> -> memref<128xi32, #tpu.memory_space<vmem>>
        %dma_wait3A_241 = arith.constant 0 : i32
        %dma_wait3A_242 = arith.constant 0 : i32
        %dma_wait3A_243 = tpu.memref_slice %arg2[%dma_wait3A_241, %dma_wait3A_242] : memref<50000x64xf32, #tpu.memory_space<hbm>> -> memref<50000x64xf32, #tpu.memory_space<hbm>>
        tpu.wait_indirect_dma semaphore(%arg17 : memref<!tpu.dma_semaphore, #tpu.memory_space<semaphore_mem>>) src(%dma_wait3A_243 : memref<50000x64xf32, #tpu.memory_space<hbm>>) dst(%arg13 : memref<128x64xf32, #tpu.memory_space<vmem>>)
        "tpu.region"() ({
          %run_scoped3A = tpu.sem_alloc : memref<!tpu.dma_semaphore, #tpu.memory_space<semaphore_mem>>
          %dma_start3A_244 = arith.constant 0 : i32
          %dma_start3A_245 = tpu.memref_slice %arg12[%scan3A_221, %dma_start3A_244] : memref<28x128xi32, #tpu.memory_space<vmem>> -> memref<1x128xi32, #tpu.memory_space<vmem>>
          %dma_start3A_246 = tpu.memref_squeeze %dma_start3A_245 : memref<1x128xi32, #tpu.memory_space<vmem>> -> memref<128xi32, #tpu.memory_space<vmem>>
          %dma_start3A_247 = arith.constant 0 : i32
          %dma_start3A_248 = arith.constant 0 : i32
          %dma_start3A_249 = tpu.memref_slice %arg9[%dma_start3A_247, %dma_start3A_248] : memref<25088x64xf32, #tpu.memory_space<vmem_shared>> -> memref<25088x64xf32, #tpu.memory_space<vmem_shared>>
          tpu.enqueue_indirect_dma source(%arg13 : memref<128x64xf32, #tpu.memory_space<vmem>>) target(%dma_start3A_249 : memref<25088x64xf32, #tpu.memory_space<vmem_shared>>) offsets(%dma_start3A_246 : memref<128xi32, #tpu.memory_space<vmem>>) semaphore(%run_scoped3A : memref<!tpu.dma_semaphore, #tpu.memory_space<semaphore_mem>>) {add = true}
          %dma_wait3A_250 = arith.constant 0 : i32
          %dma_wait3A_251 = tpu.memref_slice %arg12[%scan3A_221, %dma_wait3A_250] : memref<28x128xi32, #tpu.memory_space<vmem>> -> memref<1x128xi32, #tpu.memory_space<vmem>>
          %dma_wait3A_252 = tpu.memref_squeeze %dma_wait3A_251 : memref<1x128xi32, #tpu.memory_space<vmem>> -> memref<128xi32, #tpu.memory_space<vmem>>
          %dma_wait3A_253 = arith.constant 0 : i32
          %dma_wait3A_254 = arith.constant 0 : i32
          %dma_wait3A_255 = tpu.memref_slice %arg9[%dma_wait3A_253, %dma_wait3A_254] : memref<25088x64xf32, #tpu.memory_space<vmem_shared>> -> memref<25088x64xf32, #tpu.memory_space<vmem_shared>>
          tpu.wait_indirect_dma semaphore(%run_scoped3A : memref<!tpu.dma_semaphore, #tpu.memory_space<semaphore_mem>>) src(%arg13 : memref<128x64xf32, #tpu.memory_space<vmem>>) dst(%dma_wait3A_255 : memref<25088x64xf32, #tpu.memory_space<vmem_shared>>)
          tpu.yield
        }) : () -> ()
        "tpu.region"() ({
          %run_scoped3A = tpu.sem_alloc : memref<!tpu.dma_semaphore, #tpu.memory_space<semaphore_mem>>
          %dma_start3A_244 = arith.constant 0 : i32
          %dma_start3A_245 = tpu.memref_slice %arg12[%scan3A_221, %dma_start3A_244] : memref<28x128xi32, #tpu.memory_space<vmem>> -> memref<1x128xi32, #tpu.memory_space<vmem>>
          %dma_start3A_246 = tpu.memref_squeeze %dma_start3A_245 : memref<1x128xi32, #tpu.memory_space<vmem>> -> memref<128xi32, #tpu.memory_space<vmem>>
          %dma_start3A_247 = arith.constant 0 : i32
          %dma_start3A_248 = tpu.memref_slice %arg10[%dma_start3A_247] : memref<25088xf32, #tpu.memory_space<vmem_shared>> -> memref<25088xf32, #tpu.memory_space<vmem_shared>>
          tpu.enqueue_indirect_dma source(%arg16 : memref<128xf32, #tpu.memory_space<vmem>>) target(%dma_start3A_248 : memref<25088xf32, #tpu.memory_space<vmem_shared>>) offsets(%dma_start3A_246 : memref<128xi32, #tpu.memory_space<vmem>>) semaphore(%run_scoped3A : memref<!tpu.dma_semaphore, #tpu.memory_space<semaphore_mem>>) {add = true}
          %dma_wait3A_249 = arith.constant 0 : i32
          %dma_wait3A_250 = tpu.memref_slice %arg12[%scan3A_221, %dma_wait3A_249] : memref<28x128xi32, #tpu.memory_space<vmem>> -> memref<1x128xi32, #tpu.memory_space<vmem>>
          %dma_wait3A_251 = tpu.memref_squeeze %dma_wait3A_250 : memref<1x128xi32, #tpu.memory_space<vmem>> -> memref<128xi32, #tpu.memory_space<vmem>>
          %dma_wait3A_252 = arith.constant 0 : i32
          %dma_wait3A_253 = tpu.memref_slice %arg10[%dma_wait3A_252] : memref<25088xf32, #tpu.memory_space<vmem_shared>> -> memref<25088xf32, #tpu.memory_space<vmem_shared>>
          tpu.wait_indirect_dma semaphore(%run_scoped3A : memref<!tpu.dma_semaphore, #tpu.memory_space<semaphore_mem>>) src(%arg16 : memref<128xf32, #tpu.memory_space<vmem>>) dst(%dma_wait3A_253 : memref<25088xf32, #tpu.memory_space<vmem_shared>>)
          tpu.yield
        }) : () -> ()
      } else {
      }
      %eq3A_228 = arith.constant 1 : i32
      %eq3A_229 = arith.cmpi eq, %arg0, %eq3A_228 : i32
      %convert_element_type3A_230 = arith.extui %eq3A_229 : i1 to i32
      %cond3A_231 = arith.constant 0 : i32
      %cond3A_232 = arith.cmpi ne, %convert_element_type3A_230, %cond3A_231 : i32
      scf.if %cond3A_232 {
        %dma_start3A = arith.constant 0 : i32
        %dma_start3A_234 = tpu.memref_slice %arg11[%scan3A_221, %dma_start3A] : memref<28x128xi32, #tpu.memory_space<vmem>> -> memref<1x128xi32, #tpu.memory_space<vmem>>
        %dma_start3A_235 = tpu.memref_squeeze %dma_start3A_234 : memref<1x128xi32, #tpu.memory_space<vmem>> -> memref<128xi32, #tpu.memory_space<vmem>>
        %dma_start3A_236 = arith.constant 0 : i32
        %dma_start3A_237 = arith.constant 0 : i32
        %dma_start3A_238 = tpu.memref_slice %arg3[%dma_start3A_236, %dma_start3A_237] : memref<50000x64xf32, #tpu.memory_space<hbm>> -> memref<50000x64xf32, #tpu.memory_space<hbm>>
        tpu.enqueue_indirect_dma source(%dma_start3A_238 : memref<50000x64xf32, #tpu.memory_space<hbm>>) target(%arg13 : memref<128x64xf32, #tpu.memory_space<vmem>>) offsets(%dma_start3A_235 : memref<128xi32, #tpu.memory_space<vmem>>) semaphore(%arg17 : memref<!tpu.dma_semaphore, #tpu.memory_space<semaphore_mem>>)
        %dma_wait3A = arith.constant 0 : i32
        %dma_wait3A_239 = tpu.memref_slice %arg11[%scan3A_221, %dma_wait3A] : memref<28x128xi32, #tpu.memory_space<vmem>> -> memref<1x128xi32, #tpu.memory_space<vmem>>
        %dma_wait3A_240 = tpu.memref_squeeze %dma_wait3A_239 : memref<1x128xi32, #tpu.memory_space<vmem>> -> memref<128xi32, #tpu.memory_space<vmem>>
        %dma_wait3A_241 = arith.constant 0 : i32
        %dma_wait3A_242 = arith.constant 0 : i32
        %dma_wait3A_243 = tpu.memref_slice %arg3[%dma_wait3A_241, %dma_wait3A_242] : memref<50000x64xf32, #tpu.memory_space<hbm>> -> memref<50000x64xf32, #tpu.memory_space<hbm>>
        tpu.wait_indirect_dma semaphore(%arg17 : memref<!tpu.dma_semaphore, #tpu.memory_space<semaphore_mem>>) src(%dma_wait3A_243 : memref<50000x64xf32, #tpu.memory_space<hbm>>) dst(%arg13 : memref<128x64xf32, #tpu.memory_space<vmem>>)
        "tpu.region"() ({
          %run_scoped3A = tpu.sem_alloc : memref<!tpu.dma_semaphore, #tpu.memory_space<semaphore_mem>>
          %dma_start3A_244 = arith.constant 0 : i32
          %dma_start3A_245 = tpu.memref_slice %arg12[%scan3A_221, %dma_start3A_244] : memref<28x128xi32, #tpu.memory_space<vmem>> -> memref<1x128xi32, #tpu.memory_space<vmem>>
          %dma_start3A_246 = tpu.memref_squeeze %dma_start3A_245 : memref<1x128xi32, #tpu.memory_space<vmem>> -> memref<128xi32, #tpu.memory_space<vmem>>
          %dma_start3A_247 = arith.constant 0 : i32
          %dma_start3A_248 = arith.constant 0 : i32
          %dma_start3A_249 = tpu.memref_slice %arg9[%dma_start3A_247, %dma_start3A_248] : memref<25088x64xf32, #tpu.memory_space<vmem_shared>> -> memref<25088x64xf32, #tpu.memory_space<vmem_shared>>
          tpu.enqueue_indirect_dma source(%arg13 : memref<128x64xf32, #tpu.memory_space<vmem>>) target(%dma_start3A_249 : memref<25088x64xf32, #tpu.memory_space<vmem_shared>>) offsets(%dma_start3A_246 : memref<128xi32, #tpu.memory_space<vmem>>) semaphore(%run_scoped3A : memref<!tpu.dma_semaphore, #tpu.memory_space<semaphore_mem>>) {add = true}
          %dma_wait3A_250 = arith.constant 0 : i32
          %dma_wait3A_251 = tpu.memref_slice %arg12[%scan3A_221, %dma_wait3A_250] : memref<28x128xi32, #tpu.memory_space<vmem>> -> memref<1x128xi32, #tpu.memory_space<vmem>>
          %dma_wait3A_252 = tpu.memref_squeeze %dma_wait3A_251 : memref<1x128xi32, #tpu.memory_space<vmem>> -> memref<128xi32, #tpu.memory_space<vmem>>
          %dma_wait3A_253 = arith.constant 0 : i32
          %dma_wait3A_254 = arith.constant 0 : i32
          %dma_wait3A_255 = tpu.memref_slice %arg9[%dma_wait3A_253, %dma_wait3A_254] : memref<25088x64xf32, #tpu.memory_space<vmem_shared>> -> memref<25088x64xf32, #tpu.memory_space<vmem_shared>>
          tpu.wait_indirect_dma semaphore(%run_scoped3A : memref<!tpu.dma_semaphore, #tpu.memory_space<semaphore_mem>>) src(%arg13 : memref<128x64xf32, #tpu.memory_space<vmem>>) dst(%dma_wait3A_255 : memref<25088x64xf32, #tpu.memory_space<vmem_shared>>)
          tpu.yield
        }) : () -> ()
      } else {
      }
      %scan3A_233 = arith.constant 0 : i32
      scf.yield %scan3A_233 : i32
    }
    %scan3A_187 = arith.constant 28 : i32
    %add3A_188 = arith.constant 336 : i32
    %add3A_189 = arith.addi %mul3A_55, %add3A_188 : i32
    "tpu.region"() ({
      %run_scoped3A = tpu.sem_alloc : memref<!tpu.dma_semaphore, #tpu.memory_space<semaphore_mem>>
      %dma_start3A = arith.constant 0 : i32
      %dma_start3A_221 = tpu.memref_slice %arg4[%add3A_189, %dma_start3A] : memref<6272x128xi32, #tpu.memory_space<hbm>> -> memref<28x128xi32, #tpu.memory_space<hbm>>
      %dma_start3A_222 = arith.constant 0 : i32
      %dma_start3A_223 = tpu.memref_slice %arg4[%add3A_189, %dma_start3A_222] : memref<6272x128xi32, #tpu.memory_space<hbm>> -> memref<28x128xi32, #tpu.memory_space<hbm>>
      tpu.enqueue_dma source(%dma_start3A_223 : memref<28x128xi32, #tpu.memory_space<hbm>>) target(%arg11 : memref<28x128xi32, #tpu.memory_space<vmem>>) target_semaphore(%run_scoped3A : memref<!tpu.dma_semaphore, #tpu.memory_space<semaphore_mem>>)
      %dma_wait3A = arith.constant 0 : i32
      %dma_wait3A_224 = tpu.memref_slice %arg4[%add3A_189, %dma_wait3A] : memref<6272x128xi32, #tpu.memory_space<hbm>> -> memref<28x128xi32, #tpu.memory_space<hbm>>
      %dma_wait3A_225 = arith.constant 0 : i32
      %dma_wait3A_226 = tpu.memref_slice %arg4[%add3A_189, %dma_wait3A_225] : memref<6272x128xi32, #tpu.memory_space<hbm>> -> memref<28x128xi32, #tpu.memory_space<hbm>>
      tpu.wait_dma2 semaphore(%run_scoped3A : memref<!tpu.dma_semaphore, #tpu.memory_space<semaphore_mem>>) src(%dma_wait3A_226 : memref<28x128xi32, #tpu.memory_space<hbm>>) dst(%arg11 : memref<28x128xi32, #tpu.memory_space<vmem>>)
      tpu.yield
    }) : () -> ()
    %add3A_190 = arith.constant 336 : i32
    %add3A_191 = arith.addi %mul3A_55, %add3A_190 : i32
    "tpu.region"() ({
      %run_scoped3A = tpu.sem_alloc : memref<!tpu.dma_semaphore, #tpu.memory_space<semaphore_mem>>
      %dma_start3A = arith.constant 0 : i32
      %dma_start3A_221 = tpu.memref_slice %arg5[%add3A_191, %dma_start3A] : memref<6272x128xi32, #tpu.memory_space<hbm>> -> memref<28x128xi32, #tpu.memory_space<hbm>>
      %dma_start3A_222 = arith.constant 0 : i32
      %dma_start3A_223 = tpu.memref_slice %arg5[%add3A_191, %dma_start3A_222] : memref<6272x128xi32, #tpu.memory_space<hbm>> -> memref<28x128xi32, #tpu.memory_space<hbm>>
      tpu.enqueue_dma source(%dma_start3A_223 : memref<28x128xi32, #tpu.memory_space<hbm>>) target(%arg12 : memref<28x128xi32, #tpu.memory_space<vmem>>) target_semaphore(%run_scoped3A : memref<!tpu.dma_semaphore, #tpu.memory_space<semaphore_mem>>)
      %dma_wait3A = arith.constant 0 : i32
      %dma_wait3A_224 = tpu.memref_slice %arg5[%add3A_191, %dma_wait3A] : memref<6272x128xi32, #tpu.memory_space<hbm>> -> memref<28x128xi32, #tpu.memory_space<hbm>>
      %dma_wait3A_225 = arith.constant 0 : i32
      %dma_wait3A_226 = tpu.memref_slice %arg5[%add3A_191, %dma_wait3A_225] : memref<6272x128xi32, #tpu.memory_space<hbm>> -> memref<28x128xi32, #tpu.memory_space<hbm>>
      tpu.wait_dma2 semaphore(%run_scoped3A : memref<!tpu.dma_semaphore, #tpu.memory_space<semaphore_mem>>) src(%dma_wait3A_226 : memref<28x128xi32, #tpu.memory_space<hbm>>) dst(%arg12 : memref<28x128xi32, #tpu.memory_space<vmem>>)
      tpu.yield
    }) : () -> ()
    %scan3A_192 = arith.constant 0 : i32
    %scan3A_193 = arith.constant 0 : i32
    %scan3A_194 = arith.constant 28 : i32
    %scan3A_195 = arith.addi %scan3A_193, %scan3A_194 : i32
    %scan3A_196 = arith.constant 1 : i32
    %scan3A_197 = scf.for %scan3A_221 = %scan3A_193 to %scan3A_195 step %scan3A_196 iter_args(%scan3A_222 = %scan3A_192) -> (i32)  : i32 {
      %eq3A_223 = arith.constant 0 : i32
      %eq3A_224 = arith.cmpi eq, %arg0, %eq3A_223 : i32
      %convert_element_type3A_225 = arith.extui %eq3A_224 : i1 to i32
      %cond3A_226 = arith.constant 0 : i32
      %cond3A_227 = arith.cmpi ne, %convert_element_type3A_225, %cond3A_226 : i32
      scf.if %cond3A_227 {
        %dma_start3A = arith.constant 0 : i32
        %dma_start3A_234 = tpu.memref_slice %arg11[%scan3A_221, %dma_start3A] : memref<28x128xi32, #tpu.memory_space<vmem>> -> memref<1x128xi32, #tpu.memory_space<vmem>>
        %dma_start3A_235 = tpu.memref_squeeze %dma_start3A_234 : memref<1x128xi32, #tpu.memory_space<vmem>> -> memref<128xi32, #tpu.memory_space<vmem>>
        %dma_start3A_236 = arith.constant 0 : i32
        %dma_start3A_237 = arith.constant 0 : i32
        %dma_start3A_238 = tpu.memref_slice %arg2[%dma_start3A_236, %dma_start3A_237] : memref<50000x64xf32, #tpu.memory_space<hbm>> -> memref<50000x64xf32, #tpu.memory_space<hbm>>
        tpu.enqueue_indirect_dma source(%dma_start3A_238 : memref<50000x64xf32, #tpu.memory_space<hbm>>) target(%arg13 : memref<128x64xf32, #tpu.memory_space<vmem>>) offsets(%dma_start3A_235 : memref<128xi32, #tpu.memory_space<vmem>>) semaphore(%arg17 : memref<!tpu.dma_semaphore, #tpu.memory_space<semaphore_mem>>)
        %dma_wait3A = arith.constant 0 : i32
        %dma_wait3A_239 = tpu.memref_slice %arg11[%scan3A_221, %dma_wait3A] : memref<28x128xi32, #tpu.memory_space<vmem>> -> memref<1x128xi32, #tpu.memory_space<vmem>>
        %dma_wait3A_240 = tpu.memref_squeeze %dma_wait3A_239 : memref<1x128xi32, #tpu.memory_space<vmem>> -> memref<128xi32, #tpu.memory_space<vmem>>
        %dma_wait3A_241 = arith.constant 0 : i32
        %dma_wait3A_242 = arith.constant 0 : i32
        %dma_wait3A_243 = tpu.memref_slice %arg2[%dma_wait3A_241, %dma_wait3A_242] : memref<50000x64xf32, #tpu.memory_space<hbm>> -> memref<50000x64xf32, #tpu.memory_space<hbm>>
        tpu.wait_indirect_dma semaphore(%arg17 : memref<!tpu.dma_semaphore, #tpu.memory_space<semaphore_mem>>) src(%dma_wait3A_243 : memref<50000x64xf32, #tpu.memory_space<hbm>>) dst(%arg13 : memref<128x64xf32, #tpu.memory_space<vmem>>)
        "tpu.region"() ({
          %run_scoped3A = tpu.sem_alloc : memref<!tpu.dma_semaphore, #tpu.memory_space<semaphore_mem>>
          %dma_start3A_244 = arith.constant 0 : i32
          %dma_start3A_245 = tpu.memref_slice %arg12[%scan3A_221, %dma_start3A_244] : memref<28x128xi32, #tpu.memory_space<vmem>> -> memref<1x128xi32, #tpu.memory_space<vmem>>
          %dma_start3A_246 = tpu.memref_squeeze %dma_start3A_245 : memref<1x128xi32, #tpu.memory_space<vmem>> -> memref<128xi32, #tpu.memory_space<vmem>>
          %dma_start3A_247 = arith.constant 0 : i32
          %dma_start3A_248 = arith.constant 0 : i32
          %dma_start3A_249 = tpu.memref_slice %arg9[%dma_start3A_247, %dma_start3A_248] : memref<25088x64xf32, #tpu.memory_space<vmem_shared>> -> memref<25088x64xf32, #tpu.memory_space<vmem_shared>>
          tpu.enqueue_indirect_dma source(%arg13 : memref<128x64xf32, #tpu.memory_space<vmem>>) target(%dma_start3A_249 : memref<25088x64xf32, #tpu.memory_space<vmem_shared>>) offsets(%dma_start3A_246 : memref<128xi32, #tpu.memory_space<vmem>>) semaphore(%run_scoped3A : memref<!tpu.dma_semaphore, #tpu.memory_space<semaphore_mem>>) {add = true}
          %dma_wait3A_250 = arith.constant 0 : i32
          %dma_wait3A_251 = tpu.memref_slice %arg12[%scan3A_221, %dma_wait3A_250] : memref<28x128xi32, #tpu.memory_space<vmem>> -> memref<1x128xi32, #tpu.memory_space<vmem>>
          %dma_wait3A_252 = tpu.memref_squeeze %dma_wait3A_251 : memref<1x128xi32, #tpu.memory_space<vmem>> -> memref<128xi32, #tpu.memory_space<vmem>>
          %dma_wait3A_253 = arith.constant 0 : i32
          %dma_wait3A_254 = arith.constant 0 : i32
          %dma_wait3A_255 = tpu.memref_slice %arg9[%dma_wait3A_253, %dma_wait3A_254] : memref<25088x64xf32, #tpu.memory_space<vmem_shared>> -> memref<25088x64xf32, #tpu.memory_space<vmem_shared>>
          tpu.wait_indirect_dma semaphore(%run_scoped3A : memref<!tpu.dma_semaphore, #tpu.memory_space<semaphore_mem>>) src(%arg13 : memref<128x64xf32, #tpu.memory_space<vmem>>) dst(%dma_wait3A_255 : memref<25088x64xf32, #tpu.memory_space<vmem_shared>>)
          tpu.yield
        }) : () -> ()
        "tpu.region"() ({
          %run_scoped3A = tpu.sem_alloc : memref<!tpu.dma_semaphore, #tpu.memory_space<semaphore_mem>>
          %dma_start3A_244 = arith.constant 0 : i32
          %dma_start3A_245 = tpu.memref_slice %arg12[%scan3A_221, %dma_start3A_244] : memref<28x128xi32, #tpu.memory_space<vmem>> -> memref<1x128xi32, #tpu.memory_space<vmem>>
          %dma_start3A_246 = tpu.memref_squeeze %dma_start3A_245 : memref<1x128xi32, #tpu.memory_space<vmem>> -> memref<128xi32, #tpu.memory_space<vmem>>
          %dma_start3A_247 = arith.constant 0 : i32
          %dma_start3A_248 = tpu.memref_slice %arg10[%dma_start3A_247] : memref<25088xf32, #tpu.memory_space<vmem_shared>> -> memref<25088xf32, #tpu.memory_space<vmem_shared>>
          tpu.enqueue_indirect_dma source(%arg16 : memref<128xf32, #tpu.memory_space<vmem>>) target(%dma_start3A_248 : memref<25088xf32, #tpu.memory_space<vmem_shared>>) offsets(%dma_start3A_246 : memref<128xi32, #tpu.memory_space<vmem>>) semaphore(%run_scoped3A : memref<!tpu.dma_semaphore, #tpu.memory_space<semaphore_mem>>) {add = true}
          %dma_wait3A_249 = arith.constant 0 : i32
          %dma_wait3A_250 = tpu.memref_slice %arg12[%scan3A_221, %dma_wait3A_249] : memref<28x128xi32, #tpu.memory_space<vmem>> -> memref<1x128xi32, #tpu.memory_space<vmem>>
          %dma_wait3A_251 = tpu.memref_squeeze %dma_wait3A_250 : memref<1x128xi32, #tpu.memory_space<vmem>> -> memref<128xi32, #tpu.memory_space<vmem>>
          %dma_wait3A_252 = arith.constant 0 : i32
          %dma_wait3A_253 = tpu.memref_slice %arg10[%dma_wait3A_252] : memref<25088xf32, #tpu.memory_space<vmem_shared>> -> memref<25088xf32, #tpu.memory_space<vmem_shared>>
          tpu.wait_indirect_dma semaphore(%run_scoped3A : memref<!tpu.dma_semaphore, #tpu.memory_space<semaphore_mem>>) src(%arg16 : memref<128xf32, #tpu.memory_space<vmem>>) dst(%dma_wait3A_253 : memref<25088xf32, #tpu.memory_space<vmem_shared>>)
          tpu.yield
        }) : () -> ()
      } else {
      }
      %eq3A_228 = arith.constant 1 : i32
      %eq3A_229 = arith.cmpi eq, %arg0, %eq3A_228 : i32
      %convert_element_type3A_230 = arith.extui %eq3A_229 : i1 to i32
      %cond3A_231 = arith.constant 0 : i32
      %cond3A_232 = arith.cmpi ne, %convert_element_type3A_230, %cond3A_231 : i32
      scf.if %cond3A_232 {
        %dma_start3A = arith.constant 0 : i32
        %dma_start3A_234 = tpu.memref_slice %arg11[%scan3A_221, %dma_start3A] : memref<28x128xi32, #tpu.memory_space<vmem>> -> memref<1x128xi32, #tpu.memory_space<vmem>>
        %dma_start3A_235 = tpu.memref_squeeze %dma_start3A_234 : memref<1x128xi32, #tpu.memory_space<vmem>> -> memref<128xi32, #tpu.memory_space<vmem>>
        %dma_start3A_236 = arith.constant 0 : i32
        %dma_start3A_237 = arith.constant 0 : i32
        %dma_start3A_238 = tpu.memref_slice %arg3[%dma_start3A_236, %dma_start3A_237] : memref<50000x64xf32, #tpu.memory_space<hbm>> -> memref<50000x64xf32, #tpu.memory_space<hbm>>
        tpu.enqueue_indirect_dma source(%dma_start3A_238 : memref<50000x64xf32, #tpu.memory_space<hbm>>) target(%arg13 : memref<128x64xf32, #tpu.memory_space<vmem>>) offsets(%dma_start3A_235 : memref<128xi32, #tpu.memory_space<vmem>>) semaphore(%arg17 : memref<!tpu.dma_semaphore, #tpu.memory_space<semaphore_mem>>)
        %dma_wait3A = arith.constant 0 : i32
        %dma_wait3A_239 = tpu.memref_slice %arg11[%scan3A_221, %dma_wait3A] : memref<28x128xi32, #tpu.memory_space<vmem>> -> memref<1x128xi32, #tpu.memory_space<vmem>>
        %dma_wait3A_240 = tpu.memref_squeeze %dma_wait3A_239 : memref<1x128xi32, #tpu.memory_space<vmem>> -> memref<128xi32, #tpu.memory_space<vmem>>
        %dma_wait3A_241 = arith.constant 0 : i32
        %dma_wait3A_242 = arith.constant 0 : i32
        %dma_wait3A_243 = tpu.memref_slice %arg3[%dma_wait3A_241, %dma_wait3A_242] : memref<50000x64xf32, #tpu.memory_space<hbm>> -> memref<50000x64xf32, #tpu.memory_space<hbm>>
        tpu.wait_indirect_dma semaphore(%arg17 : memref<!tpu.dma_semaphore, #tpu.memory_space<semaphore_mem>>) src(%dma_wait3A_243 : memref<50000x64xf32, #tpu.memory_space<hbm>>) dst(%arg13 : memref<128x64xf32, #tpu.memory_space<vmem>>)
        "tpu.region"() ({
          %run_scoped3A = tpu.sem_alloc : memref<!tpu.dma_semaphore, #tpu.memory_space<semaphore_mem>>
          %dma_start3A_244 = arith.constant 0 : i32
          %dma_start3A_245 = tpu.memref_slice %arg12[%scan3A_221, %dma_start3A_244] : memref<28x128xi32, #tpu.memory_space<vmem>> -> memref<1x128xi32, #tpu.memory_space<vmem>>
          %dma_start3A_246 = tpu.memref_squeeze %dma_start3A_245 : memref<1x128xi32, #tpu.memory_space<vmem>> -> memref<128xi32, #tpu.memory_space<vmem>>
          %dma_start3A_247 = arith.constant 0 : i32
          %dma_start3A_248 = arith.constant 0 : i32
          %dma_start3A_249 = tpu.memref_slice %arg9[%dma_start3A_247, %dma_start3A_248] : memref<25088x64xf32, #tpu.memory_space<vmem_shared>> -> memref<25088x64xf32, #tpu.memory_space<vmem_shared>>
          tpu.enqueue_indirect_dma source(%arg13 : memref<128x64xf32, #tpu.memory_space<vmem>>) target(%dma_start3A_249 : memref<25088x64xf32, #tpu.memory_space<vmem_shared>>) offsets(%dma_start3A_246 : memref<128xi32, #tpu.memory_space<vmem>>) semaphore(%run_scoped3A : memref<!tpu.dma_semaphore, #tpu.memory_space<semaphore_mem>>) {add = true}
          %dma_wait3A_250 = arith.constant 0 : i32
          %dma_wait3A_251 = tpu.memref_slice %arg12[%scan3A_221, %dma_wait3A_250] : memref<28x128xi32, #tpu.memory_space<vmem>> -> memref<1x128xi32, #tpu.memory_space<vmem>>
          %dma_wait3A_252 = tpu.memref_squeeze %dma_wait3A_251 : memref<1x128xi32, #tpu.memory_space<vmem>> -> memref<128xi32, #tpu.memory_space<vmem>>
          %dma_wait3A_253 = arith.constant 0 : i32
          %dma_wait3A_254 = arith.constant 0 : i32
          %dma_wait3A_255 = tpu.memref_slice %arg9[%dma_wait3A_253, %dma_wait3A_254] : memref<25088x64xf32, #tpu.memory_space<vmem_shared>> -> memref<25088x64xf32, #tpu.memory_space<vmem_shared>>
          tpu.wait_indirect_dma semaphore(%run_scoped3A : memref<!tpu.dma_semaphore, #tpu.memory_space<semaphore_mem>>) src(%arg13 : memref<128x64xf32, #tpu.memory_space<vmem>>) dst(%dma_wait3A_255 : memref<25088x64xf32, #tpu.memory_space<vmem_shared>>)
          tpu.yield
        }) : () -> ()
      } else {
      }
      %scan3A_233 = arith.constant 0 : i32
      scf.yield %scan3A_233 : i32
    }
    %scan3A_198 = arith.constant 28 : i32
    %add3A_199 = arith.constant 364 : i32
    %add3A_200 = arith.addi %mul3A_55, %add3A_199 : i32
    "tpu.region"() ({
      %run_scoped3A = tpu.sem_alloc : memref<!tpu.dma_semaphore, #tpu.memory_space<semaphore_mem>>
      %dma_start3A = arith.constant 0 : i32
      %dma_start3A_221 = tpu.memref_slice %arg4[%add3A_200, %dma_start3A] : memref<6272x128xi32, #tpu.memory_space<hbm>> -> memref<28x128xi32, #tpu.memory_space<hbm>>
      %dma_start3A_222 = arith.constant 0 : i32
      %dma_start3A_223 = tpu.memref_slice %arg4[%add3A_200, %dma_start3A_222] : memref<6272x128xi32, #tpu.memory_space<hbm>> -> memref<28x128xi32, #tpu.memory_space<hbm>>
      tpu.enqueue_dma source(%dma_start3A_223 : memref<28x128xi32, #tpu.memory_space<hbm>>) target(%arg11 : memref<28x128xi32, #tpu.memory_space<vmem>>) target_semaphore(%run_scoped3A : memref<!tpu.dma_semaphore, #tpu.memory_space<semaphore_mem>>)
      %dma_wait3A = arith.constant 0 : i32
      %dma_wait3A_224 = tpu.memref_slice %arg4[%add3A_200, %dma_wait3A] : memref<6272x128xi32, #tpu.memory_space<hbm>> -> memref<28x128xi32, #tpu.memory_space<hbm>>
      %dma_wait3A_225 = arith.constant 0 : i32
      %dma_wait3A_226 = tpu.memref_slice %arg4[%add3A_200, %dma_wait3A_225] : memref<6272x128xi32, #tpu.memory_space<hbm>> -> memref<28x128xi32, #tpu.memory_space<hbm>>
      tpu.wait_dma2 semaphore(%run_scoped3A : memref<!tpu.dma_semaphore, #tpu.memory_space<semaphore_mem>>) src(%dma_wait3A_226 : memref<28x128xi32, #tpu.memory_space<hbm>>) dst(%arg11 : memref<28x128xi32, #tpu.memory_space<vmem>>)
      tpu.yield
    }) : () -> ()
    %add3A_201 = arith.constant 364 : i32
    %add3A_202 = arith.addi %mul3A_55, %add3A_201 : i32
    "tpu.region"() ({
      %run_scoped3A = tpu.sem_alloc : memref<!tpu.dma_semaphore, #tpu.memory_space<semaphore_mem>>
      %dma_start3A = arith.constant 0 : i32
      %dma_start3A_221 = tpu.memref_slice %arg5[%add3A_202, %dma_start3A] : memref<6272x128xi32, #tpu.memory_space<hbm>> -> memref<28x128xi32, #tpu.memory_space<hbm>>
      %dma_start3A_222 = arith.constant 0 : i32
      %dma_start3A_223 = tpu.memref_slice %arg5[%add3A_202, %dma_start3A_222] : memref<6272x128xi32, #tpu.memory_space<hbm>> -> memref<28x128xi32, #tpu.memory_space<hbm>>
      tpu.enqueue_dma source(%dma_start3A_223 : memref<28x128xi32, #tpu.memory_space<hbm>>) target(%arg12 : memref<28x128xi32, #tpu.memory_space<vmem>>) target_semaphore(%run_scoped3A : memref<!tpu.dma_semaphore, #tpu.memory_space<semaphore_mem>>)
      %dma_wait3A = arith.constant 0 : i32
      %dma_wait3A_224 = tpu.memref_slice %arg5[%add3A_202, %dma_wait3A] : memref<6272x128xi32, #tpu.memory_space<hbm>> -> memref<28x128xi32, #tpu.memory_space<hbm>>
      %dma_wait3A_225 = arith.constant 0 : i32
      %dma_wait3A_226 = tpu.memref_slice %arg5[%add3A_202, %dma_wait3A_225] : memref<6272x128xi32, #tpu.memory_space<hbm>> -> memref<28x128xi32, #tpu.memory_space<hbm>>
      tpu.wait_dma2 semaphore(%run_scoped3A : memref<!tpu.dma_semaphore, #tpu.memory_space<semaphore_mem>>) src(%dma_wait3A_226 : memref<28x128xi32, #tpu.memory_space<hbm>>) dst(%arg12 : memref<28x128xi32, #tpu.memory_space<vmem>>)
      tpu.yield
    }) : () -> ()
    %scan3A_203 = arith.constant 0 : i32
    %scan3A_204 = arith.constant 0 : i32
    %scan3A_205 = arith.constant 28 : i32
    %scan3A_206 = arith.addi %scan3A_204, %scan3A_205 : i32
    %scan3A_207 = arith.constant 1 : i32
    %scan3A_208 = scf.for %scan3A_221 = %scan3A_204 to %scan3A_206 step %scan3A_207 iter_args(%scan3A_222 = %scan3A_203) -> (i32)  : i32 {
      %eq3A_223 = arith.constant 0 : i32
      %eq3A_224 = arith.cmpi eq, %arg0, %eq3A_223 : i32
      %convert_element_type3A_225 = arith.extui %eq3A_224 : i1 to i32
      %cond3A_226 = arith.constant 0 : i32
      %cond3A_227 = arith.cmpi ne, %convert_element_type3A_225, %cond3A_226 : i32
      scf.if %cond3A_227 {
        %dma_start3A = arith.constant 0 : i32
        %dma_start3A_234 = tpu.memref_slice %arg11[%scan3A_221, %dma_start3A] : memref<28x128xi32, #tpu.memory_space<vmem>> -> memref<1x128xi32, #tpu.memory_space<vmem>>
        %dma_start3A_235 = tpu.memref_squeeze %dma_start3A_234 : memref<1x128xi32, #tpu.memory_space<vmem>> -> memref<128xi32, #tpu.memory_space<vmem>>
        %dma_start3A_236 = arith.constant 0 : i32
        %dma_start3A_237 = arith.constant 0 : i32
        %dma_start3A_238 = tpu.memref_slice %arg2[%dma_start3A_236, %dma_start3A_237] : memref<50000x64xf32, #tpu.memory_space<hbm>> -> memref<50000x64xf32, #tpu.memory_space<hbm>>
        tpu.enqueue_indirect_dma source(%dma_start3A_238 : memref<50000x64xf32, #tpu.memory_space<hbm>>) target(%arg13 : memref<128x64xf32, #tpu.memory_space<vmem>>) offsets(%dma_start3A_235 : memref<128xi32, #tpu.memory_space<vmem>>) semaphore(%arg17 : memref<!tpu.dma_semaphore, #tpu.memory_space<semaphore_mem>>)
        %dma_wait3A = arith.constant 0 : i32
        %dma_wait3A_239 = tpu.memref_slice %arg11[%scan3A_221, %dma_wait3A] : memref<28x128xi32, #tpu.memory_space<vmem>> -> memref<1x128xi32, #tpu.memory_space<vmem>>
        %dma_wait3A_240 = tpu.memref_squeeze %dma_wait3A_239 : memref<1x128xi32, #tpu.memory_space<vmem>> -> memref<128xi32, #tpu.memory_space<vmem>>
        %dma_wait3A_241 = arith.constant 0 : i32
        %dma_wait3A_242 = arith.constant 0 : i32
        %dma_wait3A_243 = tpu.memref_slice %arg2[%dma_wait3A_241, %dma_wait3A_242] : memref<50000x64xf32, #tpu.memory_space<hbm>> -> memref<50000x64xf32, #tpu.memory_space<hbm>>
        tpu.wait_indirect_dma semaphore(%arg17 : memref<!tpu.dma_semaphore, #tpu.memory_space<semaphore_mem>>) src(%dma_wait3A_243 : memref<50000x64xf32, #tpu.memory_space<hbm>>) dst(%arg13 : memref<128x64xf32, #tpu.memory_space<vmem>>)
        "tpu.region"() ({
          %run_scoped3A = tpu.sem_alloc : memref<!tpu.dma_semaphore, #tpu.memory_space<semaphore_mem>>
          %dma_start3A_244 = arith.constant 0 : i32
          %dma_start3A_245 = tpu.memref_slice %arg12[%scan3A_221, %dma_start3A_244] : memref<28x128xi32, #tpu.memory_space<vmem>> -> memref<1x128xi32, #tpu.memory_space<vmem>>
          %dma_start3A_246 = tpu.memref_squeeze %dma_start3A_245 : memref<1x128xi32, #tpu.memory_space<vmem>> -> memref<128xi32, #tpu.memory_space<vmem>>
          %dma_start3A_247 = arith.constant 0 : i32
          %dma_start3A_248 = arith.constant 0 : i32
          %dma_start3A_249 = tpu.memref_slice %arg9[%dma_start3A_247, %dma_start3A_248] : memref<25088x64xf32, #tpu.memory_space<vmem_shared>> -> memref<25088x64xf32, #tpu.memory_space<vmem_shared>>
          tpu.enqueue_indirect_dma source(%arg13 : memref<128x64xf32, #tpu.memory_space<vmem>>) target(%dma_start3A_249 : memref<25088x64xf32, #tpu.memory_space<vmem_shared>>) offsets(%dma_start3A_246 : memref<128xi32, #tpu.memory_space<vmem>>) semaphore(%run_scoped3A : memref<!tpu.dma_semaphore, #tpu.memory_space<semaphore_mem>>) {add = true}
          %dma_wait3A_250 = arith.constant 0 : i32
          %dma_wait3A_251 = tpu.memref_slice %arg12[%scan3A_221, %dma_wait3A_250] : memref<28x128xi32, #tpu.memory_space<vmem>> -> memref<1x128xi32, #tpu.memory_space<vmem>>
          %dma_wait3A_252 = tpu.memref_squeeze %dma_wait3A_251 : memref<1x128xi32, #tpu.memory_space<vmem>> -> memref<128xi32, #tpu.memory_space<vmem>>
          %dma_wait3A_253 = arith.constant 0 : i32
          %dma_wait3A_254 = arith.constant 0 : i32
          %dma_wait3A_255 = tpu.memref_slice %arg9[%dma_wait3A_253, %dma_wait3A_254] : memref<25088x64xf32, #tpu.memory_space<vmem_shared>> -> memref<25088x64xf32, #tpu.memory_space<vmem_shared>>
          tpu.wait_indirect_dma semaphore(%run_scoped3A : memref<!tpu.dma_semaphore, #tpu.memory_space<semaphore_mem>>) src(%arg13 : memref<128x64xf32, #tpu.memory_space<vmem>>) dst(%dma_wait3A_255 : memref<25088x64xf32, #tpu.memory_space<vmem_shared>>)
          tpu.yield
        }) : () -> ()
        "tpu.region"() ({
          %run_scoped3A = tpu.sem_alloc : memref<!tpu.dma_semaphore, #tpu.memory_space<semaphore_mem>>
          %dma_start3A_244 = arith.constant 0 : i32
          %dma_start3A_245 = tpu.memref_slice %arg12[%scan3A_221, %dma_start3A_244] : memref<28x128xi32, #tpu.memory_space<vmem>> -> memref<1x128xi32, #tpu.memory_space<vmem>>
          %dma_start3A_246 = tpu.memref_squeeze %dma_start3A_245 : memref<1x128xi32, #tpu.memory_space<vmem>> -> memref<128xi32, #tpu.memory_space<vmem>>
          %dma_start3A_247 = arith.constant 0 : i32
          %dma_start3A_248 = tpu.memref_slice %arg10[%dma_start3A_247] : memref<25088xf32, #tpu.memory_space<vmem_shared>> -> memref<25088xf32, #tpu.memory_space<vmem_shared>>
          tpu.enqueue_indirect_dma source(%arg16 : memref<128xf32, #tpu.memory_space<vmem>>) target(%dma_start3A_248 : memref<25088xf32, #tpu.memory_space<vmem_shared>>) offsets(%dma_start3A_246 : memref<128xi32, #tpu.memory_space<vmem>>) semaphore(%run_scoped3A : memref<!tpu.dma_semaphore, #tpu.memory_space<semaphore_mem>>) {add = true}
          %dma_wait3A_249 = arith.constant 0 : i32
          %dma_wait3A_250 = tpu.memref_slice %arg12[%scan3A_221, %dma_wait3A_249] : memref<28x128xi32, #tpu.memory_space<vmem>> -> memref<1x128xi32, #tpu.memory_space<vmem>>
          %dma_wait3A_251 = tpu.memref_squeeze %dma_wait3A_250 : memref<1x128xi32, #tpu.memory_space<vmem>> -> memref<128xi32, #tpu.memory_space<vmem>>
          %dma_wait3A_252 = arith.constant 0 : i32
          %dma_wait3A_253 = tpu.memref_slice %arg10[%dma_wait3A_252] : memref<25088xf32, #tpu.memory_space<vmem_shared>> -> memref<25088xf32, #tpu.memory_space<vmem_shared>>
          tpu.wait_indirect_dma semaphore(%run_scoped3A : memref<!tpu.dma_semaphore, #tpu.memory_space<semaphore_mem>>) src(%arg16 : memref<128xf32, #tpu.memory_space<vmem>>) dst(%dma_wait3A_253 : memref<25088xf32, #tpu.memory_space<vmem_shared>>)
          tpu.yield
        }) : () -> ()
      } else {
      }
      %eq3A_228 = arith.constant 1 : i32
      %eq3A_229 = arith.cmpi eq, %arg0, %eq3A_228 : i32
      %convert_element_type3A_230 = arith.extui %eq3A_229 : i1 to i32
      %cond3A_231 = arith.constant 0 : i32
      %cond3A_232 = arith.cmpi ne, %convert_element_type3A_230, %cond3A_231 : i32
      scf.if %cond3A_232 {
        %dma_start3A = arith.constant 0 : i32
        %dma_start3A_234 = tpu.memref_slice %arg11[%scan3A_221, %dma_start3A] : memref<28x128xi32, #tpu.memory_space<vmem>> -> memref<1x128xi32, #tpu.memory_space<vmem>>
        %dma_start3A_235 = tpu.memref_squeeze %dma_start3A_234 : memref<1x128xi32, #tpu.memory_space<vmem>> -> memref<128xi32, #tpu.memory_space<vmem>>
        %dma_start3A_236 = arith.constant 0 : i32
        %dma_start3A_237 = arith.constant 0 : i32
        %dma_start3A_238 = tpu.memref_slice %arg3[%dma_start3A_236, %dma_start3A_237] : memref<50000x64xf32, #tpu.memory_space<hbm>> -> memref<50000x64xf32, #tpu.memory_space<hbm>>
        tpu.enqueue_indirect_dma source(%dma_start3A_238 : memref<50000x64xf32, #tpu.memory_space<hbm>>) target(%arg13 : memref<128x64xf32, #tpu.memory_space<vmem>>) offsets(%dma_start3A_235 : memref<128xi32, #tpu.memory_space<vmem>>) semaphore(%arg17 : memref<!tpu.dma_semaphore, #tpu.memory_space<semaphore_mem>>)
        %dma_wait3A = arith.constant 0 : i32
        %dma_wait3A_239 = tpu.memref_slice %arg11[%scan3A_221, %dma_wait3A] : memref<28x128xi32, #tpu.memory_space<vmem>> -> memref<1x128xi32, #tpu.memory_space<vmem>>
        %dma_wait3A_240 = tpu.memref_squeeze %dma_wait3A_239 : memref<1x128xi32, #tpu.memory_space<vmem>> -> memref<128xi32, #tpu.memory_space<vmem>>
        %dma_wait3A_241 = arith.constant 0 : i32
        %dma_wait3A_242 = arith.constant 0 : i32
        %dma_wait3A_243 = tpu.memref_slice %arg3[%dma_wait3A_241, %dma_wait3A_242] : memref<50000x64xf32, #tpu.memory_space<hbm>> -> memref<50000x64xf32, #tpu.memory_space<hbm>>
        tpu.wait_indirect_dma semaphore(%arg17 : memref<!tpu.dma_semaphore, #tpu.memory_space<semaphore_mem>>) src(%dma_wait3A_243 : memref<50000x64xf32, #tpu.memory_space<hbm>>) dst(%arg13 : memref<128x64xf32, #tpu.memory_space<vmem>>)
        "tpu.region"() ({
          %run_scoped3A = tpu.sem_alloc : memref<!tpu.dma_semaphore, #tpu.memory_space<semaphore_mem>>
          %dma_start3A_244 = arith.constant 0 : i32
          %dma_start3A_245 = tpu.memref_slice %arg12[%scan3A_221, %dma_start3A_244] : memref<28x128xi32, #tpu.memory_space<vmem>> -> memref<1x128xi32, #tpu.memory_space<vmem>>
          %dma_start3A_246 = tpu.memref_squeeze %dma_start3A_245 : memref<1x128xi32, #tpu.memory_space<vmem>> -> memref<128xi32, #tpu.memory_space<vmem>>
          %dma_start3A_247 = arith.constant 0 : i32
          %dma_start3A_248 = arith.constant 0 : i32
          %dma_start3A_249 = tpu.memref_slice %arg9[%dma_start3A_247, %dma_start3A_248] : memref<25088x64xf32, #tpu.memory_space<vmem_shared>> -> memref<25088x64xf32, #tpu.memory_space<vmem_shared>>
          tpu.enqueue_indirect_dma source(%arg13 : memref<128x64xf32, #tpu.memory_space<vmem>>) target(%dma_start3A_249 : memref<25088x64xf32, #tpu.memory_space<vmem_shared>>) offsets(%dma_start3A_246 : memref<128xi32, #tpu.memory_space<vmem>>) semaphore(%run_scoped3A : memref<!tpu.dma_semaphore, #tpu.memory_space<semaphore_mem>>) {add = true}
          %dma_wait3A_250 = arith.constant 0 : i32
          %dma_wait3A_251 = tpu.memref_slice %arg12[%scan3A_221, %dma_wait3A_250] : memref<28x128xi32, #tpu.memory_space<vmem>> -> memref<1x128xi32, #tpu.memory_space<vmem>>
          %dma_wait3A_252 = tpu.memref_squeeze %dma_wait3A_251 : memref<1x128xi32, #tpu.memory_space<vmem>> -> memref<128xi32, #tpu.memory_space<vmem>>
          %dma_wait3A_253 = arith.constant 0 : i32
          %dma_wait3A_254 = arith.constant 0 : i32
          %dma_wait3A_255 = tpu.memref_slice %arg9[%dma_wait3A_253, %dma_wait3A_254] : memref<25088x64xf32, #tpu.memory_space<vmem_shared>> -> memref<25088x64xf32, #tpu.memory_space<vmem_shared>>
          tpu.wait_indirect_dma semaphore(%run_scoped3A : memref<!tpu.dma_semaphore, #tpu.memory_space<semaphore_mem>>) src(%arg13 : memref<128x64xf32, #tpu.memory_space<vmem>>) dst(%dma_wait3A_255 : memref<25088x64xf32, #tpu.memory_space<vmem_shared>>)
          tpu.yield
        }) : () -> ()
      } else {
      }
      %scan3A_233 = arith.constant 0 : i32
      scf.yield %scan3A_233 : i32
    }
    %scan3A_209 = arith.constant 28 : i32
    %barrier3A_210 = arith.constant 0 : index
    tpu.barrier barrier_id(%barrier3A_210)
    %eq3A_211 = arith.constant 0 : i32
    %eq3A_212 = arith.cmpi eq, %arg0, %eq3A_211 : i32
    %convert_element_type3A_213 = arith.extui %eq3A_212 : i1 to i32
    %cond3A_214 = arith.constant 0 : i32
    %cond3A_215 = arith.cmpi ne, %convert_element_type3A_213, %cond3A_214 : i32
    scf.if %cond3A_215 {
      "tpu.region"() ({
        %run_scoped3A = tpu.sem_alloc : memref<!tpu.dma_semaphore, #tpu.memory_space<semaphore_mem>>
        %dma_start3A = arith.constant 0 : i32
        %dma_start3A_221 = tpu.memref_slice %arg6[%mul3A_0, %dma_start3A] : memref<25088x64xf32, #tpu.memory_space<hbm>> -> memref<1568x64xf32, #tpu.memory_space<hbm>>
        %dma_start3A_222 = arith.constant 0 : i32
        %dma_start3A_223 = tpu.memref_slice %arg9[%mul3A_0, %dma_start3A_222] : memref<25088x64xf32, #tpu.memory_space<vmem_shared>> -> memref<1568x64xf32, #tpu.memory_space<vmem_shared>>
        tpu.enqueue_dma source(%dma_start3A_223 : memref<1568x64xf32, #tpu.memory_space<vmem_shared>>) target(%dma_start3A_221 : memref<1568x64xf32, #tpu.memory_space<hbm>>) target_semaphore(%run_scoped3A : memref<!tpu.dma_semaphore, #tpu.memory_space<semaphore_mem>>)
        %dma_wait3A = arith.constant 0 : i32
        %dma_wait3A_224 = tpu.memref_slice %arg6[%mul3A_0, %dma_wait3A] : memref<25088x64xf32, #tpu.memory_space<hbm>> -> memref<1568x64xf32, #tpu.memory_space<hbm>>
        %dma_wait3A_225 = arith.constant 0 : i32
        %dma_wait3A_226 = tpu.memref_slice %arg9[%mul3A_0, %dma_wait3A_225] : memref<25088x64xf32, #tpu.memory_space<vmem_shared>> -> memref<1568x64xf32, #tpu.memory_space<vmem_shared>>
        tpu.wait_dma2 semaphore(%run_scoped3A : memref<!tpu.dma_semaphore, #tpu.memory_space<semaphore_mem>>) src(%dma_wait3A_226 : memref<1568x64xf32, #tpu.memory_space<vmem_shared>>) dst(%dma_wait3A_224 : memref<1568x64xf32, #tpu.memory_space<hbm>>)
        tpu.yield
      }) : () -> ()
      "tpu.region"() ({
        %run_scoped3A = tpu.sem_alloc : memref<!tpu.dma_semaphore, #tpu.memory_space<semaphore_mem>>
        %dma_start3A = tpu.memref_slice %arg8[%mul3A_0] : memref<25088xf32, #tpu.memory_space<hbm>> -> memref<1568xf32, #tpu.memory_space<hbm>>
        %dma_start3A_221 = tpu.memref_slice %arg10[%mul3A_0] : memref<25088xf32, #tpu.memory_space<vmem_shared>> -> memref<1568xf32, #tpu.memory_space<vmem_shared>>
        tpu.enqueue_dma source(%dma_start3A_221 : memref<1568xf32, #tpu.memory_space<vmem_shared>>) target(%dma_start3A : memref<1568xf32, #tpu.memory_space<hbm>>) target_semaphore(%run_scoped3A : memref<!tpu.dma_semaphore, #tpu.memory_space<semaphore_mem>>)
        %dma_wait3A = tpu.memref_slice %arg8[%mul3A_0] : memref<25088xf32, #tpu.memory_space<hbm>> -> memref<1568xf32, #tpu.memory_space<hbm>>
        %dma_wait3A_222 = tpu.memref_slice %arg10[%mul3A_0] : memref<25088xf32, #tpu.memory_space<vmem_shared>> -> memref<1568xf32, #tpu.memory_space<vmem_shared>>
        tpu.wait_dma2 semaphore(%run_scoped3A : memref<!tpu.dma_semaphore, #tpu.memory_space<semaphore_mem>>) src(%dma_wait3A_222 : memref<1568xf32, #tpu.memory_space<vmem_shared>>) dst(%dma_wait3A : memref<1568xf32, #tpu.memory_space<hbm>>)
        tpu.yield
      }) : () -> ()
    } else {
    }
    %eq3A_216 = arith.constant 1 : i32
    %eq3A_217 = arith.cmpi eq, %arg0, %eq3A_216 : i32
    %convert_element_type3A_218 = arith.extui %eq3A_217 : i1 to i32
    %cond3A_219 = arith.constant 0 : i32
    %cond3A_220 = arith.cmpi ne, %convert_element_type3A_218, %cond3A_219 : i32
    scf.if %cond3A_220 {
      "tpu.region"() ({
        %run_scoped3A = tpu.sem_alloc : memref<!tpu.dma_semaphore, #tpu.memory_space<semaphore_mem>>
        %dma_start3A = arith.constant 0 : i32
        %dma_start3A_221 = tpu.memref_slice %arg7[%mul3A_0, %dma_start3A] : memref<25088x64xf32, #tpu.memory_space<hbm>> -> memref<1568x64xf32, #tpu.memory_space<hbm>>
        %dma_start3A_222 = arith.constant 0 : i32
        %dma_start3A_223 = tpu.memref_slice %arg9[%mul3A_0, %dma_start3A_222] : memref<25088x64xf32, #tpu.memory_space<vmem_shared>> -> memref<1568x64xf32, #tpu.memory_space<vmem_shared>>
        tpu.enqueue_dma source(%dma_start3A_223 : memref<1568x64xf32, #tpu.memory_space<vmem_shared>>) target(%dma_start3A_221 : memref<1568x64xf32, #tpu.memory_space<hbm>>) target_semaphore(%run_scoped3A : memref<!tpu.dma_semaphore, #tpu.memory_space<semaphore_mem>>)
        %dma_wait3A = arith.constant 0 : i32
        %dma_wait3A_224 = tpu.memref_slice %arg7[%mul3A_0, %dma_wait3A] : memref<25088x64xf32, #tpu.memory_space<hbm>> -> memref<1568x64xf32, #tpu.memory_space<hbm>>
        %dma_wait3A_225 = arith.constant 0 : i32
        %dma_wait3A_226 = tpu.memref_slice %arg9[%mul3A_0, %dma_wait3A_225] : memref<25088x64xf32, #tpu.memory_space<vmem_shared>> -> memref<1568x64xf32, #tpu.memory_space<vmem_shared>>
        tpu.wait_dma2 semaphore(%run_scoped3A : memref<!tpu.dma_semaphore, #tpu.memory_space<semaphore_mem>>) src(%dma_wait3A_226 : memref<1568x64xf32, #tpu.memory_space<vmem_shared>>) dst(%dma_wait3A_224 : memref<1568x64xf32, #tpu.memory_space<hbm>>)
        tpu.yield
      }) : () -> ()
    } else {
    }
    return
  }
}

module attributes {stable_mosaic.version = 14 : i64} {
  func.func @_softmax_body(%arg0: i32, %arg1: memref<2000x64xf32, #tpu.memory_space<vmem>>, %arg2: memref<2000x64xf32, #tpu.memory_space<vmem>>, %arg3: memref<2000x64xf32, #tpu.memory_space<vmem>>, %arg4: memref<2000x64xf32, #tpu.memory_space<vmem>>) attributes {dimension_semantics = [#tpu.dimension_semantics<arbitrary>], iteration_bounds = array<i64: 25>, scalar_prefetch = 0 : i64, scratch_operands = 0 : i64, tpu.core_type = #tpu.core_type<tc>, window_params = [{transform_indices = @transform_0, window_bounds = array<i64: 2000, 64>}, {transform_indices = @transform_1, window_bounds = array<i64: 2000, 64>}, {transform_indices = @transform_2, window_bounds = array<i64: 2000, 64>}, {transform_indices = @transform_3, window_bounds = array<i64: 2000, 64>}]} {
    %get3A = arith.constant 0 : index
    %get3A_0 = arith.constant 0 : index
    %get3A_1 = vector.load %arg1[%get3A, %get3A_0] : memref<2000x64xf32, #tpu.memory_space<vmem>>, vector<2000x64xf32>
    %reduce_max3A = arith.constant dense<0xFF800000> : vector<2000xf32>
    %reduce_max3A_2 = vector.multi_reduction <maximumf>, %get3A_1, %reduce_max3A [1] : vector<2000x64xf32> to vector<2000xf32>
    %broadcast_in_dim3A = vector.shape_cast %reduce_max3A_2 : vector<2000xf32> to vector<2000x1xf32>
    %sub3A = vector.broadcast %broadcast_in_dim3A : vector<2000x1xf32> to vector<2000x64xf32>
    %sub3A_3 = arith.subf %get3A_1, %sub3A : vector<2000x64xf32>
    %exp3A = math.exp %sub3A_3 : vector<2000x64xf32>
    %reduce_sum3A = arith.constant dense<0.000000e+00> : vector<2000xf32>
    %reduce_sum3A_4 = vector.multi_reduction <add>, %exp3A, %reduce_sum3A [1] : vector<2000x64xf32> to vector<2000xf32>
    %broadcast_in_dim3A_5 = vector.shape_cast %reduce_sum3A_4 : vector<2000xf32> to vector<2000x1xf32>
    %div3A = vector.broadcast %broadcast_in_dim3A_5 : vector<2000x1xf32> to vector<2000x64xf32>
    %div3A_6 = arith.divf %exp3A, %div3A : vector<2000x64xf32>
    %swap3A = arith.constant 0 : index
    %swap3A_7 = arith.constant 0 : index
    %swap3A_8 = vector.load %arg3[%swap3A, %swap3A_7] : memref<2000x64xf32, #tpu.memory_space<vmem>>, vector<2000x64xf32>
    tpu.vector_store %arg3[%swap3A, %swap3A_7], %div3A_6 {strides = array<i32>} : memref<2000x64xf32, #tpu.memory_space<vmem>>, vector<2000x64xf32>,
    %get3A_9 = arith.constant 0 : index
    %get3A_10 = arith.constant 0 : index
    %get3A_11 = vector.load %arg2[%get3A_9, %get3A_10] : memref<2000x64xf32, #tpu.memory_space<vmem>>, vector<2000x64xf32>
    %reduce_max3A_12 = arith.constant dense<0xFF800000> : vector<2000xf32>
    %reduce_max3A_13 = vector.multi_reduction <maximumf>, %get3A_11, %reduce_max3A_12 [1] : vector<2000x64xf32> to vector<2000xf32>
    %broadcast_in_dim3A_14 = vector.shape_cast %reduce_max3A_13 : vector<2000xf32> to vector<2000x1xf32>
    %sub3A_15 = vector.broadcast %broadcast_in_dim3A_14 : vector<2000x1xf32> to vector<2000x64xf32>
    %sub3A_16 = arith.subf %get3A_11, %sub3A_15 : vector<2000x64xf32>
    %exp3A_17 = math.exp %sub3A_16 : vector<2000x64xf32>
    %reduce_sum3A_18 = arith.constant dense<0.000000e+00> : vector<2000xf32>
    %reduce_sum3A_19 = vector.multi_reduction <add>, %exp3A_17, %reduce_sum3A_18 [1] : vector<2000x64xf32> to vector<2000xf32>
    %broadcast_in_dim3A_20 = vector.shape_cast %reduce_sum3A_19 : vector<2000xf32> to vector<2000x1xf32>
    %div3A_21 = vector.broadcast %broadcast_in_dim3A_20 : vector<2000x1xf32> to vector<2000x64xf32>
    %div3A_22 = arith.divf %exp3A_17, %div3A_21 : vector<2000x64xf32>
    %swap3A_23 = arith.constant 0 : index
    %swap3A_24 = arith.constant 0 : index
    %swap3A_25 = vector.load %arg4[%swap3A_23, %swap3A_24] : memref<2000x64xf32, #tpu.memory_space<vmem>>, vector<2000x64xf32>
    tpu.vector_store %arg4[%swap3A_23, %swap3A_24], %div3A_22 {strides = array<i32>} : memref<2000x64xf32, #tpu.memory_space<vmem>>, vector<2000x64xf32>,
    return
  }
  func.func @transform_0(%arg0: i32) -> (i32, i32) {
    %c0_i32 = arith.constant 0 : i32
    %c0_i32_0 = arith.constant 0 : i32
    return %arg0, %c0_i32 : i32, i32
  }
  func.func @transform_1(%arg0: i32) -> (i32, i32) {
    %c0_i32 = arith.constant 0 : i32
    %c0_i32_0 = arith.constant 0 : i32
    return %arg0, %c0_i32 : i32, i32
  }
  func.func @transform_2(%arg0: i32) -> (i32, i32) {
    %c0_i32 = arith.constant 0 : i32
    %c0_i32_0 = arith.constant 0 : i32
    return %arg0, %c0_i32 : i32, i32
  }
  func.func @transform_3(%arg0: i32) -> (i32, i32) {
    %c0_i32 = arith.constant 0 : i32
    %c0_i32_0 = arith.constant 0 : i32
    return %arg0, %c0_i32 : i32, i32
  }
}

module attributes {stable_mosaic.version = 14 : i64} {
  func.func @_loss_body(%arg0: i32, %arg1: memref<1568x64xf32, #tpu.memory_space<vmem>>, %arg2: memref<1568x64xf32, #tpu.memory_space<vmem>>, %arg3: memref<1568x1xf32, #tpu.memory_space<vmem>>, %arg4: memref<1568x1xf32, #tpu.memory_space<vmem>>, %arg5: memref<1568x1xf32, #tpu.memory_space<vmem>>, %arg6: memref<1x1xf32, #tpu.memory_space<smem>>, %arg7: memref<2xf32, #tpu.memory_space<smem>>) attributes {dimension_semantics = [#tpu.dimension_semantics<arbitrary>], iteration_bounds = array<i64: 16>, scalar_prefetch = 0 : i64, scratch_operands = 1 : i64, tpu.core_type = #tpu.core_type<tc>, window_params = [{transform_indices = @transform_0, window_bounds = array<i64: 1568, 64>}, {transform_indices = @transform_1, window_bounds = array<i64: 1568, 64>}, {transform_indices = @transform_2, window_bounds = array<i64: 1568, 1>}, {transform_indices = @transform_3, window_bounds = array<i64: 1568, 1>}, {transform_indices = @transform_4, window_bounds = array<i64: 1568, 1>}, {transform_indices = @transform_5, window_bounds = array<i64: 1, 1>}]} {
    %eq3A = arith.constant 0 : i32
    %eq3A_0 = arith.cmpi eq, %arg0, %eq3A : i32
    %convert_element_type3A = arith.extui %eq3A_0 : i1 to i32
    %cond3A = arith.constant 0 : i32
    %cond3A_1 = arith.cmpi ne, %convert_element_type3A, %cond3A : i32
    scf.if %cond3A_1 {
      %swap3A_51 = arith.constant 0.000000e+00 : f32
      %swap3A_52 = arith.constant 0 : index
      %swap3A_53 = memref.load %arg7[%swap3A_52] : memref<2xf32, #tpu.memory_space<smem>>
      memref.store %swap3A_51, %arg7[%swap3A_52] : memref<2xf32, #tpu.memory_space<smem>>
      %swap3A_54 = arith.constant 0.000000e+00 : f32
      %swap3A_55 = arith.constant 1 : index
      %swap3A_56 = memref.load %arg7[%swap3A_55] : memref<2xf32, #tpu.memory_space<smem>>
      memref.store %swap3A_54, %arg7[%swap3A_55] : memref<2xf32, #tpu.memory_space<smem>>
    } else {
    }
    %get3A = arith.constant 0 : index
    %get3A_2 = arith.constant 0 : index
    %get3A_3 = vector.load %arg3[%get3A, %get3A_2] : memref<1568x1xf32, #tpu.memory_space<vmem>>, vector<1568x1xf32>
    %max3A = arith.constant 1.000000e+00 : f32
    %max3A_4 = vector.broadcast %max3A : f32 to vector<1568x1xf32>
    %max3A_5 = arith.maximumf %get3A_3, %max3A_4 : vector<1568x1xf32>
    %get3A_6 = arith.constant 0 : index
    %get3A_7 = arith.constant 0 : index
    %get3A_8 = vector.load %arg1[%get3A_6, %get3A_7] : memref<1568x64xf32, #tpu.memory_space<vmem>>, vector<1568x64xf32>
    %div3A = vector.broadcast %max3A_5 : vector<1568x1xf32> to vector<1568x64xf32>
    %div3A_9 = arith.divf %get3A_8, %div3A : vector<1568x64xf32>
    %get3A_10 = arith.constant 0 : index
    %get3A_11 = arith.constant 0 : index
    %get3A_12 = vector.load %arg2[%get3A_10, %get3A_11] : memref<1568x64xf32, #tpu.memory_space<vmem>>, vector<1568x64xf32>
    %div3A_13 = vector.broadcast %max3A_5 : vector<1568x1xf32> to vector<1568x64xf32>
    %div3A_14 = arith.divf %get3A_12, %div3A_13 : vector<1568x64xf32>
    %exp3A = math.exp %div3A_14 : vector<1568x64xf32>
    %log3A = math.log %div3A_9 : vector<1568x64xf32>
    %sub3A = arith.subf %div3A_14, %log3A : vector<1568x64xf32>
    %mul3A = arith.mulf %exp3A, %sub3A : vector<1568x64xf32>
    %reduce_sum3A = arith.constant dense<0.000000e+00> : vector<1568xf32>
    %reduce_sum3A_15 = vector.multi_reduction <add>, %mul3A, %reduce_sum3A [1] : vector<1568x64xf32> to vector<1568xf32>
    %broadcast_in_dim3A = vector.shape_cast %reduce_sum3A_15 : vector<1568xf32> to vector<1568x1xf32>
    %get3A_16 = arith.constant 0 : index
    %get3A_17 = arith.constant 0 : index
    %get3A_18 = vector.load %arg5[%get3A_16, %get3A_17] : memref<1568x1xf32, #tpu.memory_space<vmem>>, vector<1568x1xf32>
    %get3A_19 = arith.constant 0 : index
    %get3A_20 = arith.constant 0 : index
    %get3A_21 = vector.load %arg4[%get3A_19, %get3A_20] : memref<1568x1xf32, #tpu.memory_space<vmem>>, vector<1568x1xf32>
    %lt3A = arith.cmpf olt, %get3A_18, %get3A_21 : vector<1568x1xf32>
    %get3A_22 = arith.constant 0 : index
    %get3A_23 = memref.load %arg7[%get3A_22] : memref<2xf32, #tpu.memory_space<smem>>
    %jit3A = arith.constant 0.000000e+00 : f32
    %broadcast_in_dim3A_24 = vector.broadcast %jit3A : f32 to vector<1568x1xf32>
    %select_n3A = arith.select %lt3A, %broadcast_in_dim3A, %broadcast_in_dim3A_24 : vector<1568x1xi1>, vector<1568x1xf32>
    %reduce_sum3A_25 = vector.shape_cast %select_n3A : vector<1568x1xf32> to vector<1x1568x1xf32>
    %reduce_sum3A_26 = arith.constant dense<0.000000e+00> : vector<1xf32>
    %reduce_sum3A_27 = vector.multi_reduction <add>, %reduce_sum3A_25, %reduce_sum3A_26 [1, 2] : vector<1x1568x1xf32> to vector<1xf32>
    %reduce_sum3A_28 = vector.shape_cast %reduce_sum3A_27 : vector<1xf32> to vector<1x1x1xf32>
    %reduce_sum3A_29 = vector.extract %reduce_sum3A_28[0, 0, 0] : f32 from vector<1x1x1xf32>
    %add3A = arith.addf %get3A_23, %reduce_sum3A_29 : f32
    %swap3A = arith.constant 0 : index
    %swap3A_30 = memref.load %arg7[%swap3A] : memref<2xf32, #tpu.memory_space<smem>>
    memref.store %add3A, %arg7[%swap3A] : memref<2xf32, #tpu.memory_space<smem>>
    %get3A_31 = arith.constant 1 : index
    %get3A_32 = memref.load %arg7[%get3A_31] : memref<2xf32, #tpu.memory_space<smem>>
    %jit3A_33 = arith.constant 1.000000e+00 : f32
    %jit3A_34 = arith.constant 0.000000e+00 : f32
    %broadcast_in_dim3A_35 = vector.broadcast %jit3A_33 : f32 to vector<1568x1xf32>
    %broadcast_in_dim3A_36 = vector.broadcast %jit3A_34 : f32 to vector<1568x1xf32>
    %select_n3A_37 = arith.select %lt3A, %broadcast_in_dim3A_35, %broadcast_in_dim3A_36 : vector<1568x1xi1>, vector<1568x1xf32>
    %reduce_sum3A_38 = vector.shape_cast %select_n3A_37 : vector<1568x1xf32> to vector<1x1568x1xf32>
    %reduce_sum3A_39 = arith.constant dense<0.000000e+00> : vector<1xf32>
    %reduce_sum3A_40 = vector.multi_reduction <add>, %reduce_sum3A_38, %reduce_sum3A_39 [1, 2] : vector<1x1568x1xf32> to vector<1xf32>
    %reduce_sum3A_41 = vector.shape_cast %reduce_sum3A_40 : vector<1xf32> to vector<1x1x1xf32>
    %reduce_sum3A_42 = vector.extract %reduce_sum3A_41[0, 0, 0] : f32 from vector<1x1x1xf32>
    %add3A_43 = arith.addf %get3A_32, %reduce_sum3A_42 : f32
    %swap3A_44 = arith.constant 1 : index
    %swap3A_45 = memref.load %arg7[%swap3A_44] : memref<2xf32, #tpu.memory_space<smem>>
    memref.store %add3A_43, %arg7[%swap3A_44] : memref<2xf32, #tpu.memory_space<smem>>
    %eq3A_46 = arith.constant 15 : i32
    %eq3A_47 = arith.cmpi eq, %arg0, %eq3A_46 : i32
    %convert_element_type3A_48 = arith.extui %eq3A_47 : i1 to i32
    %cond3A_49 = arith.constant 0 : i32
    %cond3A_50 = arith.cmpi ne, %convert_element_type3A_48, %cond3A_49 : i32
    scf.if %cond3A_50 {
      %get3A_51 = arith.constant 0 : index
      %get3A_52 = memref.load %arg7[%get3A_51] : memref<2xf32, #tpu.memory_space<smem>>
      %get3A_53 = arith.constant 1 : index
      %get3A_54 = memref.load %arg7[%get3A_53] : memref<2xf32, #tpu.memory_space<smem>>
      %max3A_55 = arith.constant 1.000000e+00 : f32
      %max3A_56 = arith.maximumf %get3A_54, %max3A_55 : f32
      %div3A_57 = arith.divf %get3A_52, %max3A_56 : f32
      %swap3A_58 = arith.constant 0 : index
      %swap3A_59 = arith.constant 0 : index
      %swap3A_60 = memref.load %arg6[%swap3A_58, %swap3A_59] : memref<1x1xf32, #tpu.memory_space<smem>>
      memref.store %div3A_57, %arg6[%swap3A_58, %swap3A_59] : memref<1x1xf32, #tpu.memory_space<smem>>
    } else {
    }
    return
  }
  func.func @transform_0(%arg0: i32) -> (i32, i32) {
    %c0_i32 = arith.constant 0 : i32
    %c0_i32_0 = arith.constant 0 : i32
    return %arg0, %c0_i32 : i32, i32
  }
  func.func @transform_1(%arg0: i32) -> (i32, i32) {
    %c0_i32 = arith.constant 0 : i32
    %c0_i32_0 = arith.constant 0 : i32
    return %arg0, %c0_i32 : i32, i32
  }
  func.func @transform_2(%arg0: i32) -> (i32, i32) {
    %c0_i32 = arith.constant 0 : i32
    %c0_i32_0 = arith.constant 0 : i32
    return %arg0, %c0_i32 : i32, i32
  }
  func.func @transform_3(%arg0: i32) -> (i32, i32) {
    %c0_i32 = arith.constant 0 : i32
    %c0_i32_0 = arith.constant 0 : i32
    return %arg0, %c0_i32 : i32, i32
  }
  func.func @transform_4(%arg0: i32) -> (i32, i32) {
    %c0_i32 = arith.constant 0 : i32
    %c0_i32_0 = arith.constant 0 : i32
    return %arg0, %c0_i32 : i32, i32
  }
  func.func @transform_5(%arg0: i32) -> (i32, i32) {
    %c0_i32 = arith.constant 0 : i32
    %c0_i32_0 = arith.constant 0 : i32
    %c0_i32_1 = arith.constant 0 : i32
    return %c0_i32, %c0_i32_0 : i32, i32
  }
}

</mosaic_0001>

<sc_bundles>
// kernel: kernel.5.cloned.1.call-start
scs
__scs_entry_jumppad:
0x0: {  	(pc) =	sbr.rel $0x88, $3  }
0x1: {  	(tag) =	ssettag $0x0;
	lr =	simm.s32 $0x1  }
0x2: {  	[smem:$0x3F9C] =	sst lr;
	_ =	strace $0xD0000000  }
0x3: {  	_ = 	snop  }
0x4: {  	_ = 	snop  }
0x5: {  	_ = 	snop  }
0x6: {  	_ = 	snop  }
0x7: {  	_ = 	snop  }
__scs_overlays_trampoline_lowered:
0x8: {  	[smem:$0x3FAB] =	sst s0  }
0x9: {  	[smem:$0x3FAC] =	sst s1  }
0xa: {  	[smem:$0x3FAD] =	sst s2  }
0xb: {  	[smem:$0x3FAE] =	sst s3  }
0xc: {  	[smem:$0x3FAF] =	sst s4  }
0xd: {  	[smem:$0x3FB0] =	sst s5  }
0xe: {  	[smem:$0x3FB1] =	sst s6  }
0xf: {  	[smem:$0x3FB2] =	sst s7  }
0x10: {  	[smem:$0x3FB3] =	sst s8  }
0x11: {  	[smem:$0x3FB4] =	sst s9;
	s0 =	simm.s32 @!p0 $0x0  }
0x12: {  	s1 =	sld [smem:$0x3F9A];
	s0 =	simm.s32 @p0 $0x1  }
0x13: {  	[smem:$0x3FB5] =	sst s0;
	s0 =	simm.s32 @!p1 $0x0  }
0x14: {  	s2 =	sld [smem:$0x3F99];
	s0 =	simm.s32 @p1 $0x1  }
0x15: {  	[smem:$0x3FB6] =	sst s0;
	s0 =	simm.s32 @!p2 $0x0  }
0x16: {  	s3 =	sld [smem:$0x3FDB];
	s0 =	simm.s32 @p2 $0x1  }
0x17: {  	s4 =	simm.s32 $0x1BF5;
	[smem:$0x3FB8] =	sst s0  }
0x18: {  	s0 =	sld [smem:$0x3F9B];
	_ =	swait.ge [sflag:s4], $0x0  }
0x19: {  	s7 =	sld [smem:$0x3F9C]  }
0x1a: {  	s8 =	sadd.s32 $0xFFFFE003, lr  }
0x1b: {  	s9 =	sadd.s32 $0xFFFFFEF7, lr;
	s5 =	simm.s32 $0xFFFFFFFF;
	p2 =	slt.u32 s8, $0xFFFFF086  }
0x1c: {  	p1 =	slt.u32 s9, $0xF7A;
	s5 =	simm.s32 @!p2 $0x0  }
0x1d: {  	s5 =	simm.s32 @p1 $0x1;
	p0 =	seq.s32 s7, s2  }
0x1e: {  	s7 =	smul.u32 @!p0 $0xF7A, s2;
	p2 =	seq.s32 @!p0 s5, $0x0  }
0x1f: {  	s9 =	smul.u32 $0xF7A, s1;
	s8 =	simm.s32 @!p0 $0x1BF5;
	p2 =	por !p2, p0  }
0x20: {  	[sflag:s8] =	ssyncset.s32 @!p0 $0xFFFFF086;
	s6 =	sadd.s32 @!p0 s3, s7;
	s7 =	simm.s32 @!p0 $0x108  }
0x21: {  	s3 =	sadd.s32 s3, s9;
	s6 =	sadd.s32 @!p0 $0x88, s6;
	s7 =	simm.s32 @p2 $0x1082  }
0x22: {  	[simem:s7], [sflag:s8] =	dma.local @!p0 [hbm:s6], $0xF7A  }
0x23: {  	s9 =	sor.u32 $0xD0000000, s2;
	s6 =	simm.s32 $0x108;
	_ =	swait.ge @!p0 [sflag:s8], $0x0  }
0x24: {  	s3 =	sadd.s32 $0x88, s3;
	s6 =	simm.s32 @!p1 $0x1082;
	[sflag:s4] =	ssyncset.s32 $0xFFFFF086  }
0x25: {  	[simem:s6], [sflag:s4] =	dma.local [hbm:s3], $0xF7A  }
0x26: {  	[smem:$0x3F9C] =	sst s1;
	(tag) =	ssettag s2;
	_ =	strace s9  }
0x27: {  	s1 =	sld [smem:$0x3FAC]  }
0x28: {  	s2 =	sld [smem:$0x3FAD]  }
0x29: {  	s4 =	sld [smem:$0x3FAF]  }
0x2a: {  	p0 =	seq.s32 s5, $0x0;
	s5 =	sld [smem:$0x3FB0]  }
0x2b: {  	s6 =	sld [smem:$0x3FB1]  }
0x2c: {  	s7 =	sld [smem:$0x3FB2]  }
0x2d: {  	s3 =	simm.s32 $0x108;
	s8 =	sld [smem:$0x3FB3]  }
0x2e: {  	s3 =	simm.s32 @!p0 $0x1082;
	s9 =	sld [smem:$0x3FB4]  }
0x2f: {  	lr =	sadd.s32 s0, s3;
	s0 =	sld [smem:$0x3FAB]  }
0x30: {  	s3 =	sld [smem:$0x3FAE]  }
0x31: {  	[smem:$0x3FB7] =	sst s10  }
0x32: {  	s10 =	sld [smem:$0x3FB5];
	_ =	sdelay $0x3  }
0x33: {  	p0 =	seq.s32 s10, $0x1;
	s10 =	sld [smem:$0x3FB7];
	_ =	sdelay $0x3  }
0x34: {  	[smem:$0x3FB7] =	sst s10  }
0x35: {  	s10 =	sld [smem:$0x3FB6];
	_ =	sdelay $0x3  }
0x36: {  	p1 =	seq.s32 s10, $0x1;
	s10 =	sld [smem:$0x3FB7];
	_ =	sdelay $0x3  }
0x37: {  	[smem:$0x3FB7] =	sst s10  }
0x38: {  	s10 =	sld [smem:$0x3FB8]  }
0x39: {  	_ = 	snop;
	(pc) =	sbr.ind lr, $3  }
0x3a: {  	_ = 	snop  }
0x3b: {  	_ = 	snop  }
0x3c: {  	p2 =	seq.s32 s10, $0x1;
	s10 =	sld [smem:$0x3FB7]  }
0x3d: {  	_ =	shalt  }
0x3e: {  	_ =	shalt  }
0x3f: {  	_ =	shalt  }
0x40: {  	_ =	shalt  }
0x41: {  	_ =	shalt  }
0x42: {  	_ =	shalt  }
0x43: {  	_ =	shalt  }
0x44: {  	_ =	shalt  }
0x45: {  	_ =	shalt  }
0x46: {  	_ =	shalt  }
0x47: {  	_ =	shalt  }
0x48: {  	_ =	shalt  }
0x49: {  	_ =	shalt  }
0x4a: {  	_ =	shalt  }
0x4b: {  	_ =	shalt  }
0x4c: {  	_ =	shalt  }
0x4d: {  	_ =	shalt  }
0x4e: {  	_ =	shalt  }
0x4f: {  	_ =	shalt  }
0x50: {  	_ =	shalt  }
0x51: {  	_ =	shalt  }
0x52: {  	_ =	shalt  }
0x53: {  	_ =	shalt  }
0x54: {  	_ =	shalt  }
0x55: {  	_ =	shalt  }
0x56: {  	_ =	shalt  }
0x57: {  	_ =	shalt  }
0x58: {  	_ =	shalt  }
0x59: {  	_ =	shalt  }
0x5a: {  	_ =	shalt  }
0x5b: {  	_ =	shalt  }
0x5c: {  	_ =	shalt  }
0x5d: {  	_ =	shalt  }
0x5e: {  	_ =	shalt  }
0x5f: {  	_ =	shalt  }
0x60: {  	_ =	shalt  }
0x61: {  	_ =	shalt  }
0x62: {  	_ =	shalt  }
0x63: {  	_ =	shalt  }
0x64: {  	_ =	shalt  }
0x65: {  	_ =	shalt  }
0x66: {  	_ =	shalt  }
0x67: {  	_ =	shalt  }
0x68: {  	_ =	shalt  }
0x69: {  	_ =	shalt  }
0x6a: {  	_ =	shalt  }
0x6b: {  	_ =	shalt  }
0x6c: {  	_ =	shalt  }
0x6d: {  	_ =	shalt  }
0x6e: {  	_ =	shalt  }
0x6f: {  	_ =	shalt  }
0x70: {  	_ =	shalt  }
0x71: {  	_ =	shalt  }
0x72: {  	_ =	shalt  }
0x73: {  	_ =	shalt  }
0x74: {  	_ =	shalt  }
0x75: {  	_ =	shalt  }
0x76: {  	_ =	shalt  }
0x77: {  	_ =	shalt  }
0x78: {  	_ =	shalt  }
0x79: {  	_ =	shalt  }
0x7a: {  	_ =	shalt  }
0x7b: {  	_ =	shalt  }
0x7c: {  	_ =	shalt  }
0x7d: {  	_ =	shalt  }
0x7e: {  	_ =	shalt  }
0x7f: {  	_ =	shalt  }
0x80: {  	_ =	shalt  }
0x81: {  	_ =	shalt  }
0x82: {  	_ =	shalt  }
0x83: {  	_ =	shalt  }
0x84: {  	_ =	shalt  }
0x85: {  	_ =	shalt  }
0x86: {  	_ =	shalt  }
0x87: {  	_ =	shalt  }
.Lfunc_end0:
.L_simem_size_0:
called_computation_lowered:
.L_overlay_start_0:
0x88: {  	s2 =	sld [smem:$0x3FD9]  }
0x89: {  	s3 =	sld [smem:$0x3FFE];
	_ =	sdelay $0x1  }
0x8a: {  	s1 =	srdreg.scid  }
0x8b: {  	s0 =	sand.u32 $0x1, s1  }
0x8c: {  	s16 =	sshll.u32 s0, $0xA;
	s2 =	sadd.s32 s3, s2  }
0x8d: {  	s2 =	sadd.s32 s2, s16  }
0x8e: {  	[smem:$0x3FC3] =	sst s2  }
0x8f: {  	_ = 	snop  }
0x90: {  	(tm) =	ssettm $0x1  }
0x91: {  	s17 =	sld [smem:$0x3FFB];
	_ =	sdelay $0x3  }
0x92: {  	_ =	strace s17  }
0x93: {  	s2 =	sld [smem:$0x3FFC];
	_ =	sdelay $0x3  }
0x94: {  	_ =	strace s2  }
0x95: {  	s2 =	sld [smem:$0x3FFD];
	_ =	sdelay $0x3  }
0x96: {  	_ =	strace s2  }
0x97: {  	_ =	strace $0x8FFFFFFF  }
0x98: {  	s18 =	sld [smem:$0x3FDB];
	_ =	sdelay $0x1  }
0x99: {  	s19 =	simm.s32 $_scs_section_size  }
0x9a: {  	s4 =	simm.s32 $_size__tile_overlayer_lowered;
	s5 =	simm.s32 $_tile_overlayer_lowered  }
0x9b: {  	s22 =	simm.s32 $0x1BFF;
	s21 =	sshll.u32 s5, $0x1;
	s2 =	sadd.s32 s19, s18  }
0x9c: {  	s6 =	simm.s32 $0x0;
	s20 =	sshll.u32 s4, $0x1;
	s4 =	sadd.s32 s21, s2  }
0x9d: {  	[timem:s6], [sflag:s22] =	dma.local [hbm:s4], s20  }
0x9e: {  	_ =	swait.ge [sflag:s22], s20  }
0x9f: {  	s3 =	ssub.s32 $0x0, s20;
	[sflag:s22] =	ssyncset.done $0x0  }
0xa0: {  	[sflag:s22] =	ssyncadd.s32 s3;
	_ =	sdelay $0x1  }
0xa1: {  	s23 =	simm.s32 $0x1B8B  }
0xa2: {  	_ =	swait.ge [sflag:s23], $0x1  }
0xa3: {  	[sflag:s23] =	ssyncset.done $0x0  }
0xa4: {  	s25 =	simm.s32 $0x1B8E;
	s24 =	sld [smem:$0x3FFE];
	[sflag:s23] =	ssyncadd.s32 $0xFFFFFFFF  }
0xa5: {  	s26 =	simm.s32 $execute0_lowered;
	[smem:$0x3FD2] =	sst s25  }
0xa6: {  	s4 =	sshll.u32 s26, $0x1;
	_ =	strace $0x80000046;
	[dreg:$0x1] =	wrdreg $0xFFFFFFFF  }
0xa7: {  	s28 =	simm.s32 $_size_execute0_lowered;
	s2 =	sadd.s32 s2, s4;
	[dreg:$0x0] =	wrdreg $0x0  }
0xa8: {  	s4 =	sshll.u32 s28, $0x1;
	[dreg:$0x2] =	wrdreg s2  }
0xa9: {  	[dreg:$0x3] =	wrdreg s4  }
0xaa: {  	[dreg:$0x4] =	wrdreg $0xC0  }
0xab: {  	_ =	task [dreg:s6], $0x5FFFF  }
0xac: {  	[dreg:$0x1] =	wrdreg $0xFFFFFFFF  }
0xad: {  	[dreg:$0x0] =	wrdreg $0x60  }
0xae: {  	[dreg:$0x2] =	wrdreg s24  }
0xaf: {  	[dreg:$0x3] =	wrdreg $0x0  }
0xb0: {  	[dreg:$0x4] =	wrdreg $0x188000  }
0xb1: {  	[dreg:$0x5] =	wrdreg $0x9  }
0xb2: {  	_ =	task.clear_ibuf [dreg:s6], $0x6FFFF;
	_ =	strace $0x90000046  }
0xb3: {  	s29 =	simm.s32 $0x9;
	_ =	strace $0x80000048  }
0xb4: {  	_ =	swait.ge [sflag:s29], $0x1  }
0xb5: {  	[sflag:s29] =	ssyncadd.s32 $0xFFFFFFFF  }
0xb6: {  	_ =	strace $0x90000048  }
0xb7: {  	_ =	sfence  }
0xb8: {  	s30 =	sld [smem:$0x0];
	_ =	sdelay $0x2  }
0xb9: {  	s31 =	sshll.u32 s1, $0xD;
	s1 =	sshrl.u32 s1, $0x2  }
0xba: {  	s3 =	sand.u32 $0x4000, s31;
	s1 =	sadd.s32 s1, s30  }
0xbb: {  	s0 =	sor.u32 s3, s0;
	s1 =	sshll.u32 s1, $0x11  }
0xbc: {  	s0 =	sor.u32 s1, s0  }
0xbd: {  	s0 =	sadd.s32 $0x8F2B, s0  }
0xbe: {  	[sflag:s0] =	ssyncadd.remote.s32 $0x1  }
0xbf: {  	_ =	sfence.sel $0xFFFF  }
0xc0: {  	[dreg:$0x0] =	wrdreg $0xFFFFFFFF;
	(pc) =	sbr.abs _section_cstart, $3  }
0xc1: {  	[dreg:$0x1] =	wrdreg $0xFFFFFFFF  }
0xc2: {  	_ =	task.clear_ibuf [dreg:s6], $0x2FFFF;
	_ =	strace $0x9FFFFFFF  }
0xc3: {  	(tm) =	ssettm $0x7FFFFFFF  }
tec
execute0_lowered:
.L_overlay_start_1:
0x0: {  	(tag) =	ssettag $0x1  }
0x1: {  	s3 =	rddreg [dreg:$0x0]  }
0x2: {  	s0 =	srdreg.scid;
	s1 =	simm.s32 $0x0;
	s9 =	stileid.u32  }
0x3: {  	s31 =	rddreg [dreg:$0x1];
	s2 =	sand.u32 $0x1, s0;
	s4 =	smul.u32 $0xC400, s9  }
0x4: {  	[smem:$0x7FF] =	sst s1;
	s7 =	smul.u32 $0x1880, s9;
	s0 =	ssub.s32 $0x2, s2  }
0x5: {  	s6 =	sadd.s32 $0xDD800, s3;
	s8 =	sadd.s32 $0xC5000, s3;
	s5 =	sshrl.u32 s0, $0x1  }
0x6: {  	s14 =	sadd.s32 s6, s7;
	s5 =	ssub.s32 s0, s5;
	s0 =	sshrl.u32 s4, $0x3  }
0x7: {  	s15 =	sadd.s32 s8, s7;
	[dreg:$0x4] =	wrdreg s14;
	s16 =	sadd.s32 $0x1C0, s0  }
0x8: {  	[dreg:$0x5] =	wrdreg s15;
	s17 =	sadd.s32 s6, s16  }
0x9: {  	s18 =	sadd.s32 $0x380, s0;
	s4 =	sadd.s32 s8, s16;
	[dreg:$0x6] =	wrdreg s17  }
0xa: {  	s20 =	sadd.s32 $0x540, s0;
	s19 =	sadd.s32 s6, s18;
	[dreg:$0x7] =	wrdreg s4  }
0xb: {  	s22 =	sadd.s32 $0x700, s0;
	s21 =	sadd.s32 s6, s20;
	[dreg:$0x8] =	wrdreg s19  }
0xc: {  	s24 =	sadd.s32 $0x8C0, s0;
	s23 =	sadd.s32 s6, s22;
	[dreg:$0xa] =	wrdreg s21  }
0xd: {  	s26 =	sadd.s32 $0xA80, s0;
	s25 =	sadd.s32 s6, s24;
	[dreg:$0xc] =	wrdreg s23  }
0xe: {  	s11 =	sadd.s32 $0xC40, s0;
	s10 =	sadd.s32 s6, s26;
	[dreg:$0xe] =	wrdreg s25  }
0xf: {  	s13 =	sadd.s32 $0xE00, s0;
	s12 =	sadd.s32 s6, s11;
	[dreg:$0x10] =	wrdreg s10  }
0x10: {  	s15 =	sadd.s32 $0xFC0, s0;
	s14 =	sadd.s32 s6, s13;
	[dreg:$0x12] =	wrdreg s12  }
0x11: {  	s16 =	sadd.s32 s6, s15;
	[dreg:$0x14] =	wrdreg s14  }
0x12: {  	s4 =	sadd.s32 s8, s18;
	[dreg:$0x16] =	wrdreg s16;
	s17 =	sadd.s32 $0x1180, s0  }
0x13: {  	s19 =	sadd.s32 $0x1340, s0;
	[dreg:$0x9] =	wrdreg s4;
	s4 =	sadd.s32 s8, s20  }
0x14: {  	s21 =	sadd.s32 $0x1500, s0;
	s18 =	sadd.s32 s6, s17;
	[dreg:$0xb] =	wrdreg s4  }
0x15: {  	s0 =	sadd.s32 $0x16C0, s0;
	s20 =	sadd.s32 s6, s19;
	[dreg:$0x18] =	wrdreg s18  }
0x16: {  	s23 =	sadd.s32 s6, s0;
	[dreg:$0x1a] =	wrdreg s20  }
0x17: {  	s0 =	sadd.s32 s8, s0;
	[dreg:$0x1e] =	wrdreg s23  }
0x18: {  	[dreg:$0x1f] =	wrdreg s0  }
0x19: {  	s4 =	sadd.s32 s8, s22;
	s0 =	rddreg [dreg:$0x2]  }
0x1a: {  	s25 =	smul.u32 $0x620, s9;
	s22 =	sadd.s32 s6, s21;
	[dreg:$0xd] =	wrdreg s4  }
0x1b: {  	s4 =	sadd.s32 s8, s24;
	[dreg:$0x1c] =	wrdreg s22  }
0x1c: {  	s10 =	sshrl.u32 s25, $0x3;
	[dreg:$0xf] =	wrdreg s4;
	s4 =	sadd.s32 s8, s26  }
0x1d: {  	s24 =	smul.u32 $0x18800, s9;
	[dreg:$0x11] =	wrdreg s4;
	s4 =	sadd.s32 s8, s11  }
0x1e: {  	s26 =	smul.u32 $0x62000, s9;
	[dreg:$0x13] =	wrdreg s4;
	s4 =	sadd.s32 s8, s13  }
0x1f: {  	s9 =	sshrl.u32 s24, $0x3;
	[dreg:$0x15] =	wrdreg s4;
	s4 =	sadd.s32 s8, s15  }
0x20: {  	s7 =	sadd.s32 s9, s3;
	[dreg:$0x17] =	wrdreg s4;
	s4 =	sadd.s32 s8, s17  }
0x21: {  	s9 =	sshrl.u32 s26, $0x2;
	[dreg:$0x19] =	wrdreg s4;
	s4 =	sadd.s32 s8, s19  }
0x22: {  	s9 =	sadd.s32 s9, s31;
	[dreg:$0x1b] =	wrdreg s4;
	s4 =	sadd.s32 s8, s21  }
0x23: {  	s8 =	sadd.s32 s10, s3;
	s10 =	sadd.s32 $0x1880, s9;
	[dreg:$0x1d] =	wrdreg s4  }
0x24: {  	s11 =	sadd.s32 $0x3100, s9;
	_ =	strace $0x80000047;
	[smem:$0x7EA] =	sst s10  }
0x25: {  	s12 =	sadd.s32 $0x4980, s9;
	[smem:$0x7EB] =	sst s11  }
0x26: {  	s13 =	sadd.s32 $0x6200, s9;
	[smem:$0x7EC] =	sst s12  }
0x27: {  	s14 =	sadd.s32 $0x7A80, s9;
	[smem:$0x7ED] =	sst s13  }
0x28: {  	s15 =	sadd.s32 $0x9300, s9;
	[smem:$0x7EE] =	sst s14  }
0x29: {  	s16 =	sadd.s32 $0xAB80, s9;
	[smem:$0x7EF] =	sst s15  }
0x2a: {  	s17 =	sadd.s32 $0xC400, s9;
	[smem:$0x7F0] =	sst s16  }
0x2b: {  	s18 =	sadd.s32 $0xDC80, s9;
	[smem:$0x7F1] =	sst s17  }
0x2c: {  	s19 =	sadd.s32 $0xF500, s9;
	[smem:$0x7F2] =	sst s18  }
0x2d: {  	s20 =	sadd.s32 $0x10D80, s9;
	[smem:$0x7F3] =	sst s19  }
0x2e: {  	s21 =	sadd.s32 $0x12600, s9;
	[smem:$0x7F4] =	sst s20  }
0x2f: {  	s22 =	sadd.s32 $0x13E80, s9;
	[smem:$0x7F5] =	sst s21  }
0x30: {  	s23 =	sadd.s32 $0x15700, s9;
	[smem:$0x7F6] =	sst s22  }
0x31: {  	s28 =	simm.s32 $0x1AA20;
	s9 =	sadd.s32 $0x16F80, s9;
	[smem:$0x7F7] =	sst s23  }
0x32: {  	s29 =	simm.s32 $0x1;
	s6 =	sadd.s32 s25, s0;
	[smem:$0x7F8] =	sst s9  }
0x33: {  	s4 =	sadd.s32 s24, s31;
	s24 =	sadd.s32 $0xF6000, s7;
	[smem:$0x7F9] =	sst s6  }
0x34: {  	s30 =	simm.s32 $0x3;
	s25 =	sadd.s32 $0x127E00, s7;
	[smem:$0x7FA] =	sst s24  }
.Ltmp0:
0x35: {  	s26 =	sadd.s32 $0x127000, s8;
	[smem:$0x7FB] =	sst s25;
	(pc) =	sbr.rel .LBB2_1-.Ltmp0, $4  }
0x36: {  	p0 =	sne.s32 s2, $0x0;
	s5 =	smax.u32 s5, $0x1;
	[smem:$0x7FC] =	sst s26  }
0x37: {  	s2 =	sadd.s32 $0x63400, s3;
	s3 =	sadd.s32 $0x1800, s3;
	[smem:$0x7FD] =	sst s5  }
0x38: {  	s22 =	simm.s32 $0x1CA20;
	s23 =	simm.s32 $0x2;
	s24 =	simm.s32 $0x18E20  }
0x39: {  	v0 =	vimm.f32 $0.0e+00;
	v1 =	vimm.f32 $1.000000000e+00;
	s25 =	simm.s32 $0x19C20;
	s26 =	simm.s32 $0x80;
	s5 =	simm.s32 $0x1E8C0  }
.LBB2_39:
0x3a: {  	[bflag:$0x0] =	sbarrier.arrive $0xFFFF  }
0x3b: {  	s6 =	stileid.u32;
	s8 =	sld [smem:$0x7FA]  }
0x3c: {  	s6 =	sshll.u32 s6, $0x6  }
0x3d: {  	s7 =	sshrl.u32 s4, $0x3;
	s6 =	sor.u32 $0x1C02, s6  }
0x3e: {  	[hbm:s8], [sflag:s6] =	dma.local [spmem:s7], $0x3100  }
0x3f: {  	_ =	swait.ge [sflag:s23], $0x3100  }
0x40: {  	[sflag:s23] =	ssyncset.done $0x0  }
0x41: {  	[sflag:s23] =	ssyncadd.s32 $0xFFFFCF00  }
.LBB2_40:
0x42: {  	s6 =	sld [smem:$0x7FD];
	_ =	sdelay $0x1  }
0x43: {  	s1 =	sadd.s32 $0x1, s1  }
0x44: {  	p1 =	sne.s32 s1, s6  }
.Ltmp1:
0x45: {  	_ = 	snop;
	(pc) =	sbr.rel @!p1 .LBB2_41-.Ltmp1, $1  }
0x46: {  	_ =	sdelay $0x3  }
.LBB2_1:
0x47: {  	s6 =	simm.s32 $0x0  }
.LBB2_2:
0x48: {  	p1 =	sne.s32 s6, $0x6100  }
.Ltmp2:
0x49: {  	s7 =	sshra.s32 s6, $0x2;
	(pc) =	sbr.rel @p1 .LBB2_2-.Ltmp2, $4  }
0x4a: {  	[tilespmem:s7+$0x1CA20] =	vst v0  }
0x4b: {  	[tilespmem:s7+$0x1CA30] =	vst v0  }
0x4c: {  	[tilespmem:s7+$0x1CA40] =	vst v0  }
0x4d: {  	s6 =	sadd.s32 $0x100, s6;
	[tilespmem:s7+$0x1CA50] =	vst v0  }
0x4e: {  	s6 =	simm.s32 $0x40;
	s7 =	simm.s32 $0x0  }
.LBB2_4:
0x4f: {  	p1 =	sne.s32 s6, $0x1840;
	[tilespmem:s7+$0x1E2A0] =	vst v0;
	s7 =	smov.u32 s6;
	s6 =	sadd.s32 $0x40, s6  }
.Ltmp3:
0x50: {  	(pc) =	sbr.rel @p1 .LBB2_4-.Ltmp3, $2  }
0x51: {  	_ =	sdelay $0x2  }
0x52: {  	s7 =	sshra.s32 s7, $0x2  }
0x53: {  	[tilespmem:s7+$0x1E2A0] =	vst v0  }
0x54: {  	[tilespmem:$0x1E8C0] =	vst v1  }
0x55: {  	[tilespmem:$0x1E8D0] =	vst v1  }
0x56: {  	[tilespmem:$0x1E8E0] =	vst v1  }
0x57: {  	[tilespmem:$0x1E8F0] =	vst v1  }
0x58: {  	[tilespmem:$0x1E900] =	vst v1  }
0x59: {  	[tilespmem:$0x1E910] =	vst v1  }
0x5a: {  	[tilespmem:$0x1E920] =	vst v1  }
0x5b: {  	[tilespmem:$0x1E930] =	vst v1  }
0x5c: {  	[spmem:s4] =	stream.linear.scatter [tilespmem:s22], [sflag:$0x2], $0x1880, $0x38;
	[tilespmem:$0x1E940] =	vst v63  }
0x5d: {  	_ =	swait.ge [sflag:s23], $0x1880  }
0x5e: {  	s6 =	sld [smem:$0x7EA]  }
0x5f: {  	[sflag:s23] =	ssyncset.done $0x0  }
0x60: {  	[sflag:s23] =	ssyncadd.s32 $0xFFFFE780  }
0x61: {  	[spmem:s6] =	stream.linear.scatter [tilespmem:s22], [sflag:$0x2], $0x1880, $0x38;
	[tilespmem:$0x1E940] =	vst v63  }
0x62: {  	_ =	swait.ge [sflag:s23], $0x1880  }
0x63: {  	s20 =	sld [smem:$0x7EB]  }
0x64: {  	[sflag:s23] =	ssyncset.done $0x0  }
0x65: {  	[sflag:s23] =	ssyncadd.s32 $0xFFFFE780  }
0x66: {  	[spmem:s20] =	stream.linear.scatter [tilespmem:s22], [sflag:$0x2], $0x1880, $0x38;
	[tilespmem:$0x1E940] =	vst v63  }
0x67: {  	_ =	swait.ge [sflag:s23], $0x1880  }
0x68: {  	s21 =	sld [smem:$0x7EC]  }
0x69: {  	[sflag:s23] =	ssyncset.done $0x0  }
0x6a: {  	[sflag:s23] =	ssyncadd.s32 $0xFFFFE780  }
0x6b: {  	[spmem:s21] =	stream.linear.scatter [tilespmem:s22], [sflag:$0x2], $0x1880, $0x38;
	[tilespmem:$0x1E940] =	vst v63  }
0x6c: {  	_ =	swait.ge [sflag:s23], $0x1880  }
0x6d: {  	s7 =	sld [smem:$0x7ED]  }
0x6e: {  	[sflag:s23] =	ssyncset.done $0x0  }
0x6f: {  	[sflag:s23] =	ssyncadd.s32 $0xFFFFE780  }
0x70: {  	[spmem:s7] =	stream.linear.scatter [tilespmem:s22], [sflag:$0x2], $0x1880, $0x38;
	[tilespmem:$0x1E940] =	vst v63  }
0x71: {  	_ =	swait.ge [sflag:s23], $0x1880  }
0x72: {  	s8 =	sld [smem:$0x7EE]  }
0x73: {  	[sflag:s23] =	ssyncset.done $0x0  }
0x74: {  	[sflag:s23] =	ssyncadd.s32 $0xFFFFE780  }
0x75: {  	[spmem:s8] =	stream.linear.scatter [tilespmem:s22], [sflag:$0x2], $0x1880, $0x38;
	[tilespmem:$0x1E940] =	vst v63  }
0x76: {  	_ =	swait.ge [sflag:s23], $0x1880  }
0x77: {  	s9 =	sld [smem:$0x7EF]  }
0x78: {  	[sflag:s23] =	ssyncset.done $0x0  }
0x79: {  	[sflag:s23] =	ssyncadd.s32 $0xFFFFE780  }
0x7a: {  	[spmem:s9] =	stream.linear.scatter [tilespmem:s22], [sflag:$0x2], $0x1880, $0x38;
	[tilespmem:$0x1E940] =	vst v63  }
0x7b: {  	_ =	swait.ge [sflag:s23], $0x1880  }
0x7c: {  	s10 =	sld [smem:$0x7F0]  }
0x7d: {  	[sflag:s23] =	ssyncset.done $0x0  }
0x7e: {  	[sflag:s23] =	ssyncadd.s32 $0xFFFFE780  }
0x7f: {  	[spmem:s10] =	stream.linear.scatter [tilespmem:s22], [sflag:$0x2], $0x1880, $0x38;
	[tilespmem:$0x1E940] =	vst v63  }
0x80: {  	_ =	swait.ge [sflag:s23], $0x1880  }
0x81: {  	s11 =	sld [smem:$0x7F1]  }
0x82: {  	[sflag:s23] =	ssyncset.done $0x0  }
0x83: {  	[sflag:s23] =	ssyncadd.s32 $0xFFFFE780  }
0x84: {  	[spmem:s11] =	stream.linear.scatter [tilespmem:s22], [sflag:$0x2], $0x1880, $0x38;
	[tilespmem:$0x1E940] =	vst v63  }
0x85: {  	_ =	swait.ge [sflag:s23], $0x1880  }
0x86: {  	s12 =	sld [smem:$0x7F2]  }
0x87: {  	[sflag:s23] =	ssyncset.done $0x0  }
0x88: {  	[sflag:s23] =	ssyncadd.s32 $0xFFFFE780  }
0x89: {  	[spmem:s12] =	stream.linear.scatter [tilespmem:s22], [sflag:$0x2], $0x1880, $0x38;
	[tilespmem:$0x1E940] =	vst v63  }
0x8a: {  	_ =	swait.ge [sflag:s23], $0x1880  }
0x8b: {  	s13 =	sld [smem:$0x7F3]  }
0x8c: {  	[sflag:s23] =	ssyncset.done $0x0  }
0x8d: {  	[sflag:s23] =	ssyncadd.s32 $0xFFFFE780  }
0x8e: {  	[spmem:s13] =	stream.linear.scatter [tilespmem:s22], [sflag:$0x2], $0x1880, $0x38;
	[tilespmem:$0x1E940] =	vst v63  }
0x8f: {  	_ =	swait.ge [sflag:s23], $0x1880  }
0x90: {  	s14 =	sld [smem:$0x7F4]  }
0x91: {  	[sflag:s23] =	ssyncset.done $0x0  }
0x92: {  	[sflag:s23] =	ssyncadd.s32 $0xFFFFE780  }
0x93: {  	[spmem:s14] =	stream.linear.scatter [tilespmem:s22], [sflag:$0x2], $0x1880, $0x38;
	[tilespmem:$0x1E940] =	vst v63  }
0x94: {  	_ =	swait.ge [sflag:s23], $0x1880  }
0x95: {  	s15 =	sld [smem:$0x7F5]  }
0x96: {  	[sflag:s23] =	ssyncset.done $0x0  }
0x97: {  	[sflag:s23] =	ssyncadd.s32 $0xFFFFE780  }
0x98: {  	[spmem:s15] =	stream.linear.scatter [tilespmem:s22], [sflag:$0x2], $0x1880, $0x38;
	[tilespmem:$0x1E940] =	vst v63  }
0x99: {  	_ =	swait.ge [sflag:s23], $0x1880  }
0x9a: {  	s16 =	sld [smem:$0x7F6]  }
0x9b: {  	[sflag:s23] =	ssyncset.done $0x0  }
0x9c: {  	[sflag:s23] =	ssyncadd.s32 $0xFFFFE780  }
0x9d: {  	[spmem:s16] =	stream.linear.scatter [tilespmem:s22], [sflag:$0x2], $0x1880, $0x38;
	[tilespmem:$0x1E940] =	vst v63  }
0x9e: {  	_ =	swait.ge [sflag:s23], $0x1880  }
0x9f: {  	s17 =	sld [smem:$0x7F7]  }
0xa0: {  	[sflag:s23] =	ssyncset.done $0x0  }
0xa1: {  	[sflag:s23] =	ssyncadd.s32 $0xFFFFE780  }
0xa2: {  	[spmem:s17] =	stream.linear.scatter [tilespmem:s22], [sflag:$0x2], $0x1880, $0x38;
	[tilespmem:$0x1E940] =	vst v63  }
0xa3: {  	_ =	swait.ge [sflag:s23], $0x1880  }
0xa4: {  	s18 =	sld [smem:$0x7F8]  }
0xa5: {  	[sflag:s23] =	ssyncset.done $0x0  }
0xa6: {  	[sflag:s23] =	ssyncadd.s32 $0xFFFFE780  }
0xa7: {  	[spmem:s18] =	stream.linear.scatter [tilespmem:s22], [sflag:$0x2], $0x1880, $0x38;
	[tilespmem:$0x1E940] =	vst v63  }
0xa8: {  	_ =	swait.ge [sflag:s23], $0x1880  }
0xa9: {  	s7 =	sld [smem:$0x7F9]  }
0xaa: {  	[sflag:s23] =	ssyncset.done $0x0  }
0xab: {  	s6 =	simm.s32 @!p0 $0x1E2A0;
	[sflag:s23] =	ssyncadd.s32 $0xFFFFE780  }
0xac: {  	[spmem:s7] =	stream.linear.scatter @!p0 [tilespmem:s6], [sflag:$0x2], $0x620, $0x38;
	[tilespmem:$0x1E940] =	vst v63  }
0xad: {  	s6 =	simm.s32 @!p0 $0x2  }
0xae: {  	_ =	swait.ge @!p0 [sflag:s6], $0x620  }
0xaf: {  	[sflag:s6] =	ssyncset.done @!p0 $0x0  }
0xb0: {  	[sflag:s6] =	ssyncadd.s32 @!p0 $0xFFFFF9E0  }
0xb1: {  	[bflag:$0x0] =	sbarrier.arrive $0xFFFF  }
0xb2: {  	s19 =	simm.s32 $0x0;
	s20 =	rddreg [dreg:$0x4]  }
0xb3: {  	[tilespmem:s24], [sflag:$0x2] =	stream.linear.gather [hbm4b:s20+s19], $0xE00, $0x38;
	[tilespmem:$0x1E940] =	vst v63  }
0xb4: {  	_ =	swait.ge [sflag:s23], $0xE00  }
0xb5: {  	[sflag:s23] =	ssyncset.done $0x0  }
0xb6: {  	s21 =	rddreg [dreg:$0x5];
	[sflag:s23] =	ssyncadd.s32 $0xFFFFF200  }
0xb7: {  	[tilespmem:s25], [sflag:$0x2] =	stream.linear.gather [hbm4b:s21+s19], $0xE00, $0x38;
	[tilespmem:$0x1E940] =	vst v63  }
0xb8: {  	_ =	swait.ge [sflag:s23], $0xE00  }
0xb9: {  	s8 =	simm.s32 @p0 $0x1AA20;
	s10 =	simm.s32 $0x18E20;
	[sflag:s23] =	ssyncset.done $0x0  }
0xba: {  	s7 =	simm.s32 @p0 $0x80;
	s6 =	simm.s32 @p0 $0x1;
	[sflag:s23] =	ssyncadd.s32 $0xFFFFF200  }
0xbb: {  	[tilespmem:s8], [sflag:$0x1] =	stream.indirect.gather @p0 [hbm4b:s3+s7], $0x40, s10, s7, $0xb8;
	[tilespmem:$0x1E940] =	vst v63  }
0xbc: {  	_ =	swait.ge @p0 [sflag:s6], $0x2000  }
0xbd: {  	[sflag:s6] =	ssyncset.done @p0 $0x0  }
0xbe: {  	s9 =	simm.s32 @p0 $0x2;
	s11 =	simm.s32 @p0 $0x19C20;
	[sflag:s6] =	ssyncadd.s32 @p0 $0xFFFFE000  }
0xbf: {  	[spmem:s31] =	stream.indirect.scatter.add.f32 @p0 [tilespmem:s8], [sflag:$0x2], $0x40, s11, s7, $0xb8;
	[tilespmem:$0x1E940] =	vst v63  }
0xc0: {  	_ =	swait.ge @p0 [sflag:s9], $0x2000  }
0xc1: {  	s12 =	simm.s32 @!p0 $0x80;
	[sflag:s9] =	ssyncset.done @p0 $0x0  }
0xc2: {  	s13 =	simm.s32 @!p0 $0x1AA20;
	s11 =	simm.s32 @!p0 $0x1;
	[sflag:s9] =	ssyncadd.s32 @p0 $0xFFFFE000  }
0xc3: {  	[tilespmem:s13], [sflag:$0x1] =	stream.indirect.gather @!p0 [hbm4b:s2+s12], $0x40, s10, s12, $0xb8;
	[tilespmem:$0x1E940] =	vst v63  }
0xc4: {  	_ =	swait.ge @!p0 [sflag:s11], $0x2000  }
0xc5: {  	[sflag:s11] =	ssyncset.done @!p0 $0x0  }
0xc6: {  	s14 =	simm.s32 @!p0 $0x3;
	s15 =	simm.s32 @!p0 $0x19C20;
	[sflag:s11] =	ssyncadd.s32 @!p0 $0xFFFFE000  }
0xc7: {  	[spmem:s31] =	stream.indirect.scatter.add.f32 @!p0 [tilespmem:s13], [sflag:$0x3], $0x40, s15, s12, $0xb8;
	[tilespmem:$0x1E940] =	vst v63  }
0xc8: {  	_ =	swait.ge @!p0 [sflag:s14], $0x2000  }
0xc9: {  	[sflag:s14] =	ssyncset.done @!p0 $0x0  }
0xca: {  	s16 =	simm.s32 @p0 $0x80;
	s17 =	simm.s32 @!p0 $0x1E8C0;
	[sflag:s14] =	ssyncadd.s32 @!p0 $0xFFFFE000  }
0xcb: {  	[spmem:s0] =	stream.indirect.scatter.add.f32 @!p0 [tilespmem:s17], [sflag:$0x3], $0x1, s15, s12, $0xb8;
	[tilespmem:$0x1E940] =	vst v63  }
0xcc: {  	s18 =	simm.s32 $0x400;
	s19 =	simm.s32 $0x80;
	_ =	swait.ge @!p0 [sflag:s14], $0x80  }
0xcd: {  	s10 =	simm.s32 $0x200;
	s15 =	simm.s32 @p0 $0x1AA20;
	[sflag:s14] =	ssyncset.done @!p0 $0x0  }
.LBB2_6:
0xce: {  	s19 =	sadd.s32 $0x18E20, s19;
	[sflag:s14] =	ssyncadd.s32 @!p0 $0xFFFFFF80;
	s21 =	smov.u32 s18  }
0xcf: {  	[tilespmem:s15], [sflag:$0x1] =	stream.indirect.gather @p0 [hbm4b:s3+s16], $0x40, s19, s16, $0xb8;
	[tilespmem:$0x1E940] =	vst v63  }
0xd0: {  	s18 =	sadd.s32 $0x200, s18;
	_ =	swait.ge @p0 [sflag:s6], $0x2000  }
0xd1: {  	s20 =	sshra.s32 @p0 s10, $0x2;
	p1 =	sne.s32 s18, $0x3800;
	[sflag:s6] =	ssyncset.done @p0 $0x0  }
0xd2: {  	s20 =	sadd.s32 @p0 $0x19C20, s20;
	[sflag:s6] =	ssyncadd.s32 @p0 $0xFFFFE000  }
0xd3: {  	[spmem:s31] =	stream.indirect.scatter.add.f32 @p0 [tilespmem:s15], [sflag:$0x2], $0x40, s20, s16, $0xb8;
	[tilespmem:$0x1E940] =	vst v63  }
0xd4: {  	s16 =	smov.u32 s7;
	s15 =	smov.u32 s8;
	_ =	swait.ge @p0 [sflag:s9], $0x2000  }
0xd5: {  	[sflag:s9] =	ssyncset.done @p0 $0x0  }
0xd6: {  	[sflag:s9] =	ssyncadd.s32 @p0 $0xFFFFE000  }
0xd7: {  	[tilespmem:s13], [sflag:$0x1] =	stream.indirect.gather @!p0 [hbm4b:s2+s12], $0x40, s19, s12, $0xb8;
	[tilespmem:$0x1E940] =	vst v63  }
0xd8: {  	_ =	swait.ge @!p0 [sflag:s11], $0x2000  }
0xd9: {  	s19 =	sshra.s32 @!p0 s10, $0x2;
	s10 =	smov.u32 s21;
	[sflag:s11] =	ssyncset.done @!p0 $0x0  }
0xda: {  	s19 =	sadd.s32 @!p0 $0x19C20, s19;
	[sflag:s11] =	ssyncadd.s32 @!p0 $0xFFFFE000  }
0xdb: {  	[spmem:s31] =	stream.indirect.scatter.add.f32 @!p0 [tilespmem:s13], [sflag:$0x3], $0x40, s19, s12, $0xb8;
	[tilespmem:$0x1E940] =	vst v63  }
0xdc: {  	_ =	swait.ge @!p0 [sflag:s14], $0x2000  }
.Ltmp4:
0xdd: {  	[sflag:s14] =	ssyncset.done @!p0 $0x0;
	(pc) =	sbr.rel @p1 .LBB2_6-.Ltmp4, $4  }
0xde: {  	[sflag:s14] =	ssyncadd.s32 @!p0 $0xFFFFE000  }
0xdf: {  	[spmem:s0] =	stream.indirect.scatter.add.f32 @!p0 [tilespmem:s17], [sflag:$0x3], $0x1, s19, s12, $0xb8;
	[tilespmem:$0x1E940] =	vst v63  }
0xe0: {  	_ =	swait.ge @!p0 [sflag:s14], $0x80  }
0xe1: {  	s19 =	sshra.s32 s10, $0x2;
	[sflag:s14] =	ssyncset.done @!p0 $0x0  }
0xe2: {  	s11 =	sadd.s32 $0x18E20, s19;
	[sflag:s14] =	ssyncadd.s32 @!p0 $0xFFFFFF80  }
0xe3: {  	[tilespmem:s15], [sflag:$0x1] =	stream.indirect.gather @p0 [hbm4b:s3+s16], $0x40, s11, s16, $0xb8;
	[tilespmem:$0x1E940] =	vst v63  }
0xe4: {  	_ =	swait.ge @p0 [sflag:s6], $0x2000  }
0xe5: {  	s7 =	sshra.s32 @p0 s10, $0x2;
	[sflag:s6] =	ssyncset.done @p0 $0x0  }
0xe6: {  	s7 =	sadd.s32 @p0 $0x19C20, s7;
	[sflag:s6] =	ssyncadd.s32 @p0 $0xFFFFE000;
	s6 =	simm.s32 @p0 $0x2  }
0xe7: {  	[spmem:s31] =	stream.indirect.scatter.add.f32 @p0 [tilespmem:s15], [sflag:$0x2], $0x40, s7, s16, $0xb8;
	[tilespmem:$0x1E940] =	vst v63  }
0xe8: {  	_ =	swait.ge @p0 [sflag:s6], $0x2000  }
0xe9: {  	s8 =	simm.s32 @!p0 $0x80;
	[sflag:s6] =	ssyncset.done @p0 $0x0  }
0xea: {  	s9 =	simm.s32 @!p0 $0x1AA20;
	s7 =	simm.s32 @!p0 $0x1;
	[sflag:s6] =	ssyncadd.s32 @p0 $0xFFFFE000  }
0xeb: {  	[tilespmem:s9], [sflag:$0x1] =	stream.indirect.gather @!p0 [hbm4b:s2+s8], $0x40, s11, s8, $0xb8;
	[tilespmem:$0x1E940] =	vst v63  }
0xec: {  	_ =	swait.ge @!p0 [sflag:s7], $0x2000  }
0xed: {  	s10 =	sshra.s32 @!p0 s10, $0x2;
	[sflag:s7] =	ssyncset.done @!p0 $0x0  }
0xee: {  	s12 =	sadd.s32 @!p0 $0x19C20, s10;
	s10 =	simm.s32 @!p0 $0x3;
	[sflag:s7] =	ssyncadd.s32 @!p0 $0xFFFFE000  }
0xef: {  	[spmem:s31] =	stream.indirect.scatter.add.f32 @!p0 [tilespmem:s9], [sflag:$0x3], $0x40, s12, s8, $0xb8;
	[tilespmem:$0x1E940] =	vst v63  }
0xf0: {  	_ =	swait.ge @!p0 [sflag:s10], $0x2000  }
0xf1: {  	[sflag:s10] =	ssyncset.done @!p0 $0x0  }
0xf2: {  	s11 =	simm.s32 @!p0 $0x1E8C0;
	[sflag:s10] =	ssyncadd.s32 @!p0 $0xFFFFE000  }
0xf3: {  	[spmem:s0] =	stream.indirect.scatter.add.f32 @!p0 [tilespmem:s11], [sflag:$0x3], $0x1, s12, s8, $0xb8;
	[tilespmem:$0x1E940] =	vst v63  }
0xf4: {  	_ =	swait.ge @!p0 [sflag:s10], $0x80  }
0xf5: {  	[sflag:s10] =	ssyncset.done @!p0 $0x0  }
0xf6: {  	s20 =	simm.s32 $0x0;
	s13 =	rddreg [dreg:$0x6];
	[sflag:s10] =	ssyncadd.s32 @!p0 $0xFFFFFF80  }
0xf7: {  	[tilespmem:s24], [sflag:$0x2] =	stream.linear.gather [hbm4b:s13+s20], $0xE00, $0x38;
	[tilespmem:$0x1E940] =	vst v63  }
0xf8: {  	_ =	swait.ge [sflag:s23], $0xE00  }
0xf9: {  	[sflag:s23] =	ssyncset.done $0x0  }
0xfa: {  	s21 =	rddreg [dreg:$0x7];
	[sflag:s23] =	ssyncadd.s32 $0xFFFFF200  }
0xfb: {  	[tilespmem:s25], [sflag:$0x2] =	stream.linear.gather [hbm4b:s21+s20], $0xE00, $0x38;
	[tilespmem:$0x1E940] =	vst v63  }
0xfc: {  	_ =	swait.ge [sflag:s23], $0xE00  }
0xfd: {  	s14 =	simm.s32 @p0 $0x1AA20;
	s15 =	simm.s32 $0x18E20;
	[sflag:s23] =	ssyncset.done $0x0  }
0xfe: {  	s12 =	simm.s32 @p0 $0x1;
	s13 =	simm.s32 @p0 $0x80;
	[sflag:s23] =	ssyncadd.s32 $0xFFFFF200  }
0xff: {  	[tilespmem:s14], [sflag:$0x1] =	stream.indirect.gather @p0 [hbm4b:s3+s13], $0x40, s15, s13, $0xb8;
	[tilespmem:$0x1E940] =	vst v63  }
0x100: {  	_ =	swait.ge @p0 [sflag:s12], $0x2000  }
0x101: {  	[sflag:s12] =	ssyncset.done @p0 $0x0  }
0x102: {  	s16 =	simm.s32 @p0 $0x19C20;
	[sflag:s12] =	ssyncadd.s32 @p0 $0xFFFFE000  }
0x103: {  	[spmem:s31] =	stream.indirect.scatter.add.f32 @p0 [tilespmem:s14], [sflag:$0x2], $0x40, s16, s13, $0xb8;
	[tilespmem:$0x1E940] =	vst v63  }
0x104: {  	_ =	swait.ge @p0 [sflag:s6], $0x2000  }
0x105: {  	[sflag:s6] =	ssyncset.done @p0 $0x0  }
0x106: {  	[sflag:s6] =	ssyncadd.s32 @p0 $0xFFFFE000  }
0x107: {  	[tilespmem:s9], [sflag:$0x1] =	stream.indirect.gather @!p0 [hbm4b:s2+s8], $0x40, s15, s8, $0xb8;
	[tilespmem:$0x1E940] =	vst v63  }
0x108: {  	_ =	swait.ge @!p0 [sflag:s7], $0x2000  }
0x109: {  	[sflag:s7] =	ssyncset.done @!p0 $0x0  }
0x10a: {  	s16 =	simm.s32 @!p0 $0x19C20;
	[sflag:s7] =	ssyncadd.s32 @!p0 $0xFFFFE000  }
0x10b: {  	[spmem:s31] =	stream.indirect.scatter.add.f32 @!p0 [tilespmem:s9], [sflag:$0x3], $0x40, s16, s8, $0xb8;
	[tilespmem:$0x1E940] =	vst v63  }
0x10c: {  	_ =	swait.ge @!p0 [sflag:s10], $0x2000  }
0x10d: {  	[sflag:s10] =	ssyncset.done @!p0 $0x0  }
0x10e: {  	s18 =	simm.s32 $0x400;
	[sflag:s10] =	ssyncadd.s32 @!p0 $0xFFFFE000  }
0x10f: {  	[spmem:s0] =	stream.indirect.scatter.add.f32 @!p0 [tilespmem:s11], [sflag:$0x3], $0x1, s16, s8, $0xb8;
	[tilespmem:$0x1E940] =	vst v63  }
0x110: {  	s19 =	simm.s32 $0x80;
	s17 =	simm.s32 @p0 $0x80;
	_ =	swait.ge @!p0 [sflag:s10], $0x80  }
0x111: {  	s15 =	simm.s32 $0x200;
	s16 =	simm.s32 @p0 $0x1AA20;
	[sflag:s10] =	ssyncset.done @!p0 $0x0  }
.LBB2_8:
0x112: {  	s19 =	sadd.s32 $0x18E20, s19;
	[sflag:s10] =	ssyncadd.s32 @!p0 $0xFFFFFF80;
	s20 =	smov.u32 s18  }
0x113: {  	[tilespmem:s16], [sflag:$0x1] =	stream.indirect.gather @p0 [hbm4b:s3+s17], $0x40, s19, s17, $0xb8;
	[tilespmem:$0x1E940] =	vst v63  }
0x114: {  	s18 =	sadd.s32 $0x200, s18;
	_ =	swait.ge @p0 [sflag:s12], $0x2000  }
0x115: {  	s21 =	sshra.s32 @p0 s15, $0x2;
	p1 =	sne.s32 s18, $0x3800;
	[sflag:s12] =	ssyncset.done @p0 $0x0  }
0x116: {  	s21 =	sadd.s32 @p0 $0x19C20, s21;
	[sflag:s12] =	ssyncadd.s32 @p0 $0xFFFFE000  }
0x117: {  	[spmem:s31] =	stream.indirect.scatter.add.f32 @p0 [tilespmem:s16], [sflag:$0x2], $0x40, s21, s17, $0xb8;
	[tilespmem:$0x1E940] =	vst v63  }
0x118: {  	s17 =	smov.u32 s13;
	s16 =	smov.u32 s14;
	_ =	swait.ge @p0 [sflag:s6], $0x2000  }
0x119: {  	[sflag:s6] =	ssyncset.done @p0 $0x0  }
0x11a: {  	[sflag:s6] =	ssyncadd.s32 @p0 $0xFFFFE000  }
0x11b: {  	[tilespmem:s9], [sflag:$0x1] =	stream.indirect.gather @!p0 [hbm4b:s2+s8], $0x40, s19, s8, $0xb8;
	[tilespmem:$0x1E940] =	vst v63  }
0x11c: {  	_ =	swait.ge @!p0 [sflag:s7], $0x2000  }
0x11d: {  	s19 =	sshra.s32 @!p0 s15, $0x2;
	s15 =	smov.u32 s20;
	[sflag:s7] =	ssyncset.done @!p0 $0x0  }
0x11e: {  	s19 =	sadd.s32 @!p0 $0x19C20, s19;
	[sflag:s7] =	ssyncadd.s32 @!p0 $0xFFFFE000  }
0x11f: {  	[spmem:s31] =	stream.indirect.scatter.add.f32 @!p0 [tilespmem:s9], [sflag:$0x3], $0x40, s19, s8, $0xb8;
	[tilespmem:$0x1E940] =	vst v63  }
0x120: {  	_ =	swait.ge @!p0 [sflag:s10], $0x2000  }
.Ltmp5:
0x121: {  	[sflag:s10] =	ssyncset.done @!p0 $0x0;
	(pc) =	sbr.rel @p1 .LBB2_8-.Ltmp5, $4  }
0x122: {  	[sflag:s10] =	ssyncadd.s32 @!p0 $0xFFFFE000  }
0x123: {  	[spmem:s0] =	stream.indirect.scatter.add.f32 @!p0 [tilespmem:s11], [sflag:$0x3], $0x1, s19, s8, $0xb8;
	[tilespmem:$0x1E940] =	vst v63  }
0x124: {  	_ =	swait.ge @!p0 [sflag:s10], $0x80  }
0x125: {  	s19 =	sshra.s32 s15, $0x2;
	[sflag:s10] =	ssyncset.done @!p0 $0x0  }
0x126: {  	s11 =	sadd.s32 $0x18E20, s19;
	[sflag:s10] =	ssyncadd.s32 @!p0 $0xFFFFFF80  }
0x127: {  	[tilespmem:s16], [sflag:$0x1] =	stream.indirect.gather @p0 [hbm4b:s3+s17], $0x40, s11, s17, $0xb8;
	[tilespmem:$0x1E940] =	vst v63  }
0x128: {  	_ =	swait.ge @p0 [sflag:s12], $0x2000  }
0x129: {  	s6 =	sshra.s32 @p0 s15, $0x2;
	[sflag:s12] =	ssyncset.done @p0 $0x0  }
0x12a: {  	s7 =	sadd.s32 @p0 $0x19C20, s6;
	s6 =	simm.s32 @p0 $0x2;
	[sflag:s12] =	ssyncadd.s32 @p0 $0xFFFFE000  }
0x12b: {  	[spmem:s31] =	stream.indirect.scatter.add.f32 @p0 [tilespmem:s16], [sflag:$0x2], $0x40, s7, s17, $0xb8;
	[tilespmem:$0x1E940] =	vst v63  }
0x12c: {  	_ =	swait.ge @p0 [sflag:s6], $0x2000  }
0x12d: {  	s8 =	simm.s32 @!p0 $0x80;
	[sflag:s6] =	ssyncset.done @p0 $0x0  }
0x12e: {  	s9 =	simm.s32 @!p0 $0x1AA20;
	s7 =	simm.s32 @!p0 $0x1;
	[sflag:s6] =	ssyncadd.s32 @p0 $0xFFFFE000  }
0x12f: {  	[tilespmem:s9], [sflag:$0x1] =	stream.indirect.gather @!p0 [hbm4b:s2+s8], $0x40, s11, s8, $0xb8;
	[tilespmem:$0x1E940] =	vst v63  }
0x130: {  	_ =	swait.ge @!p0 [sflag:s7], $0x2000  }
0x131: {  	s10 =	sshra.s32 @!p0 s15, $0x2;
	[sflag:s7] =	ssyncset.done @!p0 $0x0  }
0x132: {  	s12 =	sadd.s32 @!p0 $0x19C20, s10;
	s10 =	simm.s32 @!p0 $0x3;
	[sflag:s7] =	ssyncadd.s32 @!p0 $0xFFFFE000  }
0x133: {  	[spmem:s31] =	stream.indirect.scatter.add.f32 @!p0 [tilespmem:s9], [sflag:$0x3], $0x40, s12, s8, $0xb8;
	[tilespmem:$0x1E940] =	vst v63  }
0x134: {  	_ =	swait.ge @!p0 [sflag:s10], $0x2000  }
0x135: {  	[sflag:s10] =	ssyncset.done @!p0 $0x0  }
0x136: {  	s11 =	simm.s32 @!p0 $0x1E8C0;
	[sflag:s10] =	ssyncadd.s32 @!p0 $0xFFFFE000  }
0x137: {  	[spmem:s0] =	stream.indirect.scatter.add.f32 @!p0 [tilespmem:s11], [sflag:$0x3], $0x1, s12, s8, $0xb8;
	[tilespmem:$0x1E940] =	vst v63  }
0x138: {  	_ =	swait.ge @!p0 [sflag:s10], $0x80  }
0x139: {  	[sflag:s10] =	ssyncset.done @!p0 $0x0  }
0x13a: {  	s20 =	simm.s32 $0x0;
	s13 =	rddreg [dreg:$0x8];
	[sflag:s10] =	ssyncadd.s32 @!p0 $0xFFFFFF80  }
0x13b: {  	[tilespmem:s24], [sflag:$0x2] =	stream.linear.gather [hbm4b:s13+s20], $0xE00, $0x38;
	[tilespmem:$0x1E940] =	vst v63  }
0x13c: {  	_ =	swait.ge [sflag:s23], $0xE00  }
0x13d: {  	[sflag:s23] =	ssyncset.done $0x0  }
0x13e: {  	s21 =	rddreg [dreg:$0x9];
	[sflag:s23] =	ssyncadd.s32 $0xFFFFF200  }
0x13f: {  	[tilespmem:s25], [sflag:$0x2] =	stream.linear.gather [hbm4b:s21+s20], $0xE00, $0x38;
	[tilespmem:$0x1E940] =	vst v63  }
0x140: {  	_ =	swait.ge [sflag:s23], $0xE00  }
0x141: {  	s14 =	simm.s32 @p0 $0x1AA20;
	s15 =	simm.s32 $0x18E20;
	[sflag:s23] =	ssyncset.done $0x0  }
0x142: {  	s12 =	simm.s32 @p0 $0x1;
	s13 =	simm.s32 @p0 $0x80;
	[sflag:s23] =	ssyncadd.s32 $0xFFFFF200  }
0x143: {  	[tilespmem:s14], [sflag:$0x1] =	stream.indirect.gather @p0 [hbm4b:s3+s13], $0x40, s15, s13, $0xb8;
	[tilespmem:$0x1E940] =	vst v63  }
0x144: {  	_ =	swait.ge @p0 [sflag:s12], $0x2000  }
0x145: {  	[sflag:s12] =	ssyncset.done @p0 $0x0  }
0x146: {  	s16 =	simm.s32 @p0 $0x19C20;
	[sflag:s12] =	ssyncadd.s32 @p0 $0xFFFFE000  }
0x147: {  	[spmem:s31] =	stream.indirect.scatter.add.f32 @p0 [tilespmem:s14], [sflag:$0x2], $0x40, s16, s13, $0xb8;
	[tilespmem:$0x1E940] =	vst v63  }
0x148: {  	_ =	swait.ge @p0 [sflag:s6], $0x2000  }
0x149: {  	[sflag:s6] =	ssyncset.done @p0 $0x0  }
0x14a: {  	[sflag:s6] =	ssyncadd.s32 @p0 $0xFFFFE000  }
0x14b: {  	[tilespmem:s9], [sflag:$0x1] =	stream.indirect.gather @!p0 [hbm4b:s2+s8], $0x40, s15, s8, $0xb8;
	[tilespmem:$0x1E940] =	vst v63  }
0x14c: {  	_ =	swait.ge @!p0 [sflag:s7], $0x2000  }
0x14d: {  	[sflag:s7] =	ssyncset.done @!p0 $0x0  }
0x14e: {  	s16 =	simm.s32 @!p0 $0x19C20;
	[sflag:s7] =	ssyncadd.s32 @!p0 $0xFFFFE000  }
0x14f: {  	[spmem:s31] =	stream.indirect.scatter.add.f32 @!p0 [tilespmem:s9], [sflag:$0x3], $0x40, s16, s8, $0xb8;
	[tilespmem:$0x1E940] =	vst v63  }
0x150: {  	_ =	swait.ge @!p0 [sflag:s10], $0x2000  }
0x151: {  	[sflag:s10] =	ssyncset.done @!p0 $0x0  }
0x152: {  	s18 =	simm.s32 $0x400;
	[sflag:s10] =	ssyncadd.s32 @!p0 $0xFFFFE000  }
0x153: {  	[spmem:s0] =	stream.indirect.scatter.add.f32 @!p0 [tilespmem:s11], [sflag:$0x3], $0x1, s16, s8, $0xb8;
	[tilespmem:$0x1E940] =	vst v63  }
0x154: {  	s19 =	simm.s32 $0x80;
	s17 =	simm.s32 @p0 $0x80;
	_ =	swait.ge @!p0 [sflag:s10], $0x80  }
0x155: {  	s15 =	simm.s32 $0x200;
	s16 =	simm.s32 @p0 $0x1AA20;
	[sflag:s10] =	ssyncset.done @!p0 $0x0  }
.LBB2_10:
0x156: {  	s19 =	sadd.s32 $0x18E20, s19;
	[sflag:s10] =	ssyncadd.s32 @!p0 $0xFFFFFF80;
	s20 =	smov.u32 s18  }
0x157: {  	[tilespmem:s16], [sflag:$0x1] =	stream.indirect.gather @p0 [hbm4b:s3+s17], $0x40, s19, s17, $0xb8;
	[tilespmem:$0x1E940] =	vst v63  }
0x158: {  	s18 =	sadd.s32 $0x200, s18;
	_ =	swait.ge @p0 [sflag:s12], $0x2000  }
0x159: {  	s21 =	sshra.s32 @p0 s15, $0x2;
	p1 =	sne.s32 s18, $0x3800;
	[sflag:s12] =	ssyncset.done @p0 $0x0  }
0x15a: {  	s21 =	sadd.s32 @p0 $0x19C20, s21;
	[sflag:s12] =	ssyncadd.s32 @p0 $0xFFFFE000  }
0x15b: {  	[spmem:s31] =	stream.indirect.scatter.add.f32 @p0 [tilespmem:s16], [sflag:$0x2], $0x40, s21, s17, $0xb8;
	[tilespmem:$0x1E940] =	vst v63  }
0x15c: {  	s17 =	smov.u32 s13;
	s16 =	smov.u32 s14;
	_ =	swait.ge @p0 [sflag:s6], $0x2000  }
0x15d: {  	[sflag:s6] =	ssyncset.done @p0 $0x0  }
0x15e: {  	[sflag:s6] =	ssyncadd.s32 @p0 $0xFFFFE000  }
0x15f: {  	[tilespmem:s9], [sflag:$0x1] =	stream.indirect.gather @!p0 [hbm4b:s2+s8], $0x40, s19, s8, $0xb8;
	[tilespmem:$0x1E940] =	vst v63  }
0x160: {  	_ =	swait.ge @!p0 [sflag:s7], $0x2000  }
0x161: {  	s19 =	sshra.s32 @!p0 s15, $0x2;
	s15 =	smov.u32 s20;
	[sflag:s7] =	ssyncset.done @!p0 $0x0  }
0x162: {  	s19 =	sadd.s32 @!p0 $0x19C20, s19;
	[sflag:s7] =	ssyncadd.s32 @!p0 $0xFFFFE000  }
0x163: {  	[spmem:s31] =	stream.indirect.scatter.add.f32 @!p0 [tilespmem:s9], [sflag:$0x3], $0x40, s19, s8, $0xb8;
	[tilespmem:$0x1E940] =	vst v63  }
0x164: {  	_ =	swait.ge @!p0 [sflag:s10], $0x2000  }
.Ltmp6:
0x165: {  	[sflag:s10] =	ssyncset.done @!p0 $0x0;
	(pc) =	sbr.rel @p1 .LBB2_10-.Ltmp6, $4  }
0x166: {  	[sflag:s10] =	ssyncadd.s32 @!p0 $0xFFFFE000  }
0x167: {  	[spmem:s0] =	stream.indirect.scatter.add.f32 @!p0 [tilespmem:s11], [sflag:$0x3], $0x1, s19, s8, $0xb8;
	[tilespmem:$0x1E940] =	vst v63  }
0x168: {  	_ =	swait.ge @!p0 [sflag:s10], $0x80  }
0x169: {  	s19 =	sshra.s32 s15, $0x2;
	[sflag:s10] =	ssyncset.done @!p0 $0x0  }
0x16a: {  	s11 =	sadd.s32 $0x18E20, s19;
	[sflag:s10] =	ssyncadd.s32 @!p0 $0xFFFFFF80  }
0x16b: {  	[tilespmem:s16], [sflag:$0x1] =	stream.indirect.gather @p0 [hbm4b:s3+s17], $0x40, s11, s17, $0xb8;
	[tilespmem:$0x1E940] =	vst v63  }
0x16c: {  	_ =	swait.ge @p0 [sflag:s12], $0x2000  }
0x16d: {  	s6 =	sshra.s32 @p0 s15, $0x2;
	[sflag:s12] =	ssyncset.done @p0 $0x0  }
0x16e: {  	s7 =	sadd.s32 @p0 $0x19C20, s6;
	s6 =	simm.s32 @p0 $0x2;
	[sflag:s12] =	ssyncadd.s32 @p0 $0xFFFFE000  }
0x16f: {  	[spmem:s31] =	stream.indirect.scatter.add.f32 @p0 [tilespmem:s16], [sflag:$0x2], $0x40, s7, s17, $0xb8;
	[tilespmem:$0x1E940] =	vst v63  }
0x170: {  	_ =	swait.ge @p0 [sflag:s6], $0x2000  }
0x171: {  	s8 =	simm.s32 @!p0 $0x80;
	[sflag:s6] =	ssyncset.done @p0 $0x0  }
0x172: {  	s9 =	simm.s32 @!p0 $0x1AA20;
	s7 =	simm.s32 @!p0 $0x1;
	[sflag:s6] =	ssyncadd.s32 @p0 $0xFFFFE000  }
0x173: {  	[tilespmem:s9], [sflag:$0x1] =	stream.indirect.gather @!p0 [hbm4b:s2+s8], $0x40, s11, s8, $0xb8;
	[tilespmem:$0x1E940] =	vst v63  }
0x174: {  	_ =	swait.ge @!p0 [sflag:s7], $0x2000  }
0x175: {  	s10 =	sshra.s32 @!p0 s15, $0x2;
	[sflag:s7] =	ssyncset.done @!p0 $0x0  }
0x176: {  	s12 =	sadd.s32 @!p0 $0x19C20, s10;
	s10 =	simm.s32 @!p0 $0x3;
	[sflag:s7] =	ssyncadd.s32 @!p0 $0xFFFFE000  }
0x177: {  	[spmem:s31] =	stream.indirect.scatter.add.f32 @!p0 [tilespmem:s9], [sflag:$0x3], $0x40, s12, s8, $0xb8;
	[tilespmem:$0x1E940] =	vst v63  }
0x178: {  	_ =	swait.ge @!p0 [sflag:s10], $0x2000  }
0x179: {  	[sflag:s10] =	ssyncset.done @!p0 $0x0  }
0x17a: {  	s11 =	simm.s32 @!p0 $0x1E8C0;
	[sflag:s10] =	ssyncadd.s32 @!p0 $0xFFFFE000  }
0x17b: {  	[spmem:s0] =	stream.indirect.scatter.add.f32 @!p0 [tilespmem:s11], [sflag:$0x3], $0x1, s12, s8, $0xb8;
	[tilespmem:$0x1E940] =	vst v63  }
0x17c: {  	_ =	swait.ge @!p0 [sflag:s10], $0x80  }
0x17d: {  	[sflag:s10] =	ssyncset.done @!p0 $0x0  }
0x17e: {  	s20 =	simm.s32 $0x0;
	s13 =	rddreg [dreg:$0xa];
	[sflag:s10] =	ssyncadd.s32 @!p0 $0xFFFFFF80  }
0x17f: {  	[tilespmem:s24], [sflag:$0x2] =	stream.linear.gather [hbm4b:s13+s20], $0xE00, $0x38;
	[tilespmem:$0x1E940] =	vst v63  }
0x180: {  	_ =	swait.ge [sflag:s23], $0xE00  }
0x181: {  	[sflag:s23] =	ssyncset.done $0x0  }
0x182: {  	s21 =	rddreg [dreg:$0xb];
	[sflag:s23] =	ssyncadd.s32 $0xFFFFF200  }
0x183: {  	[tilespmem:s25], [sflag:$0x2] =	stream.linear.gather [hbm4b:s21+s20], $0xE00, $0x38;
	[tilespmem:$0x1E940] =	vst v63  }
0x184: {  	_ =	swait.ge [sflag:s23], $0xE00  }
0x185: {  	s14 =	simm.s32 @p0 $0x1AA20;
	s15 =	simm.s32 $0x18E20;
	[sflag:s23] =	ssyncset.done $0x0  }
0x186: {  	s12 =	simm.s32 @p0 $0x1;
	s13 =	simm.s32 @p0 $0x80;
	[sflag:s23] =	ssyncadd.s32 $0xFFFFF200  }
0x187: {  	[tilespmem:s14], [sflag:$0x1] =	stream.indirect.gather @p0 [hbm4b:s3+s13], $0x40, s15, s13, $0xb8;
	[tilespmem:$0x1E940] =	vst v63  }
0x188: {  	_ =	swait.ge @p0 [sflag:s12], $0x2000  }
0x189: {  	[sflag:s12] =	ssyncset.done @p0 $0x0  }
0x18a: {  	s16 =	simm.s32 @p0 $0x19C20;
	[sflag:s12] =	ssyncadd.s32 @p0 $0xFFFFE000  }
0x18b: {  	[spmem:s31] =	stream.indirect.scatter.add.f32 @p0 [tilespmem:s14], [sflag:$0x2], $0x40, s16, s13, $0xb8;
	[tilespmem:$0x1E940] =	vst v63  }
0x18c: {  	_ =	swait.ge @p0 [sflag:s6], $0x2000  }
0x18d: {  	[sflag:s6] =	ssyncset.done @p0 $0x0  }
0x18e: {  	[sflag:s6] =	ssyncadd.s32 @p0 $0xFFFFE000  }
0x18f: {  	[tilespmem:s9], [sflag:$0x1] =	stream.indirect.gather @!p0 [hbm4b:s2+s8], $0x40, s15, s8, $0xb8;
	[tilespmem:$0x1E940] =	vst v63  }
0x190: {  	_ =	swait.ge @!p0 [sflag:s7], $0x2000  }
0x191: {  	[sflag:s7] =	ssyncset.done @!p0 $0x0  }
0x192: {  	s16 =	simm.s32 @!p0 $0x19C20;
	[sflag:s7] =	ssyncadd.s32 @!p0 $0xFFFFE000  }
0x193: {  	[spmem:s31] =	stream.indirect.scatter.add.f32 @!p0 [tilespmem:s9], [sflag:$0x3], $0x40, s16, s8, $0xb8;
	[tilespmem:$0x1E940] =	vst v63  }
0x194: {  	_ =	swait.ge @!p0 [sflag:s10], $0x2000  }
0x195: {  	[sflag:s10] =	ssyncset.done @!p0 $0x0  }
0x196: {  	s18 =	simm.s32 $0x400;
	[sflag:s10] =	ssyncadd.s32 @!p0 $0xFFFFE000  }
0x197: {  	[spmem:s0] =	stream.indirect.scatter.add.f32 @!p0 [tilespmem:s11], [sflag:$0x3], $0x1, s16, s8, $0xb8;
	[tilespmem:$0x1E940] =	vst v63  }
0x198: {  	s19 =	simm.s32 $0x80;
	s17 =	simm.s32 @p0 $0x80;
	_ =	swait.ge @!p0 [sflag:s10], $0x80  }
0x199: {  	s15 =	simm.s32 $0x200;
	s16 =	simm.s32 @p0 $0x1AA20;
	[sflag:s10] =	ssyncset.done @!p0 $0x0  }
.LBB2_12:
0x19a: {  	s19 =	sadd.s32 $0x18E20, s19;
	[sflag:s10] =	ssyncadd.s32 @!p0 $0xFFFFFF80;
	s20 =	smov.u32 s18  }
0x19b: {  	[tilespmem:s16], [sflag:$0x1] =	stream.indirect.gather @p0 [hbm4b:s3+s17], $0x40, s19, s17, $0xb8;
	[tilespmem:$0x1E940] =	vst v63  }
0x19c: {  	s18 =	sadd.s32 $0x200, s18;
	_ =	swait.ge @p0 [sflag:s12], $0x2000  }
0x19d: {  	s21 =	sshra.s32 @p0 s15, $0x2;
	p1 =	sne.s32 s18, $0x3800;
	[sflag:s12] =	ssyncset.done @p0 $0x0  }
0x19e: {  	s21 =	sadd.s32 @p0 $0x19C20, s21;
	[sflag:s12] =	ssyncadd.s32 @p0 $0xFFFFE000  }
0x19f: {  	[spmem:s31] =	stream.indirect.scatter.add.f32 @p0 [tilespmem:s16], [sflag:$0x2], $0x40, s21, s17, $0xb8;
	[tilespmem:$0x1E940] =	vst v63  }
0x1a0: {  	s17 =	smov.u32 s13;
	s16 =	smov.u32 s14;
	_ =	swait.ge @p0 [sflag:s6], $0x2000  }
0x1a1: {  	[sflag:s6] =	ssyncset.done @p0 $0x0  }
0x1a2: {  	[sflag:s6] =	ssyncadd.s32 @p0 $0xFFFFE000  }
0x1a3: {  	[tilespmem:s9], [sflag:$0x1] =	stream.indirect.gather @!p0 [hbm4b:s2+s8], $0x40, s19, s8, $0xb8;
	[tilespmem:$0x1E940] =	vst v63  }
0x1a4: {  	_ =	swait.ge @!p0 [sflag:s7], $0x2000  }
0x1a5: {  	s19 =	sshra.s32 @!p0 s15, $0x2;
	s15 =	smov.u32 s20;
	[sflag:s7] =	ssyncset.done @!p0 $0x0  }
0x1a6: {  	s19 =	sadd.s32 @!p0 $0x19C20, s19;
	[sflag:s7] =	ssyncadd.s32 @!p0 $0xFFFFE000  }
0x1a7: {  	[spmem:s31] =	stream.indirect.scatter.add.f32 @!p0 [tilespmem:s9], [sflag:$0x3], $0x40, s19, s8, $0xb8;
	[tilespmem:$0x1E940] =	vst v63  }
0x1a8: {  	_ =	swait.ge @!p0 [sflag:s10], $0x2000  }
.Ltmp7:
0x1a9: {  	[sflag:s10] =	ssyncset.done @!p0 $0x0;
	(pc) =	sbr.rel @p1 .LBB2_12-.Ltmp7, $4  }
0x1aa: {  	[sflag:s10] =	ssyncadd.s32 @!p0 $0xFFFFE000  }
0x1ab: {  	[spmem:s0] =	stream.indirect.scatter.add.f32 @!p0 [tilespmem:s11], [sflag:$0x3], $0x1, s19, s8, $0xb8;
	[tilespmem:$0x1E940] =	vst v63  }
0x1ac: {  	_ =	swait.ge @!p0 [sflag:s10], $0x80  }
0x1ad: {  	s19 =	sshra.s32 s15, $0x2;
	[sflag:s10] =	ssyncset.done @!p0 $0x0  }
0x1ae: {  	s11 =	sadd.s32 $0x18E20, s19;
	[sflag:s10] =	ssyncadd.s32 @!p0 $0xFFFFFF80  }
0x1af: {  	[tilespmem:s16], [sflag:$0x1] =	stream.indirect.gather @p0 [hbm4b:s3+s17], $0x40, s11, s17, $0xb8;
	[tilespmem:$0x1E940] =	vst v63  }
0x1b0: {  	_ =	swait.ge @p0 [sflag:s12], $0x2000  }
0x1b1: {  	s6 =	sshra.s32 @p0 s15, $0x2;
	[sflag:s12] =	ssyncset.done @p0 $0x0  }
0x1b2: {  	s7 =	sadd.s32 @p0 $0x19C20, s6;
	s6 =	simm.s32 @p0 $0x2;
	[sflag:s12] =	ssyncadd.s32 @p0 $0xFFFFE000  }
0x1b3: {  	[spmem:s31] =	stream.indirect.scatter.add.f32 @p0 [tilespmem:s16], [sflag:$0x2], $0x40, s7, s17, $0xb8;
	[tilespmem:$0x1E940] =	vst v63  }
0x1b4: {  	_ =	swait.ge @p0 [sflag:s6], $0x2000  }
0x1b5: {  	s8 =	simm.s32 @!p0 $0x80;
	[sflag:s6] =	ssyncset.done @p0 $0x0  }
0x1b6: {  	s9 =	simm.s32 @!p0 $0x1AA20;
	s7 =	simm.s32 @!p0 $0x1;
	[sflag:s6] =	ssyncadd.s32 @p0 $0xFFFFE000  }
0x1b7: {  	[tilespmem:s9], [sflag:$0x1] =	stream.indirect.gather @!p0 [hbm4b:s2+s8], $0x40, s11, s8, $0xb8;
	[tilespmem:$0x1E940] =	vst v63  }
0x1b8: {  	_ =	swait.ge @!p0 [sflag:s7], $0x2000  }
0x1b9: {  	s10 =	sshra.s32 @!p0 s15, $0x2;
	[sflag:s7] =	ssyncset.done @!p0 $0x0  }
0x1ba: {  	s12 =	sadd.s32 @!p0 $0x19C20, s10;
	s10 =	simm.s32 @!p0 $0x3;
	[sflag:s7] =	ssyncadd.s32 @!p0 $0xFFFFE000  }
0x1bb: {  	[spmem:s31] =	stream.indirect.scatter.add.f32 @!p0 [tilespmem:s9], [sflag:$0x3], $0x40, s12, s8, $0xb8;
	[tilespmem:$0x1E940] =	vst v63  }
0x1bc: {  	_ =	swait.ge @!p0 [sflag:s10], $0x2000  }
0x1bd: {  	[sflag:s10] =	ssyncset.done @!p0 $0x0  }
0x1be: {  	s11 =	simm.s32 @!p0 $0x1E8C0;
	[sflag:s10] =	ssyncadd.s32 @!p0 $0xFFFFE000  }
0x1bf: {  	[spmem:s0] =	stream.indirect.scatter.add.f32 @!p0 [tilespmem:s11], [sflag:$0x3], $0x1, s12, s8, $0xb8;
	[tilespmem:$0x1E940] =	vst v63  }
0x1c0: {  	_ =	swait.ge @!p0 [sflag:s10], $0x80  }
0x1c1: {  	[sflag:s10] =	ssyncset.done @!p0 $0x0  }
0x1c2: {  	s20 =	simm.s32 $0x0;
	s13 =	rddreg [dreg:$0xc];
	[sflag:s10] =	ssyncadd.s32 @!p0 $0xFFFFFF80  }
0x1c3: {  	[tilespmem:s24], [sflag:$0x2] =	stream.linear.gather [hbm4b:s13+s20], $0xE00, $0x38;
	[tilespmem:$0x1E940] =	vst v63  }
0x1c4: {  	_ =	swait.ge [sflag:s23], $0xE00  }
0x1c5: {  	[sflag:s23] =	ssyncset.done $0x0  }
0x1c6: {  	s21 =	rddreg [dreg:$0xd];
	[sflag:s23] =	ssyncadd.s32 $0xFFFFF200  }
0x1c7: {  	[tilespmem:s25], [sflag:$0x2] =	stream.linear.gather [hbm4b:s21+s20], $0xE00, $0x38;
	[tilespmem:$0x1E940] =	vst v63  }
0x1c8: {  	_ =	swait.ge [sflag:s23], $0xE00  }
0x1c9: {  	s14 =	simm.s32 @p0 $0x1AA20;
	s15 =	simm.s32 $0x18E20;
	[sflag:s23] =	ssyncset.done $0x0  }
0x1ca: {  	s12 =	simm.s32 @p0 $0x1;
	s13 =	simm.s32 @p0 $0x80;
	[sflag:s23] =	ssyncadd.s32 $0xFFFFF200  }
0x1cb: {  	[tilespmem:s14], [sflag:$0x1] =	stream.indirect.gather @p0 [hbm4b:s3+s13], $0x40, s15, s13, $0xb8;
	[tilespmem:$0x1E940] =	vst v63  }
0x1cc: {  	_ =	swait.ge @p0 [sflag:s12], $0x2000  }
0x1cd: {  	[sflag:s12] =	ssyncset.done @p0 $0x0  }
0x1ce: {  	s16 =	simm.s32 @p0 $0x19C20;
	[sflag:s12] =	ssyncadd.s32 @p0 $0xFFFFE000  }
0x1cf: {  	[spmem:s31] =	stream.indirect.scatter.add.f32 @p0 [tilespmem:s14], [sflag:$0x2], $0x40, s16, s13, $0xb8;
	[tilespmem:$0x1E940] =	vst v63  }
0x1d0: {  	_ =	swait.ge @p0 [sflag:s6], $0x2000  }
0x1d1: {  	[sflag:s6] =	ssyncset.done @p0 $0x0  }
0x1d2: {  	[sflag:s6] =	ssyncadd.s32 @p0 $0xFFFFE000  }
0x1d3: {  	[tilespmem:s9], [sflag:$0x1] =	stream.indirect.gather @!p0 [hbm4b:s2+s8], $0x40, s15, s8, $0xb8;
	[tilespmem:$0x1E940] =	vst v63  }
0x1d4: {  	_ =	swait.ge @!p0 [sflag:s7], $0x2000  }
0x1d5: {  	[sflag:s7] =	ssyncset.done @!p0 $0x0  }
0x1d6: {  	s16 =	simm.s32 @!p0 $0x19C20;
	[sflag:s7] =	ssyncadd.s32 @!p0 $0xFFFFE000  }
0x1d7: {  	[spmem:s31] =	stream.indirect.scatter.add.f32 @!p0 [tilespmem:s9], [sflag:$0x3], $0x40, s16, s8, $0xb8;
	[tilespmem:$0x1E940] =	vst v63  }
0x1d8: {  	_ =	swait.ge @!p0 [sflag:s10], $0x2000  }
0x1d9: {  	[sflag:s10] =	ssyncset.done @!p0 $0x0  }
0x1da: {  	s18 =	simm.s32 $0x400;
	[sflag:s10] =	ssyncadd.s32 @!p0 $0xFFFFE000  }
0x1db: {  	[spmem:s0] =	stream.indirect.scatter.add.f32 @!p0 [tilespmem:s11], [sflag:$0x3], $0x1, s16, s8, $0xb8;
	[tilespmem:$0x1E940] =	vst v63  }
0x1dc: {  	s19 =	simm.s32 $0x80;
	s17 =	simm.s32 @p0 $0x80;
	_ =	swait.ge @!p0 [sflag:s10], $0x80  }
0x1dd: {  	s15 =	simm.s32 $0x200;
	s16 =	simm.s32 @p0 $0x1AA20;
	[sflag:s10] =	ssyncset.done @!p0 $0x0  }
.LBB2_14:
0x1de: {  	s19 =	sadd.s32 $0x18E20, s19;
	[sflag:s10] =	ssyncadd.s32 @!p0 $0xFFFFFF80;
	s20 =	smov.u32 s18  }
0x1df: {  	[tilespmem:s16], [sflag:$0x1] =	stream.indirect.gather @p0 [hbm4b:s3+s17], $0x40, s19, s17, $0xb8;
	[tilespmem:$0x1E940] =	vst v63  }
0x1e0: {  	s18 =	sadd.s32 $0x200, s18;
	_ =	swait.ge @p0 [sflag:s12], $0x2000  }
0x1e1: {  	s21 =	sshra.s32 @p0 s15, $0x2;
	p1 =	sne.s32 s18, $0x3800;
	[sflag:s12] =	ssyncset.done @p0 $0x0  }
0x1e2: {  	s21 =	sadd.s32 @p0 $0x19C20, s21;
	[sflag:s12] =	ssyncadd.s32 @p0 $0xFFFFE000  }
0x1e3: {  	[spmem:s31] =	stream.indirect.scatter.add.f32 @p0 [tilespmem:s16], [sflag:$0x2], $0x40, s21, s17, $0xb8;
	[tilespmem:$0x1E940] =	vst v63  }
0x1e4: {  	s17 =	smov.u32 s13;
	s16 =	smov.u32 s14;
	_ =	swait.ge @p0 [sflag:s6], $0x2000  }
0x1e5: {  	[sflag:s6] =	ssyncset.done @p0 $0x0  }
0x1e6: {  	[sflag:s6] =	ssyncadd.s32 @p0 $0xFFFFE000  }
0x1e7: {  	[tilespmem:s9], [sflag:$0x1] =	stream.indirect.gather @!p0 [hbm4b:s2+s8], $0x40, s19, s8, $0xb8;
	[tilespmem:$0x1E940] =	vst v63  }
0x1e8: {  	_ =	swait.ge @!p0 [sflag:s7], $0x2000  }
0x1e9: {  	s19 =	sshra.s32 @!p0 s15, $0x2;
	s15 =	smov.u32 s20;
	[sflag:s7] =	ssyncset.done @!p0 $0x0  }
0x1ea: {  	s19 =	sadd.s32 @!p0 $0x19C20, s19;
	[sflag:s7] =	ssyncadd.s32 @!p0 $0xFFFFE000  }
0x1eb: {  	[spmem:s31] =	stream.indirect.scatter.add.f32 @!p0 [tilespmem:s9], [sflag:$0x3], $0x40, s19, s8, $0xb8;
	[tilespmem:$0x1E940] =	vst v63  }
0x1ec: {  	_ =	swait.ge @!p0 [sflag:s10], $0x2000  }
.Ltmp8:
0x1ed: {  	[sflag:s10] =	ssyncset.done @!p0 $0x0;
	(pc) =	sbr.rel @p1 .LBB2_14-.Ltmp8, $4  }
0x1ee: {  	[sflag:s10] =	ssyncadd.s32 @!p0 $0xFFFFE000  }
0x1ef: {  	[spmem:s0] =	stream.indirect.scatter.add.f32 @!p0 [tilespmem:s11], [sflag:$0x3], $0x1, s19, s8, $0xb8;
	[tilespmem:$0x1E940] =	vst v63  }
0x1f0: {  	_ =	swait.ge @!p0 [sflag:s10], $0x80  }
0x1f1: {  	s19 =	sshra.s32 s15, $0x2;
	[sflag:s10] =	ssyncset.done @!p0 $0x0  }
0x1f2: {  	s11 =	sadd.s32 $0x18E20, s19;
	[sflag:s10] =	ssyncadd.s32 @!p0 $0xFFFFFF80  }
0x1f3: {  	[tilespmem:s16], [sflag:$0x1] =	stream.indirect.gather @p0 [hbm4b:s3+s17], $0x40, s11, s17, $0xb8;
	[tilespmem:$0x1E940] =	vst v63  }
0x1f4: {  	_ =	swait.ge @p0 [sflag:s12], $0x2000  }
0x1f5: {  	s6 =	sshra.s32 @p0 s15, $0x2;
	[sflag:s12] =	ssyncset.done @p0 $0x0  }
0x1f6: {  	s7 =	sadd.s32 @p0 $0x19C20, s6;
	s6 =	simm.s32 @p0 $0x2;
	[sflag:s12] =	ssyncadd.s32 @p0 $0xFFFFE000  }
0x1f7: {  	[spmem:s31] =	stream.indirect.scatter.add.f32 @p0 [tilespmem:s16], [sflag:$0x2], $0x40, s7, s17, $0xb8;
	[tilespmem:$0x1E940] =	vst v63  }
0x1f8: {  	_ =	swait.ge @p0 [sflag:s6], $0x2000  }
0x1f9: {  	s8 =	simm.s32 @!p0 $0x80;
	[sflag:s6] =	ssyncset.done @p0 $0x0  }
0x1fa: {  	s9 =	simm.s32 @!p0 $0x1AA20;
	s7 =	simm.s32 @!p0 $0x1;
	[sflag:s6] =	ssyncadd.s32 @p0 $0xFFFFE000  }
0x1fb: {  	[tilespmem:s9], [sflag:$0x1] =	stream.indirect.gather @!p0 [hbm4b:s2+s8], $0x40, s11, s8, $0xb8;
	[tilespmem:$0x1E940] =	vst v63  }
0x1fc: {  	_ =	swait.ge @!p0 [sflag:s7], $0x2000  }
0x1fd: {  	s10 =	sshra.s32 @!p0 s15, $0x2;
	[sflag:s7] =	ssyncset.done @!p0 $0x0  }
0x1fe: {  	s12 =	sadd.s32 @!p0 $0x19C20, s10;
	s10 =	simm.s32 @!p0 $0x3;
	[sflag:s7] =	ssyncadd.s32 @!p0 $0xFFFFE000  }
0x1ff: {  	[spmem:s31] =	stream.indirect.scatter.add.f32 @!p0 [tilespmem:s9], [sflag:$0x3], $0x40, s12, s8, $0xb8;
	[tilespmem:$0x1E940] =	vst v63  }
0x200: {  	_ =	swait.ge @!p0 [sflag:s10], $0x2000  }
0x201: {  	[sflag:s10] =	ssyncset.done @!p0 $0x0  }
0x202: {  	s11 =	simm.s32 @!p0 $0x1E8C0;
	[sflag:s10] =	ssyncadd.s32 @!p0 $0xFFFFE000  }
0x203: {  	[spmem:s0] =	stream.indirect.scatter.add.f32 @!p0 [tilespmem:s11], [sflag:$0x3], $0x1, s12, s8, $0xb8;
	[tilespmem:$0x1E940] =	vst v63  }
0x204: {  	_ =	swait.ge @!p0 [sflag:s10], $0x80  }
0x205: {  	[sflag:s10] =	ssyncset.done @!p0 $0x0  }
0x206: {  	s20 =	simm.s32 $0x0;
	s13 =	rddreg [dreg:$0xe];
	[sflag:s10] =	ssyncadd.s32 @!p0 $0xFFFFFF80  }
0x207: {  	[tilespmem:s24], [sflag:$0x2] =	stream.linear.gather [hbm4b:s13+s20], $0xE00, $0x38;
	[tilespmem:$0x1E940] =	vst v63  }
0x208: {  	_ =	swait.ge [sflag:s23], $0xE00  }
0x209: {  	[sflag:s23] =	ssyncset.done $0x0  }
0x20a: {  	s21 =	rddreg [dreg:$0xf];
	[sflag:s23] =	ssyncadd.s32 $0xFFFFF200  }
0x20b: {  	[tilespmem:s25], [sflag:$0x2] =	stream.linear.gather [hbm4b:s21+s20], $0xE00, $0x38;
	[tilespmem:$0x1E940] =	vst v63  }
0x20c: {  	_ =	swait.ge [sflag:s23], $0xE00  }
0x20d: {  	s14 =	simm.s32 @p0 $0x1AA20;
	s15 =	simm.s32 $0x18E20;
	[sflag:s23] =	ssyncset.done $0x0  }
0x20e: {  	s12 =	simm.s32 @p0 $0x1;
	s13 =	simm.s32 @p0 $0x80;
	[sflag:s23] =	ssyncadd.s32 $0xFFFFF200  }
0x20f: {  	[tilespmem:s14], [sflag:$0x1] =	stream.indirect.gather @p0 [hbm4b:s3+s13], $0x40, s15, s13, $0xb8;
	[tilespmem:$0x1E940] =	vst v63  }
0x210: {  	_ =	swait.ge @p0 [sflag:s12], $0x2000  }
0x211: {  	[sflag:s12] =	ssyncset.done @p0 $0x0  }
0x212: {  	s16 =	simm.s32 @p0 $0x19C20;
	[sflag:s12] =	ssyncadd.s32 @p0 $0xFFFFE000  }
0x213: {  	[spmem:s31] =	stream.indirect.scatter.add.f32 @p0 [tilespmem:s14], [sflag:$0x2], $0x40, s16, s13, $0xb8;
	[tilespmem:$0x1E940] =	vst v63  }
0x214: {  	_ =	swait.ge @p0 [sflag:s6], $0x2000  }
0x215: {  	[sflag:s6] =	ssyncset.done @p0 $0x0  }
0x216: {  	[sflag:s6] =	ssyncadd.s32 @p0 $0xFFFFE000  }
0x217: {  	[tilespmem:s9], [sflag:$0x1] =	stream.indirect.gather @!p0 [hbm4b:s2+s8], $0x40, s15, s8, $0xb8;
	[tilespmem:$0x1E940] =	vst v63  }
0x218: {  	_ =	swait.ge @!p0 [sflag:s7], $0x2000  }
0x219: {  	[sflag:s7] =	ssyncset.done @!p0 $0x0  }
0x21a: {  	s16 =	simm.s32 @!p0 $0x19C20;
	[sflag:s7] =	ssyncadd.s32 @!p0 $0xFFFFE000  }
0x21b: {  	[spmem:s31] =	stream.indirect.scatter.add.f32 @!p0 [tilespmem:s9], [sflag:$0x3], $0x40, s16, s8, $0xb8;
	[tilespmem:$0x1E940] =	vst v63  }
0x21c: {  	_ =	swait.ge @!p0 [sflag:s10], $0x2000  }
0x21d: {  	[sflag:s10] =	ssyncset.done @!p0 $0x0  }
0x21e: {  	s18 =	simm.s32 $0x400;
	[sflag:s10] =	ssyncadd.s32 @!p0 $0xFFFFE000  }
0x21f: {  	[spmem:s0] =	stream.indirect.scatter.add.f32 @!p0 [tilespmem:s11], [sflag:$0x3], $0x1, s16, s8, $0xb8;
	[tilespmem:$0x1E940] =	vst v63  }
0x220: {  	s19 =	simm.s32 $0x80;
	s17 =	simm.s32 @p0 $0x80;
	_ =	swait.ge @!p0 [sflag:s10], $0x80  }
0x221: {  	s15 =	simm.s32 $0x200;
	s16 =	simm.s32 @p0 $0x1AA20;
	[sflag:s10] =	ssyncset.done @!p0 $0x0  }
.LBB2_16:
0x222: {  	s19 =	sadd.s32 $0x18E20, s19;
	[sflag:s10] =	ssyncadd.s32 @!p0 $0xFFFFFF80;
	s20 =	smov.u32 s18  }
0x223: {  	[tilespmem:s16], [sflag:$0x1] =	stream.indirect.gather @p0 [hbm4b:s3+s17], $0x40, s19, s17, $0xb8;
	[tilespmem:$0x1E940] =	vst v63  }
0x224: {  	s18 =	sadd.s32 $0x200, s18;
	_ =	swait.ge @p0 [sflag:s12], $0x2000  }
0x225: {  	s21 =	sshra.s32 @p0 s15, $0x2;
	p1 =	sne.s32 s18, $0x3800;
	[sflag:s12] =	ssyncset.done @p0 $0x0  }
0x226: {  	s21 =	sadd.s32 @p0 $0x19C20, s21;
	[sflag:s12] =	ssyncadd.s32 @p0 $0xFFFFE000  }
0x227: {  	[spmem:s31] =	stream.indirect.scatter.add.f32 @p0 [tilespmem:s16], [sflag:$0x2], $0x40, s21, s17, $0xb8;
	[tilespmem:$0x1E940] =	vst v63  }
0x228: {  	s17 =	smov.u32 s13;
	s16 =	smov.u32 s14;
	_ =	swait.ge @p0 [sflag:s6], $0x2000  }
0x229: {  	[sflag:s6] =	ssyncset.done @p0 $0x0  }
0x22a: {  	[sflag:s6] =	ssyncadd.s32 @p0 $0xFFFFE000  }
0x22b: {  	[tilespmem:s9], [sflag:$0x1] =	stream.indirect.gather @!p0 [hbm4b:s2+s8], $0x40, s19, s8, $0xb8;
	[tilespmem:$0x1E940] =	vst v63  }
0x22c: {  	_ =	swait.ge @!p0 [sflag:s7], $0x2000  }
0x22d: {  	s19 =	sshra.s32 @!p0 s15, $0x2;
	s15 =	smov.u32 s20;
	[sflag:s7] =	ssyncset.done @!p0 $0x0  }
0x22e: {  	s19 =	sadd.s32 @!p0 $0x19C20, s19;
	[sflag:s7] =	ssyncadd.s32 @!p0 $0xFFFFE000  }
0x22f: {  	[spmem:s31] =	stream.indirect.scatter.add.f32 @!p0 [tilespmem:s9], [sflag:$0x3], $0x40, s19, s8, $0xb8;
	[tilespmem:$0x1E940] =	vst v63  }
0x230: {  	_ =	swait.ge @!p0 [sflag:s10], $0x2000  }
.Ltmp9:
0x231: {  	[sflag:s10] =	ssyncset.done @!p0 $0x0;
	(pc) =	sbr.rel @p1 .LBB2_16-.Ltmp9, $4  }
0x232: {  	[sflag:s10] =	ssyncadd.s32 @!p0 $0xFFFFE000  }
0x233: {  	[spmem:s0] =	stream.indirect.scatter.add.f32 @!p0 [tilespmem:s11], [sflag:$0x3], $0x1, s19, s8, $0xb8;
	[tilespmem:$0x1E940] =	vst v63  }
0x234: {  	_ =	swait.ge @!p0 [sflag:s10], $0x80  }
0x235: {  	s19 =	sshra.s32 s15, $0x2;
	[sflag:s10] =	ssyncset.done @!p0 $0x0  }
0x236: {  	s11 =	sadd.s32 $0x18E20, s19;
	[sflag:s10] =	ssyncadd.s32 @!p0 $0xFFFFFF80  }
0x237: {  	[tilespmem:s16], [sflag:$0x1] =	stream.indirect.gather @p0 [hbm4b:s3+s17], $0x40, s11, s17, $0xb8;
	[tilespmem:$0x1E940] =	vst v63  }
0x238: {  	_ =	swait.ge @p0 [sflag:s12], $0x2000  }
0x239: {  	s6 =	sshra.s32 @p0 s15, $0x2;
	[sflag:s12] =	ssyncset.done @p0 $0x0  }
0x23a: {  	s7 =	sadd.s32 @p0 $0x19C20, s6;
	s6 =	simm.s32 @p0 $0x2;
	[sflag:s12] =	ssyncadd.s32 @p0 $0xFFFFE000  }
0x23b: {  	[spmem:s31] =	stream.indirect.scatter.add.f32 @p0 [tilespmem:s16], [sflag:$0x2], $0x40, s7, s17, $0xb8;
	[tilespmem:$0x1E940] =	vst v63  }
0x23c: {  	_ =	swait.ge @p0 [sflag:s6], $0x2000  }
0x23d: {  	s8 =	simm.s32 @!p0 $0x80;
	[sflag:s6] =	ssyncset.done @p0 $0x0  }
0x23e: {  	s9 =	simm.s32 @!p0 $0x1AA20;
	s7 =	simm.s32 @!p0 $0x1;
	[sflag:s6] =	ssyncadd.s32 @p0 $0xFFFFE000  }
0x23f: {  	[tilespmem:s9], [sflag:$0x1] =	stream.indirect.gather @!p0 [hbm4b:s2+s8], $0x40, s11, s8, $0xb8;
	[tilespmem:$0x1E940] =	vst v63  }
0x240: {  	_ =	swait.ge @!p0 [sflag:s7], $0x2000  }
0x241: {  	s10 =	sshra.s32 @!p0 s15, $0x2;
	[sflag:s7] =	ssyncset.done @!p0 $0x0  }
0x242: {  	s12 =	sadd.s32 @!p0 $0x19C20, s10;
	s10 =	simm.s32 @!p0 $0x3;
	[sflag:s7] =	ssyncadd.s32 @!p0 $0xFFFFE000  }
0x243: {  	[spmem:s31] =	stream.indirect.scatter.add.f32 @!p0 [tilespmem:s9], [sflag:$0x3], $0x40, s12, s8, $0xb8;
	[tilespmem:$0x1E940] =	vst v63  }
0x244: {  	_ =	swait.ge @!p0 [sflag:s10], $0x2000  }
0x245: {  	[sflag:s10] =	ssyncset.done @!p0 $0x0  }
0x246: {  	s11 =	simm.s32 @!p0 $0x1E8C0;
	[sflag:s10] =	ssyncadd.s32 @!p0 $0xFFFFE000  }
0x247: {  	[spmem:s0] =	stream.indirect.scatter.add.f32 @!p0 [tilespmem:s11], [sflag:$0x3], $0x1, s12, s8, $0xb8;
	[tilespmem:$0x1E940] =	vst v63  }
0x248: {  	_ =	swait.ge @!p0 [sflag:s10], $0x80  }
0x249: {  	[sflag:s10] =	ssyncset.done @!p0 $0x0  }
0x24a: {  	s20 =	simm.s32 $0x0;
	s13 =	rddreg [dreg:$0x10];
	[sflag:s10] =	ssyncadd.s32 @!p0 $0xFFFFFF80  }
0x24b: {  	[tilespmem:s24], [sflag:$0x2] =	stream.linear.gather [hbm4b:s13+s20], $0xE00, $0x38;
	[tilespmem:$0x1E940] =	vst v63  }
0x24c: {  	_ =	swait.ge [sflag:s23], $0xE00  }
0x24d: {  	[sflag:s23] =	ssyncset.done $0x0  }
0x24e: {  	s21 =	rddreg [dreg:$0x11];
	[sflag:s23] =	ssyncadd.s32 $0xFFFFF200  }
0x24f: {  	[tilespmem:s25], [sflag:$0x2] =	stream.linear.gather [hbm4b:s21+s20], $0xE00, $0x38;
	[tilespmem:$0x1E940] =	vst v63  }
0x250: {  	_ =	swait.ge [sflag:s23], $0xE00  }
0x251: {  	s14 =	simm.s32 @p0 $0x1AA20;
	s15 =	simm.s32 $0x18E20;
	[sflag:s23] =	ssyncset.done $0x0  }
0x252: {  	s12 =	simm.s32 @p0 $0x1;
	s13 =	simm.s32 @p0 $0x80;
	[sflag:s23] =	ssyncadd.s32 $0xFFFFF200  }
0x253: {  	[tilespmem:s14], [sflag:$0x1] =	stream.indirect.gather @p0 [hbm4b:s3+s13], $0x40, s15, s13, $0xb8;
	[tilespmem:$0x1E940] =	vst v63  }
0x254: {  	_ =	swait.ge @p0 [sflag:s12], $0x2000  }
0x255: {  	[sflag:s12] =	ssyncset.done @p0 $0x0  }
0x256: {  	s16 =	simm.s32 @p0 $0x19C20;
	[sflag:s12] =	ssyncadd.s32 @p0 $0xFFFFE000  }
0x257: {  	[spmem:s31] =	stream.indirect.scatter.add.f32 @p0 [tilespmem:s14], [sflag:$0x2], $0x40, s16, s13, $0xb8;
	[tilespmem:$0x1E940] =	vst v63  }
0x258: {  	_ =	swait.ge @p0 [sflag:s6], $0x2000  }
0x259: {  	[sflag:s6] =	ssyncset.done @p0 $0x0  }
0x25a: {  	[sflag:s6] =	ssyncadd.s32 @p0 $0xFFFFE000  }
0x25b: {  	[tilespmem:s9], [sflag:$0x1] =	stream.indirect.gather @!p0 [hbm4b:s2+s8], $0x40, s15, s8, $0xb8;
	[tilespmem:$0x1E940] =	vst v63  }
0x25c: {  	_ =	swait.ge @!p0 [sflag:s7], $0x2000  }
0x25d: {  	[sflag:s7] =	ssyncset.done @!p0 $0x0  }
0x25e: {  	s16 =	simm.s32 @!p0 $0x19C20;
	[sflag:s7] =	ssyncadd.s32 @!p0 $0xFFFFE000  }
0x25f: {  	[spmem:s31] =	stream.indirect.scatter.add.f32 @!p0 [tilespmem:s9], [sflag:$0x3], $0x40, s16, s8, $0xb8;
	[tilespmem:$0x1E940] =	vst v63  }
0x260: {  	_ =	swait.ge @!p0 [sflag:s10], $0x2000  }
0x261: {  	[sflag:s10] =	ssyncset.done @!p0 $0x0  }
0x262: {  	s18 =	simm.s32 $0x400;
	[sflag:s10] =	ssyncadd.s32 @!p0 $0xFFFFE000  }
0x263: {  	[spmem:s0] =	stream.indirect.scatter.add.f32 @!p0 [tilespmem:s11], [sflag:$0x3], $0x1, s16, s8, $0xb8;
	[tilespmem:$0x1E940] =	vst v63  }
0x264: {  	s19 =	simm.s32 $0x80;
	s17 =	simm.s32 @p0 $0x80;
	_ =	swait.ge @!p0 [sflag:s10], $0x80  }
0x265: {  	s15 =	simm.s32 $0x200;
	s16 =	simm.s32 @p0 $0x1AA20;
	[sflag:s10] =	ssyncset.done @!p0 $0x0  }
.LBB2_18:
0x266: {  	s19 =	sadd.s32 $0x18E20, s19;
	[sflag:s10] =	ssyncadd.s32 @!p0 $0xFFFFFF80;
	s20 =	smov.u32 s18  }
0x267: {  	[tilespmem:s16], [sflag:$0x1] =	stream.indirect.gather @p0 [hbm4b:s3+s17], $0x40, s19, s17, $0xb8;
	[tilespmem:$0x1E940] =	vst v63  }
0x268: {  	s18 =	sadd.s32 $0x200, s18;
	_ =	swait.ge @p0 [sflag:s12], $0x2000  }
0x269: {  	s21 =	sshra.s32 @p0 s15, $0x2;
	p1 =	sne.s32 s18, $0x3800;
	[sflag:s12] =	ssyncset.done @p0 $0x0  }
0x26a: {  	s21 =	sadd.s32 @p0 $0x19C20, s21;
	[sflag:s12] =	ssyncadd.s32 @p0 $0xFFFFE000  }
0x26b: {  	[spmem:s31] =	stream.indirect.scatter.add.f32 @p0 [tilespmem:s16], [sflag:$0x2], $0x40, s21, s17, $0xb8;
	[tilespmem:$0x1E940] =	vst v63  }
0x26c: {  	s17 =	smov.u32 s13;
	s16 =	smov.u32 s14;
	_ =	swait.ge @p0 [sflag:s6], $0x2000  }
0x26d: {  	[sflag:s6] =	ssyncset.done @p0 $0x0  }
0x26e: {  	[sflag:s6] =	ssyncadd.s32 @p0 $0xFFFFE000  }
0x26f: {  	[tilespmem:s9], [sflag:$0x1] =	stream.indirect.gather @!p0 [hbm4b:s2+s8], $0x40, s19, s8, $0xb8;
	[tilespmem:$0x1E940] =	vst v63  }
0x270: {  	_ =	swait.ge @!p0 [sflag:s7], $0x2000  }
0x271: {  	s19 =	sshra.s32 @!p0 s15, $0x2;
	s15 =	smov.u32 s20;
	[sflag:s7] =	ssyncset.done @!p0 $0x0  }
0x272: {  	s19 =	sadd.s32 @!p0 $0x19C20, s19;
	[sflag:s7] =	ssyncadd.s32 @!p0 $0xFFFFE000  }
0x273: {  	[spmem:s31] =	stream.indirect.scatter.add.f32 @!p0 [tilespmem:s9], [sflag:$0x3], $0x40, s19, s8, $0xb8;
	[tilespmem:$0x1E940] =	vst v63  }
0x274: {  	_ =	swait.ge @!p0 [sflag:s10], $0x2000  }
.Ltmp10:
0x275: {  	[sflag:s10] =	ssyncset.done @!p0 $0x0;
	(pc) =	sbr.rel @p1 .LBB2_18-.Ltmp10, $4  }
0x276: {  	[sflag:s10] =	ssyncadd.s32 @!p0 $0xFFFFE000  }
0x277: {  	[spmem:s0] =	stream.indirect.scatter.add.f32 @!p0 [tilespmem:s11], [sflag:$0x3], $0x1, s19, s8, $0xb8;
	[tilespmem:$0x1E940] =	vst v63  }
0x278: {  	_ =	swait.ge @!p0 [sflag:s10], $0x80  }
0x279: {  	s19 =	sshra.s32 s15, $0x2;
	[sflag:s10] =	ssyncset.done @!p0 $0x0  }
0x27a: {  	s11 =	sadd.s32 $0x18E20, s19;
	[sflag:s10] =	ssyncadd.s32 @!p0 $0xFFFFFF80  }
0x27b: {  	[tilespmem:s16], [sflag:$0x1] =	stream.indirect.gather @p0 [hbm4b:s3+s17], $0x40, s11, s17, $0xb8;
	[tilespmem:$0x1E940] =	vst v63  }
0x27c: {  	_ =	swait.ge @p0 [sflag:s12], $0x2000  }
0x27d: {  	s6 =	sshra.s32 @p0 s15, $0x2;
	[sflag:s12] =	ssyncset.done @p0 $0x0  }
0x27e: {  	s7 =	sadd.s32 @p0 $0x19C20, s6;
	s6 =	simm.s32 @p0 $0x2;
	[sflag:s12] =	ssyncadd.s32 @p0 $0xFFFFE000  }
0x27f: {  	[spmem:s31] =	stream.indirect.scatter.add.f32 @p0 [tilespmem:s16], [sflag:$0x2], $0x40, s7, s17, $0xb8;
	[tilespmem:$0x1E940] =	vst v63  }
0x280: {  	_ =	swait.ge @p0 [sflag:s6], $0x2000  }
0x281: {  	s8 =	simm.s32 @!p0 $0x80;
	[sflag:s6] =	ssyncset.done @p0 $0x0  }
0x282: {  	s9 =	simm.s32 @!p0 $0x1AA20;
	s7 =	simm.s32 @!p0 $0x1;
	[sflag:s6] =	ssyncadd.s32 @p0 $0xFFFFE000  }
0x283: {  	[tilespmem:s9], [sflag:$0x1] =	stream.indirect.gather @!p0 [hbm4b:s2+s8], $0x40, s11, s8, $0xb8;
	[tilespmem:$0x1E940] =	vst v63  }
0x284: {  	_ =	swait.ge @!p0 [sflag:s7], $0x2000  }
0x285: {  	s10 =	sshra.s32 @!p0 s15, $0x2;
	[sflag:s7] =	ssyncset.done @!p0 $0x0  }
0x286: {  	s12 =	sadd.s32 @!p0 $0x19C20, s10;
	s10 =	simm.s32 @!p0 $0x3;
	[sflag:s7] =	ssyncadd.s32 @!p0 $0xFFFFE000  }
0x287: {  	[spmem:s31] =	stream.indirect.scatter.add.f32 @!p0 [tilespmem:s9], [sflag:$0x3], $0x40, s12, s8, $0xb8;
	[tilespmem:$0x1E940] =	vst v63  }
0x288: {  	_ =	swait.ge @!p0 [sflag:s10], $0x2000  }
0x289: {  	[sflag:s10] =	ssyncset.done @!p0 $0x0  }
0x28a: {  	s11 =	simm.s32 @!p0 $0x1E8C0;
	[sflag:s10] =	ssyncadd.s32 @!p0 $0xFFFFE000  }
0x28b: {  	[spmem:s0] =	stream.indirect.scatter.add.f32 @!p0 [tilespmem:s11], [sflag:$0x3], $0x1, s12, s8, $0xb8;
	[tilespmem:$0x1E940] =	vst v63  }
0x28c: {  	_ =	swait.ge @!p0 [sflag:s10], $0x80  }
0x28d: {  	[sflag:s10] =	ssyncset.done @!p0 $0x0  }
0x28e: {  	s20 =	simm.s32 $0x0;
	s13 =	rddreg [dreg:$0x12];
	[sflag:s10] =	ssyncadd.s32 @!p0 $0xFFFFFF80  }
0x28f: {  	[tilespmem:s24], [sflag:$0x2] =	stream.linear.gather [hbm4b:s13+s20], $0xE00, $0x38;
	[tilespmem:$0x1E940] =	vst v63  }
0x290: {  	_ =	swait.ge [sflag:s23], $0xE00  }
0x291: {  	[sflag:s23] =	ssyncset.done $0x0  }
0x292: {  	s21 =	rddreg [dreg:$0x13];
	[sflag:s23] =	ssyncadd.s32 $0xFFFFF200  }
0x293: {  	[tilespmem:s25], [sflag:$0x2] =	stream.linear.gather [hbm4b:s21+s20], $0xE00, $0x38;
	[tilespmem:$0x1E940] =	vst v63  }
0x294: {  	_ =	swait.ge [sflag:s23], $0xE00  }
0x295: {  	s14 =	simm.s32 @p0 $0x1AA20;
	s15 =	simm.s32 $0x18E20;
	[sflag:s23] =	ssyncset.done $0x0  }
0x296: {  	s12 =	simm.s32 @p0 $0x1;
	s13 =	simm.s32 @p0 $0x80;
	[sflag:s23] =	ssyncadd.s32 $0xFFFFF200  }
0x297: {  	[tilespmem:s14], [sflag:$0x1] =	stream.indirect.gather @p0 [hbm4b:s3+s13], $0x40, s15, s13, $0xb8;
	[tilespmem:$0x1E940] =	vst v63  }
0x298: {  	_ =	swait.ge @p0 [sflag:s12], $0x2000  }
0x299: {  	[sflag:s12] =	ssyncset.done @p0 $0x0  }
0x29a: {  	s16 =	simm.s32 @p0 $0x19C20;
	[sflag:s12] =	ssyncadd.s32 @p0 $0xFFFFE000  }
0x29b: {  	[spmem:s31] =	stream.indirect.scatter.add.f32 @p0 [tilespmem:s14], [sflag:$0x2], $0x40, s16, s13, $0xb8;
	[tilespmem:$0x1E940] =	vst v63  }
0x29c: {  	_ =	swait.ge @p0 [sflag:s6], $0x2000  }
0x29d: {  	[sflag:s6] =	ssyncset.done @p0 $0x0  }
0x29e: {  	[sflag:s6] =	ssyncadd.s32 @p0 $0xFFFFE000  }
0x29f: {  	[tilespmem:s9], [sflag:$0x1] =	stream.indirect.gather @!p0 [hbm4b:s2+s8], $0x40, s15, s8, $0xb8;
	[tilespmem:$0x1E940] =	vst v63  }
0x2a0: {  	_ =	swait.ge @!p0 [sflag:s7], $0x2000  }
0x2a1: {  	[sflag:s7] =	ssyncset.done @!p0 $0x0  }
0x2a2: {  	s16 =	simm.s32 @!p0 $0x19C20;
	[sflag:s7] =	ssyncadd.s32 @!p0 $0xFFFFE000  }
0x2a3: {  	[spmem:s31] =	stream.indirect.scatter.add.f32 @!p0 [tilespmem:s9], [sflag:$0x3], $0x40, s16, s8, $0xb8;
	[tilespmem:$0x1E940] =	vst v63  }
0x2a4: {  	_ =	swait.ge @!p0 [sflag:s10], $0x2000  }
0x2a5: {  	[sflag:s10] =	ssyncset.done @!p0 $0x0  }
0x2a6: {  	s18 =	simm.s32 $0x400;
	[sflag:s10] =	ssyncadd.s32 @!p0 $0xFFFFE000  }
0x2a7: {  	[spmem:s0] =	stream.indirect.scatter.add.f32 @!p0 [tilespmem:s11], [sflag:$0x3], $0x1, s16, s8, $0xb8;
	[tilespmem:$0x1E940] =	vst v63  }
0x2a8: {  	s19 =	simm.s32 $0x80;
	s17 =	simm.s32 @p0 $0x80;
	_ =	swait.ge @!p0 [sflag:s10], $0x80  }
0x2a9: {  	s15 =	simm.s32 $0x200;
	s16 =	simm.s32 @p0 $0x1AA20;
	[sflag:s10] =	ssyncset.done @!p0 $0x0  }
.LBB2_20:
0x2aa: {  	s19 =	sadd.s32 $0x18E20, s19;
	[sflag:s10] =	ssyncadd.s32 @!p0 $0xFFFFFF80;
	s20 =	smov.u32 s18  }
0x2ab: {  	[tilespmem:s16], [sflag:$0x1] =	stream.indirect.gather @p0 [hbm4b:s3+s17], $0x40, s19, s17, $0xb8;
	[tilespmem:$0x1E940] =	vst v63  }
0x2ac: {  	s18 =	sadd.s32 $0x200, s18;
	_ =	swait.ge @p0 [sflag:s12], $0x2000  }
0x2ad: {  	s21 =	sshra.s32 @p0 s15, $0x2;
	p1 =	sne.s32 s18, $0x3800;
	[sflag:s12] =	ssyncset.done @p0 $0x0  }
0x2ae: {  	s21 =	sadd.s32 @p0 $0x19C20, s21;
	[sflag:s12] =	ssyncadd.s32 @p0 $0xFFFFE000  }
0x2af: {  	[spmem:s31] =	stream.indirect.scatter.add.f32 @p0 [tilespmem:s16], [sflag:$0x2], $0x40, s21, s17, $0xb8;
	[tilespmem:$0x1E940] =	vst v63  }
0x2b0: {  	s17 =	smov.u32 s13;
	s16 =	smov.u32 s14;
	_ =	swait.ge @p0 [sflag:s6], $0x2000  }
0x2b1: {  	[sflag:s6] =	ssyncset.done @p0 $0x0  }
0x2b2: {  	[sflag:s6] =	ssyncadd.s32 @p0 $0xFFFFE000  }
0x2b3: {  	[tilespmem:s9], [sflag:$0x1] =	stream.indirect.gather @!p0 [hbm4b:s2+s8], $0x40, s19, s8, $0xb8;
	[tilespmem:$0x1E940] =	vst v63  }
0x2b4: {  	_ =	swait.ge @!p0 [sflag:s7], $0x2000  }
0x2b5: {  	s19 =	sshra.s32 @!p0 s15, $0x2;
	s15 =	smov.u32 s20;
	[sflag:s7] =	ssyncset.done @!p0 $0x0  }
0x2b6: {  	s19 =	sadd.s32 @!p0 $0x19C20, s19;
	[sflag:s7] =	ssyncadd.s32 @!p0 $0xFFFFE000  }
0x2b7: {  	[spmem:s31] =	stream.indirect.scatter.add.f32 @!p0 [tilespmem:s9], [sflag:$0x3], $0x40, s19, s8, $0xb8;
	[tilespmem:$0x1E940] =	vst v63  }
0x2b8: {  	_ =	swait.ge @!p0 [sflag:s10], $0x2000  }
.Ltmp11:
0x2b9: {  	[sflag:s10] =	ssyncset.done @!p0 $0x0;
	(pc) =	sbr.rel @p1 .LBB2_20-.Ltmp11, $4  }
0x2ba: {  	[sflag:s10] =	ssyncadd.s32 @!p0 $0xFFFFE000  }
0x2bb: {  	[spmem:s0] =	stream.indirect.scatter.add.f32 @!p0 [tilespmem:s11], [sflag:$0x3], $0x1, s19, s8, $0xb8;
	[tilespmem:$0x1E940] =	vst v63  }
0x2bc: {  	_ =	swait.ge @!p0 [sflag:s10], $0x80  }
0x2bd: {  	s19 =	sshra.s32 s15, $0x2;
	[sflag:s10] =	ssyncset.done @!p0 $0x0  }
0x2be: {  	s11 =	sadd.s32 $0x18E20, s19;
	[sflag:s10] =	ssyncadd.s32 @!p0 $0xFFFFFF80  }
0x2bf: {  	[tilespmem:s16], [sflag:$0x1] =	stream.indirect.gather @p0 [hbm4b:s3+s17], $0x40, s11, s17, $0xb8;
	[tilespmem:$0x1E940] =	vst v63  }
0x2c0: {  	_ =	swait.ge @p0 [sflag:s12], $0x2000  }
0x2c1: {  	s6 =	sshra.s32 @p0 s15, $0x2;
	[sflag:s12] =	ssyncset.done @p0 $0x0  }
0x2c2: {  	s7 =	sadd.s32 @p0 $0x19C20, s6;
	s6 =	simm.s32 @p0 $0x2;
	[sflag:s12] =	ssyncadd.s32 @p0 $0xFFFFE000  }
0x2c3: {  	[spmem:s31] =	stream.indirect.scatter.add.f32 @p0 [tilespmem:s16], [sflag:$0x2], $0x40, s7, s17, $0xb8;
	[tilespmem:$0x1E940] =	vst v63  }
0x2c4: {  	_ =	swait.ge @p0 [sflag:s6], $0x2000  }
0x2c5: {  	s8 =	simm.s32 @!p0 $0x80;
	[sflag:s6] =	ssyncset.done @p0 $0x0  }
0x2c6: {  	s9 =	simm.s32 @!p0 $0x1AA20;
	s7 =	simm.s32 @!p0 $0x1;
	[sflag:s6] =	ssyncadd.s32 @p0 $0xFFFFE000  }
0x2c7: {  	[tilespmem:s9], [sflag:$0x1] =	stream.indirect.gather @!p0 [hbm4b:s2+s8], $0x40, s11, s8, $0xb8;
	[tilespmem:$0x1E940] =	vst v63  }
0x2c8: {  	_ =	swait.ge @!p0 [sflag:s7], $0x2000  }
0x2c9: {  	s10 =	sshra.s32 @!p0 s15, $0x2;
	[sflag:s7] =	ssyncset.done @!p0 $0x0  }
0x2ca: {  	s12 =	sadd.s32 @!p0 $0x19C20, s10;
	s10 =	simm.s32 @!p0 $0x3;
	[sflag:s7] =	ssyncadd.s32 @!p0 $0xFFFFE000  }
0x2cb: {  	[spmem:s31] =	stream.indirect.scatter.add.f32 @!p0 [tilespmem:s9], [sflag:$0x3], $0x40, s12, s8, $0xb8;
	[tilespmem:$0x1E940] =	vst v63  }
0x2cc: {  	_ =	swait.ge @!p0 [sflag:s10], $0x2000  }
0x2cd: {  	[sflag:s10] =	ssyncset.done @!p0 $0x0  }
0x2ce: {  	s11 =	simm.s32 @!p0 $0x1E8C0;
	[sflag:s10] =	ssyncadd.s32 @!p0 $0xFFFFE000  }
0x2cf: {  	[spmem:s0] =	stream.indirect.scatter.add.f32 @!p0 [tilespmem:s11], [sflag:$0x3], $0x1, s12, s8, $0xb8;
	[tilespmem:$0x1E940] =	vst v63  }
0x2d0: {  	_ =	swait.ge @!p0 [sflag:s10], $0x80  }
0x2d1: {  	[sflag:s10] =	ssyncset.done @!p0 $0x0  }
0x2d2: {  	s20 =	simm.s32 $0x0;
	s13 =	rddreg [dreg:$0x14];
	[sflag:s10] =	ssyncadd.s32 @!p0 $0xFFFFFF80  }
0x2d3: {  	[tilespmem:s24], [sflag:$0x2] =	stream.linear.gather [hbm4b:s13+s20], $0xE00, $0x38;
	[tilespmem:$0x1E940] =	vst v63  }
0x2d4: {  	_ =	swait.ge [sflag:s23], $0xE00  }
0x2d5: {  	[sflag:s23] =	ssyncset.done $0x0  }
0x2d6: {  	s21 =	rddreg [dreg:$0x15];
	[sflag:s23] =	ssyncadd.s32 $0xFFFFF200  }
0x2d7: {  	[tilespmem:s25], [sflag:$0x2] =	stream.linear.gather [hbm4b:s21+s20], $0xE00, $0x38;
	[tilespmem:$0x1E940] =	vst v63  }
0x2d8: {  	_ =	swait.ge [sflag:s23], $0xE00  }
0x2d9: {  	s14 =	simm.s32 @p0 $0x1AA20;
	s15 =	simm.s32 $0x18E20;
	[sflag:s23] =	ssyncset.done $0x0  }
0x2da: {  	s12 =	simm.s32 @p0 $0x1;
	s13 =	simm.s32 @p0 $0x80;
	[sflag:s23] =	ssyncadd.s32 $0xFFFFF200  }
0x2db: {  	[tilespmem:s14], [sflag:$0x1] =	stream.indirect.gather @p0 [hbm4b:s3+s13], $0x40, s15, s13, $0xb8;
	[tilespmem:$0x1E940] =	vst v63  }
0x2dc: {  	_ =	swait.ge @p0 [sflag:s12], $0x2000  }
0x2dd: {  	[sflag:s12] =	ssyncset.done @p0 $0x0  }
0x2de: {  	s16 =	simm.s32 @p0 $0x19C20;
	[sflag:s12] =	ssyncadd.s32 @p0 $0xFFFFE000  }
0x2df: {  	[spmem:s31] =	stream.indirect.scatter.add.f32 @p0 [tilespmem:s14], [sflag:$0x2], $0x40, s16, s13, $0xb8;
	[tilespmem:$0x1E940] =	vst v63  }
0x2e0: {  	_ =	swait.ge @p0 [sflag:s6], $0x2000  }
0x2e1: {  	[sflag:s6] =	ssyncset.done @p0 $0x0  }
0x2e2: {  	[sflag:s6] =	ssyncadd.s32 @p0 $0xFFFFE000  }
0x2e3: {  	[tilespmem:s9], [sflag:$0x1] =	stream.indirect.gather @!p0 [hbm4b:s2+s8], $0x40, s15, s8, $0xb8;
	[tilespmem:$0x1E940] =	vst v63  }
0x2e4: {  	_ =	swait.ge @!p0 [sflag:s7], $0x2000  }
0x2e5: {  	[sflag:s7] =	ssyncset.done @!p0 $0x0  }
0x2e6: {  	s16 =	simm.s32 @!p0 $0x19C20;
	[sflag:s7] =	ssyncadd.s32 @!p0 $0xFFFFE000  }
0x2e7: {  	[spmem:s31] =	stream.indirect.scatter.add.f32 @!p0 [tilespmem:s9], [sflag:$0x3], $0x40, s16, s8, $0xb8;
	[tilespmem:$0x1E940] =	vst v63  }
0x2e8: {  	_ =	swait.ge @!p0 [sflag:s10], $0x2000  }
0x2e9: {  	[sflag:s10] =	ssyncset.done @!p0 $0x0  }
0x2ea: {  	s18 =	simm.s32 $0x400;
	[sflag:s10] =	ssyncadd.s32 @!p0 $0xFFFFE000  }
0x2eb: {  	[spmem:s0] =	stream.indirect.scatter.add.f32 @!p0 [tilespmem:s11], [sflag:$0x3], $0x1, s16, s8, $0xb8;
	[tilespmem:$0x1E940] =	vst v63  }
0x2ec: {  	s19 =	simm.s32 $0x80;
	s17 =	simm.s32 @p0 $0x80;
	_ =	swait.ge @!p0 [sflag:s10], $0x80  }
0x2ed: {  	s15 =	simm.s32 $0x200;
	s16 =	simm.s32 @p0 $0x1AA20;
	[sflag:s10] =	ssyncset.done @!p0 $0x0  }
.LBB2_22:
0x2ee: {  	s19 =	sadd.s32 $0x18E20, s19;
	[sflag:s10] =	ssyncadd.s32 @!p0 $0xFFFFFF80;
	s20 =	smov.u32 s18  }
0x2ef: {  	[tilespmem:s16], [sflag:$0x1] =	stream.indirect.gather @p0 [hbm4b:s3+s17], $0x40, s19, s17, $0xb8;
	[tilespmem:$0x1E940] =	vst v63  }
0x2f0: {  	s18 =	sadd.s32 $0x200, s18;
	_ =	swait.ge @p0 [sflag:s12], $0x2000  }
0x2f1: {  	s21 =	sshra.s32 @p0 s15, $0x2;
	p1 =	sne.s32 s18, $0x3800;
	[sflag:s12] =	ssyncset.done @p0 $0x0  }
0x2f2: {  	s21 =	sadd.s32 @p0 $0x19C20, s21;
	[sflag:s12] =	ssyncadd.s32 @p0 $0xFFFFE000  }
0x2f3: {  	[spmem:s31] =	stream.indirect.scatter.add.f32 @p0 [tilespmem:s16], [sflag:$0x2], $0x40, s21, s17, $0xb8;
	[tilespmem:$0x1E940] =	vst v63  }
0x2f4: {  	s17 =	smov.u32 s13;
	s16 =	smov.u32 s14;
	_ =	swait.ge @p0 [sflag:s6], $0x2000  }
0x2f5: {  	[sflag:s6] =	ssyncset.done @p0 $0x0  }
0x2f6: {  	[sflag:s6] =	ssyncadd.s32 @p0 $0xFFFFE000  }
0x2f7: {  	[tilespmem:s9], [sflag:$0x1] =	stream.indirect.gather @!p0 [hbm4b:s2+s8], $0x40, s19, s8, $0xb8;
	[tilespmem:$0x1E940] =	vst v63  }
0x2f8: {  	_ =	swait.ge @!p0 [sflag:s7], $0x2000  }
0x2f9: {  	s19 =	sshra.s32 @!p0 s15, $0x2;
	s15 =	smov.u32 s20;
	[sflag:s7] =	ssyncset.done @!p0 $0x0  }
0x2fa: {  	s19 =	sadd.s32 @!p0 $0x19C20, s19;
	[sflag:s7] =	ssyncadd.s32 @!p0 $0xFFFFE000  }
0x2fb: {  	[spmem:s31] =	stream.indirect.scatter.add.f32 @!p0 [tilespmem:s9], [sflag:$0x3], $0x40, s19, s8, $0xb8;
	[tilespmem:$0x1E940] =	vst v63  }
0x2fc: {  	_ =	swait.ge @!p0 [sflag:s10], $0x2000  }
.Ltmp12:
0x2fd: {  	[sflag:s10] =	ssyncset.done @!p0 $0x0;
	(pc) =	sbr.rel @p1 .LBB2_22-.Ltmp12, $4  }
0x2fe: {  	[sflag:s10] =	ssyncadd.s32 @!p0 $0xFFFFE000  }
0x2ff: {  	[spmem:s0] =	stream.indirect.scatter.add.f32 @!p0 [tilespmem:s11], [sflag:$0x3], $0x1, s19, s8, $0xb8;
	[tilespmem:$0x1E940] =	vst v63  }
0x300: {  	_ =	swait.ge @!p0 [sflag:s10], $0x80  }
0x301: {  	s19 =	sshra.s32 s15, $0x2;
	[sflag:s10] =	ssyncset.done @!p0 $0x0  }
0x302: {  	s11 =	sadd.s32 $0x18E20, s19;
	[sflag:s10] =	ssyncadd.s32 @!p0 $0xFFFFFF80  }
0x303: {  	[tilespmem:s16], [sflag:$0x1] =	stream.indirect.gather @p0 [hbm4b:s3+s17], $0x40, s11, s17, $0xb8;
	[tilespmem:$0x1E940] =	vst v63  }
0x304: {  	_ =	swait.ge @p0 [sflag:s12], $0x2000  }
0x305: {  	s6 =	sshra.s32 @p0 s15, $0x2;
	[sflag:s12] =	ssyncset.done @p0 $0x0  }
0x306: {  	s7 =	sadd.s32 @p0 $0x19C20, s6;
	s6 =	simm.s32 @p0 $0x2;
	[sflag:s12] =	ssyncadd.s32 @p0 $0xFFFFE000  }
0x307: {  	[spmem:s31] =	stream.indirect.scatter.add.f32 @p0 [tilespmem:s16], [sflag:$0x2], $0x40, s7, s17, $0xb8;
	[tilespmem:$0x1E940] =	vst v63  }
0x308: {  	_ =	swait.ge @p0 [sflag:s6], $0x2000  }
0x309: {  	s8 =	simm.s32 @!p0 $0x80;
	[sflag:s6] =	ssyncset.done @p0 $0x0  }
0x30a: {  	s9 =	simm.s32 @!p0 $0x1AA20;
	s7 =	simm.s32 @!p0 $0x1;
	[sflag:s6] =	ssyncadd.s32 @p0 $0xFFFFE000  }
0x30b: {  	[tilespmem:s9], [sflag:$0x1] =	stream.indirect.gather @!p0 [hbm4b:s2+s8], $0x40, s11, s8, $0xb8;
	[tilespmem:$0x1E940] =	vst v63  }
0x30c: {  	_ =	swait.ge @!p0 [sflag:s7], $0x2000  }
0x30d: {  	s10 =	sshra.s32 @!p0 s15, $0x2;
	[sflag:s7] =	ssyncset.done @!p0 $0x0  }
0x30e: {  	s12 =	sadd.s32 @!p0 $0x19C20, s10;
	s10 =	simm.s32 @!p0 $0x3;
	[sflag:s7] =	ssyncadd.s32 @!p0 $0xFFFFE000  }
0x30f: {  	[spmem:s31] =	stream.indirect.scatter.add.f32 @!p0 [tilespmem:s9], [sflag:$0x3], $0x40, s12, s8, $0xb8;
	[tilespmem:$0x1E940] =	vst v63  }
0x310: {  	_ =	swait.ge @!p0 [sflag:s10], $0x2000  }
0x311: {  	[sflag:s10] =	ssyncset.done @!p0 $0x0  }
0x312: {  	s11 =	simm.s32 @!p0 $0x1E8C0;
	[sflag:s10] =	ssyncadd.s32 @!p0 $0xFFFFE000  }
0x313: {  	[spmem:s0] =	stream.indirect.scatter.add.f32 @!p0 [tilespmem:s11], [sflag:$0x3], $0x1, s12, s8, $0xb8;
	[tilespmem:$0x1E940] =	vst v63  }
0x314: {  	_ =	swait.ge @!p0 [sflag:s10], $0x80  }
0x315: {  	[sflag:s10] =	ssyncset.done @!p0 $0x0  }
0x316: {  	s20 =	simm.s32 $0x0;
	s13 =	rddreg [dreg:$0x16];
	[sflag:s10] =	ssyncadd.s32 @!p0 $0xFFFFFF80  }
0x317: {  	[tilespmem:s24], [sflag:$0x2] =	stream.linear.gather [hbm4b:s13+s20], $0xE00, $0x38;
	[tilespmem:$0x1E940] =	vst v63  }
0x318: {  	_ =	swait.ge [sflag:s23], $0xE00  }
0x319: {  	[sflag:s23] =	ssyncset.done $0x0  }
0x31a: {  	s21 =	rddreg [dreg:$0x17];
	[sflag:s23] =	ssyncadd.s32 $0xFFFFF200  }
0x31b: {  	[tilespmem:s25], [sflag:$0x2] =	stream.linear.gather [hbm4b:s21+s20], $0xE00, $0x38;
	[tilespmem:$0x1E940] =	vst v63  }
0x31c: {  	_ =	swait.ge [sflag:s23], $0xE00  }
0x31d: {  	s14 =	simm.s32 @p0 $0x1AA20;
	s15 =	simm.s32 $0x18E20;
	[sflag:s23] =	ssyncset.done $0x0  }
0x31e: {  	s12 =	simm.s32 @p0 $0x1;
	s13 =	simm.s32 @p0 $0x80;
	[sflag:s23] =	ssyncadd.s32 $0xFFFFF200  }
0x31f: {  	[tilespmem:s14], [sflag:$0x1] =	stream.indirect.gather @p0 [hbm4b:s3+s13], $0x40, s15, s13, $0xb8;
	[tilespmem:$0x1E940] =	vst v63  }
0x320: {  	_ =	swait.ge @p0 [sflag:s12], $0x2000  }
0x321: {  	[sflag:s12] =	ssyncset.done @p0 $0x0  }
0x322: {  	s16 =	simm.s32 @p0 $0x19C20;
	[sflag:s12] =	ssyncadd.s32 @p0 $0xFFFFE000  }
0x323: {  	[spmem:s31] =	stream.indirect.scatter.add.f32 @p0 [tilespmem:s14], [sflag:$0x2], $0x40, s16, s13, $0xb8;
	[tilespmem:$0x1E940] =	vst v63  }
0x324: {  	_ =	swait.ge @p0 [sflag:s6], $0x2000  }
0x325: {  	[sflag:s6] =	ssyncset.done @p0 $0x0  }
0x326: {  	[sflag:s6] =	ssyncadd.s32 @p0 $0xFFFFE000  }
0x327: {  	[tilespmem:s9], [sflag:$0x1] =	stream.indirect.gather @!p0 [hbm4b:s2+s8], $0x40, s15, s8, $0xb8;
	[tilespmem:$0x1E940] =	vst v63  }
0x328: {  	_ =	swait.ge @!p0 [sflag:s7], $0x2000  }
0x329: {  	[sflag:s7] =	ssyncset.done @!p0 $0x0  }
0x32a: {  	s16 =	simm.s32 @!p0 $0x19C20;
	[sflag:s7] =	ssyncadd.s32 @!p0 $0xFFFFE000  }
0x32b: {  	[spmem:s31] =	stream.indirect.scatter.add.f32 @!p0 [tilespmem:s9], [sflag:$0x3], $0x40, s16, s8, $0xb8;
	[tilespmem:$0x1E940] =	vst v63  }
0x32c: {  	_ =	swait.ge @!p0 [sflag:s10], $0x2000  }
0x32d: {  	[sflag:s10] =	ssyncset.done @!p0 $0x0  }
0x32e: {  	s18 =	simm.s32 $0x400;
	[sflag:s10] =	ssyncadd.s32 @!p0 $0xFFFFE000  }
0x32f: {  	[spmem:s0] =	stream.indirect.scatter.add.f32 @!p0 [tilespmem:s11], [sflag:$0x3], $0x1, s16, s8, $0xb8;
	[tilespmem:$0x1E940] =	vst v63  }
0x330: {  	s19 =	simm.s32 $0x80;
	s17 =	simm.s32 @p0 $0x80;
	_ =	swait.ge @!p0 [sflag:s10], $0x80  }
0x331: {  	s15 =	simm.s32 $0x200;
	s16 =	simm.s32 @p0 $0x1AA20;
	[sflag:s10] =	ssyncset.done @!p0 $0x0  }
.LBB2_24:
0x332: {  	s19 =	sadd.s32 $0x18E20, s19;
	[sflag:s10] =	ssyncadd.s32 @!p0 $0xFFFFFF80;
	s20 =	smov.u32 s18  }
0x333: {  	[tilespmem:s16], [sflag:$0x1] =	stream.indirect.gather @p0 [hbm4b:s3+s17], $0x40, s19, s17, $0xb8;
	[tilespmem:$0x1E940] =	vst v63  }
0x334: {  	s18 =	sadd.s32 $0x200, s18;
	_ =	swait.ge @p0 [sflag:s12], $0x2000  }
0x335: {  	s21 =	sshra.s32 @p0 s15, $0x2;
	p1 =	sne.s32 s18, $0x3800;
	[sflag:s12] =	ssyncset.done @p0 $0x0  }
0x336: {  	s21 =	sadd.s32 @p0 $0x19C20, s21;
	[sflag:s12] =	ssyncadd.s32 @p0 $0xFFFFE000  }
0x337: {  	[spmem:s31] =	stream.indirect.scatter.add.f32 @p0 [tilespmem:s16], [sflag:$0x2], $0x40, s21, s17, $0xb8;
	[tilespmem:$0x1E940] =	vst v63  }
0x338: {  	s17 =	smov.u32 s13;
	s16 =	smov.u32 s14;
	_ =	swait.ge @p0 [sflag:s6], $0x2000  }
0x339: {  	[sflag:s6] =	ssyncset.done @p0 $0x0  }
0x33a: {  	[sflag:s6] =	ssyncadd.s32 @p0 $0xFFFFE000  }
0x33b: {  	[tilespmem:s9], [sflag:$0x1] =	stream.indirect.gather @!p0 [hbm4b:s2+s8], $0x40, s19, s8, $0xb8;
	[tilespmem:$0x1E940] =	vst v63  }
0x33c: {  	_ =	swait.ge @!p0 [sflag:s7], $0x2000  }
0x33d: {  	s19 =	sshra.s32 @!p0 s15, $0x2;
	s15 =	smov.u32 s20;
	[sflag:s7] =	ssyncset.done @!p0 $0x0  }
0x33e: {  	s19 =	sadd.s32 @!p0 $0x19C20, s19;
	[sflag:s7] =	ssyncadd.s32 @!p0 $0xFFFFE000  }
0x33f: {  	[spmem:s31] =	stream.indirect.scatter.add.f32 @!p0 [tilespmem:s9], [sflag:$0x3], $0x40, s19, s8, $0xb8;
	[tilespmem:$0x1E940] =	vst v63  }
0x340: {  	_ =	swait.ge @!p0 [sflag:s10], $0x2000  }
.Ltmp13:
0x341: {  	[sflag:s10] =	ssyncset.done @!p0 $0x0;
	(pc) =	sbr.rel @p1 .LBB2_24-.Ltmp13, $4  }
0x342: {  	[sflag:s10] =	ssyncadd.s32 @!p0 $0xFFFFE000  }
0x343: {  	[spmem:s0] =	stream.indirect.scatter.add.f32 @!p0 [tilespmem:s11], [sflag:$0x3], $0x1, s19, s8, $0xb8;
	[tilespmem:$0x1E940] =	vst v63  }
0x344: {  	_ =	swait.ge @!p0 [sflag:s10], $0x80  }
0x345: {  	s19 =	sshra.s32 s15, $0x2;
	[sflag:s10] =	ssyncset.done @!p0 $0x0  }
0x346: {  	s11 =	sadd.s32 $0x18E20, s19;
	[sflag:s10] =	ssyncadd.s32 @!p0 $0xFFFFFF80  }
0x347: {  	[tilespmem:s16], [sflag:$0x1] =	stream.indirect.gather @p0 [hbm4b:s3+s17], $0x40, s11, s17, $0xb8;
	[tilespmem:$0x1E940] =	vst v63  }
0x348: {  	_ =	swait.ge @p0 [sflag:s12], $0x2000  }
0x349: {  	s6 =	sshra.s32 @p0 s15, $0x2;
	[sflag:s12] =	ssyncset.done @p0 $0x0  }
0x34a: {  	s7 =	sadd.s32 @p0 $0x19C20, s6;
	s6 =	simm.s32 @p0 $0x2;
	[sflag:s12] =	ssyncadd.s32 @p0 $0xFFFFE000  }
0x34b: {  	[spmem:s31] =	stream.indirect.scatter.add.f32 @p0 [tilespmem:s16], [sflag:$0x2], $0x40, s7, s17, $0xb8;
	[tilespmem:$0x1E940] =	vst v63  }
0x34c: {  	_ =	swait.ge @p0 [sflag:s6], $0x2000  }
0x34d: {  	s8 =	simm.s32 @!p0 $0x80;
	[sflag:s6] =	ssyncset.done @p0 $0x0  }
0x34e: {  	s9 =	simm.s32 @!p0 $0x1AA20;
	s7 =	simm.s32 @!p0 $0x1;
	[sflag:s6] =	ssyncadd.s32 @p0 $0xFFFFE000  }
0x34f: {  	[tilespmem:s9], [sflag:$0x1] =	stream.indirect.gather @!p0 [hbm4b:s2+s8], $0x40, s11, s8, $0xb8;
	[tilespmem:$0x1E940] =	vst v63  }
0x350: {  	_ =	swait.ge @!p0 [sflag:s7], $0x2000  }
0x351: {  	s10 =	sshra.s32 @!p0 s15, $0x2;
	[sflag:s7] =	ssyncset.done @!p0 $0x0  }
0x352: {  	s12 =	sadd.s32 @!p0 $0x19C20, s10;
	s10 =	simm.s32 @!p0 $0x3;
	[sflag:s7] =	ssyncadd.s32 @!p0 $0xFFFFE000  }
0x353: {  	[spmem:s31] =	stream.indirect.scatter.add.f32 @!p0 [tilespmem:s9], [sflag:$0x3], $0x40, s12, s8, $0xb8;
	[tilespmem:$0x1E940] =	vst v63  }
0x354: {  	_ =	swait.ge @!p0 [sflag:s10], $0x2000  }
0x355: {  	[sflag:s10] =	ssyncset.done @!p0 $0x0  }
0x356: {  	s11 =	simm.s32 @!p0 $0x1E8C0;
	[sflag:s10] =	ssyncadd.s32 @!p0 $0xFFFFE000  }
0x357: {  	[spmem:s0] =	stream.indirect.scatter.add.f32 @!p0 [tilespmem:s11], [sflag:$0x3], $0x1, s12, s8, $0xb8;
	[tilespmem:$0x1E940] =	vst v63  }
0x358: {  	_ =	swait.ge @!p0 [sflag:s10], $0x80  }
0x359: {  	[sflag:s10] =	ssyncset.done @!p0 $0x0  }
0x35a: {  	s20 =	simm.s32 $0x0;
	s13 =	rddreg [dreg:$0x18];
	[sflag:s10] =	ssyncadd.s32 @!p0 $0xFFFFFF80  }
0x35b: {  	[tilespmem:s24], [sflag:$0x2] =	stream.linear.gather [hbm4b:s13+s20], $0xE00, $0x38;
	[tilespmem:$0x1E940] =	vst v63  }
0x35c: {  	_ =	swait.ge [sflag:s23], $0xE00  }
0x35d: {  	[sflag:s23] =	ssyncset.done $0x0  }
0x35e: {  	s21 =	rddreg [dreg:$0x19];
	[sflag:s23] =	ssyncadd.s32 $0xFFFFF200  }
0x35f: {  	[tilespmem:s25], [sflag:$0x2] =	stream.linear.gather [hbm4b:s21+s20], $0xE00, $0x38;
	[tilespmem:$0x1E940] =	vst v63  }
0x360: {  	_ =	swait.ge [sflag:s23], $0xE00  }
0x361: {  	s14 =	simm.s32 @p0 $0x1AA20;
	s15 =	simm.s32 $0x18E20;
	[sflag:s23] =	ssyncset.done $0x0  }
0x362: {  	s12 =	simm.s32 @p0 $0x1;
	s13 =	simm.s32 @p0 $0x80;
	[sflag:s23] =	ssyncadd.s32 $0xFFFFF200  }
0x363: {  	[tilespmem:s14], [sflag:$0x1] =	stream.indirect.gather @p0 [hbm4b:s3+s13], $0x40, s15, s13, $0xb8;
	[tilespmem:$0x1E940] =	vst v63  }
0x364: {  	_ =	swait.ge @p0 [sflag:s12], $0x2000  }
0x365: {  	[sflag:s12] =	ssyncset.done @p0 $0x0  }
0x366: {  	s16 =	simm.s32 @p0 $0x19C20;
	[sflag:s12] =	ssyncadd.s32 @p0 $0xFFFFE000  }
0x367: {  	[spmem:s31] =	stream.indirect.scatter.add.f32 @p0 [tilespmem:s14], [sflag:$0x2], $0x40, s16, s13, $0xb8;
	[tilespmem:$0x1E940] =	vst v63  }
0x368: {  	_ =	swait.ge @p0 [sflag:s6], $0x2000  }
0x369: {  	[sflag:s6] =	ssyncset.done @p0 $0x0  }
0x36a: {  	[sflag:s6] =	ssyncadd.s32 @p0 $0xFFFFE000  }
0x36b: {  	[tilespmem:s9], [sflag:$0x1] =	stream.indirect.gather @!p0 [hbm4b:s2+s8], $0x40, s15, s8, $0xb8;
	[tilespmem:$0x1E940] =	vst v63  }
0x36c: {  	_ =	swait.ge @!p0 [sflag:s7], $0x2000  }
0x36d: {  	[sflag:s7] =	ssyncset.done @!p0 $0x0  }
0x36e: {  	s16 =	simm.s32 @!p0 $0x19C20;
	[sflag:s7] =	ssyncadd.s32 @!p0 $0xFFFFE000  }
0x36f: {  	[spmem:s31] =	stream.indirect.scatter.add.f32 @!p0 [tilespmem:s9], [sflag:$0x3], $0x40, s16, s8, $0xb8;
	[tilespmem:$0x1E940] =	vst v63  }
0x370: {  	_ =	swait.ge @!p0 [sflag:s10], $0x2000  }
0x371: {  	[sflag:s10] =	ssyncset.done @!p0 $0x0  }
0x372: {  	s18 =	simm.s32 $0x400;
	[sflag:s10] =	ssyncadd.s32 @!p0 $0xFFFFE000  }
0x373: {  	[spmem:s0] =	stream.indirect.scatter.add.f32 @!p0 [tilespmem:s11], [sflag:$0x3], $0x1, s16, s8, $0xb8;
	[tilespmem:$0x1E940] =	vst v63  }
0x374: {  	s19 =	simm.s32 $0x80;
	s17 =	simm.s32 @p0 $0x80;
	_ =	swait.ge @!p0 [sflag:s10], $0x80  }
0x375: {  	s15 =	simm.s32 $0x200;
	s16 =	simm.s32 @p0 $0x1AA20;
	[sflag:s10] =	ssyncset.done @!p0 $0x0  }
.LBB2_26:
0x376: {  	s19 =	sadd.s32 $0x18E20, s19;
	[sflag:s10] =	ssyncadd.s32 @!p0 $0xFFFFFF80;
	s20 =	smov.u32 s18  }
0x377: {  	[tilespmem:s16], [sflag:$0x1] =	stream.indirect.gather @p0 [hbm4b:s3+s17], $0x40, s19, s17, $0xb8;
	[tilespmem:$0x1E940] =	vst v63  }
0x378: {  	s18 =	sadd.s32 $0x200, s18;
	_ =	swait.ge @p0 [sflag:s12], $0x2000  }
0x379: {  	s21 =	sshra.s32 @p0 s15, $0x2;
	p1 =	sne.s32 s18, $0x3800;
	[sflag:s12] =	ssyncset.done @p0 $0x0  }
0x37a: {  	s21 =	sadd.s32 @p0 $0x19C20, s21;
	[sflag:s12] =	ssyncadd.s32 @p0 $0xFFFFE000  }
0x37b: {  	[spmem:s31] =	stream.indirect.scatter.add.f32 @p0 [tilespmem:s16], [sflag:$0x2], $0x40, s21, s17, $0xb8;
	[tilespmem:$0x1E940] =	vst v63  }
0x37c: {  	s17 =	smov.u32 s13;
	s16 =	smov.u32 s14;
	_ =	swait.ge @p0 [sflag:s6], $0x2000  }
0x37d: {  	[sflag:s6] =	ssyncset.done @p0 $0x0  }
0x37e: {  	[sflag:s6] =	ssyncadd.s32 @p0 $0xFFFFE000  }
0x37f: {  	[tilespmem:s9], [sflag:$0x1] =	stream.indirect.gather @!p0 [hbm4b:s2+s8], $0x40, s19, s8, $0xb8;
	[tilespmem:$0x1E940] =	vst v63  }
0x380: {  	_ =	swait.ge @!p0 [sflag:s7], $0x2000  }
0x381: {  	s19 =	sshra.s32 @!p0 s15, $0x2;
	s15 =	smov.u32 s20;
	[sflag:s7] =	ssyncset.done @!p0 $0x0  }
0x382: {  	s19 =	sadd.s32 @!p0 $0x19C20, s19;
	[sflag:s7] =	ssyncadd.s32 @!p0 $0xFFFFE000  }
0x383: {  	[spmem:s31] =	stream.indirect.scatter.add.f32 @!p0 [tilespmem:s9], [sflag:$0x3], $0x40, s19, s8, $0xb8;
	[tilespmem:$0x1E940] =	vst v63  }
0x384: {  	_ =	swait.ge @!p0 [sflag:s10], $0x2000  }
.Ltmp14:
0x385: {  	[sflag:s10] =	ssyncset.done @!p0 $0x0;
	(pc) =	sbr.rel @p1 .LBB2_26-.Ltmp14, $4  }
0x386: {  	[sflag:s10] =	ssyncadd.s32 @!p0 $0xFFFFE000  }
0x387: {  	[spmem:s0] =	stream.indirect.scatter.add.f32 @!p0 [tilespmem:s11], [sflag:$0x3], $0x1, s19, s8, $0xb8;
	[tilespmem:$0x1E940] =	vst v63  }
0x388: {  	_ =	swait.ge @!p0 [sflag:s10], $0x80  }
0x389: {  	s19 =	sshra.s32 s15, $0x2;
	[sflag:s10] =	ssyncset.done @!p0 $0x0  }
0x38a: {  	s11 =	sadd.s32 $0x18E20, s19;
	[sflag:s10] =	ssyncadd.s32 @!p0 $0xFFFFFF80  }
0x38b: {  	[tilespmem:s16], [sflag:$0x1] =	stream.indirect.gather @p0 [hbm4b:s3+s17], $0x40, s11, s17, $0xb8;
	[tilespmem:$0x1E940] =	vst v63  }
0x38c: {  	_ =	swait.ge @p0 [sflag:s12], $0x2000  }
0x38d: {  	s6 =	sshra.s32 @p0 s15, $0x2;
	[sflag:s12] =	ssyncset.done @p0 $0x0  }
0x38e: {  	s7 =	sadd.s32 @p0 $0x19C20, s6;
	s6 =	simm.s32 @p0 $0x2;
	[sflag:s12] =	ssyncadd.s32 @p0 $0xFFFFE000  }
0x38f: {  	[spmem:s31] =	stream.indirect.scatter.add.f32 @p0 [tilespmem:s16], [sflag:$0x2], $0x40, s7, s17, $0xb8;
	[tilespmem:$0x1E940] =	vst v63  }
0x390: {  	_ =	swait.ge @p0 [sflag:s6], $0x2000  }
0x391: {  	s8 =	simm.s32 @!p0 $0x80;
	[sflag:s6] =	ssyncset.done @p0 $0x0  }
0x392: {  	s9 =	simm.s32 @!p0 $0x1AA20;
	s7 =	simm.s32 @!p0 $0x1;
	[sflag:s6] =	ssyncadd.s32 @p0 $0xFFFFE000  }
0x393: {  	[tilespmem:s9], [sflag:$0x1] =	stream.indirect.gather @!p0 [hbm4b:s2+s8], $0x40, s11, s8, $0xb8;
	[tilespmem:$0x1E940] =	vst v63  }
0x394: {  	_ =	swait.ge @!p0 [sflag:s7], $0x2000  }
0x395: {  	s10 =	sshra.s32 @!p0 s15, $0x2;
	[sflag:s7] =	ssyncset.done @!p0 $0x0  }
0x396: {  	s12 =	sadd.s32 @!p0 $0x19C20, s10;
	s10 =	simm.s32 @!p0 $0x3;
	[sflag:s7] =	ssyncadd.s32 @!p0 $0xFFFFE000  }
0x397: {  	[spmem:s31] =	stream.indirect.scatter.add.f32 @!p0 [tilespmem:s9], [sflag:$0x3], $0x40, s12, s8, $0xb8;
	[tilespmem:$0x1E940] =	vst v63  }
0x398: {  	_ =	swait.ge @!p0 [sflag:s10], $0x2000  }
0x399: {  	[sflag:s10] =	ssyncset.done @!p0 $0x0  }
0x39a: {  	s11 =	simm.s32 @!p0 $0x1E8C0;
	[sflag:s10] =	ssyncadd.s32 @!p0 $0xFFFFE000  }
0x39b: {  	[spmem:s0] =	stream.indirect.scatter.add.f32 @!p0 [tilespmem:s11], [sflag:$0x3], $0x1, s12, s8, $0xb8;
	[tilespmem:$0x1E940] =	vst v63  }
0x39c: {  	_ =	swait.ge @!p0 [sflag:s10], $0x80  }
0x39d: {  	[sflag:s10] =	ssyncset.done @!p0 $0x0  }
0x39e: {  	s20 =	simm.s32 $0x0;
	s13 =	rddreg [dreg:$0x1a];
	[sflag:s10] =	ssyncadd.s32 @!p0 $0xFFFFFF80  }
0x39f: {  	[tilespmem:s24], [sflag:$0x2] =	stream.linear.gather [hbm4b:s13+s20], $0xE00, $0x38;
	[tilespmem:$0x1E940] =	vst v63  }
0x3a0: {  	_ =	swait.ge [sflag:s23], $0xE00  }
0x3a1: {  	[sflag:s23] =	ssyncset.done $0x0  }
0x3a2: {  	s21 =	rddreg [dreg:$0x1b];
	[sflag:s23] =	ssyncadd.s32 $0xFFFFF200  }
0x3a3: {  	[tilespmem:s25], [sflag:$0x2] =	stream.linear.gather [hbm4b:s21+s20], $0xE00, $0x38;
	[tilespmem:$0x1E940] =	vst v63  }
0x3a4: {  	_ =	swait.ge [sflag:s23], $0xE00  }
0x3a5: {  	s14 =	simm.s32 @p0 $0x1AA20;
	s15 =	simm.s32 $0x18E20;
	[sflag:s23] =	ssyncset.done $0x0  }
0x3a6: {  	s12 =	simm.s32 @p0 $0x1;
	s13 =	simm.s32 @p0 $0x80;
	[sflag:s23] =	ssyncadd.s32 $0xFFFFF200  }
0x3a7: {  	[tilespmem:s14], [sflag:$0x1] =	stream.indirect.gather @p0 [hbm4b:s3+s13], $0x40, s15, s13, $0xb8;
	[tilespmem:$0x1E940] =	vst v63  }
0x3a8: {  	_ =	swait.ge @p0 [sflag:s12], $0x2000  }
0x3a9: {  	[sflag:s12] =	ssyncset.done @p0 $0x0  }
0x3aa: {  	s16 =	simm.s32 @p0 $0x19C20;
	[sflag:s12] =	ssyncadd.s32 @p0 $0xFFFFE000  }
0x3ab: {  	[spmem:s31] =	stream.indirect.scatter.add.f32 @p0 [tilespmem:s14], [sflag:$0x2], $0x40, s16, s13, $0xb8;
	[tilespmem:$0x1E940] =	vst v63  }
0x3ac: {  	_ =	swait.ge @p0 [sflag:s6], $0x2000  }
0x3ad: {  	[sflag:s6] =	ssyncset.done @p0 $0x0  }
0x3ae: {  	[sflag:s6] =	ssyncadd.s32 @p0 $0xFFFFE000  }
0x3af: {  	[tilespmem:s9], [sflag:$0x1] =	stream.indirect.gather @!p0 [hbm4b:s2+s8], $0x40, s15, s8, $0xb8;
	[tilespmem:$0x1E940] =	vst v63  }
0x3b0: {  	_ =	swait.ge @!p0 [sflag:s7], $0x2000  }
0x3b1: {  	[sflag:s7] =	ssyncset.done @!p0 $0x0  }
0x3b2: {  	s16 =	simm.s32 @!p0 $0x19C20;
	[sflag:s7] =	ssyncadd.s32 @!p0 $0xFFFFE000  }
0x3b3: {  	[spmem:s31] =	stream.indirect.scatter.add.f32 @!p0 [tilespmem:s9], [sflag:$0x3], $0x40, s16, s8, $0xb8;
	[tilespmem:$0x1E940] =	vst v63  }
0x3b4: {  	_ =	swait.ge @!p0 [sflag:s10], $0x2000  }
0x3b5: {  	[sflag:s10] =	ssyncset.done @!p0 $0x0  }
0x3b6: {  	s18 =	simm.s32 $0x400;
	[sflag:s10] =	ssyncadd.s32 @!p0 $0xFFFFE000  }
0x3b7: {  	[spmem:s0] =	stream.indirect.scatter.add.f32 @!p0 [tilespmem:s11], [sflag:$0x3], $0x1, s16, s8, $0xb8;
	[tilespmem:$0x1E940] =	vst v63  }
0x3b8: {  	s19 =	simm.s32 $0x80;
	s17 =	simm.s32 @p0 $0x80;
	_ =	swait.ge @!p0 [sflag:s10], $0x80  }
0x3b9: {  	s15 =	simm.s32 $0x200;
	s16 =	simm.s32 @p0 $0x1AA20;
	[sflag:s10] =	ssyncset.done @!p0 $0x0  }
.LBB2_28:
0x3ba: {  	s19 =	sadd.s32 $0x18E20, s19;
	[sflag:s10] =	ssyncadd.s32 @!p0 $0xFFFFFF80;
	s20 =	smov.u32 s18  }
0x3bb: {  	[tilespmem:s16], [sflag:$0x1] =	stream.indirect.gather @p0 [hbm4b:s3+s17], $0x40, s19, s17, $0xb8;
	[tilespmem:$0x1E940] =	vst v63  }
0x3bc: {  	s18 =	sadd.s32 $0x200, s18;
	_ =	swait.ge @p0 [sflag:s12], $0x2000  }
0x3bd: {  	s21 =	sshra.s32 @p0 s15, $0x2;
	p1 =	sne.s32 s18, $0x3800;
	[sflag:s12] =	ssyncset.done @p0 $0x0  }
0x3be: {  	s21 =	sadd.s32 @p0 $0x19C20, s21;
	[sflag:s12] =	ssyncadd.s32 @p0 $0xFFFFE000  }
0x3bf: {  	[spmem:s31] =	stream.indirect.scatter.add.f32 @p0 [tilespmem:s16], [sflag:$0x2], $0x40, s21, s17, $0xb8;
	[tilespmem:$0x1E940] =	vst v63  }
0x3c0: {  	s17 =	smov.u32 s13;
	s16 =	smov.u32 s14;
	_ =	swait.ge @p0 [sflag:s6], $0x2000  }
0x3c1: {  	[sflag:s6] =	ssyncset.done @p0 $0x0  }
0x3c2: {  	[sflag:s6] =	ssyncadd.s32 @p0 $0xFFFFE000  }
0x3c3: {  	[tilespmem:s9], [sflag:$0x1] =	stream.indirect.gather @!p0 [hbm4b:s2+s8], $0x40, s19, s8, $0xb8;
	[tilespmem:$0x1E940] =	vst v63  }
0x3c4: {  	_ =	swait.ge @!p0 [sflag:s7], $0x2000  }
0x3c5: {  	s19 =	sshra.s32 @!p0 s15, $0x2;
	s15 =	smov.u32 s20;
	[sflag:s7] =	ssyncset.done @!p0 $0x0  }
0x3c6: {  	s19 =	sadd.s32 @!p0 $0x19C20, s19;
	[sflag:s7] =	ssyncadd.s32 @!p0 $0xFFFFE000  }
0x3c7: {  	[spmem:s31] =	stream.indirect.scatter.add.f32 @!p0 [tilespmem:s9], [sflag:$0x3], $0x40, s19, s8, $0xb8;
	[tilespmem:$0x1E940] =	vst v63  }
0x3c8: {  	_ =	swait.ge @!p0 [sflag:s10], $0x2000  }
.Ltmp15:
0x3c9: {  	[sflag:s10] =	ssyncset.done @!p0 $0x0;
	(pc) =	sbr.rel @p1 .LBB2_28-.Ltmp15, $4  }
0x3ca: {  	[sflag:s10] =	ssyncadd.s32 @!p0 $0xFFFFE000  }
0x3cb: {  	[spmem:s0] =	stream.indirect.scatter.add.f32 @!p0 [tilespmem:s11], [sflag:$0x3], $0x1, s19, s8, $0xb8;
	[tilespmem:$0x1E940] =	vst v63  }
0x3cc: {  	_ =	swait.ge @!p0 [sflag:s10], $0x80  }
0x3cd: {  	s19 =	sshra.s32 s15, $0x2;
	[sflag:s10] =	ssyncset.done @!p0 $0x0  }
0x3ce: {  	s11 =	sadd.s32 $0x18E20, s19;
	[sflag:s10] =	ssyncadd.s32 @!p0 $0xFFFFFF80  }
0x3cf: {  	[tilespmem:s16], [sflag:$0x1] =	stream.indirect.gather @p0 [hbm4b:s3+s17], $0x40, s11, s17, $0xb8;
	[tilespmem:$0x1E940] =	vst v63  }
0x3d0: {  	_ =	swait.ge @p0 [sflag:s12], $0x2000  }
0x3d1: {  	s6 =	sshra.s32 @p0 s15, $0x2;
	[sflag:s12] =	ssyncset.done @p0 $0x0  }
0x3d2: {  	s7 =	sadd.s32 @p0 $0x19C20, s6;
	s6 =	simm.s32 @p0 $0x2;
	[sflag:s12] =	ssyncadd.s32 @p0 $0xFFFFE000  }
0x3d3: {  	[spmem:s31] =	stream.indirect.scatter.add.f32 @p0 [tilespmem:s16], [sflag:$0x2], $0x40, s7, s17, $0xb8;
	[tilespmem:$0x1E940] =	vst v63  }
0x3d4: {  	_ =	swait.ge @p0 [sflag:s6], $0x2000  }
0x3d5: {  	s8 =	simm.s32 @!p0 $0x80;
	[sflag:s6] =	ssyncset.done @p0 $0x0  }
0x3d6: {  	s9 =	simm.s32 @!p0 $0x1AA20;
	s7 =	simm.s32 @!p0 $0x1;
	[sflag:s6] =	ssyncadd.s32 @p0 $0xFFFFE000  }
0x3d7: {  	[tilespmem:s9], [sflag:$0x1] =	stream.indirect.gather @!p0 [hbm4b:s2+s8], $0x40, s11, s8, $0xb8;
	[tilespmem:$0x1E940] =	vst v63  }
0x3d8: {  	_ =	swait.ge @!p0 [sflag:s7], $0x2000  }
0x3d9: {  	s10 =	sshra.s32 @!p0 s15, $0x2;
	[sflag:s7] =	ssyncset.done @!p0 $0x0  }
0x3da: {  	s12 =	sadd.s32 @!p0 $0x19C20, s10;
	s10 =	simm.s32 @!p0 $0x3;
	[sflag:s7] =	ssyncadd.s32 @!p0 $0xFFFFE000  }
0x3db: {  	[spmem:s31] =	stream.indirect.scatter.add.f32 @!p0 [tilespmem:s9], [sflag:$0x3], $0x40, s12, s8, $0xb8;
	[tilespmem:$0x1E940] =	vst v63  }
0x3dc: {  	_ =	swait.ge @!p0 [sflag:s10], $0x2000  }
0x3dd: {  	[sflag:s10] =	ssyncset.done @!p0 $0x0  }
0x3de: {  	s11 =	simm.s32 @!p0 $0x1E8C0;
	[sflag:s10] =	ssyncadd.s32 @!p0 $0xFFFFE000  }
0x3df: {  	[spmem:s0] =	stream.indirect.scatter.add.f32 @!p0 [tilespmem:s11], [sflag:$0x3], $0x1, s12, s8, $0xb8;
	[tilespmem:$0x1E940] =	vst v63  }
0x3e0: {  	_ =	swait.ge @!p0 [sflag:s10], $0x80  }
0x3e1: {  	[sflag:s10] =	ssyncset.done @!p0 $0x0  }
0x3e2: {  	s20 =	simm.s32 $0x0;
	s13 =	rddreg [dreg:$0x1c];
	[sflag:s10] =	ssyncadd.s32 @!p0 $0xFFFFFF80  }
0x3e3: {  	[tilespmem:s24], [sflag:$0x2] =	stream.linear.gather [hbm4b:s13+s20], $0xE00, $0x38;
	[tilespmem:$0x1E940] =	vst v63  }
0x3e4: {  	_ =	swait.ge [sflag:s23], $0xE00  }
0x3e5: {  	[sflag:s23] =	ssyncset.done $0x0  }
0x3e6: {  	s21 =	rddreg [dreg:$0x1d];
	[sflag:s23] =	ssyncadd.s32 $0xFFFFF200  }
0x3e7: {  	[tilespmem:s25], [sflag:$0x2] =	stream.linear.gather [hbm4b:s21+s20], $0xE00, $0x38;
	[tilespmem:$0x1E940] =	vst v63  }
0x3e8: {  	_ =	swait.ge [sflag:s23], $0xE00  }
0x3e9: {  	s14 =	simm.s32 @p0 $0x1AA20;
	s15 =	simm.s32 $0x18E20;
	[sflag:s23] =	ssyncset.done $0x0  }
0x3ea: {  	s12 =	simm.s32 @p0 $0x1;
	s13 =	simm.s32 @p0 $0x80;
	[sflag:s23] =	ssyncadd.s32 $0xFFFFF200  }
0x3eb: {  	[tilespmem:s14], [sflag:$0x1] =	stream.indirect.gather @p0 [hbm4b:s3+s13], $0x40, s15, s13, $0xb8;
	[tilespmem:$0x1E940] =	vst v63  }
0x3ec: {  	_ =	swait.ge @p0 [sflag:s12], $0x2000  }
0x3ed: {  	[sflag:s12] =	ssyncset.done @p0 $0x0  }
0x3ee: {  	s16 =	simm.s32 @p0 $0x19C20;
	[sflag:s12] =	ssyncadd.s32 @p0 $0xFFFFE000  }
0x3ef: {  	[spmem:s31] =	stream.indirect.scatter.add.f32 @p0 [tilespmem:s14], [sflag:$0x2], $0x40, s16, s13, $0xb8;
	[tilespmem:$0x1E940] =	vst v63  }
0x3f0: {  	_ =	swait.ge @p0 [sflag:s6], $0x2000  }
0x3f1: {  	[sflag:s6] =	ssyncset.done @p0 $0x0  }
0x3f2: {  	[sflag:s6] =	ssyncadd.s32 @p0 $0xFFFFE000  }
0x3f3: {  	[tilespmem:s9], [sflag:$0x1] =	stream.indirect.gather @!p0 [hbm4b:s2+s8], $0x40, s15, s8, $0xb8;
	[tilespmem:$0x1E940] =	vst v63  }
0x3f4: {  	_ =	swait.ge @!p0 [sflag:s7], $0x2000  }
0x3f5: {  	[sflag:s7] =	ssyncset.done @!p0 $0x0  }
0x3f6: {  	s16 =	simm.s32 @!p0 $0x19C20;
	[sflag:s7] =	ssyncadd.s32 @!p0 $0xFFFFE000  }
0x3f7: {  	[spmem:s31] =	stream.indirect.scatter.add.f32 @!p0 [tilespmem:s9], [sflag:$0x3], $0x40, s16, s8, $0xb8;
	[tilespmem:$0x1E940] =	vst v63  }
0x3f8: {  	_ =	swait.ge @!p0 [sflag:s10], $0x2000  }
0x3f9: {  	[sflag:s10] =	ssyncset.done @!p0 $0x0  }
0x3fa: {  	s18 =	simm.s32 $0x400;
	[sflag:s10] =	ssyncadd.s32 @!p0 $0xFFFFE000  }
0x3fb: {  	[spmem:s0] =	stream.indirect.scatter.add.f32 @!p0 [tilespmem:s11], [sflag:$0x3], $0x1, s16, s8, $0xb8;
	[tilespmem:$0x1E940] =	vst v63  }
0x3fc: {  	s19 =	simm.s32 $0x80;
	s17 =	simm.s32 @p0 $0x80;
	_ =	swait.ge @!p0 [sflag:s10], $0x80  }
0x3fd: {  	s15 =	simm.s32 $0x200;
	s16 =	simm.s32 @p0 $0x1AA20;
	[sflag:s10] =	ssyncset.done @!p0 $0x0  }
.LBB2_30:
0x3fe: {  	s19 =	sadd.s32 $0x18E20, s19;
	[sflag:s10] =	ssyncadd.s32 @!p0 $0xFFFFFF80;
	s20 =	smov.u32 s18  }
0x3ff: {  	[tilespmem:s16], [sflag:$0x1] =	stream.indirect.gather @p0 [hbm4b:s3+s17], $0x40, s19, s17, $0xb8;
	[tilespmem:$0x1E940] =	vst v63  }
0x400: {  	s18 =	sadd.s32 $0x200, s18;
	_ =	swait.ge @p0 [sflag:s12], $0x2000  }
0x401: {  	s21 =	sshra.s32 @p0 s15, $0x2;
	p1 =	sne.s32 s18, $0x3800;
	[sflag:s12] =	ssyncset.done @p0 $0x0  }
0x402: {  	s21 =	sadd.s32 @p0 $0x19C20, s21;
	[sflag:s12] =	ssyncadd.s32 @p0 $0xFFFFE000  }
0x403: {  	[spmem:s31] =	stream.indirect.scatter.add.f32 @p0 [tilespmem:s16], [sflag:$0x2], $0x40, s21, s17, $0xb8;
	[tilespmem:$0x1E940] =	vst v63  }
0x404: {  	s17 =	smov.u32 s13;
	s16 =	smov.u32 s14;
	_ =	swait.ge @p0 [sflag:s6], $0x2000  }
0x405: {  	[sflag:s6] =	ssyncset.done @p0 $0x0  }
0x406: {  	[sflag:s6] =	ssyncadd.s32 @p0 $0xFFFFE000  }
0x407: {  	[tilespmem:s9], [sflag:$0x1] =	stream.indirect.gather @!p0 [hbm4b:s2+s8], $0x40, s19, s8, $0xb8;
	[tilespmem:$0x1E940] =	vst v63  }
0x408: {  	_ =	swait.ge @!p0 [sflag:s7], $0x2000  }
0x409: {  	s19 =	sshra.s32 @!p0 s15, $0x2;
	s15 =	smov.u32 s20;
	[sflag:s7] =	ssyncset.done @!p0 $0x0  }
0x40a: {  	s19 =	sadd.s32 @!p0 $0x19C20, s19;
	[sflag:s7] =	ssyncadd.s32 @!p0 $0xFFFFE000  }
0x40b: {  	[spmem:s31] =	stream.indirect.scatter.add.f32 @!p0 [tilespmem:s9], [sflag:$0x3], $0x40, s19, s8, $0xb8;
	[tilespmem:$0x1E940] =	vst v63  }
0x40c: {  	_ =	swait.ge @!p0 [sflag:s10], $0x2000  }
.Ltmp16:
0x40d: {  	[sflag:s10] =	ssyncset.done @!p0 $0x0;
	(pc) =	sbr.rel @p1 .LBB2_30-.Ltmp16, $4  }
0x40e: {  	[sflag:s10] =	ssyncadd.s32 @!p0 $0xFFFFE000  }
0x40f: {  	[spmem:s0] =	stream.indirect.scatter.add.f32 @!p0 [tilespmem:s11], [sflag:$0x3], $0x1, s19, s8, $0xb8;
	[tilespmem:$0x1E940] =	vst v63  }
0x410: {  	_ =	swait.ge @!p0 [sflag:s10], $0x80  }
0x411: {  	s19 =	sshra.s32 s15, $0x2;
	[sflag:s10] =	ssyncset.done @!p0 $0x0  }
0x412: {  	s6 =	sadd.s32 $0x18E20, s19;
	[sflag:s10] =	ssyncadd.s32 @!p0 $0xFFFFFF80  }
0x413: {  	[tilespmem:s16], [sflag:$0x1] =	stream.indirect.gather @p0 [hbm4b:s3+s17], $0x40, s6, s17, $0xb8;
	[tilespmem:$0x1E940] =	vst v63  }
0x414: {  	_ =	swait.ge @p0 [sflag:s12], $0x2000  }
0x415: {  	s7 =	sshra.s32 @p0 s15, $0x2;
	[sflag:s12] =	ssyncset.done @p0 $0x0  }
0x416: {  	s8 =	simm.s32 @p0 $0x2;
	s7 =	sadd.s32 @p0 $0x19C20, s7;
	[sflag:s12] =	ssyncadd.s32 @p0 $0xFFFFE000  }
0x417: {  	[spmem:s31] =	stream.indirect.scatter.add.f32 @p0 [tilespmem:s16], [sflag:$0x2], $0x40, s7, s17, $0xb8;
	[tilespmem:$0x1E940] =	vst v63  }
0x418: {  	_ =	swait.ge @p0 [sflag:s8], $0x2000  }
0x419: {  	s9 =	simm.s32 @!p0 $0x1AA20;
	[sflag:s8] =	ssyncset.done @p0 $0x0  }
0x41a: {  	s7 =	simm.s32 @!p0 $0x1;
	[sflag:s8] =	ssyncadd.s32 @p0 $0xFFFFE000;
	s8 =	simm.s32 @!p0 $0x80  }
0x41b: {  	[tilespmem:s9], [sflag:$0x1] =	stream.indirect.gather @!p0 [hbm4b:s2+s8], $0x40, s6, s8, $0xb8;
	[tilespmem:$0x1E940] =	vst v63  }
0x41c: {  	_ =	swait.ge @!p0 [sflag:s7], $0x2000  }
0x41d: {  	s6 =	sshra.s32 @!p0 s15, $0x2;
	[sflag:s7] =	ssyncset.done @!p0 $0x0  }
0x41e: {  	s6 =	sadd.s32 @!p0 $0x19C20, s6;
	[sflag:s7] =	ssyncadd.s32 @!p0 $0xFFFFE000;
	s7 =	simm.s32 @!p0 $0x3  }
0x41f: {  	[spmem:s31] =	stream.indirect.scatter.add.f32 @!p0 [tilespmem:s9], [sflag:$0x3], $0x40, s6, s8, $0xb8;
	[tilespmem:$0x1E940] =	vst v63  }
0x420: {  	_ =	swait.ge @!p0 [sflag:s7], $0x2000  }
0x421: {  	[sflag:s7] =	ssyncset.done @!p0 $0x0  }
0x422: {  	s9 =	simm.s32 @!p0 $0x1E8C0;
	[sflag:s7] =	ssyncadd.s32 @!p0 $0xFFFFE000  }
0x423: {  	[spmem:s0] =	stream.indirect.scatter.add.f32 @!p0 [tilespmem:s9], [sflag:$0x3], $0x1, s6, s8, $0xb8;
	[tilespmem:$0x1E940] =	vst v63  }
0x424: {  	_ =	swait.ge @!p0 [sflag:s7], $0x80  }
0x425: {  	s6 =	simm.s32 $0x0;
	[sflag:s7] =	ssyncset.done @!p0 $0x0  }
0x426: {  	s20 =	rddreg [dreg:$0x1e];
	[sflag:s7] =	ssyncadd.s32 @!p0 $0xFFFFFF80;
	s7 =	simm.s32 $0x18E20  }
0x427: {  	[tilespmem:s7], [sflag:$0x2] =	stream.linear.gather [hbm4b:s20+s6], $0xE00, $0x38;
	[tilespmem:$0x1E940] =	vst v63  }
0x428: {  	_ =	swait.ge [sflag:s23], $0xE00  }
0x429: {  	s8 =	simm.s32 $0x19C20;
	[sflag:s23] =	ssyncset.done $0x0  }
.Ltmp17:
0x42a: {  	s21 =	rddreg [dreg:$0x1f];
	[sflag:s23] =	ssyncadd.s32 $0xFFFFF200;
	(pc) =	sbr.rel .LBB2_32-.Ltmp17, $4  }
0x42b: {  	[tilespmem:s8], [sflag:$0x2] =	stream.linear.gather [hbm4b:s21+s6], $0xE00, $0x38;
	[tilespmem:$0x1E940] =	vst v63  }
0x42c: {  	_ =	swait.ge [sflag:s23], $0xE00  }
0x42d: {  	[sflag:s23] =	ssyncset.done $0x0  }
0x42e: {  	s9 =	simm.s32 $0x1B;
	[sflag:s23] =	ssyncadd.s32 $0xFFFFF200  }
.LBB2_35:
0x42f: {  	s9 =	sadd.s32 $0xFFFFFFFF, s9;
	s8 =	sadd.s32 $0x80, s8;
	s7 =	sadd.s32 $0x80, s7  }
.LBB2_32:
.Ltmp18:
0x430: {  	(pc) =	sbr.rel @p0 .LBB2_36-.Ltmp18, $1  }
0x431: {  	_ =	sdelay $0x3  }
0x432: {  	[tilespmem:s28], [sflag:$0x1] =	stream.indirect.gather [hbm4b:s2+s26], $0x40, s7, s26, $0xb8;
	[tilespmem:$0x1E940] =	vst v63  }
0x433: {  	_ =	swait.ge [sflag:s29], $0x2000  }
0x434: {  	[sflag:s29] =	ssyncset.done $0x0  }
0x435: {  	[sflag:s29] =	ssyncadd.s32 $0xFFFFE000  }
0x436: {  	[spmem:s31] =	stream.indirect.scatter.add.f32 [tilespmem:s28], [sflag:$0x3], $0x40, s8, s26, $0xb8;
	[tilespmem:$0x1E940] =	vst v63  }
0x437: {  	_ =	swait.ge [sflag:s30], $0x2000  }
0x438: {  	p1 =	seq.s32 s9, $0x0;
	[sflag:s30] =	ssyncset.done $0x0  }
.Ltmp19:
0x439: {  	[sflag:s30] =	ssyncadd.s32 $0xFFFFE000;
	(pc) =	sbr.rel @p1 .LBB2_38-.Ltmp19, $4  }
0x43a: {  	[spmem:s0] =	stream.indirect.scatter.add.f32 [tilespmem:s5], [sflag:$0x3], $0x1, s8, s26, $0xb8;
	[tilespmem:$0x1E940] =	vst v63  }
0x43b: {  	_ =	swait.ge [sflag:s30], $0x80  }
0x43c: {  	[sflag:s30] =	ssyncset.done $0x0  }
0x43d: {  	[sflag:s30] =	ssyncadd.s32 $0xFFFFFF80  }
.Ltmp20:
0x43e: {  	(pc) =	sbr.rel .LBB2_35-.Ltmp20, $2  }
0x43f: {  	_ =	sdelay $0x2  }
0x440: {  	s6 =	sadd.s32 $0x1, s6  }
.LBB2_36:
0x441: {  	[tilespmem:s28], [sflag:$0x1] =	stream.indirect.gather [hbm4b:s3+s26], $0x40, s7, s26, $0xb8;
	[tilespmem:$0x1E940] =	vst v63  }
0x442: {  	_ =	swait.ge [sflag:s29], $0x2000  }
0x443: {  	p1 =	seq.s32 s9, $0x0;
	[sflag:s29] =	ssyncset.done $0x0  }
.Ltmp21:
0x444: {  	[sflag:s29] =	ssyncadd.s32 $0xFFFFE000;
	(pc) =	sbr.rel @p1 .LBB2_39-.Ltmp21, $4  }
0x445: {  	[spmem:s31] =	stream.indirect.scatter.add.f32 [tilespmem:s28], [sflag:$0x2], $0x40, s8, s26, $0xb8;
	[tilespmem:$0x1E940] =	vst v63  }
0x446: {  	_ =	swait.ge [sflag:s23], $0x2000  }
0x447: {  	[sflag:s23] =	ssyncset.done $0x0  }
0x448: {  	[sflag:s23] =	ssyncadd.s32 $0xFFFFE000  }
.Ltmp22:
0x449: {  	(pc) =	sbr.rel .LBB2_35-.Ltmp22, $2  }
0x44a: {  	_ =	sdelay $0x2  }
0x44b: {  	s6 =	sadd.s32 $0x1, s6  }
.LBB2_38:
0x44c: {  	[bflag:$0x0] =	sbarrier.arrive $0xFFFF  }
0x44d: {  	s6 =	stileid.u32;
	s8 =	sld [smem:$0x7FB]  }
0x44e: {  	s6 =	sshll.u32 s6, $0x6  }
0x44f: {  	s7 =	sshrl.u32 s4, $0x3;
	s6 =	sor.u32 $0x1C02, s6  }
0x450: {  	[hbm:s8], [sflag:s6] =	dma.local [spmem:s7], $0x3100  }
0x451: {  	_ =	swait.ge [sflag:s23], $0x3100  }
0x452: {  	s20 =	sld [smem:$0x7F9]  }
0x453: {  	s21 =	sld [smem:$0x7FC]  }
0x454: {  	[sflag:s23] =	ssyncset.done $0x0  }
.Ltmp23:
0x455: {  	[sflag:s23] =	ssyncadd.s32 $0xFFFFCF00;
	s7 =	sshrl.u32 s20, $0x3;
	(pc) =	sbr.rel .LBB2_40-.Ltmp23, $4  }
0x456: {  	[hbm:s21], [sflag:s6] =	dma.local [spmem:s7], $0xC4  }
0x457: {  	_ =	swait.ge [sflag:s23], $0xC4  }
0x458: {  	[sflag:s23] =	ssyncset.done $0x0  }
0x459: {  	[sflag:s23] =	ssyncadd.s32 $0xFFFFFF3C  }
.LBB2_41:
0x45a: {  	_ =	sfence.sel $0x180000  }
0x45b: {  	[bflag:$0x0] =	sbarrier.arrive $0xFFFF  }
0x45c: {  	_ =	strace $0x90000047  }
0x45d: {  	s0 =	stileid.u32;
	[bflag:$0x2] =	sbarrier.arrive $0xFFFF  }
0x45e: {  	p0 =	sne.s32 s0, $0x0;
	s0 =	rddreg [dreg:$0x3]  }
0x45f: {  	s0 =	sadd.s32 @!p0 $0x100000, s0  }
0x460: {  	[sflag:s0] =	ssyncadd.tile.s32 @!p0 $0x1;
	_ =	shalt  }
.Lfunc_end2:
_tile_overlayer_lowered:
.L_overlay_start_2:
0x461: {  	(tag) =	ssettag $0x2  }
0x462: {  	s0 =	rddreg [dreg:$0x0];
	s2 =	stileid.u32  }
0x463: {  	s1 =	rddreg [dreg:$0x1];
	p0 =	sne.s32 s2, $0x0  }
0x464: {  	s3 =	rddreg [dreg:$0x2];
	[bflag:$0x3] =	sbarrier.arrive $0xFFFF;
	s2 =	simm.s32 @!p0 $0x1C02  }
0x465: {  	[timem:s3], [sflag:s2] =	dma.local @!p0 [hbm:s0], s1  }
0x466: {  	s0 =	simm.s32 @!p0 $0x2  }
0x467: {  	_ =	swait.ge @!p0 [sflag:s0], s1  }
0x468: {  	s1 =	ssub.s32 @!p0 $0x0, s1;
	[sflag:s0] =	ssyncset.done @!p0 $0x0  }
0x469: {  	[sflag:s0] =	ssyncadd.s32 @!p0 s1  }
0x46a: {  	[bflag:$0x3] =	sbarrier.arrive $0xFFFF  }
0x46b: {  	_ =	shalt  }

</sc_bundles>
